<compile_context>
chip_gen: v7x
topology: tpu7x:2x2x1
jax: 0.10.2.dev20260603
libtpu: 0.0.44.dev20260713+nightly
codegen_flags: <defaults>
</compile_context>

<pallas_src>
import functools

import jax
import jax.numpy as jnp
from jax import lax
from jax.experimental import pallas as pl
from jax.experimental.pallas import tpu as pltpu
from jax.experimental.pallas import tpu_sc as plsc

_N = 10000
_E = 320000
_F = 128
_H = 16
_O = 7

_NP = 10240
_NG = 8
_FPT = 4
_EB = 800
_NBLK0 = 50
_NBLK1 = 50
_GPB = _EB // 16
_G0 = _NBLK0 * _EB
_G1 = _NBLK1 * _EB



def _mm1_body(x_ref, w_ref, o_ref):
    hT = lax.dot_general(w_ref[:], x_ref[:], (((0,), (1,)), ((), ())),
                         preferred_element_type=jnp.float32)
    o_ref[:] = jnp.concatenate(
        [hT, jnp.zeros((_H, _NP - _N), jnp.float32)], axis=1)


def _mm1(x, W1):
    return pl.pallas_call(
        _mm1_body,
        out_shape=jax.ShapeDtypeStruct((_H, _NP), jnp.float32),
    )(x, W1)


def _mid_body(p_ref, b1_ref, w2_ref, o_ref):
    aggT = jnp.sum(p_ref[:], axis=0) + b1_ref[:]
    o_ref[:] = lax.dot_general(w2_ref[:], aggT, (((0,), (0,)), ((), ())),
                               preferred_element_type=jnp.float32)


def _mid(p1, b1_col, W2p):
    return pl.pallas_call(
        _mid_body,
        out_shape=jax.ShapeDtypeStruct((_H, _NP), jnp.float32),
    )(p1, b1_col, W2p)


def _fin_body(p_ref, b2_ref, eye_ref, o_ref):
    aggT = jnp.sum(p_ref[:], axis=0)
    agg = lax.dot_general(aggT, eye_ref[:], (((0,), (0,)), ((), ())),
                          preferred_element_type=jnp.float32)
    o_ref[:] = agg[:_N, :_O] + b2_ref[:]


def _fin(p2, b2_2d):
    return pl.pallas_call(
        _fin_body,
        out_shape=jax.ShapeDtypeStruct((_N, _O), jnp.float32),
    )(p2, b2_2d, jnp.eye(_H, dtype=jnp.float32))



def _sc_agg(hT_flat, ei, w):
    mesh = plsc.VectorSubcoreMesh(core_axis_name="c", subcore_axis_name="s")

    @functools.partial(
        pl.kernel,
        out_type=jax.ShapeDtypeStruct((_NG, _H, _NP), jnp.float32),
        mesh=mesh,
        scratch_types=[
            pltpu.VMEM((_FPT, _NP), jnp.float32),
            pltpu.VMEM((_NP,), jnp.float32),
            pltpu.VMEM((_NP,), jnp.float32),
            pltpu.VMEM((_NP,), jnp.float32),
            pltpu.VMEM((_NP,), jnp.float32),
            pltpu.VMEM((2, _EB), jnp.int32),
            pltpu.VMEM((2, _EB), jnp.int32),
            pltpu.VMEM((2, _EB), jnp.float32),
            pltpu.SemaphoreType.DMA,
            pltpu.SemaphoreType.DMA,
            pltpu.SemaphoreType.DMA,
        ],
        compiler_params=pltpu.CompilerParams(
            needs_layout_passes=False, use_tc_tiling_on_sc=False),
    )
    def k(hT_hbm, ei_hbm, w_hbm, out_hbm, hT_v, a0, a1, a2, a3,
          eb_src, eb_dst, eb_w, sem0, sem1, semh):
        accs = (a0, a1, a2, a3)
        cid = lax.axis_index("c")
        sid = lax.axis_index("s")
        wid = cid * 16 + sid
        grp = wid // _FPT
        fbase = (wid % _FPT) * _FPT

        hT_dma = pltpu.make_async_copy(
            hT_hbm.at[pl.ds(fbase, _FPT)], hT_v, semh)
        hT_dma.start()

        zero16 = jnp.zeros((16,), jnp.float32)

        @plsc.parallel_loop(0, _NP // 32, unroll=8)
        def zb(i):
            for fi in range(_FPT):
                for u in range(2):
                    accs[fi][pl.ds((i * 2 + u) * 16, 16)] = zero16

        ebase0 = jnp.where(cid == 0, grp * _G0,
                           4 * _G0 + (grp - 4) * _G1)

        def start(j, par, sem):
            e0 = pl.multiple_of(ebase0 + j * _EB, 8)
            pltpu.make_async_copy(
                ei_hbm.at[0, pl.ds(e0, _EB)], eb_src.at[par], sem).start()
            pltpu.make_async_copy(
                ei_hbm.at[1, pl.ds(e0, _EB)], eb_dst.at[par], sem).start()
            pltpu.make_async_copy(
                w_hbm.at[pl.ds(e0, _EB)], eb_w.at[par], sem).start()

        def wait(par, sem):
            pltpu.make_async_copy(
                ei_hbm.at[0, pl.ds(0, _EB)], eb_src.at[par], sem).wait()
            pltpu.make_async_copy(
                ei_hbm.at[1, pl.ds(0, _EB)], eb_dst.at[par], sem).wait()
            pltpu.make_async_copy(
                w_hbm.at[pl.ds(0, _EB)], eb_w.at[par], sem).wait()

        start(0, 0, sem0)
        hT_dma.wait()

        def process(par):
            sb = eb_src.at[par]
            db = eb_dst.at[par]
            wb = eb_w.at[par]

            @plsc.parallel_loop(0, _GPB, unroll=10)
            def body(g):
                o = g * 16
                src16 = sb[pl.ds(o, 16)]
                dst16 = db[pl.ds(o, 16)]
                wp = wb[pl.ds(o, 16)]
                for fi in range(_FPT):
                    vals = plsc.load_gather(hT_v.at[fi], [src16]) * wp
                    plsc.addupdate_scatter(accs[fi], [dst16], vals)

        def run(nblk):
            def blk(jj, carry):
                j0 = jj * 2
                wait(0, sem0)
                start(j0 + 1, 1, sem1)
                process(0)
                wait(1, sem1)

                @pl.when(j0 + 2 < nblk)
                def _():
                    start(j0 + 2, 0, sem0)
                process(1)
                return carry
            lax.fori_loop(0, nblk // 2, blk, 0)

        @pl.when(cid == 0)
        def _():
            run(_NBLK0)

        @pl.when(cid == 1)
        def _():
            run(_NBLK1)

        for fi in range(_FPT):
            pltpu.sync_copy(accs[fi], out_hbm.at[grp, fbase + fi])

    return k(hT_flat, ei, w)



def kernel(x, edge_index, edge_weight, W1, b1, W2, b2):
    W2p = jnp.pad(W2, ((0, 0), (0, _H - _O)))
    b1_col = b1.reshape(_H, 1)
    b2_2d = b2.reshape(1, _O)

    h1T = _mm1(x, W1)
    p1 = _sc_agg(h1T, edge_index, edge_weight)
    h2T = _mid(p1, b1_col, W2p)
    p2 = _sc_agg(h2T, edge_index, edge_weight)
    return _fin(p2, b2_2d)

# --- scband reference (transcript-rebuilt; emitter-appended) ---
"""Pipeline reference for scband-net-10067403341966 (READ-ONLY COPY).

The authoritative reference and input builder live on the scoring server;
editing this copy changes nothing except your own understanding.
"""

import jax, jax.numpy as jnp
import numpy as np

N_NODES = 10000
N_EDGES = 320000
F_IN = 128
HIDDEN = 16
N_CLASSES = 7


def gcn_conv(x, edge_index, edge_weight, W, b):
    # GCNConv with normalize=False, cached=True:
    # h = x @ W; message_j = h[src_j] * w_j; out_i = sum_{j->i} message_j + b
    h = x @ W
    src = edge_index[0]
    dst = edge_index[1]
    msgs = h[src] * edge_weight[:, None]
    out = jax.ops.segment_sum(msgs, dst, num_segments=x.shape[0])
    return out + b


def setup_inputs(seed: int = 0) -> dict:
    key = jax.random.key(seed)
    ks = jax.random.split(key, 8)
    x = jax.random.normal(ks[0], (N_NODES, F_IN), dtype=jnp.float32)
    edge_index = jax.random.randint(ks[1], (2, N_EDGES), 0, N_NODES, dtype=jnp.int32)
    edge_weight = jax.random.uniform(ks[2], (N_EDGES,), dtype=jnp.float32)
    W1 = jax.random.normal(ks[3], (F_IN, HIDDEN), dtype=jnp.float32) * (1.0 / np.sqrt(F_IN))
    b1 = jnp.zeros((HIDDEN,), dtype=jnp.float32)
    W2 = jax.random.normal(ks[4], (HIDDEN, N_CLASSES), dtype=jnp.float32) * (1.0 / np.sqrt(HIDDEN))
    b2 = jnp.zeros((N_CLASSES,), dtype=jnp.float32)
    return {"x": x, "edge_index": edge_index, "edge_weight": edge_weight,
            "W1": W1, "b1": b1, "W2": W2, "b2": b2}


def reference(x, edge_index, edge_weight, W1, b1, W2, b2):
    h = gcn_conv(x, edge_index, edge_weight, W1, b1)
    out = gcn_conv(h, edge_index, edge_weight, W2, b2)
    return out

if __name__ == "__main__":
    import jax
    _d = setup_inputs()
    print(jax.jit(kernel)(*tuple(_d.values())))

</pallas_src>

<mosaic_0001>
#map = affine_map<(d0, d1) -> (0, 0)>
#map1 = affine_map<(d0, d1) -> (0)>
#map2 = affine_map<(d0, d1) -> (0, 0, 0)>
module attributes {stable_mosaic.version = 14 : i64} {
  func.func @k(%arg0: i32, %arg1: i32, %arg2: memref<16x10240xf32, #tpu.memory_space<hbm>>, %arg3: memref<2x320000xi32, #tpu.memory_space<hbm>>, %arg4: memref<320000xf32, #tpu.memory_space<hbm>>, %arg5: memref<8x16x10240xf32, #tpu.memory_space<hbm>>, %arg6: memref<4x10240xf32, #tpu.memory_space<vmem>>, %arg7: memref<10240xf32, #tpu.memory_space<vmem>>, %arg8: memref<10240xf32, #tpu.memory_space<vmem>>, %arg9: memref<10240xf32, #tpu.memory_space<vmem>>, %arg10: memref<10240xf32, #tpu.memory_space<vmem>>, %arg11: memref<2x800xi32, #tpu.memory_space<vmem>>, %arg12: memref<2x800xi32, #tpu.memory_space<vmem>>, %arg13: memref<2x800xf32, #tpu.memory_space<vmem>>, %arg14: memref<!tpu.dma_semaphore, #tpu.memory_space<semaphore_mem>>, %arg15: memref<!tpu.dma_semaphore, #tpu.memory_space<semaphore_mem>>, %arg16: memref<!tpu.dma_semaphore, #tpu.memory_space<semaphore_mem>>) attributes {dimension_semantics = [#tpu.dimension_semantics<core_parallel>, #tpu.dimension_semantics<subcore_parallel>], iteration_bounds = array<i64: 2, 16>, scalar_prefetch = 0 : i64, scratch_operands = 11 : i64, tpu.core_type = #tpu.core_type<sc_vector_subcore>, window_params = [{transform_indices = #map}, {transform_indices = #map}, {transform_indices = #map1}, {transform_indices = #map2}]} {
    %mul3A = arith.constant 16 : i32
    %mul3A_0 = arith.muli %arg0, %mul3A : i32
    %add3A = arith.addi %mul3A_0, %arg1 : i32
    %jit3A = arith.constant 4 : i32
    %div3A = arith.divsi %add3A, %jit3A : i32
    %sign3A = arith.constant 0 : i32
    %sign3A_1 = arith.cmpi sgt, %add3A, %sign3A : i32
    %sign3A_2 = arith.extui %sign3A_1 : i1 to i32
    %sign3A_3 = arith.constant 0 : i32
    %sign3A_4 = arith.cmpi slt, %add3A, %sign3A_3 : i32
    %sign3A_5 = arith.extui %sign3A_4 : i1 to i32
    %sign3A_6 = arith.subi %sign3A_2, %sign3A_5 : i32
    %sign3A_7 = arith.constant 0 : i32
    %sign3A_8 = arith.cmpi sgt, %jit3A, %sign3A_7 : i32
    %sign3A_9 = arith.extui %sign3A_8 : i1 to i32
    %sign3A_10 = arith.constant 0 : i32
    %sign3A_11 = arith.cmpi slt, %jit3A, %sign3A_10 : i32
    %sign3A_12 = arith.extui %sign3A_11 : i1 to i32
    %sign3A_13 = arith.subi %sign3A_9, %sign3A_12 : i32
    %ne3A = arith.cmpi ne, %sign3A_6, %sign3A_13 : i32
    %rem3A = arith.remsi %add3A, %jit3A : i32
    %ne3A_14 = arith.constant 0 : i32
    %ne3A_15 = arith.cmpi ne, %rem3A, %ne3A_14 : i32
    %and3A = arith.andi %ne3A, %ne3A_15 : i1
    %sub3A = arith.constant 1 : i32
    %sub3A_16 = arith.subi %div3A, %sub3A : i32
    %select_n3A = arith.select %and3A, %sub3A_16, %div3A : i32
    %jit3A_17 = arith.constant 4 : i32
    %eq3A = arith.constant 0 : i32
    %eq3A_18 = arith.cmpi eq, %jit3A_17, %eq3A : i32
    %jit3A_19 = arith.constant 1 : i32
    %select_n3A_20 = arith.select %eq3A_18, %jit3A_19, %jit3A_17 : i32
    %rem3A_21 = arith.remsi %add3A, %select_n3A_20 : i32
    %ne3A_22 = arith.constant 0 : i32
    %ne3A_23 = arith.cmpi ne, %rem3A_21, %ne3A_22 : i32
    %lt3A = arith.constant 0 : i32
    %lt3A_24 = arith.cmpi slt, %rem3A_21, %lt3A : i32
    %lt3A_25 = arith.constant 0 : i32
    %lt3A_26 = arith.cmpi slt, %select_n3A_20, %lt3A_25 : i32
    %ne3A_27 = arith.xori %lt3A_24, %lt3A_26 : i1
    %and3A_28 = arith.andi %ne3A_27, %ne3A_23 : i1
    %add3A_29 = arith.addi %rem3A_21, %select_n3A_20 : i32
    %select_n3A_30 = arith.select %and3A_28, %add3A_29, %rem3A_21 : i32
    %mul3A_31 = arith.constant 4 : i32
    %mul3A_32 = arith.muli %select_n3A_30, %mul3A_31 : i32
    %dma_start3A = arith.constant 0 : i32
    %dma_start3A_33 = tpu.memref_slice %arg2[%mul3A_32, %dma_start3A] : memref<16x10240xf32, #tpu.memory_space<hbm>> -> memref<4x10240xf32, #tpu.memory_space<hbm>>
    %dma_start3A_34 = arith.constant 0 : i32
    %dma_start3A_35 = tpu.memref_slice %arg2[%mul3A_32, %dma_start3A_34] : memref<16x10240xf32, #tpu.memory_space<hbm>> -> memref<4x10240xf32, #tpu.memory_space<hbm>>
    tpu.enqueue_dma source(%dma_start3A_35 : memref<4x10240xf32, #tpu.memory_space<hbm>>) target(%arg6 : memref<4x10240xf32, #tpu.memory_space<vmem>>) target_semaphore(%arg16 : memref<!tpu.dma_semaphore, #tpu.memory_space<semaphore_mem>>)
    %broadcast_in_dim3A = arith.constant 0.000000e+00 : f32
    %broadcast_in_dim3A_36 = vector.broadcast %broadcast_in_dim3A : f32 to vector<16xf32>
    %parallel_loop3A = arith.constant 0 : i32
    %parallel_loop3A_37 = arith.constant 320 : i32
    %parallel_loop3A_38 = arith.constant 1 : i32
    scf.for %parallel_loop3A_104 = %parallel_loop3A to %parallel_loop3A_37 step %parallel_loop3A_38  : i32 {
      %parallel_loop3A_105 = arith.constant 2 : i32
      %parallel_loop3A_106 = arith.muli %parallel_loop3A_104, %parallel_loop3A_105 : i32
      %parallel_loop3A_107 = arith.constant 0 : i32
      %parallel_loop3A_108 = arith.addi %parallel_loop3A_106, %parallel_loop3A_107 : i32
      %parallel_loop3A_109 = arith.constant 16 : i32
      %parallel_loop3A_110 = arith.muli %parallel_loop3A_108, %parallel_loop3A_109 : i32
      %parallel_loop3A_111 = arith.index_cast %parallel_loop3A_110 : i32 to index
      %parallel_loop3A_112 = tpu.vector_load %arg7[%parallel_loop3A_111] {strides = array<i32>} : memref<10240xf32, #tpu.memory_space<vmem>>, vector<16xf32>,
      tpu.vector_store %arg7[%parallel_loop3A_111], %broadcast_in_dim3A_36 {strides = array<i32>} : memref<10240xf32, #tpu.memory_space<vmem>>, vector<16xf32>,
      %parallel_loop3A_113 = arith.constant 2 : i32
      %parallel_loop3A_114 = arith.muli %parallel_loop3A_104, %parallel_loop3A_113 : i32
      %parallel_loop3A_115 = arith.constant 1 : i32
      %parallel_loop3A_116 = arith.addi %parallel_loop3A_114, %parallel_loop3A_115 : i32
      %parallel_loop3A_117 = arith.constant 16 : i32
      %parallel_loop3A_118 = arith.muli %parallel_loop3A_116, %parallel_loop3A_117 : i32
      %parallel_loop3A_119 = arith.index_cast %parallel_loop3A_118 : i32 to index
      %parallel_loop3A_120 = tpu.vector_load %arg7[%parallel_loop3A_119] {strides = array<i32>} : memref<10240xf32, #tpu.memory_space<vmem>>, vector<16xf32>,
      tpu.vector_store %arg7[%parallel_loop3A_119], %broadcast_in_dim3A_36 {strides = array<i32>} : memref<10240xf32, #tpu.memory_space<vmem>>, vector<16xf32>,
      %parallel_loop3A_121 = arith.constant 2 : i32
      %parallel_loop3A_122 = arith.muli %parallel_loop3A_104, %parallel_loop3A_121 : i32
      %parallel_loop3A_123 = arith.constant 0 : i32
      %parallel_loop3A_124 = arith.addi %parallel_loop3A_122, %parallel_loop3A_123 : i32
      %parallel_loop3A_125 = arith.constant 16 : i32
      %parallel_loop3A_126 = arith.muli %parallel_loop3A_124, %parallel_loop3A_125 : i32
      %parallel_loop3A_127 = arith.index_cast %parallel_loop3A_126 : i32 to index
      %parallel_loop3A_128 = tpu.vector_load %arg8[%parallel_loop3A_127] {strides = array<i32>} : memref<10240xf32, #tpu.memory_space<vmem>>, vector<16xf32>,
      tpu.vector_store %arg8[%parallel_loop3A_127], %broadcast_in_dim3A_36 {strides = array<i32>} : memref<10240xf32, #tpu.memory_space<vmem>>, vector<16xf32>,
      %parallel_loop3A_129 = arith.constant 2 : i32
      %parallel_loop3A_130 = arith.muli %parallel_loop3A_104, %parallel_loop3A_129 : i32
      %parallel_loop3A_131 = arith.constant 1 : i32
      %parallel_loop3A_132 = arith.addi %parallel_loop3A_130, %parallel_loop3A_131 : i32
      %parallel_loop3A_133 = arith.constant 16 : i32
      %parallel_loop3A_134 = arith.muli %parallel_loop3A_132, %parallel_loop3A_133 : i32
      %parallel_loop3A_135 = arith.index_cast %parallel_loop3A_134 : i32 to index
      %parallel_loop3A_136 = tpu.vector_load %arg8[%parallel_loop3A_135] {strides = array<i32>} : memref<10240xf32, #tpu.memory_space<vmem>>, vector<16xf32>,
      tpu.vector_store %arg8[%parallel_loop3A_135], %broadcast_in_dim3A_36 {strides = array<i32>} : memref<10240xf32, #tpu.memory_space<vmem>>, vector<16xf32>,
      %parallel_loop3A_137 = arith.constant 2 : i32
      %parallel_loop3A_138 = arith.muli %parallel_loop3A_104, %parallel_loop3A_137 : i32
      %parallel_loop3A_139 = arith.constant 0 : i32
      %parallel_loop3A_140 = arith.addi %parallel_loop3A_138, %parallel_loop3A_139 : i32
      %parallel_loop3A_141 = arith.constant 16 : i32
      %parallel_loop3A_142 = arith.muli %parallel_loop3A_140, %parallel_loop3A_141 : i32
      %parallel_loop3A_143 = arith.index_cast %parallel_loop3A_142 : i32 to index
      %parallel_loop3A_144 = tpu.vector_load %arg9[%parallel_loop3A_143] {strides = array<i32>} : memref<10240xf32, #tpu.memory_space<vmem>>, vector<16xf32>,
      tpu.vector_store %arg9[%parallel_loop3A_143], %broadcast_in_dim3A_36 {strides = array<i32>} : memref<10240xf32, #tpu.memory_space<vmem>>, vector<16xf32>,
      %parallel_loop3A_145 = arith.constant 2 : i32
      %parallel_loop3A_146 = arith.muli %parallel_loop3A_104, %parallel_loop3A_145 : i32
      %parallel_loop3A_147 = arith.constant 1 : i32
      %parallel_loop3A_148 = arith.addi %parallel_loop3A_146, %parallel_loop3A_147 : i32
      %parallel_loop3A_149 = arith.constant 16 : i32
      %parallel_loop3A_150 = arith.muli %parallel_loop3A_148, %parallel_loop3A_149 : i32
      %parallel_loop3A_151 = arith.index_cast %parallel_loop3A_150 : i32 to index
      %parallel_loop3A_152 = tpu.vector_load %arg9[%parallel_loop3A_151] {strides = array<i32>} : memref<10240xf32, #tpu.memory_space<vmem>>, vector<16xf32>,
      tpu.vector_store %arg9[%parallel_loop3A_151], %broadcast_in_dim3A_36 {strides = array<i32>} : memref<10240xf32, #tpu.memory_space<vmem>>, vector<16xf32>,
      %parallel_loop3A_153 = arith.constant 2 : i32
      %parallel_loop3A_154 = arith.muli %parallel_loop3A_104, %parallel_loop3A_153 : i32
      %parallel_loop3A_155 = arith.constant 0 : i32
      %parallel_loop3A_156 = arith.addi %parallel_loop3A_154, %parallel_loop3A_155 : i32
      %parallel_loop3A_157 = arith.constant 16 : i32
      %parallel_loop3A_158 = arith.muli %parallel_loop3A_156, %parallel_loop3A_157 : i32
      %parallel_loop3A_159 = arith.index_cast %parallel_loop3A_158 : i32 to index
      %parallel_loop3A_160 = tpu.vector_load %arg10[%parallel_loop3A_159] {strides = array<i32>} : memref<10240xf32, #tpu.memory_space<vmem>>, vector<16xf32>,
      tpu.vector_store %arg10[%parallel_loop3A_159], %broadcast_in_dim3A_36 {strides = array<i32>} : memref<10240xf32, #tpu.memory_space<vmem>>, vector<16xf32>,
      %parallel_loop3A_161 = arith.constant 2 : i32
      %parallel_loop3A_162 = arith.muli %parallel_loop3A_104, %parallel_loop3A_161 : i32
      %parallel_loop3A_163 = arith.constant 1 : i32
      %parallel_loop3A_164 = arith.addi %parallel_loop3A_162, %parallel_loop3A_163 : i32
      %parallel_loop3A_165 = arith.constant 16 : i32
      %parallel_loop3A_166 = arith.muli %parallel_loop3A_164, %parallel_loop3A_165 : i32
      %parallel_loop3A_167 = arith.index_cast %parallel_loop3A_166 : i32 to index
      %parallel_loop3A_168 = tpu.vector_load %arg10[%parallel_loop3A_167] {strides = array<i32>} : memref<10240xf32, #tpu.memory_space<vmem>>, vector<16xf32>,
      tpu.vector_store %arg10[%parallel_loop3A_167], %broadcast_in_dim3A_36 {strides = array<i32>} : memref<10240xf32, #tpu.memory_space<vmem>>, vector<16xf32>,
    } {sc.loop_unroll_factor = 8 : i64, sc.parallel_access}
    %eq3A_39 = arith.constant 0 : i32
    %eq3A_40 = arith.cmpi eq, %arg0, %eq3A_39 : i32
    %mul3A_41 = arith.constant 40000 : i32
    %mul3A_42 = arith.muli %select_n3A, %mul3A_41 : i32
    %sub3A_43 = arith.constant 4 : i32
    %sub3A_44 = arith.subi %select_n3A, %sub3A_43 : i32
    %mul3A_45 = arith.constant 40000 : i32
    %mul3A_46 = arith.muli %sub3A_44, %mul3A_45 : i32
    %add3A_47 = arith.constant 160000 : i32
    %add3A_48 = arith.addi %add3A_47, %mul3A_46 : i32
    %select_n3A_49 = arith.select %eq3A_40, %mul3A_42, %add3A_48 : i32
    %add3A_50 = arith.constant 0 : i32
    %add3A_51 = arith.addi %select_n3A_49, %add3A_50 : i32
    %multiple_of3A = tpu.assume_multiple %add3A_51, 8 : i32
    %dma_start3A_52 = arith.constant 0 : i32
    %dma_start3A_53 = arith.constant 0 : i32
    %dma_start3A_54 = arith.constant 0 : i32
    %dma_start3A_55 = tpu.memref_slice %arg11[%dma_start3A_53, %dma_start3A_54] : memref<2x800xi32, #tpu.memory_space<vmem>> -> memref<1x800xi32, #tpu.memory_space<vmem>>
    %dma_start3A_56 = tpu.memref_squeeze %dma_start3A_55 : memref<1x800xi32, #tpu.memory_space<vmem>> -> memref<800xi32, #tpu.memory_space<vmem>>
    %dma_start3A_57 = tpu.memref_slice %arg3[%dma_start3A_52, %multiple_of3A] : memref<2x320000xi32, #tpu.memory_space<hbm>> -> memref<1x800xi32, #tpu.memory_space<hbm>>
    %dma_start3A_58 = tpu.memref_squeeze %dma_start3A_57 : memref<1x800xi32, #tpu.memory_space<hbm>> -> memref<800xi32, #tpu.memory_space<hbm>>
    %dma_start3A_59 = arith.constant 0 : i32
    %dma_start3A_60 = tpu.memref_slice %arg11[%dma_start3A_53, %dma_start3A_59] : memref<2x800xi32, #tpu.memory_space<vmem>> -> memref<1x800xi32, #tpu.memory_space<vmem>>
    %dma_start3A_61 = tpu.memref_squeeze %dma_start3A_60 : memref<1x800xi32, #tpu.memory_space<vmem>> -> memref<800xi32, #tpu.memory_space<vmem>>
    %dma_start3A_62 = tpu.memref_slice %arg3[%dma_start3A_52, %multiple_of3A] : memref<2x320000xi32, #tpu.memory_space<hbm>> -> memref<1x800xi32, #tpu.memory_space<hbm>>
    %dma_start3A_63 = tpu.memref_squeeze %dma_start3A_62 : memref<1x800xi32, #tpu.memory_space<hbm>> -> memref<800xi32, #tpu.memory_space<hbm>>
    tpu.enqueue_dma source(%dma_start3A_63 : memref<800xi32, #tpu.memory_space<hbm>>) target(%dma_start3A_61 : memref<800xi32, #tpu.memory_space<vmem>>) target_semaphore(%arg14 : memref<!tpu.dma_semaphore, #tpu.memory_space<semaphore_mem>>)
    %dma_start3A_64 = arith.constant 1 : i32
    %dma_start3A_65 = arith.constant 0 : i32
    %dma_start3A_66 = arith.constant 0 : i32
    %dma_start3A_67 = tpu.memref_slice %arg12[%dma_start3A_65, %dma_start3A_66] : memref<2x800xi32, #tpu.memory_space<vmem>> -> memref<1x800xi32, #tpu.memory_space<vmem>>
    %dma_start3A_68 = tpu.memref_squeeze %dma_start3A_67 : memref<1x800xi32, #tpu.memory_space<vmem>> -> memref<800xi32, #tpu.memory_space<vmem>>
    %dma_start3A_69 = tpu.memref_slice %arg3[%dma_start3A_64, %multiple_of3A] : memref<2x320000xi32, #tpu.memory_space<hbm>> -> memref<1x800xi32, #tpu.memory_space<hbm>>
    %dma_start3A_70 = tpu.memref_squeeze %dma_start3A_69 : memref<1x800xi32, #tpu.memory_space<hbm>> -> memref<800xi32, #tpu.memory_space<hbm>>
    %dma_start3A_71 = arith.constant 0 : i32
    %dma_start3A_72 = tpu.memref_slice %arg12[%dma_start3A_65, %dma_start3A_71] : memref<2x800xi32, #tpu.memory_space<vmem>> -> memref<1x800xi32, #tpu.memory_space<vmem>>
    %dma_start3A_73 = tpu.memref_squeeze %dma_start3A_72 : memref<1x800xi32, #tpu.memory_space<vmem>> -> memref<800xi32, #tpu.memory_space<vmem>>
    %dma_start3A_74 = tpu.memref_slice %arg3[%dma_start3A_64, %multiple_of3A] : memref<2x320000xi32, #tpu.memory_space<hbm>> -> memref<1x800xi32, #tpu.memory_space<hbm>>
    %dma_start3A_75 = tpu.memref_squeeze %dma_start3A_74 : memref<1x800xi32, #tpu.memory_space<hbm>> -> memref<800xi32, #tpu.memory_space<hbm>>
    tpu.enqueue_dma source(%dma_start3A_75 : memref<800xi32, #tpu.memory_space<hbm>>) target(%dma_start3A_73 : memref<800xi32, #tpu.memory_space<vmem>>) target_semaphore(%arg14 : memref<!tpu.dma_semaphore, #tpu.memory_space<semaphore_mem>>)
    %dma_start3A_76 = arith.constant 0 : i32
    %dma_start3A_77 = arith.constant 0 : i32
    %dma_start3A_78 = tpu.memref_slice %arg13[%dma_start3A_76, %dma_start3A_77] : memref<2x800xf32, #tpu.memory_space<vmem>> -> memref<1x800xf32, #tpu.memory_space<vmem>>
    %dma_start3A_79 = tpu.memref_squeeze %dma_start3A_78 : memref<1x800xf32, #tpu.memory_space<vmem>> -> memref<800xf32, #tpu.memory_space<vmem>>
    %dma_start3A_80 = tpu.memref_slice %arg4[%multiple_of3A] : memref<320000xf32, #tpu.memory_space<hbm>> -> memref<800xf32, #tpu.memory_space<hbm>>
    %dma_start3A_81 = arith.constant 0 : i32
    %dma_start3A_82 = tpu.memref_slice %arg13[%dma_start3A_76, %dma_start3A_81] : memref<2x800xf32, #tpu.memory_space<vmem>> -> memref<1x800xf32, #tpu.memory_space<vmem>>
    %dma_start3A_83 = tpu.memref_squeeze %dma_start3A_82 : memref<1x800xf32, #tpu.memory_space<vmem>> -> memref<800xf32, #tpu.memory_space<vmem>>
    %dma_start3A_84 = tpu.memref_slice %arg4[%multiple_of3A] : memref<320000xf32, #tpu.memory_space<hbm>> -> memref<800xf32, #tpu.memory_space<hbm>>
    tpu.enqueue_dma source(%dma_start3A_84 : memref<800xf32, #tpu.memory_space<hbm>>) target(%dma_start3A_83 : memref<800xf32, #tpu.memory_space<vmem>>) target_semaphore(%arg14 : memref<!tpu.dma_semaphore, #tpu.memory_space<semaphore_mem>>)
    %dma_wait3A = arith.constant 0 : i32
    %dma_wait3A_85 = tpu.memref_slice %arg2[%mul3A_32, %dma_wait3A] : memref<16x10240xf32, #tpu.memory_space<hbm>> -> memref<4x10240xf32, #tpu.memory_space<hbm>>
    %dma_wait3A_86 = arith.constant 0 : i32
    %dma_wait3A_87 = tpu.memref_slice %arg2[%mul3A_32, %dma_wait3A_86] : memref<16x10240xf32, #tpu.memory_space<hbm>> -> memref<4x10240xf32, #tpu.memory_space<hbm>>
    tpu.wait_dma2 semaphore(%arg16 : memref<!tpu.dma_semaphore, #tpu.memory_space<semaphore_mem>>) src(%dma_wait3A_87 : memref<4x10240xf32, #tpu.memory_space<hbm>>) dst(%arg6 : memref<4x10240xf32, #tpu.memory_space<vmem>>)
    %eq3A_88 = arith.constant 0 : i32
    %eq3A_89 = arith.cmpi eq, %arg0, %eq3A_88 : i32
    %convert_element_type3A = arith.extui %eq3A_89 : i1 to i32
    %cond3A = arith.constant 0 : i32
    %cond3A_90 = arith.cmpi ne, %convert_element_type3A, %cond3A : i32
    scf.if %cond3A_90 {
      %scan3A = arith.constant 0 : i32
      %scan3A_104 = arith.constant 0 : i32
      %scan3A_105 = arith.constant 25 : i32
      %scan3A_106 = arith.addi %scan3A_104, %scan3A_105 : i32
      %scan3A_107 = arith.constant 1 : i32
      scf.for %scan3A_109 = %scan3A_104 to %scan3A_106 step %scan3A_107  : i32 {
        %mul3A_110 = arith.constant 2 : i32
        %mul3A_111 = arith.muli %scan3A_109, %mul3A_110 : i32
        %dma_wait3A_112 = arith.constant 0 : i32
        %dma_wait3A_113 = arith.constant 0 : i32
        %dma_wait3A_114 = arith.constant 0 : i32
        %dma_wait3A_115 = tpu.memref_slice %arg11[%dma_wait3A_113, %dma_wait3A_114] : memref<2x800xi32, #tpu.memory_space<vmem>> -> memref<1x800xi32, #tpu.memory_space<vmem>>
        %dma_wait3A_116 = tpu.memref_squeeze %dma_wait3A_115 : memref<1x800xi32, #tpu.memory_space<vmem>> -> memref<800xi32, #tpu.memory_space<vmem>>
        %dma_wait3A_117 = arith.constant 0 : i32
        %dma_wait3A_118 = tpu.memref_slice %arg3[%dma_wait3A_112, %dma_wait3A_117] : memref<2x320000xi32, #tpu.memory_space<hbm>> -> memref<1x800xi32, #tpu.memory_space<hbm>>
        %dma_wait3A_119 = tpu.memref_squeeze %dma_wait3A_118 : memref<1x800xi32, #tpu.memory_space<hbm>> -> memref<800xi32, #tpu.memory_space<hbm>>
        %dma_wait3A_120 = arith.constant 0 : i32
        %dma_wait3A_121 = tpu.memref_slice %arg11[%dma_wait3A_113, %dma_wait3A_120] : memref<2x800xi32, #tpu.memory_space<vmem>> -> memref<1x800xi32, #tpu.memory_space<vmem>>
        %dma_wait3A_122 = tpu.memref_squeeze %dma_wait3A_121 : memref<1x800xi32, #tpu.memory_space<vmem>> -> memref<800xi32, #tpu.memory_space<vmem>>
        %dma_wait3A_123 = arith.constant 0 : i32
        %dma_wait3A_124 = tpu.memref_slice %arg3[%dma_wait3A_112, %dma_wait3A_123] : memref<2x320000xi32, #tpu.memory_space<hbm>> -> memref<1x800xi32, #tpu.memory_space<hbm>>
        %dma_wait3A_125 = tpu.memref_squeeze %dma_wait3A_124 : memref<1x800xi32, #tpu.memory_space<hbm>> -> memref<800xi32, #tpu.memory_space<hbm>>
        tpu.wait_dma2 semaphore(%arg14 : memref<!tpu.dma_semaphore, #tpu.memory_space<semaphore_mem>>) src(%dma_wait3A_125 : memref<800xi32, #tpu.memory_space<hbm>>) dst(%dma_wait3A_122 : memref<800xi32, #tpu.memory_space<vmem>>)
        %dma_wait3A_126 = arith.constant 1 : i32
        %dma_wait3A_127 = arith.constant 0 : i32
        %dma_wait3A_128 = arith.constant 0 : i32
        %dma_wait3A_129 = tpu.memref_slice %arg12[%dma_wait3A_127, %dma_wait3A_128] : memref<2x800xi32, #tpu.memory_space<vmem>> -> memref<1x800xi32, #tpu.memory_space<vmem>>
        %dma_wait3A_130 = tpu.memref_squeeze %dma_wait3A_129 : memref<1x800xi32, #tpu.memory_space<vmem>> -> memref<800xi32, #tpu.memory_space<vmem>>
        %dma_wait3A_131 = arith.constant 0 : i32
        %dma_wait3A_132 = tpu.memref_slice %arg3[%dma_wait3A_126, %dma_wait3A_131] : memref<2x320000xi32, #tpu.memory_space<hbm>> -> memref<1x800xi32, #tpu.memory_space<hbm>>
        %dma_wait3A_133 = tpu.memref_squeeze %dma_wait3A_132 : memref<1x800xi32, #tpu.memory_space<hbm>> -> memref<800xi32, #tpu.memory_space<hbm>>
        %dma_wait3A_134 = arith.constant 0 : i32
        %dma_wait3A_135 = tpu.memref_slice %arg12[%dma_wait3A_127, %dma_wait3A_134] : memref<2x800xi32, #tpu.memory_space<vmem>> -> memref<1x800xi32, #tpu.memory_space<vmem>>
        %dma_wait3A_136 = tpu.memref_squeeze %dma_wait3A_135 : memref<1x800xi32, #tpu.memory_space<vmem>> -> memref<800xi32, #tpu.memory_space<vmem>>
        %dma_wait3A_137 = arith.constant 0 : i32
        %dma_wait3A_138 = tpu.memref_slice %arg3[%dma_wait3A_126, %dma_wait3A_137] : memref<2x320000xi32, #tpu.memory_space<hbm>> -> memref<1x800xi32, #tpu.memory_space<hbm>>
        %dma_wait3A_139 = tpu.memref_squeeze %dma_wait3A_138 : memref<1x800xi32, #tpu.memory_space<hbm>> -> memref<800xi32, #tpu.memory_space<hbm>>
        tpu.wait_dma2 semaphore(%arg14 : memref<!tpu.dma_semaphore, #tpu.memory_space<semaphore_mem>>) src(%dma_wait3A_139 : memref<800xi32, #tpu.memory_space<hbm>>) dst(%dma_wait3A_136 : memref<800xi32, #tpu.memory_space<vmem>>)
        %dma_wait3A_140 = arith.constant 0 : i32
        %dma_wait3A_141 = arith.constant 0 : i32
        %dma_wait3A_142 = tpu.memref_slice %arg13[%dma_wait3A_140, %dma_wait3A_141] : memref<2x800xf32, #tpu.memory_space<vmem>> -> memref<1x800xf32, #tpu.memory_space<vmem>>
        %dma_wait3A_143 = tpu.memref_squeeze %dma_wait3A_142 : memref<1x800xf32, #tpu.memory_space<vmem>> -> memref<800xf32, #tpu.memory_space<vmem>>
        %dma_wait3A_144 = arith.constant 0 : i32
        %dma_wait3A_145 = tpu.memref_slice %arg4[%dma_wait3A_144] : memref<320000xf32, #tpu.memory_space<hbm>> -> memref<800xf32, #tpu.memory_space<hbm>>
        %dma_wait3A_146 = arith.constant 0 : i32
        %dma_wait3A_147 = tpu.memref_slice %arg13[%dma_wait3A_140, %dma_wait3A_146] : memref<2x800xf32, #tpu.memory_space<vmem>> -> memref<1x800xf32, #tpu.memory_space<vmem>>
        %dma_wait3A_148 = tpu.memref_squeeze %dma_wait3A_147 : memref<1x800xf32, #tpu.memory_space<vmem>> -> memref<800xf32, #tpu.memory_space<vmem>>
        %dma_wait3A_149 = arith.constant 0 : i32
        %dma_wait3A_150 = tpu.memref_slice %arg4[%dma_wait3A_149] : memref<320000xf32, #tpu.memory_space<hbm>> -> memref<800xf32, #tpu.memory_space<hbm>>
        tpu.wait_dma2 semaphore(%arg14 : memref<!tpu.dma_semaphore, #tpu.memory_space<semaphore_mem>>) src(%dma_wait3A_150 : memref<800xf32, #tpu.memory_space<hbm>>) dst(%dma_wait3A_148 : memref<800xf32, #tpu.memory_space<vmem>>)
        %add3A_151 = arith.constant 1 : i32
        %add3A_152 = arith.addi %mul3A_111, %add3A_151 : i32
        %mul3A_153 = arith.constant 800 : i32
        %mul3A_154 = arith.muli %add3A_152, %mul3A_153 : i32
        %add3A_155 = arith.addi %select_n3A_49, %mul3A_154 : i32
        %multiple_of3A_156 = tpu.assume_multiple %add3A_155, 8 : i32
        %dma_start3A_157 = arith.constant 0 : i32
        %dma_start3A_158 = arith.constant 1 : i32
        %dma_start3A_159 = arith.constant 0 : i32
        %dma_start3A_160 = tpu.memref_slice %arg11[%dma_start3A_158, %dma_start3A_159] : memref<2x800xi32, #tpu.memory_space<vmem>> -> memref<1x800xi32, #tpu.memory_space<vmem>>
        %dma_start3A_161 = tpu.memref_squeeze %dma_start3A_160 : memref<1x800xi32, #tpu.memory_space<vmem>> -> memref<800xi32, #tpu.memory_space<vmem>>
        %dma_start3A_162 = tpu.memref_slice %arg3[%dma_start3A_157, %multiple_of3A_156] : memref<2x320000xi32, #tpu.memory_space<hbm>> -> memref<1x800xi32, #tpu.memory_space<hbm>>
        %dma_start3A_163 = tpu.memref_squeeze %dma_start3A_162 : memref<1x800xi32, #tpu.memory_space<hbm>> -> memref<800xi32, #tpu.memory_space<hbm>>
        %dma_start3A_164 = arith.constant 0 : i32
        %dma_start3A_165 = tpu.memref_slice %arg11[%dma_start3A_158, %dma_start3A_164] : memref<2x800xi32, #tpu.memory_space<vmem>> -> memref<1x800xi32, #tpu.memory_space<vmem>>
        %dma_start3A_166 = tpu.memref_squeeze %dma_start3A_165 : memref<1x800xi32, #tpu.memory_space<vmem>> -> memref<800xi32, #tpu.memory_space<vmem>>
        %dma_start3A_167 = tpu.memref_slice %arg3[%dma_start3A_157, %multiple_of3A_156] : memref<2x320000xi32, #tpu.memory_space<hbm>> -> memref<1x800xi32, #tpu.memory_space<hbm>>
        %dma_start3A_168 = tpu.memref_squeeze %dma_start3A_167 : memref<1x800xi32, #tpu.memory_space<hbm>> -> memref<800xi32, #tpu.memory_space<hbm>>
        tpu.enqueue_dma source(%dma_start3A_168 : memref<800xi32, #tpu.memory_space<hbm>>) target(%dma_start3A_166 : memref<800xi32, #tpu.memory_space<vmem>>) target_semaphore(%arg15 : memref<!tpu.dma_semaphore, #tpu.memory_space<semaphore_mem>>)
        %dma_start3A_169 = arith.constant 1 : i32
        %dma_start3A_170 = arith.constant 1 : i32
        %dma_start3A_171 = arith.constant 0 : i32
        %dma_start3A_172 = tpu.memref_slice %arg12[%dma_start3A_170, %dma_start3A_171] : memref<2x800xi32, #tpu.memory_space<vmem>> -> memref<1x800xi32, #tpu.memory_space<vmem>>
        %dma_start3A_173 = tpu.memref_squeeze %dma_start3A_172 : memref<1x800xi32, #tpu.memory_space<vmem>> -> memref<800xi32, #tpu.memory_space<vmem>>
        %dma_start3A_174 = tpu.memref_slice %arg3[%dma_start3A_169, %multiple_of3A_156] : memref<2x320000xi32, #tpu.memory_space<hbm>> -> memref<1x800xi32, #tpu.memory_space<hbm>>
        %dma_start3A_175 = tpu.memref_squeeze %dma_start3A_174 : memref<1x800xi32, #tpu.memory_space<hbm>> -> memref<800xi32, #tpu.memory_space<hbm>>
        %dma_start3A_176 = arith.constant 0 : i32
        %dma_start3A_177 = tpu.memref_slice %arg12[%dma_start3A_170, %dma_start3A_176] : memref<2x800xi32, #tpu.memory_space<vmem>> -> memref<1x800xi32, #tpu.memory_space<vmem>>
        %dma_start3A_178 = tpu.memref_squeeze %dma_start3A_177 : memref<1x800xi32, #tpu.memory_space<vmem>> -> memref<800xi32, #tpu.memory_space<vmem>>
        %dma_start3A_179 = tpu.memref_slice %arg3[%dma_start3A_169, %multiple_of3A_156] : memref<2x320000xi32, #tpu.memory_space<hbm>> -> memref<1x800xi32, #tpu.memory_space<hbm>>
        %dma_start3A_180 = tpu.memref_squeeze %dma_start3A_179 : memref<1x800xi32, #tpu.memory_space<hbm>> -> memref<800xi32, #tpu.memory_space<hbm>>
        tpu.enqueue_dma source(%dma_start3A_180 : memref<800xi32, #tpu.memory_space<hbm>>) target(%dma_start3A_178 : memref<800xi32, #tpu.memory_space<vmem>>) target_semaphore(%arg15 : memref<!tpu.dma_semaphore, #tpu.memory_space<semaphore_mem>>)
        %dma_start3A_181 = arith.constant 1 : i32
        %dma_start3A_182 = arith.constant 0 : i32
        %dma_start3A_183 = tpu.memref_slice %arg13[%dma_start3A_181, %dma_start3A_182] : memref<2x800xf32, #tpu.memory_space<vmem>> -> memref<1x800xf32, #tpu.memory_space<vmem>>
        %dma_start3A_184 = tpu.memref_squeeze %dma_start3A_183 : memref<1x800xf32, #tpu.memory_space<vmem>> -> memref<800xf32, #tpu.memory_space<vmem>>
        %dma_start3A_185 = tpu.memref_slice %arg4[%multiple_of3A_156] : memref<320000xf32, #tpu.memory_space<hbm>> -> memref<800xf32, #tpu.memory_space<hbm>>
        %dma_start3A_186 = arith.constant 0 : i32
        %dma_start3A_187 = tpu.memref_slice %arg13[%dma_start3A_181, %dma_start3A_186] : memref<2x800xf32, #tpu.memory_space<vmem>> -> memref<1x800xf32, #tpu.memory_space<vmem>>
        %dma_start3A_188 = tpu.memref_squeeze %dma_start3A_187 : memref<1x800xf32, #tpu.memory_space<vmem>> -> memref<800xf32, #tpu.memory_space<vmem>>
        %dma_start3A_189 = tpu.memref_slice %arg4[%multiple_of3A_156] : memref<320000xf32, #tpu.memory_space<hbm>> -> memref<800xf32, #tpu.memory_space<hbm>>
        tpu.enqueue_dma source(%dma_start3A_189 : memref<800xf32, #tpu.memory_space<hbm>>) target(%dma_start3A_188 : memref<800xf32, #tpu.memory_space<vmem>>) target_semaphore(%arg15 : memref<!tpu.dma_semaphore, #tpu.memory_space<semaphore_mem>>)
        %parallel_loop3A_190 = arith.constant 0 : i32
        %parallel_loop3A_191 = arith.constant 50 : i32
        %parallel_loop3A_192 = arith.constant 1 : i32
        %parallel_loop3A_193 = arith.constant 0 : i32
        %parallel_loop3A_194 = arith.constant 0 : i32
        %parallel_loop3A_195 = arith.constant 0 : i32
        scf.for %parallel_loop3A_248 = %parallel_loop3A_190 to %parallel_loop3A_191 step %parallel_loop3A_192  : i32 {
          %parallel_loop3A_249 = arith.constant 16 : i32
          %parallel_loop3A_250 = arith.muli %parallel_loop3A_248, %parallel_loop3A_249 : i32
          %parallel_loop3A_251 = arith.constant 0 : i32
          %parallel_loop3A_252 = tpu.memref_slice %arg11[%parallel_loop3A_193, %parallel_loop3A_251] : memref<2x800xi32, #tpu.memory_space<vmem>> -> memref<1x800xi32, #tpu.memory_space<vmem>>
          %parallel_loop3A_253 = tpu.memref_squeeze %parallel_loop3A_252 : memref<1x800xi32, #tpu.memory_space<vmem>> -> memref<800xi32, #tpu.memory_space<vmem>>
          %parallel_loop3A_254 = arith.index_cast %parallel_loop3A_250 : i32 to index
          %parallel_loop3A_255 = tpu.vector_load %parallel_loop3A_253[%parallel_loop3A_254] {strides = array<i32>} : memref<800xi32, #tpu.memory_space<vmem>>, vector<16xi32>,
          %parallel_loop3A_256 = arith.constant 0 : i32
          %parallel_loop3A_257 = tpu.memref_slice %arg12[%parallel_loop3A_194, %parallel_loop3A_256] : memref<2x800xi32, #tpu.memory_space<vmem>> -> memref<1x800xi32, #tpu.memory_space<vmem>>
          %parallel_loop3A_258 = tpu.memref_squeeze %parallel_loop3A_257 : memref<1x800xi32, #tpu.memory_space<vmem>> -> memref<800xi32, #tpu.memory_space<vmem>>
          %parallel_loop3A_259 = arith.index_cast %parallel_loop3A_250 : i32 to index
          %parallel_loop3A_260 = tpu.vector_load %parallel_loop3A_258[%parallel_loop3A_259] {strides = array<i32>} : memref<800xi32, #tpu.memory_space<vmem>>, vector<16xi32>,
          %parallel_loop3A_261 = arith.constant 0 : i32
          %parallel_loop3A_262 = tpu.memref_slice %arg13[%parallel_loop3A_195, %parallel_loop3A_261] : memref<2x800xf32, #tpu.memory_space<vmem>> -> memref<1x800xf32, #tpu.memory_space<vmem>>
          %parallel_loop3A_263 = tpu.memref_squeeze %parallel_loop3A_262 : memref<1x800xf32, #tpu.memory_space<vmem>> -> memref<800xf32, #tpu.memory_space<vmem>>
          %parallel_loop3A_264 = arith.index_cast %parallel_loop3A_250 : i32 to index
          %parallel_loop3A_265 = tpu.vector_load %parallel_loop3A_263[%parallel_loop3A_264] {strides = array<i32>} : memref<800xf32, #tpu.memory_space<vmem>>, vector<16xf32>,
          %parallel_loop3A_266 = arith.constant 0 : i32
          %parallel_loop3A_267 = arith.constant 0 : i32
          %parallel_loop3A_268 = tpu.memref_slice %arg6[%parallel_loop3A_266, %parallel_loop3A_267] : memref<4x10240xf32, #tpu.memory_space<vmem>> -> memref<1x10240xf32, #tpu.memory_space<vmem>>
          %parallel_loop3A_269 = tpu.memref_squeeze %parallel_loop3A_268 : memref<1x10240xf32, #tpu.memory_space<vmem>> -> memref<10240xf32, #tpu.memory_space<vmem>>
          %parallel_loop3A_270 = tpu.vector_load_idx %parallel_loop3A_269[%parallel_loop3A_255] : memref<10240xf32, #tpu.memory_space<vmem>>[vector<16xi32>], vector<16xf32>,
          %parallel_loop3A_271 = arith.mulf %parallel_loop3A_270, %parallel_loop3A_265 : vector<16xf32>
          tpu.vector_store_idx %arg7[%parallel_loop3A_260], %parallel_loop3A_271 {add = true} : memref<10240xf32, #tpu.memory_space<vmem>>[vector<16xi32>], vector<16xf32>,
          %parallel_loop3A_272 = arith.constant 1 : i32
          %parallel_loop3A_273 = arith.constant 0 : i32
          %parallel_loop3A_274 = tpu.memref_slice %arg6[%parallel_loop3A_272, %parallel_loop3A_273] : memref<4x10240xf32, #tpu.memory_space<vmem>> -> memref<1x10240xf32, #tpu.memory_space<vmem>>
          %parallel_loop3A_275 = tpu.memref_squeeze %parallel_loop3A_274 : memref<1x10240xf32, #tpu.memory_space<vmem>> -> memref<10240xf32, #tpu.memory_space<vmem>>
          %parallel_loop3A_276 = tpu.vector_load_idx %parallel_loop3A_275[%parallel_loop3A_255] : memref<10240xf32, #tpu.memory_space<vmem>>[vector<16xi32>], vector<16xf32>,
          %parallel_loop3A_277 = arith.mulf %parallel_loop3A_276, %parallel_loop3A_265 : vector<16xf32>
          tpu.vector_store_idx %arg8[%parallel_loop3A_260], %parallel_loop3A_277 {add = true} : memref<10240xf32, #tpu.memory_space<vmem>>[vector<16xi32>], vector<16xf32>,
          %parallel_loop3A_278 = arith.constant 2 : i32
          %parallel_loop3A_279 = arith.constant 0 : i32
          %parallel_loop3A_280 = tpu.memref_slice %arg6[%parallel_loop3A_278, %parallel_loop3A_279] : memref<4x10240xf32, #tpu.memory_space<vmem>> -> memref<1x10240xf32, #tpu.memory_space<vmem>>
          %parallel_loop3A_281 = tpu.memref_squeeze %parallel_loop3A_280 : memref<1x10240xf32, #tpu.memory_space<vmem>> -> memref<10240xf32, #tpu.memory_space<vmem>>
          %parallel_loop3A_282 = tpu.vector_load_idx %parallel_loop3A_281[%parallel_loop3A_255] : memref<10240xf32, #tpu.memory_space<vmem>>[vector<16xi32>], vector<16xf32>,
          %parallel_loop3A_283 = arith.mulf %parallel_loop3A_282, %parallel_loop3A_265 : vector<16xf32>
          tpu.vector_store_idx %arg9[%parallel_loop3A_260], %parallel_loop3A_283 {add = true} : memref<10240xf32, #tpu.memory_space<vmem>>[vector<16xi32>], vector<16xf32>,
          %parallel_loop3A_284 = arith.constant 3 : i32
          %parallel_loop3A_285 = arith.constant 0 : i32
          %parallel_loop3A_286 = tpu.memref_slice %arg6[%parallel_loop3A_284, %parallel_loop3A_285] : memref<4x10240xf32, #tpu.memory_space<vmem>> -> memref<1x10240xf32, #tpu.memory_space<vmem>>
          %parallel_loop3A_287 = tpu.memref_squeeze %parallel_loop3A_286 : memref<1x10240xf32, #tpu.memory_space<vmem>> -> memref<10240xf32, #tpu.memory_space<vmem>>
          %parallel_loop3A_288 = tpu.vector_load_idx %parallel_loop3A_287[%parallel_loop3A_255] : memref<10240xf32, #tpu.memory_space<vmem>>[vector<16xi32>], vector<16xf32>,
          %parallel_loop3A_289 = arith.mulf %parallel_loop3A_288, %parallel_loop3A_265 : vector<16xf32>
          tpu.vector_store_idx %arg10[%parallel_loop3A_260], %parallel_loop3A_289 {add = true} : memref<10240xf32, #tpu.memory_space<vmem>>[vector<16xi32>], vector<16xf32>,
        } {sc.loop_unroll_factor = 10 : i64, sc.parallel_access}
        %dma_wait3A_196 = arith.constant 0 : i32
        %dma_wait3A_197 = arith.constant 1 : i32
        %dma_wait3A_198 = arith.constant 0 : i32
        %dma_wait3A_199 = tpu.memref_slice %arg11[%dma_wait3A_197, %dma_wait3A_198] : memref<2x800xi32, #tpu.memory_space<vmem>> -> memref<1x800xi32, #tpu.memory_space<vmem>>
        %dma_wait3A_200 = tpu.memref_squeeze %dma_wait3A_199 : memref<1x800xi32, #tpu.memory_space<vmem>> -> memref<800xi32, #tpu.memory_space<vmem>>
        %dma_wait3A_201 = arith.constant 0 : i32
        %dma_wait3A_202 = tpu.memref_slice %arg3[%dma_wait3A_196, %dma_wait3A_201] : memref<2x320000xi32, #tpu.memory_space<hbm>> -> memref<1x800xi32, #tpu.memory_space<hbm>>
        %dma_wait3A_203 = tpu.memref_squeeze %dma_wait3A_202 : memref<1x800xi32, #tpu.memory_space<hbm>> -> memref<800xi32, #tpu.memory_space<hbm>>
        %dma_wait3A_204 = arith.constant 0 : i32
        %dma_wait3A_205 = tpu.memref_slice %arg11[%dma_wait3A_197, %dma_wait3A_204] : memref<2x800xi32, #tpu.memory_space<vmem>> -> memref<1x800xi32, #tpu.memory_space<vmem>>
        %dma_wait3A_206 = tpu.memref_squeeze %dma_wait3A_205 : memref<1x800xi32, #tpu.memory_space<vmem>> -> memref<800xi32, #tpu.memory_space<vmem>>
        %dma_wait3A_207 = arith.constant 0 : i32
        %dma_wait3A_208 = tpu.memref_slice %arg3[%dma_wait3A_196, %dma_wait3A_207] : memref<2x320000xi32, #tpu.memory_space<hbm>> -> memref<1x800xi32, #tpu.memory_space<hbm>>
        %dma_wait3A_209 = tpu.memref_squeeze %dma_wait3A_208 : memref<1x800xi32, #tpu.memory_space<hbm>> -> memref<800xi32, #tpu.memory_space<hbm>>
        tpu.wait_dma2 semaphore(%arg15 : memref<!tpu.dma_semaphore, #tpu.memory_space<semaphore_mem>>) src(%dma_wait3A_209 : memref<800xi32, #tpu.memory_space<hbm>>) dst(%dma_wait3A_206 : memref<800xi32, #tpu.memory_space<vmem>>)
        %dma_wait3A_210 = arith.constant 1 : i32
        %dma_wait3A_211 = arith.constant 1 : i32
        %dma_wait3A_212 = arith.constant 0 : i32
        %dma_wait3A_213 = tpu.memref_slice %arg12[%dma_wait3A_211, %dma_wait3A_212] : memref<2x800xi32, #tpu.memory_space<vmem>> -> memref<1x800xi32, #tpu.memory_space<vmem>>
        %dma_wait3A_214 = tpu.memref_squeeze %dma_wait3A_213 : memref<1x800xi32, #tpu.memory_space<vmem>> -> memref<800xi32, #tpu.memory_space<vmem>>
        %dma_wait3A_215 = arith.constant 0 : i32
        %dma_wait3A_216 = tpu.memref_slice %arg3[%dma_wait3A_210, %dma_wait3A_215] : memref<2x320000xi32, #tpu.memory_space<hbm>> -> memref<1x800xi32, #tpu.memory_space<hbm>>
        %dma_wait3A_217 = tpu.memref_squeeze %dma_wait3A_216 : memref<1x800xi32, #tpu.memory_space<hbm>> -> memref<800xi32, #tpu.memory_space<hbm>>
        %dma_wait3A_218 = arith.constant 0 : i32
        %dma_wait3A_219 = tpu.memref_slice %arg12[%dma_wait3A_211, %dma_wait3A_218] : memref<2x800xi32, #tpu.memory_space<vmem>> -> memref<1x800xi32, #tpu.memory_space<vmem>>
        %dma_wait3A_220 = tpu.memref_squeeze %dma_wait3A_219 : memref<1x800xi32, #tpu.memory_space<vmem>> -> memref<800xi32, #tpu.memory_space<vmem>>
        %dma_wait3A_221 = arith.constant 0 : i32
        %dma_wait3A_222 = tpu.memref_slice %arg3[%dma_wait3A_210, %dma_wait3A_221] : memref<2x320000xi32, #tpu.memory_space<hbm>> -> memref<1x800xi32, #tpu.memory_space<hbm>>
        %dma_wait3A_223 = tpu.memref_squeeze %dma_wait3A_222 : memref<1x800xi32, #tpu.memory_space<hbm>> -> memref<800xi32, #tpu.memory_space<hbm>>
        tpu.wait_dma2 semaphore(%arg15 : memref<!tpu.dma_semaphore, #tpu.memory_space<semaphore_mem>>) src(%dma_wait3A_223 : memref<800xi32, #tpu.memory_space<hbm>>) dst(%dma_wait3A_220 : memref<800xi32, #tpu.memory_space<vmem>>)
        %dma_wait3A_224 = arith.constant 1 : i32
        %dma_wait3A_225 = arith.constant 0 : i32
        %dma_wait3A_226 = tpu.memref_slice %arg13[%dma_wait3A_224, %dma_wait3A_225] : memref<2x800xf32, #tpu.memory_space<vmem>> -> memref<1x800xf32, #tpu.memory_space<vmem>>
        %dma_wait3A_227 = tpu.memref_squeeze %dma_wait3A_226 : memref<1x800xf32, #tpu.memory_space<vmem>> -> memref<800xf32, #tpu.memory_space<vmem>>
        %dma_wait3A_228 = arith.constant 0 : i32
        %dma_wait3A_229 = tpu.memref_slice %arg4[%dma_wait3A_228] : memref<320000xf32, #tpu.memory_space<hbm>> -> memref<800xf32, #tpu.memory_space<hbm>>
        %dma_wait3A_230 = arith.constant 0 : i32
        %dma_wait3A_231 = tpu.memref_slice %arg13[%dma_wait3A_224, %dma_wait3A_230] : memref<2x800xf32, #tpu.memory_space<vmem>> -> memref<1x800xf32, #tpu.memory_space<vmem>>
        %dma_wait3A_232 = tpu.memref_squeeze %dma_wait3A_231 : memref<1x800xf32, #tpu.memory_space<vmem>> -> memref<800xf32, #tpu.memory_space<vmem>>
        %dma_wait3A_233 = arith.constant 0 : i32
        %dma_wait3A_234 = tpu.memref_slice %arg4[%dma_wait3A_233] : memref<320000xf32, #tpu.memory_space<hbm>> -> memref<800xf32, #tpu.memory_space<hbm>>
        tpu.wait_dma2 semaphore(%arg15 : memref<!tpu.dma_semaphore, #tpu.memory_space<semaphore_mem>>) src(%dma_wait3A_234 : memref<800xf32, #tpu.memory_space<hbm>>) dst(%dma_wait3A_232 : memref<800xf32, #tpu.memory_space<vmem>>)
        %add3A_235 = arith.constant 2 : i32
        %add3A_236 = arith.addi %mul3A_111, %add3A_235 : i32
        %lt3A_237 = arith.constant 50 : i32
        %lt3A_238 = arith.cmpi slt, %add3A_236, %lt3A_237 : i32
        %convert_element_type3A_239 = arith.extui %lt3A_238 : i1 to i32
        %cond3A_240 = arith.constant 0 : i32
        %cond3A_241 = arith.cmpi ne, %convert_element_type3A_239, %cond3A_240 : i32
        scf.if %cond3A_241 {
          %add3A_248 = arith.constant 2 : i32
          %add3A_249 = arith.addi %mul3A_111, %add3A_248 : i32
          %mul3A_250 = arith.constant 800 : i32
          %mul3A_251 = arith.muli %add3A_249, %mul3A_250 : i32
          %add3A_252 = arith.addi %select_n3A_49, %mul3A_251 : i32
          %multiple_of3A_253 = tpu.assume_multiple %add3A_252, 8 : i32
          %dma_start3A_254 = arith.constant 0 : i32
          %dma_start3A_255 = arith.constant 0 : i32
          %dma_start3A_256 = arith.constant 0 : i32
          %dma_start3A_257 = tpu.memref_slice %arg11[%dma_start3A_255, %dma_start3A_256] : memref<2x800xi32, #tpu.memory_space<vmem>> -> memref<1x800xi32, #tpu.memory_space<vmem>>
          %dma_start3A_258 = tpu.memref_squeeze %dma_start3A_257 : memref<1x800xi32, #tpu.memory_space<vmem>> -> memref<800xi32, #tpu.memory_space<vmem>>
          %dma_start3A_259 = tpu.memref_slice %arg3[%dma_start3A_254, %multiple_of3A_253] : memref<2x320000xi32, #tpu.memory_space<hbm>> -> memref<1x800xi32, #tpu.memory_space<hbm>>
          %dma_start3A_260 = tpu.memref_squeeze %dma_start3A_259 : memref<1x800xi32, #tpu.memory_space<hbm>> -> memref<800xi32, #tpu.memory_space<hbm>>
          %dma_start3A_261 = arith.constant 0 : i32
          %dma_start3A_262 = tpu.memref_slice %arg11[%dma_start3A_255, %dma_start3A_261] : memref<2x800xi32, #tpu.memory_space<vmem>> -> memref<1x800xi32, #tpu.memory_space<vmem>>
          %dma_start3A_263 = tpu.memref_squeeze %dma_start3A_262 : memref<1x800xi32, #tpu.memory_space<vmem>> -> memref<800xi32, #tpu.memory_space<vmem>>
          %dma_start3A_264 = tpu.memref_slice %arg3[%dma_start3A_254, %multiple_of3A_253] : memref<2x320000xi32, #tpu.memory_space<hbm>> -> memref<1x800xi32, #tpu.memory_space<hbm>>
          %dma_start3A_265 = tpu.memref_squeeze %dma_start3A_264 : memref<1x800xi32, #tpu.memory_space<hbm>> -> memref<800xi32, #tpu.memory_space<hbm>>
          tpu.enqueue_dma source(%dma_start3A_265 : memref<800xi32, #tpu.memory_space<hbm>>) target(%dma_start3A_263 : memref<800xi32, #tpu.memory_space<vmem>>) target_semaphore(%arg14 : memref<!tpu.dma_semaphore, #tpu.memory_space<semaphore_mem>>)
          %dma_start3A_266 = arith.constant 1 : i32
          %dma_start3A_267 = arith.constant 0 : i32
          %dma_start3A_268 = arith.constant 0 : i32
          %dma_start3A_269 = tpu.memref_slice %arg12[%dma_start3A_267, %dma_start3A_268] : memref<2x800xi32, #tpu.memory_space<vmem>> -> memref<1x800xi32, #tpu.memory_space<vmem>>
          %dma_start3A_270 = tpu.memref_squeeze %dma_start3A_269 : memref<1x800xi32, #tpu.memory_space<vmem>> -> memref<800xi32, #tpu.memory_space<vmem>>
          %dma_start3A_271 = tpu.memref_slice %arg3[%dma_start3A_266, %multiple_of3A_253] : memref<2x320000xi32, #tpu.memory_space<hbm>> -> memref<1x800xi32, #tpu.memory_space<hbm>>
          %dma_start3A_272 = tpu.memref_squeeze %dma_start3A_271 : memref<1x800xi32, #tpu.memory_space<hbm>> -> memref<800xi32, #tpu.memory_space<hbm>>
          %dma_start3A_273 = arith.constant 0 : i32
          %dma_start3A_274 = tpu.memref_slice %arg12[%dma_start3A_267, %dma_start3A_273] : memref<2x800xi32, #tpu.memory_space<vmem>> -> memref<1x800xi32, #tpu.memory_space<vmem>>
          %dma_start3A_275 = tpu.memref_squeeze %dma_start3A_274 : memref<1x800xi32, #tpu.memory_space<vmem>> -> memref<800xi32, #tpu.memory_space<vmem>>
          %dma_start3A_276 = tpu.memref_slice %arg3[%dma_start3A_266, %multiple_of3A_253] : memref<2x320000xi32, #tpu.memory_space<hbm>> -> memref<1x800xi32, #tpu.memory_space<hbm>>
          %dma_start3A_277 = tpu.memref_squeeze %dma_start3A_276 : memref<1x800xi32, #tpu.memory_space<hbm>> -> memref<800xi32, #tpu.memory_space<hbm>>
          tpu.enqueue_dma source(%dma_start3A_277 : memref<800xi32, #tpu.memory_space<hbm>>) target(%dma_start3A_275 : memref<800xi32, #tpu.memory_space<vmem>>) target_semaphore(%arg14 : memref<!tpu.dma_semaphore, #tpu.memory_space<semaphore_mem>>)
          %dma_start3A_278 = arith.constant 0 : i32
          %dma_start3A_279 = arith.constant 0 : i32
          %dma_start3A_280 = tpu.memref_slice %arg13[%dma_start3A_278, %dma_start3A_279] : memref<2x800xf32, #tpu.memory_space<vmem>> -> memref<1x800xf32, #tpu.memory_space<vmem>>
          %dma_start3A_281 = tpu.memref_squeeze %dma_start3A_280 : memref<1x800xf32, #tpu.memory_space<vmem>> -> memref<800xf32, #tpu.memory_space<vmem>>
          %dma_start3A_282 = tpu.memref_slice %arg4[%multiple_of3A_253] : memref<320000xf32, #tpu.memory_space<hbm>> -> memref<800xf32, #tpu.memory_space<hbm>>
          %dma_start3A_283 = arith.constant 0 : i32
          %dma_start3A_284 = tpu.memref_slice %arg13[%dma_start3A_278, %dma_start3A_283] : memref<2x800xf32, #tpu.memory_space<vmem>> -> memref<1x800xf32, #tpu.memory_space<vmem>>
          %dma_start3A_285 = tpu.memref_squeeze %dma_start3A_284 : memref<1x800xf32, #tpu.memory_space<vmem>> -> memref<800xf32, #tpu.memory_space<vmem>>
          %dma_start3A_286 = tpu.memref_slice %arg4[%multiple_of3A_253] : memref<320000xf32, #tpu.memory_space<hbm>> -> memref<800xf32, #tpu.memory_space<hbm>>
          tpu.enqueue_dma source(%dma_start3A_286 : memref<800xf32, #tpu.memory_space<hbm>>) target(%dma_start3A_285 : memref<800xf32, #tpu.memory_space<vmem>>) target_semaphore(%arg14 : memref<!tpu.dma_semaphore, #tpu.memory_space<semaphore_mem>>)
        } else {
        }
        %parallel_loop3A_242 = arith.constant 0 : i32
        %parallel_loop3A_243 = arith.constant 50 : i32
        %parallel_loop3A_244 = arith.constant 1 : i32
        %parallel_loop3A_245 = arith.constant 1 : i32
        %parallel_loop3A_246 = arith.constant 1 : i32
        %parallel_loop3A_247 = arith.constant 1 : i32
        scf.for %parallel_loop3A_248 = %parallel_loop3A_242 to %parallel_loop3A_243 step %parallel_loop3A_244  : i32 {
          %parallel_loop3A_249 = arith.constant 16 : i32
          %parallel_loop3A_250 = arith.muli %parallel_loop3A_248, %parallel_loop3A_249 : i32
          %parallel_loop3A_251 = arith.constant 0 : i32
          %parallel_loop3A_252 = tpu.memref_slice %arg11[%parallel_loop3A_245, %parallel_loop3A_251] : memref<2x800xi32, #tpu.memory_space<vmem>> -> memref<1x800xi32, #tpu.memory_space<vmem>>
          %parallel_loop3A_253 = tpu.memref_squeeze %parallel_loop3A_252 : memref<1x800xi32, #tpu.memory_space<vmem>> -> memref<800xi32, #tpu.memory_space<vmem>>
          %parallel_loop3A_254 = arith.index_cast %parallel_loop3A_250 : i32 to index
          %parallel_loop3A_255 = tpu.vector_load %parallel_loop3A_253[%parallel_loop3A_254] {strides = array<i32>} : memref<800xi32, #tpu.memory_space<vmem>>, vector<16xi32>,
          %parallel_loop3A_256 = arith.constant 0 : i32
          %parallel_loop3A_257 = tpu.memref_slice %arg12[%parallel_loop3A_246, %parallel_loop3A_256] : memref<2x800xi32, #tpu.memory_space<vmem>> -> memref<1x800xi32, #tpu.memory_space<vmem>>
          %parallel_loop3A_258 = tpu.memref_squeeze %parallel_loop3A_257 : memref<1x800xi32, #tpu.memory_space<vmem>> -> memref<800xi32, #tpu.memory_space<vmem>>
          %parallel_loop3A_259 = arith.index_cast %parallel_loop3A_250 : i32 to index
          %parallel_loop3A_260 = tpu.vector_load %parallel_loop3A_258[%parallel_loop3A_259] {strides = array<i32>} : memref<800xi32, #tpu.memory_space<vmem>>, vector<16xi32>,
          %parallel_loop3A_261 = arith.constant 0 : i32
          %parallel_loop3A_262 = tpu.memref_slice %arg13[%parallel_loop3A_247, %parallel_loop3A_261] : memref<2x800xf32, #tpu.memory_space<vmem>> -> memref<1x800xf32, #tpu.memory_space<vmem>>
          %parallel_loop3A_263 = tpu.memref_squeeze %parallel_loop3A_262 : memref<1x800xf32, #tpu.memory_space<vmem>> -> memref<800xf32, #tpu.memory_space<vmem>>
          %parallel_loop3A_264 = arith.index_cast %parallel_loop3A_250 : i32 to index
          %parallel_loop3A_265 = tpu.vector_load %parallel_loop3A_263[%parallel_loop3A_264] {strides = array<i32>} : memref<800xf32, #tpu.memory_space<vmem>>, vector<16xf32>,
          %parallel_loop3A_266 = arith.constant 0 : i32
          %parallel_loop3A_267 = arith.constant 0 : i32
          %parallel_loop3A_268 = tpu.memref_slice %arg6[%parallel_loop3A_266, %parallel_loop3A_267] : memref<4x10240xf32, #tpu.memory_space<vmem>> -> memref<1x10240xf32, #tpu.memory_space<vmem>>
          %parallel_loop3A_269 = tpu.memref_squeeze %parallel_loop3A_268 : memref<1x10240xf32, #tpu.memory_space<vmem>> -> memref<10240xf32, #tpu.memory_space<vmem>>
          %parallel_loop3A_270 = tpu.vector_load_idx %parallel_loop3A_269[%parallel_loop3A_255] : memref<10240xf32, #tpu.memory_space<vmem>>[vector<16xi32>], vector<16xf32>,
          %parallel_loop3A_271 = arith.mulf %parallel_loop3A_270, %parallel_loop3A_265 : vector<16xf32>
          tpu.vector_store_idx %arg7[%parallel_loop3A_260], %parallel_loop3A_271 {add = true} : memref<10240xf32, #tpu.memory_space<vmem>>[vector<16xi32>], vector<16xf32>,
          %parallel_loop3A_272 = arith.constant 1 : i32
          %parallel_loop3A_273 = arith.constant 0 : i32
          %parallel_loop3A_274 = tpu.memref_slice %arg6[%parallel_loop3A_272, %parallel_loop3A_273] : memref<4x10240xf32, #tpu.memory_space<vmem>> -> memref<1x10240xf32, #tpu.memory_space<vmem>>
          %parallel_loop3A_275 = tpu.memref_squeeze %parallel_loop3A_274 : memref<1x10240xf32, #tpu.memory_space<vmem>> -> memref<10240xf32, #tpu.memory_space<vmem>>
          %parallel_loop3A_276 = tpu.vector_load_idx %parallel_loop3A_275[%parallel_loop3A_255] : memref<10240xf32, #tpu.memory_space<vmem>>[vector<16xi32>], vector<16xf32>,
          %parallel_loop3A_277 = arith.mulf %parallel_loop3A_276, %parallel_loop3A_265 : vector<16xf32>
          tpu.vector_store_idx %arg8[%parallel_loop3A_260], %parallel_loop3A_277 {add = true} : memref<10240xf32, #tpu.memory_space<vmem>>[vector<16xi32>], vector<16xf32>,
          %parallel_loop3A_278 = arith.constant 2 : i32
          %parallel_loop3A_279 = arith.constant 0 : i32
          %parallel_loop3A_280 = tpu.memref_slice %arg6[%parallel_loop3A_278, %parallel_loop3A_279] : memref<4x10240xf32, #tpu.memory_space<vmem>> -> memref<1x10240xf32, #tpu.memory_space<vmem>>
          %parallel_loop3A_281 = tpu.memref_squeeze %parallel_loop3A_280 : memref<1x10240xf32, #tpu.memory_space<vmem>> -> memref<10240xf32, #tpu.memory_space<vmem>>
          %parallel_loop3A_282 = tpu.vector_load_idx %parallel_loop3A_281[%parallel_loop3A_255] : memref<10240xf32, #tpu.memory_space<vmem>>[vector<16xi32>], vector<16xf32>,
          %parallel_loop3A_283 = arith.mulf %parallel_loop3A_282, %parallel_loop3A_265 : vector<16xf32>
          tpu.vector_store_idx %arg9[%parallel_loop3A_260], %parallel_loop3A_283 {add = true} : memref<10240xf32, #tpu.memory_space<vmem>>[vector<16xi32>], vector<16xf32>,
          %parallel_loop3A_284 = arith.constant 3 : i32
          %parallel_loop3A_285 = arith.constant 0 : i32
          %parallel_loop3A_286 = tpu.memref_slice %arg6[%parallel_loop3A_284, %parallel_loop3A_285] : memref<4x10240xf32, #tpu.memory_space<vmem>> -> memref<1x10240xf32, #tpu.memory_space<vmem>>
          %parallel_loop3A_287 = tpu.memref_squeeze %parallel_loop3A_286 : memref<1x10240xf32, #tpu.memory_space<vmem>> -> memref<10240xf32, #tpu.memory_space<vmem>>
          %parallel_loop3A_288 = tpu.vector_load_idx %parallel_loop3A_287[%parallel_loop3A_255] : memref<10240xf32, #tpu.memory_space<vmem>>[vector<16xi32>], vector<16xf32>,
          %parallel_loop3A_289 = arith.mulf %parallel_loop3A_288, %parallel_loop3A_265 : vector<16xf32>
          tpu.vector_store_idx %arg10[%parallel_loop3A_260], %parallel_loop3A_289 {add = true} : memref<10240xf32, #tpu.memory_space<vmem>>[vector<16xi32>], vector<16xf32>,
        } {sc.loop_unroll_factor = 10 : i64, sc.parallel_access}
      }
      %scan3A_108 = arith.constant 25 : i32
    } else {
    }
    %eq3A_91 = arith.constant 1 : i32
    %eq3A_92 = arith.cmpi eq, %arg0, %eq3A_91 : i32
    %convert_element_type3A_93 = arith.extui %eq3A_92 : i1 to i32
    %cond3A_94 = arith.constant 0 : i32
    %cond3A_95 = arith.cmpi ne, %convert_element_type3A_93, %cond3A_94 : i32
    scf.if %cond3A_95 {
      %scan3A = arith.constant 0 : i32
      %scan3A_104 = arith.constant 0 : i32
      %scan3A_105 = arith.constant 25 : i32
      %scan3A_106 = arith.addi %scan3A_104, %scan3A_105 : i32
      %scan3A_107 = arith.constant 1 : i32
      scf.for %scan3A_109 = %scan3A_104 to %scan3A_106 step %scan3A_107  : i32 {
        %mul3A_110 = arith.constant 2 : i32
        %mul3A_111 = arith.muli %scan3A_109, %mul3A_110 : i32
        %dma_wait3A_112 = arith.constant 0 : i32
        %dma_wait3A_113 = arith.constant 0 : i32
        %dma_wait3A_114 = arith.constant 0 : i32
        %dma_wait3A_115 = tpu.memref_slice %arg11[%dma_wait3A_113, %dma_wait3A_114] : memref<2x800xi32, #tpu.memory_space<vmem>> -> memref<1x800xi32, #tpu.memory_space<vmem>>
        %dma_wait3A_116 = tpu.memref_squeeze %dma_wait3A_115 : memref<1x800xi32, #tpu.memory_space<vmem>> -> memref<800xi32, #tpu.memory_space<vmem>>
        %dma_wait3A_117 = arith.constant 0 : i32
        %dma_wait3A_118 = tpu.memref_slice %arg3[%dma_wait3A_112, %dma_wait3A_117] : memref<2x320000xi32, #tpu.memory_space<hbm>> -> memref<1x800xi32, #tpu.memory_space<hbm>>
        %dma_wait3A_119 = tpu.memref_squeeze %dma_wait3A_118 : memref<1x800xi32, #tpu.memory_space<hbm>> -> memref<800xi32, #tpu.memory_space<hbm>>
        %dma_wait3A_120 = arith.constant 0 : i32
        %dma_wait3A_121 = tpu.memref_slice %arg11[%dma_wait3A_113, %dma_wait3A_120] : memref<2x800xi32, #tpu.memory_space<vmem>> -> memref<1x800xi32, #tpu.memory_space<vmem>>
        %dma_wait3A_122 = tpu.memref_squeeze %dma_wait3A_121 : memref<1x800xi32, #tpu.memory_space<vmem>> -> memref<800xi32, #tpu.memory_space<vmem>>
        %dma_wait3A_123 = arith.constant 0 : i32
        %dma_wait3A_124 = tpu.memref_slice %arg3[%dma_wait3A_112, %dma_wait3A_123] : memref<2x320000xi32, #tpu.memory_space<hbm>> -> memref<1x800xi32, #tpu.memory_space<hbm>>
        %dma_wait3A_125 = tpu.memref_squeeze %dma_wait3A_124 : memref<1x800xi32, #tpu.memory_space<hbm>> -> memref<800xi32, #tpu.memory_space<hbm>>
        tpu.wait_dma2 semaphore(%arg14 : memref<!tpu.dma_semaphore, #tpu.memory_space<semaphore_mem>>) src(%dma_wait3A_125 : memref<800xi32, #tpu.memory_space<hbm>>) dst(%dma_wait3A_122 : memref<800xi32, #tpu.memory_space<vmem>>)
        %dma_wait3A_126 = arith.constant 1 : i32
        %dma_wait3A_127 = arith.constant 0 : i32
        %dma_wait3A_128 = arith.constant 0 : i32
        %dma_wait3A_129 = tpu.memref_slice %arg12[%dma_wait3A_127, %dma_wait3A_128] : memref<2x800xi32, #tpu.memory_space<vmem>> -> memref<1x800xi32, #tpu.memory_space<vmem>>
        %dma_wait3A_130 = tpu.memref_squeeze %dma_wait3A_129 : memref<1x800xi32, #tpu.memory_space<vmem>> -> memref<800xi32, #tpu.memory_space<vmem>>
        %dma_wait3A_131 = arith.constant 0 : i32
        %dma_wait3A_132 = tpu.memref_slice %arg3[%dma_wait3A_126, %dma_wait3A_131] : memref<2x320000xi32, #tpu.memory_space<hbm>> -> memref<1x800xi32, #tpu.memory_space<hbm>>
        %dma_wait3A_133 = tpu.memref_squeeze %dma_wait3A_132 : memref<1x800xi32, #tpu.memory_space<hbm>> -> memref<800xi32, #tpu.memory_space<hbm>>
        %dma_wait3A_134 = arith.constant 0 : i32
        %dma_wait3A_135 = tpu.memref_slice %arg12[%dma_wait3A_127, %dma_wait3A_134] : memref<2x800xi32, #tpu.memory_space<vmem>> -> memref<1x800xi32, #tpu.memory_space<vmem>>
        %dma_wait3A_136 = tpu.memref_squeeze %dma_wait3A_135 : memref<1x800xi32, #tpu.memory_space<vmem>> -> memref<800xi32, #tpu.memory_space<vmem>>
        %dma_wait3A_137 = arith.constant 0 : i32
        %dma_wait3A_138 = tpu.memref_slice %arg3[%dma_wait3A_126, %dma_wait3A_137] : memref<2x320000xi32, #tpu.memory_space<hbm>> -> memref<1x800xi32, #tpu.memory_space<hbm>>
        %dma_wait3A_139 = tpu.memref_squeeze %dma_wait3A_138 : memref<1x800xi32, #tpu.memory_space<hbm>> -> memref<800xi32, #tpu.memory_space<hbm>>
        tpu.wait_dma2 semaphore(%arg14 : memref<!tpu.dma_semaphore, #tpu.memory_space<semaphore_mem>>) src(%dma_wait3A_139 : memref<800xi32, #tpu.memory_space<hbm>>) dst(%dma_wait3A_136 : memref<800xi32, #tpu.memory_space<vmem>>)
        %dma_wait3A_140 = arith.constant 0 : i32
        %dma_wait3A_141 = arith.constant 0 : i32
        %dma_wait3A_142 = tpu.memref_slice %arg13[%dma_wait3A_140, %dma_wait3A_141] : memref<2x800xf32, #tpu.memory_space<vmem>> -> memref<1x800xf32, #tpu.memory_space<vmem>>
        %dma_wait3A_143 = tpu.memref_squeeze %dma_wait3A_142 : memref<1x800xf32, #tpu.memory_space<vmem>> -> memref<800xf32, #tpu.memory_space<vmem>>
        %dma_wait3A_144 = arith.constant 0 : i32
        %dma_wait3A_145 = tpu.memref_slice %arg4[%dma_wait3A_144] : memref<320000xf32, #tpu.memory_space<hbm>> -> memref<800xf32, #tpu.memory_space<hbm>>
        %dma_wait3A_146 = arith.constant 0 : i32
        %dma_wait3A_147 = tpu.memref_slice %arg13[%dma_wait3A_140, %dma_wait3A_146] : memref<2x800xf32, #tpu.memory_space<vmem>> -> memref<1x800xf32, #tpu.memory_space<vmem>>
        %dma_wait3A_148 = tpu.memref_squeeze %dma_wait3A_147 : memref<1x800xf32, #tpu.memory_space<vmem>> -> memref<800xf32, #tpu.memory_space<vmem>>
        %dma_wait3A_149 = arith.constant 0 : i32
        %dma_wait3A_150 = tpu.memref_slice %arg4[%dma_wait3A_149] : memref<320000xf32, #tpu.memory_space<hbm>> -> memref<800xf32, #tpu.memory_space<hbm>>
        tpu.wait_dma2 semaphore(%arg14 : memref<!tpu.dma_semaphore, #tpu.memory_space<semaphore_mem>>) src(%dma_wait3A_150 : memref<800xf32, #tpu.memory_space<hbm>>) dst(%dma_wait3A_148 : memref<800xf32, #tpu.memory_space<vmem>>)
        %add3A_151 = arith.constant 1 : i32
        %add3A_152 = arith.addi %mul3A_111, %add3A_151 : i32
        %mul3A_153 = arith.constant 800 : i32
        %mul3A_154 = arith.muli %add3A_152, %mul3A_153 : i32
        %add3A_155 = arith.addi %select_n3A_49, %mul3A_154 : i32
        %multiple_of3A_156 = tpu.assume_multiple %add3A_155, 8 : i32
        %dma_start3A_157 = arith.constant 0 : i32
        %dma_start3A_158 = arith.constant 1 : i32
        %dma_start3A_159 = arith.constant 0 : i32
        %dma_start3A_160 = tpu.memref_slice %arg11[%dma_start3A_158, %dma_start3A_159] : memref<2x800xi32, #tpu.memory_space<vmem>> -> memref<1x800xi32, #tpu.memory_space<vmem>>
        %dma_start3A_161 = tpu.memref_squeeze %dma_start3A_160 : memref<1x800xi32, #tpu.memory_space<vmem>> -> memref<800xi32, #tpu.memory_space<vmem>>
        %dma_start3A_162 = tpu.memref_slice %arg3[%dma_start3A_157, %multiple_of3A_156] : memref<2x320000xi32, #tpu.memory_space<hbm>> -> memref<1x800xi32, #tpu.memory_space<hbm>>
        %dma_start3A_163 = tpu.memref_squeeze %dma_start3A_162 : memref<1x800xi32, #tpu.memory_space<hbm>> -> memref<800xi32, #tpu.memory_space<hbm>>
        %dma_start3A_164 = arith.constant 0 : i32
        %dma_start3A_165 = tpu.memref_slice %arg11[%dma_start3A_158, %dma_start3A_164] : memref<2x800xi32, #tpu.memory_space<vmem>> -> memref<1x800xi32, #tpu.memory_space<vmem>>
        %dma_start3A_166 = tpu.memref_squeeze %dma_start3A_165 : memref<1x800xi32, #tpu.memory_space<vmem>> -> memref<800xi32, #tpu.memory_space<vmem>>
        %dma_start3A_167 = tpu.memref_slice %arg3[%dma_start3A_157, %multiple_of3A_156] : memref<2x320000xi32, #tpu.memory_space<hbm>> -> memref<1x800xi32, #tpu.memory_space<hbm>>
        %dma_start3A_168 = tpu.memref_squeeze %dma_start3A_167 : memref<1x800xi32, #tpu.memory_space<hbm>> -> memref<800xi32, #tpu.memory_space<hbm>>
        tpu.enqueue_dma source(%dma_start3A_168 : memref<800xi32, #tpu.memory_space<hbm>>) target(%dma_start3A_166 : memref<800xi32, #tpu.memory_space<vmem>>) target_semaphore(%arg15 : memref<!tpu.dma_semaphore, #tpu.memory_space<semaphore_mem>>)
        %dma_start3A_169 = arith.constant 1 : i32
        %dma_start3A_170 = arith.constant 1 : i32
        %dma_start3A_171 = arith.constant 0 : i32
        %dma_start3A_172 = tpu.memref_slice %arg12[%dma_start3A_170, %dma_start3A_171] : memref<2x800xi32, #tpu.memory_space<vmem>> -> memref<1x800xi32, #tpu.memory_space<vmem>>
        %dma_start3A_173 = tpu.memref_squeeze %dma_start3A_172 : memref<1x800xi32, #tpu.memory_space<vmem>> -> memref<800xi32, #tpu.memory_space<vmem>>
        %dma_start3A_174 = tpu.memref_slice %arg3[%dma_start3A_169, %multiple_of3A_156] : memref<2x320000xi32, #tpu.memory_space<hbm>> -> memref<1x800xi32, #tpu.memory_space<hbm>>
        %dma_start3A_175 = tpu.memref_squeeze %dma_start3A_174 : memref<1x800xi32, #tpu.memory_space<hbm>> -> memref<800xi32, #tpu.memory_space<hbm>>
        %dma_start3A_176 = arith.constant 0 : i32
        %dma_start3A_177 = tpu.memref_slice %arg12[%dma_start3A_170, %dma_start3A_176] : memref<2x800xi32, #tpu.memory_space<vmem>> -> memref<1x800xi32, #tpu.memory_space<vmem>>
        %dma_start3A_178 = tpu.memref_squeeze %dma_start3A_177 : memref<1x800xi32, #tpu.memory_space<vmem>> -> memref<800xi32, #tpu.memory_space<vmem>>
        %dma_start3A_179 = tpu.memref_slice %arg3[%dma_start3A_169, %multiple_of3A_156] : memref<2x320000xi32, #tpu.memory_space<hbm>> -> memref<1x800xi32, #tpu.memory_space<hbm>>
        %dma_start3A_180 = tpu.memref_squeeze %dma_start3A_179 : memref<1x800xi32, #tpu.memory_space<hbm>> -> memref<800xi32, #tpu.memory_space<hbm>>
        tpu.enqueue_dma source(%dma_start3A_180 : memref<800xi32, #tpu.memory_space<hbm>>) target(%dma_start3A_178 : memref<800xi32, #tpu.memory_space<vmem>>) target_semaphore(%arg15 : memref<!tpu.dma_semaphore, #tpu.memory_space<semaphore_mem>>)
        %dma_start3A_181 = arith.constant 1 : i32
        %dma_start3A_182 = arith.constant 0 : i32
        %dma_start3A_183 = tpu.memref_slice %arg13[%dma_start3A_181, %dma_start3A_182] : memref<2x800xf32, #tpu.memory_space<vmem>> -> memref<1x800xf32, #tpu.memory_space<vmem>>
        %dma_start3A_184 = tpu.memref_squeeze %dma_start3A_183 : memref<1x800xf32, #tpu.memory_space<vmem>> -> memref<800xf32, #tpu.memory_space<vmem>>
        %dma_start3A_185 = tpu.memref_slice %arg4[%multiple_of3A_156] : memref<320000xf32, #tpu.memory_space<hbm>> -> memref<800xf32, #tpu.memory_space<hbm>>
        %dma_start3A_186 = arith.constant 0 : i32
        %dma_start3A_187 = tpu.memref_slice %arg13[%dma_start3A_181, %dma_start3A_186] : memref<2x800xf32, #tpu.memory_space<vmem>> -> memref<1x800xf32, #tpu.memory_space<vmem>>
        %dma_start3A_188 = tpu.memref_squeeze %dma_start3A_187 : memref<1x800xf32, #tpu.memory_space<vmem>> -> memref<800xf32, #tpu.memory_space<vmem>>
        %dma_start3A_189 = tpu.memref_slice %arg4[%multiple_of3A_156] : memref<320000xf32, #tpu.memory_space<hbm>> -> memref<800xf32, #tpu.memory_space<hbm>>
        tpu.enqueue_dma source(%dma_start3A_189 : memref<800xf32, #tpu.memory_space<hbm>>) target(%dma_start3A_188 : memref<800xf32, #tpu.memory_space<vmem>>) target_semaphore(%arg15 : memref<!tpu.dma_semaphore, #tpu.memory_space<semaphore_mem>>)
        %parallel_loop3A_190 = arith.constant 0 : i32
        %parallel_loop3A_191 = arith.constant 50 : i32
        %parallel_loop3A_192 = arith.constant 1 : i32
        %parallel_loop3A_193 = arith.constant 0 : i32
        %parallel_loop3A_194 = arith.constant 0 : i32
        %parallel_loop3A_195 = arith.constant 0 : i32
        scf.for %parallel_loop3A_248 = %parallel_loop3A_190 to %parallel_loop3A_191 step %parallel_loop3A_192  : i32 {
          %parallel_loop3A_249 = arith.constant 16 : i32
          %parallel_loop3A_250 = arith.muli %parallel_loop3A_248, %parallel_loop3A_249 : i32
          %parallel_loop3A_251 = arith.constant 0 : i32
          %parallel_loop3A_252 = tpu.memref_slice %arg11[%parallel_loop3A_193, %parallel_loop3A_251] : memref<2x800xi32, #tpu.memory_space<vmem>> -> memref<1x800xi32, #tpu.memory_space<vmem>>
          %parallel_loop3A_253 = tpu.memref_squeeze %parallel_loop3A_252 : memref<1x800xi32, #tpu.memory_space<vmem>> -> memref<800xi32, #tpu.memory_space<vmem>>
          %parallel_loop3A_254 = arith.index_cast %parallel_loop3A_250 : i32 to index
          %parallel_loop3A_255 = tpu.vector_load %parallel_loop3A_253[%parallel_loop3A_254] {strides = array<i32>} : memref<800xi32, #tpu.memory_space<vmem>>, vector<16xi32>,
          %parallel_loop3A_256 = arith.constant 0 : i32
          %parallel_loop3A_257 = tpu.memref_slice %arg12[%parallel_loop3A_194, %parallel_loop3A_256] : memref<2x800xi32, #tpu.memory_space<vmem>> -> memref<1x800xi32, #tpu.memory_space<vmem>>
          %parallel_loop3A_258 = tpu.memref_squeeze %parallel_loop3A_257 : memref<1x800xi32, #tpu.memory_space<vmem>> -> memref<800xi32, #tpu.memory_space<vmem>>
          %parallel_loop3A_259 = arith.index_cast %parallel_loop3A_250 : i32 to index
          %parallel_loop3A_260 = tpu.vector_load %parallel_loop3A_258[%parallel_loop3A_259] {strides = array<i32>} : memref<800xi32, #tpu.memory_space<vmem>>, vector<16xi32>,
          %parallel_loop3A_261 = arith.constant 0 : i32
          %parallel_loop3A_262 = tpu.memref_slice %arg13[%parallel_loop3A_195, %parallel_loop3A_261] : memref<2x800xf32, #tpu.memory_space<vmem>> -> memref<1x800xf32, #tpu.memory_space<vmem>>
          %parallel_loop3A_263 = tpu.memref_squeeze %parallel_loop3A_262 : memref<1x800xf32, #tpu.memory_space<vmem>> -> memref<800xf32, #tpu.memory_space<vmem>>
          %parallel_loop3A_264 = arith.index_cast %parallel_loop3A_250 : i32 to index
          %parallel_loop3A_265 = tpu.vector_load %parallel_loop3A_263[%parallel_loop3A_264] {strides = array<i32>} : memref<800xf32, #tpu.memory_space<vmem>>, vector<16xf32>,
          %parallel_loop3A_266 = arith.constant 0 : i32
          %parallel_loop3A_267 = arith.constant 0 : i32
          %parallel_loop3A_268 = tpu.memref_slice %arg6[%parallel_loop3A_266, %parallel_loop3A_267] : memref<4x10240xf32, #tpu.memory_space<vmem>> -> memref<1x10240xf32, #tpu.memory_space<vmem>>
          %parallel_loop3A_269 = tpu.memref_squeeze %parallel_loop3A_268 : memref<1x10240xf32, #tpu.memory_space<vmem>> -> memref<10240xf32, #tpu.memory_space<vmem>>
          %parallel_loop3A_270 = tpu.vector_load_idx %parallel_loop3A_269[%parallel_loop3A_255] : memref<10240xf32, #tpu.memory_space<vmem>>[vector<16xi32>], vector<16xf32>,
          %parallel_loop3A_271 = arith.mulf %parallel_loop3A_270, %parallel_loop3A_265 : vector<16xf32>
          tpu.vector_store_idx %arg7[%parallel_loop3A_260], %parallel_loop3A_271 {add = true} : memref<10240xf32, #tpu.memory_space<vmem>>[vector<16xi32>], vector<16xf32>,
          %parallel_loop3A_272 = arith.constant 1 : i32
          %parallel_loop3A_273 = arith.constant 0 : i32
          %parallel_loop3A_274 = tpu.memref_slice %arg6[%parallel_loop3A_272, %parallel_loop3A_273] : memref<4x10240xf32, #tpu.memory_space<vmem>> -> memref<1x10240xf32, #tpu.memory_space<vmem>>
          %parallel_loop3A_275 = tpu.memref_squeeze %parallel_loop3A_274 : memref<1x10240xf32, #tpu.memory_space<vmem>> -> memref<10240xf32, #tpu.memory_space<vmem>>
          %parallel_loop3A_276 = tpu.vector_load_idx %parallel_loop3A_275[%parallel_loop3A_255] : memref<10240xf32, #tpu.memory_space<vmem>>[vector<16xi32>], vector<16xf32>,
          %parallel_loop3A_277 = arith.mulf %parallel_loop3A_276, %parallel_loop3A_265 : vector<16xf32>
          tpu.vector_store_idx %arg8[%parallel_loop3A_260], %parallel_loop3A_277 {add = true} : memref<10240xf32, #tpu.memory_space<vmem>>[vector<16xi32>], vector<16xf32>,
          %parallel_loop3A_278 = arith.constant 2 : i32
          %parallel_loop3A_279 = arith.constant 0 : i32
          %parallel_loop3A_280 = tpu.memref_slice %arg6[%parallel_loop3A_278, %parallel_loop3A_279] : memref<4x10240xf32, #tpu.memory_space<vmem>> -> memref<1x10240xf32, #tpu.memory_space<vmem>>
          %parallel_loop3A_281 = tpu.memref_squeeze %parallel_loop3A_280 : memref<1x10240xf32, #tpu.memory_space<vmem>> -> memref<10240xf32, #tpu.memory_space<vmem>>
          %parallel_loop3A_282 = tpu.vector_load_idx %parallel_loop3A_281[%parallel_loop3A_255] : memref<10240xf32, #tpu.memory_space<vmem>>[vector<16xi32>], vector<16xf32>,
          %parallel_loop3A_283 = arith.mulf %parallel_loop3A_282, %parallel_loop3A_265 : vector<16xf32>
          tpu.vector_store_idx %arg9[%parallel_loop3A_260], %parallel_loop3A_283 {add = true} : memref<10240xf32, #tpu.memory_space<vmem>>[vector<16xi32>], vector<16xf32>,
          %parallel_loop3A_284 = arith.constant 3 : i32
          %parallel_loop3A_285 = arith.constant 0 : i32
          %parallel_loop3A_286 = tpu.memref_slice %arg6[%parallel_loop3A_284, %parallel_loop3A_285] : memref<4x10240xf32, #tpu.memory_space<vmem>> -> memref<1x10240xf32, #tpu.memory_space<vmem>>
          %parallel_loop3A_287 = tpu.memref_squeeze %parallel_loop3A_286 : memref<1x10240xf32, #tpu.memory_space<vmem>> -> memref<10240xf32, #tpu.memory_space<vmem>>
          %parallel_loop3A_288 = tpu.vector_load_idx %parallel_loop3A_287[%parallel_loop3A_255] : memref<10240xf32, #tpu.memory_space<vmem>>[vector<16xi32>], vector<16xf32>,
          %parallel_loop3A_289 = arith.mulf %parallel_loop3A_288, %parallel_loop3A_265 : vector<16xf32>
          tpu.vector_store_idx %arg10[%parallel_loop3A_260], %parallel_loop3A_289 {add = true} : memref<10240xf32, #tpu.memory_space<vmem>>[vector<16xi32>], vector<16xf32>,
        } {sc.loop_unroll_factor = 10 : i64, sc.parallel_access}
        %dma_wait3A_196 = arith.constant 0 : i32
        %dma_wait3A_197 = arith.constant 1 : i32
        %dma_wait3A_198 = arith.constant 0 : i32
        %dma_wait3A_199 = tpu.memref_slice %arg11[%dma_wait3A_197, %dma_wait3A_198] : memref<2x800xi32, #tpu.memory_space<vmem>> -> memref<1x800xi32, #tpu.memory_space<vmem>>
        %dma_wait3A_200 = tpu.memref_squeeze %dma_wait3A_199 : memref<1x800xi32, #tpu.memory_space<vmem>> -> memref<800xi32, #tpu.memory_space<vmem>>
        %dma_wait3A_201 = arith.constant 0 : i32
        %dma_wait3A_202 = tpu.memref_slice %arg3[%dma_wait3A_196, %dma_wait3A_201] : memref<2x320000xi32, #tpu.memory_space<hbm>> -> memref<1x800xi32, #tpu.memory_space<hbm>>
        %dma_wait3A_203 = tpu.memref_squeeze %dma_wait3A_202 : memref<1x800xi32, #tpu.memory_space<hbm>> -> memref<800xi32, #tpu.memory_space<hbm>>
        %dma_wait3A_204 = arith.constant 0 : i32
        %dma_wait3A_205 = tpu.memref_slice %arg11[%dma_wait3A_197, %dma_wait3A_204] : memref<2x800xi32, #tpu.memory_space<vmem>> -> memref<1x800xi32, #tpu.memory_space<vmem>>
        %dma_wait3A_206 = tpu.memref_squeeze %dma_wait3A_205 : memref<1x800xi32, #tpu.memory_space<vmem>> -> memref<800xi32, #tpu.memory_space<vmem>>
        %dma_wait3A_207 = arith.constant 0 : i32
        %dma_wait3A_208 = tpu.memref_slice %arg3[%dma_wait3A_196, %dma_wait3A_207] : memref<2x320000xi32, #tpu.memory_space<hbm>> -> memref<1x800xi32, #tpu.memory_space<hbm>>
        %dma_wait3A_209 = tpu.memref_squeeze %dma_wait3A_208 : memref<1x800xi32, #tpu.memory_space<hbm>> -> memref<800xi32, #tpu.memory_space<hbm>>
        tpu.wait_dma2 semaphore(%arg15 : memref<!tpu.dma_semaphore, #tpu.memory_space<semaphore_mem>>) src(%dma_wait3A_209 : memref<800xi32, #tpu.memory_space<hbm>>) dst(%dma_wait3A_206 : memref<800xi32, #tpu.memory_space<vmem>>)
        %dma_wait3A_210 = arith.constant 1 : i32
        %dma_wait3A_211 = arith.constant 1 : i32
        %dma_wait3A_212 = arith.constant 0 : i32
        %dma_wait3A_213 = tpu.memref_slice %arg12[%dma_wait3A_211, %dma_wait3A_212] : memref<2x800xi32, #tpu.memory_space<vmem>> -> memref<1x800xi32, #tpu.memory_space<vmem>>
        %dma_wait3A_214 = tpu.memref_squeeze %dma_wait3A_213 : memref<1x800xi32, #tpu.memory_space<vmem>> -> memref<800xi32, #tpu.memory_space<vmem>>
        %dma_wait3A_215 = arith.constant 0 : i32
        %dma_wait3A_216 = tpu.memref_slice %arg3[%dma_wait3A_210, %dma_wait3A_215] : memref<2x320000xi32, #tpu.memory_space<hbm>> -> memref<1x800xi32, #tpu.memory_space<hbm>>
        %dma_wait3A_217 = tpu.memref_squeeze %dma_wait3A_216 : memref<1x800xi32, #tpu.memory_space<hbm>> -> memref<800xi32, #tpu.memory_space<hbm>>
        %dma_wait3A_218 = arith.constant 0 : i32
        %dma_wait3A_219 = tpu.memref_slice %arg12[%dma_wait3A_211, %dma_wait3A_218] : memref<2x800xi32, #tpu.memory_space<vmem>> -> memref<1x800xi32, #tpu.memory_space<vmem>>
        %dma_wait3A_220 = tpu.memref_squeeze %dma_wait3A_219 : memref<1x800xi32, #tpu.memory_space<vmem>> -> memref<800xi32, #tpu.memory_space<vmem>>
        %dma_wait3A_221 = arith.constant 0 : i32
        %dma_wait3A_222 = tpu.memref_slice %arg3[%dma_wait3A_210, %dma_wait3A_221] : memref<2x320000xi32, #tpu.memory_space<hbm>> -> memref<1x800xi32, #tpu.memory_space<hbm>>
        %dma_wait3A_223 = tpu.memref_squeeze %dma_wait3A_222 : memref<1x800xi32, #tpu.memory_space<hbm>> -> memref<800xi32, #tpu.memory_space<hbm>>
        tpu.wait_dma2 semaphore(%arg15 : memref<!tpu.dma_semaphore, #tpu.memory_space<semaphore_mem>>) src(%dma_wait3A_223 : memref<800xi32, #tpu.memory_space<hbm>>) dst(%dma_wait3A_220 : memref<800xi32, #tpu.memory_space<vmem>>)
        %dma_wait3A_224 = arith.constant 1 : i32
        %dma_wait3A_225 = arith.constant 0 : i32
        %dma_wait3A_226 = tpu.memref_slice %arg13[%dma_wait3A_224, %dma_wait3A_225] : memref<2x800xf32, #tpu.memory_space<vmem>> -> memref<1x800xf32, #tpu.memory_space<vmem>>
        %dma_wait3A_227 = tpu.memref_squeeze %dma_wait3A_226 : memref<1x800xf32, #tpu.memory_space<vmem>> -> memref<800xf32, #tpu.memory_space<vmem>>
        %dma_wait3A_228 = arith.constant 0 : i32
        %dma_wait3A_229 = tpu.memref_slice %arg4[%dma_wait3A_228] : memref<320000xf32, #tpu.memory_space<hbm>> -> memref<800xf32, #tpu.memory_space<hbm>>
        %dma_wait3A_230 = arith.constant 0 : i32
        %dma_wait3A_231 = tpu.memref_slice %arg13[%dma_wait3A_224, %dma_wait3A_230] : memref<2x800xf32, #tpu.memory_space<vmem>> -> memref<1x800xf32, #tpu.memory_space<vmem>>
        %dma_wait3A_232 = tpu.memref_squeeze %dma_wait3A_231 : memref<1x800xf32, #tpu.memory_space<vmem>> -> memref<800xf32, #tpu.memory_space<vmem>>
        %dma_wait3A_233 = arith.constant 0 : i32
        %dma_wait3A_234 = tpu.memref_slice %arg4[%dma_wait3A_233] : memref<320000xf32, #tpu.memory_space<hbm>> -> memref<800xf32, #tpu.memory_space<hbm>>
        tpu.wait_dma2 semaphore(%arg15 : memref<!tpu.dma_semaphore, #tpu.memory_space<semaphore_mem>>) src(%dma_wait3A_234 : memref<800xf32, #tpu.memory_space<hbm>>) dst(%dma_wait3A_232 : memref<800xf32, #tpu.memory_space<vmem>>)
        %add3A_235 = arith.constant 2 : i32
        %add3A_236 = arith.addi %mul3A_111, %add3A_235 : i32
        %lt3A_237 = arith.constant 50 : i32
        %lt3A_238 = arith.cmpi slt, %add3A_236, %lt3A_237 : i32
        %convert_element_type3A_239 = arith.extui %lt3A_238 : i1 to i32
        %cond3A_240 = arith.constant 0 : i32
        %cond3A_241 = arith.cmpi ne, %convert_element_type3A_239, %cond3A_240 : i32
        scf.if %cond3A_241 {
          %add3A_248 = arith.constant 2 : i32
          %add3A_249 = arith.addi %mul3A_111, %add3A_248 : i32
          %mul3A_250 = arith.constant 800 : i32
          %mul3A_251 = arith.muli %add3A_249, %mul3A_250 : i32
          %add3A_252 = arith.addi %select_n3A_49, %mul3A_251 : i32
          %multiple_of3A_253 = tpu.assume_multiple %add3A_252, 8 : i32
          %dma_start3A_254 = arith.constant 0 : i32
          %dma_start3A_255 = arith.constant 0 : i32
          %dma_start3A_256 = arith.constant 0 : i32
          %dma_start3A_257 = tpu.memref_slice %arg11[%dma_start3A_255, %dma_start3A_256] : memref<2x800xi32, #tpu.memory_space<vmem>> -> memref<1x800xi32, #tpu.memory_space<vmem>>
          %dma_start3A_258 = tpu.memref_squeeze %dma_start3A_257 : memref<1x800xi32, #tpu.memory_space<vmem>> -> memref<800xi32, #tpu.memory_space<vmem>>
          %dma_start3A_259 = tpu.memref_slice %arg3[%dma_start3A_254, %multiple_of3A_253] : memref<2x320000xi32, #tpu.memory_space<hbm>> -> memref<1x800xi32, #tpu.memory_space<hbm>>
          %dma_start3A_260 = tpu.memref_squeeze %dma_start3A_259 : memref<1x800xi32, #tpu.memory_space<hbm>> -> memref<800xi32, #tpu.memory_space<hbm>>
          %dma_start3A_261 = arith.constant 0 : i32
          %dma_start3A_262 = tpu.memref_slice %arg11[%dma_start3A_255, %dma_start3A_261] : memref<2x800xi32, #tpu.memory_space<vmem>> -> memref<1x800xi32, #tpu.memory_space<vmem>>
          %dma_start3A_263 = tpu.memref_squeeze %dma_start3A_262 : memref<1x800xi32, #tpu.memory_space<vmem>> -> memref<800xi32, #tpu.memory_space<vmem>>
          %dma_start3A_264 = tpu.memref_slice %arg3[%dma_start3A_254, %multiple_of3A_253] : memref<2x320000xi32, #tpu.memory_space<hbm>> -> memref<1x800xi32, #tpu.memory_space<hbm>>
          %dma_start3A_265 = tpu.memref_squeeze %dma_start3A_264 : memref<1x800xi32, #tpu.memory_space<hbm>> -> memref<800xi32, #tpu.memory_space<hbm>>
          tpu.enqueue_dma source(%dma_start3A_265 : memref<800xi32, #tpu.memory_space<hbm>>) target(%dma_start3A_263 : memref<800xi32, #tpu.memory_space<vmem>>) target_semaphore(%arg14 : memref<!tpu.dma_semaphore, #tpu.memory_space<semaphore_mem>>)
          %dma_start3A_266 = arith.constant 1 : i32
          %dma_start3A_267 = arith.constant 0 : i32
          %dma_start3A_268 = arith.constant 0 : i32
          %dma_start3A_269 = tpu.memref_slice %arg12[%dma_start3A_267, %dma_start3A_268] : memref<2x800xi32, #tpu.memory_space<vmem>> -> memref<1x800xi32, #tpu.memory_space<vmem>>
          %dma_start3A_270 = tpu.memref_squeeze %dma_start3A_269 : memref<1x800xi32, #tpu.memory_space<vmem>> -> memref<800xi32, #tpu.memory_space<vmem>>
          %dma_start3A_271 = tpu.memref_slice %arg3[%dma_start3A_266, %multiple_of3A_253] : memref<2x320000xi32, #tpu.memory_space<hbm>> -> memref<1x800xi32, #tpu.memory_space<hbm>>
          %dma_start3A_272 = tpu.memref_squeeze %dma_start3A_271 : memref<1x800xi32, #tpu.memory_space<hbm>> -> memref<800xi32, #tpu.memory_space<hbm>>
          %dma_start3A_273 = arith.constant 0 : i32
          %dma_start3A_274 = tpu.memref_slice %arg12[%dma_start3A_267, %dma_start3A_273] : memref<2x800xi32, #tpu.memory_space<vmem>> -> memref<1x800xi32, #tpu.memory_space<vmem>>
          %dma_start3A_275 = tpu.memref_squeeze %dma_start3A_274 : memref<1x800xi32, #tpu.memory_space<vmem>> -> memref<800xi32, #tpu.memory_space<vmem>>
          %dma_start3A_276 = tpu.memref_slice %arg3[%dma_start3A_266, %multiple_of3A_253] : memref<2x320000xi32, #tpu.memory_space<hbm>> -> memref<1x800xi32, #tpu.memory_space<hbm>>
          %dma_start3A_277 = tpu.memref_squeeze %dma_start3A_276 : memref<1x800xi32, #tpu.memory_space<hbm>> -> memref<800xi32, #tpu.memory_space<hbm>>
          tpu.enqueue_dma source(%dma_start3A_277 : memref<800xi32, #tpu.memory_space<hbm>>) target(%dma_start3A_275 : memref<800xi32, #tpu.memory_space<vmem>>) target_semaphore(%arg14 : memref<!tpu.dma_semaphore, #tpu.memory_space<semaphore_mem>>)
          %dma_start3A_278 = arith.constant 0 : i32
          %dma_start3A_279 = arith.constant 0 : i32
          %dma_start3A_280 = tpu.memref_slice %arg13[%dma_start3A_278, %dma_start3A_279] : memref<2x800xf32, #tpu.memory_space<vmem>> -> memref<1x800xf32, #tpu.memory_space<vmem>>
          %dma_start3A_281 = tpu.memref_squeeze %dma_start3A_280 : memref<1x800xf32, #tpu.memory_space<vmem>> -> memref<800xf32, #tpu.memory_space<vmem>>
          %dma_start3A_282 = tpu.memref_slice %arg4[%multiple_of3A_253] : memref<320000xf32, #tpu.memory_space<hbm>> -> memref<800xf32, #tpu.memory_space<hbm>>
          %dma_start3A_283 = arith.constant 0 : i32
          %dma_start3A_284 = tpu.memref_slice %arg13[%dma_start3A_278, %dma_start3A_283] : memref<2x800xf32, #tpu.memory_space<vmem>> -> memref<1x800xf32, #tpu.memory_space<vmem>>
          %dma_start3A_285 = tpu.memref_squeeze %dma_start3A_284 : memref<1x800xf32, #tpu.memory_space<vmem>> -> memref<800xf32, #tpu.memory_space<vmem>>
          %dma_start3A_286 = tpu.memref_slice %arg4[%multiple_of3A_253] : memref<320000xf32, #tpu.memory_space<hbm>> -> memref<800xf32, #tpu.memory_space<hbm>>
          tpu.enqueue_dma source(%dma_start3A_286 : memref<800xf32, #tpu.memory_space<hbm>>) target(%dma_start3A_285 : memref<800xf32, #tpu.memory_space<vmem>>) target_semaphore(%arg14 : memref<!tpu.dma_semaphore, #tpu.memory_space<semaphore_mem>>)
        } else {
        }
        %parallel_loop3A_242 = arith.constant 0 : i32
        %parallel_loop3A_243 = arith.constant 50 : i32
        %parallel_loop3A_244 = arith.constant 1 : i32
        %parallel_loop3A_245 = arith.constant 1 : i32
        %parallel_loop3A_246 = arith.constant 1 : i32
        %parallel_loop3A_247 = arith.constant 1 : i32
        scf.for %parallel_loop3A_248 = %parallel_loop3A_242 to %parallel_loop3A_243 step %parallel_loop3A_244  : i32 {
          %parallel_loop3A_249 = arith.constant 16 : i32
          %parallel_loop3A_250 = arith.muli %parallel_loop3A_248, %parallel_loop3A_249 : i32
          %parallel_loop3A_251 = arith.constant 0 : i32
          %parallel_loop3A_252 = tpu.memref_slice %arg11[%parallel_loop3A_245, %parallel_loop3A_251] : memref<2x800xi32, #tpu.memory_space<vmem>> -> memref<1x800xi32, #tpu.memory_space<vmem>>
          %parallel_loop3A_253 = tpu.memref_squeeze %parallel_loop3A_252 : memref<1x800xi32, #tpu.memory_space<vmem>> -> memref<800xi32, #tpu.memory_space<vmem>>
          %parallel_loop3A_254 = arith.index_cast %parallel_loop3A_250 : i32 to index
          %parallel_loop3A_255 = tpu.vector_load %parallel_loop3A_253[%parallel_loop3A_254] {strides = array<i32>} : memref<800xi32, #tpu.memory_space<vmem>>, vector<16xi32>,
          %parallel_loop3A_256 = arith.constant 0 : i32
          %parallel_loop3A_257 = tpu.memref_slice %arg12[%parallel_loop3A_246, %parallel_loop3A_256] : memref<2x800xi32, #tpu.memory_space<vmem>> -> memref<1x800xi32, #tpu.memory_space<vmem>>
          %parallel_loop3A_258 = tpu.memref_squeeze %parallel_loop3A_257 : memref<1x800xi32, #tpu.memory_space<vmem>> -> memref<800xi32, #tpu.memory_space<vmem>>
          %parallel_loop3A_259 = arith.index_cast %parallel_loop3A_250 : i32 to index
          %parallel_loop3A_260 = tpu.vector_load %parallel_loop3A_258[%parallel_loop3A_259] {strides = array<i32>} : memref<800xi32, #tpu.memory_space<vmem>>, vector<16xi32>,
          %parallel_loop3A_261 = arith.constant 0 : i32
          %parallel_loop3A_262 = tpu.memref_slice %arg13[%parallel_loop3A_247, %parallel_loop3A_261] : memref<2x800xf32, #tpu.memory_space<vmem>> -> memref<1x800xf32, #tpu.memory_space<vmem>>
          %parallel_loop3A_263 = tpu.memref_squeeze %parallel_loop3A_262 : memref<1x800xf32, #tpu.memory_space<vmem>> -> memref<800xf32, #tpu.memory_space<vmem>>
          %parallel_loop3A_264 = arith.index_cast %parallel_loop3A_250 : i32 to index
          %parallel_loop3A_265 = tpu.vector_load %parallel_loop3A_263[%parallel_loop3A_264] {strides = array<i32>} : memref<800xf32, #tpu.memory_space<vmem>>, vector<16xf32>,
          %parallel_loop3A_266 = arith.constant 0 : i32
          %parallel_loop3A_267 = arith.constant 0 : i32
          %parallel_loop3A_268 = tpu.memref_slice %arg6[%parallel_loop3A_266, %parallel_loop3A_267] : memref<4x10240xf32, #tpu.memory_space<vmem>> -> memref<1x10240xf32, #tpu.memory_space<vmem>>
          %parallel_loop3A_269 = tpu.memref_squeeze %parallel_loop3A_268 : memref<1x10240xf32, #tpu.memory_space<vmem>> -> memref<10240xf32, #tpu.memory_space<vmem>>
          %parallel_loop3A_270 = tpu.vector_load_idx %parallel_loop3A_269[%parallel_loop3A_255] : memref<10240xf32, #tpu.memory_space<vmem>>[vector<16xi32>], vector<16xf32>,
          %parallel_loop3A_271 = arith.mulf %parallel_loop3A_270, %parallel_loop3A_265 : vector<16xf32>
          tpu.vector_store_idx %arg7[%parallel_loop3A_260], %parallel_loop3A_271 {add = true} : memref<10240xf32, #tpu.memory_space<vmem>>[vector<16xi32>], vector<16xf32>,
          %parallel_loop3A_272 = arith.constant 1 : i32
          %parallel_loop3A_273 = arith.constant 0 : i32
          %parallel_loop3A_274 = tpu.memref_slice %arg6[%parallel_loop3A_272, %parallel_loop3A_273] : memref<4x10240xf32, #tpu.memory_space<vmem>> -> memref<1x10240xf32, #tpu.memory_space<vmem>>
          %parallel_loop3A_275 = tpu.memref_squeeze %parallel_loop3A_274 : memref<1x10240xf32, #tpu.memory_space<vmem>> -> memref<10240xf32, #tpu.memory_space<vmem>>
          %parallel_loop3A_276 = tpu.vector_load_idx %parallel_loop3A_275[%parallel_loop3A_255] : memref<10240xf32, #tpu.memory_space<vmem>>[vector<16xi32>], vector<16xf32>,
          %parallel_loop3A_277 = arith.mulf %parallel_loop3A_276, %parallel_loop3A_265 : vector<16xf32>
          tpu.vector_store_idx %arg8[%parallel_loop3A_260], %parallel_loop3A_277 {add = true} : memref<10240xf32, #tpu.memory_space<vmem>>[vector<16xi32>], vector<16xf32>,
          %parallel_loop3A_278 = arith.constant 2 : i32
          %parallel_loop3A_279 = arith.constant 0 : i32
          %parallel_loop3A_280 = tpu.memref_slice %arg6[%parallel_loop3A_278, %parallel_loop3A_279] : memref<4x10240xf32, #tpu.memory_space<vmem>> -> memref<1x10240xf32, #tpu.memory_space<vmem>>
          %parallel_loop3A_281 = tpu.memref_squeeze %parallel_loop3A_280 : memref<1x10240xf32, #tpu.memory_space<vmem>> -> memref<10240xf32, #tpu.memory_space<vmem>>
          %parallel_loop3A_282 = tpu.vector_load_idx %parallel_loop3A_281[%parallel_loop3A_255] : memref<10240xf32, #tpu.memory_space<vmem>>[vector<16xi32>], vector<16xf32>,
          %parallel_loop3A_283 = arith.mulf %parallel_loop3A_282, %parallel_loop3A_265 : vector<16xf32>
          tpu.vector_store_idx %arg9[%parallel_loop3A_260], %parallel_loop3A_283 {add = true} : memref<10240xf32, #tpu.memory_space<vmem>>[vector<16xi32>], vector<16xf32>,
          %parallel_loop3A_284 = arith.constant 3 : i32
          %parallel_loop3A_285 = arith.constant 0 : i32
          %parallel_loop3A_286 = tpu.memref_slice %arg6[%parallel_loop3A_284, %parallel_loop3A_285] : memref<4x10240xf32, #tpu.memory_space<vmem>> -> memref<1x10240xf32, #tpu.memory_space<vmem>>
          %parallel_loop3A_287 = tpu.memref_squeeze %parallel_loop3A_286 : memref<1x10240xf32, #tpu.memory_space<vmem>> -> memref<10240xf32, #tpu.memory_space<vmem>>
          %parallel_loop3A_288 = tpu.vector_load_idx %parallel_loop3A_287[%parallel_loop3A_255] : memref<10240xf32, #tpu.memory_space<vmem>>[vector<16xi32>], vector<16xf32>,
          %parallel_loop3A_289 = arith.mulf %parallel_loop3A_288, %parallel_loop3A_265 : vector<16xf32>
          tpu.vector_store_idx %arg10[%parallel_loop3A_260], %parallel_loop3A_289 {add = true} : memref<10240xf32, #tpu.memory_space<vmem>>[vector<16xi32>], vector<16xf32>,
        } {sc.loop_unroll_factor = 10 : i64, sc.parallel_access}
      }
      %scan3A_108 = arith.constant 25 : i32
    } else {
    }
    %add3A_96 = arith.constant 0 : i32
    %add3A_97 = arith.addi %mul3A_32, %add3A_96 : i32
    "tpu.region"() ({
      %run_scoped3A = tpu.sem_alloc : memref<!tpu.dma_semaphore, #tpu.memory_space<semaphore_mem>>
      %dma_start3A_104 = arith.constant 0 : i32
      %dma_start3A_105 = tpu.memref_slice %arg5[%select_n3A, %add3A_97, %dma_start3A_104] : memref<8x16x10240xf32, #tpu.memory_space<hbm>> -> memref<1x1x10240xf32, #tpu.memory_space<hbm>>
      %dma_start3A_106 = tpu.memref_squeeze %dma_start3A_105 : memref<1x1x10240xf32, #tpu.memory_space<hbm>> -> memref<10240xf32, #tpu.memory_space<hbm>>
      %dma_start3A_107 = arith.constant 0 : i32
      %dma_start3A_108 = tpu.memref_slice %arg5[%select_n3A, %add3A_97, %dma_start3A_107] : memref<8x16x10240xf32, #tpu.memory_space<hbm>> -> memref<1x1x10240xf32, #tpu.memory_space<hbm>>
      %dma_start3A_109 = tpu.memref_squeeze %dma_start3A_108 : memref<1x1x10240xf32, #tpu.memory_space<hbm>> -> memref<10240xf32, #tpu.memory_space<hbm>>
      tpu.enqueue_dma source(%arg7 : memref<10240xf32, #tpu.memory_space<vmem>>) target(%dma_start3A_109 : memref<10240xf32, #tpu.memory_space<hbm>>) target_semaphore(%run_scoped3A : memref<!tpu.dma_semaphore, #tpu.memory_space<semaphore_mem>>)
      %dma_wait3A_110 = arith.constant 0 : i32
      %dma_wait3A_111 = tpu.memref_slice %arg5[%select_n3A, %add3A_97, %dma_wait3A_110] : memref<8x16x10240xf32, #tpu.memory_space<hbm>> -> memref<1x1x10240xf32, #tpu.memory_space<hbm>>
      %dma_wait3A_112 = tpu.memref_squeeze %dma_wait3A_111 : memref<1x1x10240xf32, #tpu.memory_space<hbm>> -> memref<10240xf32, #tpu.memory_space<hbm>>
      %dma_wait3A_113 = arith.constant 0 : i32
      %dma_wait3A_114 = tpu.memref_slice %arg5[%select_n3A, %add3A_97, %dma_wait3A_113] : memref<8x16x10240xf32, #tpu.memory_space<hbm>> -> memref<1x1x10240xf32, #tpu.memory_space<hbm>>
      %dma_wait3A_115 = tpu.memref_squeeze %dma_wait3A_114 : memref<1x1x10240xf32, #tpu.memory_space<hbm>> -> memref<10240xf32, #tpu.memory_space<hbm>>
      tpu.wait_dma2 semaphore(%run_scoped3A : memref<!tpu.dma_semaphore, #tpu.memory_space<semaphore_mem>>) src(%arg7 : memref<10240xf32, #tpu.memory_space<vmem>>) dst(%dma_wait3A_115 : memref<10240xf32, #tpu.memory_space<hbm>>)
      tpu.yield
    }) : () -> ()
    %add3A_98 = arith.constant 1 : i32
    %add3A_99 = arith.addi %mul3A_32, %add3A_98 : i32
    "tpu.region"() ({
      %run_scoped3A = tpu.sem_alloc : memref<!tpu.dma_semaphore, #tpu.memory_space<semaphore_mem>>
      %dma_start3A_104 = arith.constant 0 : i32
      %dma_start3A_105 = tpu.memref_slice %arg5[%select_n3A, %add3A_99, %dma_start3A_104] : memref<8x16x10240xf32, #tpu.memory_space<hbm>> -> memref<1x1x10240xf32, #tpu.memory_space<hbm>>
      %dma_start3A_106 = tpu.memref_squeeze %dma_start3A_105 : memref<1x1x10240xf32, #tpu.memory_space<hbm>> -> memref<10240xf32, #tpu.memory_space<hbm>>
      %dma_start3A_107 = arith.constant 0 : i32
      %dma_start3A_108 = tpu.memref_slice %arg5[%select_n3A, %add3A_99, %dma_start3A_107] : memref<8x16x10240xf32, #tpu.memory_space<hbm>> -> memref<1x1x10240xf32, #tpu.memory_space<hbm>>
      %dma_start3A_109 = tpu.memref_squeeze %dma_start3A_108 : memref<1x1x10240xf32, #tpu.memory_space<hbm>> -> memref<10240xf32, #tpu.memory_space<hbm>>
      tpu.enqueue_dma source(%arg8 : memref<10240xf32, #tpu.memory_space<vmem>>) target(%dma_start3A_109 : memref<10240xf32, #tpu.memory_space<hbm>>) target_semaphore(%run_scoped3A : memref<!tpu.dma_semaphore, #tpu.memory_space<semaphore_mem>>)
      %dma_wait3A_110 = arith.constant 0 : i32
      %dma_wait3A_111 = tpu.memref_slice %arg5[%select_n3A, %add3A_99, %dma_wait3A_110] : memref<8x16x10240xf32, #tpu.memory_space<hbm>> -> memref<1x1x10240xf32, #tpu.memory_space<hbm>>
      %dma_wait3A_112 = tpu.memref_squeeze %dma_wait3A_111 : memref<1x1x10240xf32, #tpu.memory_space<hbm>> -> memref<10240xf32, #tpu.memory_space<hbm>>
      %dma_wait3A_113 = arith.constant 0 : i32
      %dma_wait3A_114 = tpu.memref_slice %arg5[%select_n3A, %add3A_99, %dma_wait3A_113] : memref<8x16x10240xf32, #tpu.memory_space<hbm>> -> memref<1x1x10240xf32, #tpu.memory_space<hbm>>
      %dma_wait3A_115 = tpu.memref_squeeze %dma_wait3A_114 : memref<1x1x10240xf32, #tpu.memory_space<hbm>> -> memref<10240xf32, #tpu.memory_space<hbm>>
      tpu.wait_dma2 semaphore(%run_scoped3A : memref<!tpu.dma_semaphore, #tpu.memory_space<semaphore_mem>>) src(%arg8 : memref<10240xf32, #tpu.memory_space<vmem>>) dst(%dma_wait3A_115 : memref<10240xf32, #tpu.memory_space<hbm>>)
      tpu.yield
    }) : () -> ()
    %add3A_100 = arith.constant 2 : i32
    %add3A_101 = arith.addi %mul3A_32, %add3A_100 : i32
    "tpu.region"() ({
      %run_scoped3A = tpu.sem_alloc : memref<!tpu.dma_semaphore, #tpu.memory_space<semaphore_mem>>
      %dma_start3A_104 = arith.constant 0 : i32
      %dma_start3A_105 = tpu.memref_slice %arg5[%select_n3A, %add3A_101, %dma_start3A_104] : memref<8x16x10240xf32, #tpu.memory_space<hbm>> -> memref<1x1x10240xf32, #tpu.memory_space<hbm>>
      %dma_start3A_106 = tpu.memref_squeeze %dma_start3A_105 : memref<1x1x10240xf32, #tpu.memory_space<hbm>> -> memref<10240xf32, #tpu.memory_space<hbm>>
      %dma_start3A_107 = arith.constant 0 : i32
      %dma_start3A_108 = tpu.memref_slice %arg5[%select_n3A, %add3A_101, %dma_start3A_107] : memref<8x16x10240xf32, #tpu.memory_space<hbm>> -> memref<1x1x10240xf32, #tpu.memory_space<hbm>>
      %dma_start3A_109 = tpu.memref_squeeze %dma_start3A_108 : memref<1x1x10240xf32, #tpu.memory_space<hbm>> -> memref<10240xf32, #tpu.memory_space<hbm>>
      tpu.enqueue_dma source(%arg9 : memref<10240xf32, #tpu.memory_space<vmem>>) target(%dma_start3A_109 : memref<10240xf32, #tpu.memory_space<hbm>>) target_semaphore(%run_scoped3A : memref<!tpu.dma_semaphore, #tpu.memory_space<semaphore_mem>>)
      %dma_wait3A_110 = arith.constant 0 : i32
      %dma_wait3A_111 = tpu.memref_slice %arg5[%select_n3A, %add3A_101, %dma_wait3A_110] : memref<8x16x10240xf32, #tpu.memory_space<hbm>> -> memref<1x1x10240xf32, #tpu.memory_space<hbm>>
      %dma_wait3A_112 = tpu.memref_squeeze %dma_wait3A_111 : memref<1x1x10240xf32, #tpu.memory_space<hbm>> -> memref<10240xf32, #tpu.memory_space<hbm>>
      %dma_wait3A_113 = arith.constant 0 : i32
      %dma_wait3A_114 = tpu.memref_slice %arg5[%select_n3A, %add3A_101, %dma_wait3A_113] : memref<8x16x10240xf32, #tpu.memory_space<hbm>> -> memref<1x1x10240xf32, #tpu.memory_space<hbm>>
      %dma_wait3A_115 = tpu.memref_squeeze %dma_wait3A_114 : memref<1x1x10240xf32, #tpu.memory_space<hbm>> -> memref<10240xf32, #tpu.memory_space<hbm>>
      tpu.wait_dma2 semaphore(%run_scoped3A : memref<!tpu.dma_semaphore, #tpu.memory_space<semaphore_mem>>) src(%arg9 : memref<10240xf32, #tpu.memory_space<vmem>>) dst(%dma_wait3A_115 : memref<10240xf32, #tpu.memory_space<hbm>>)
      tpu.yield
    }) : () -> ()
    %add3A_102 = arith.constant 3 : i32
    %add3A_103 = arith.addi %mul3A_32, %add3A_102 : i32
    "tpu.region"() ({
      %run_scoped3A = tpu.sem_alloc : memref<!tpu.dma_semaphore, #tpu.memory_space<semaphore_mem>>
      %dma_start3A_104 = arith.constant 0 : i32
      %dma_start3A_105 = tpu.memref_slice %arg5[%select_n3A, %add3A_103, %dma_start3A_104] : memref<8x16x10240xf32, #tpu.memory_space<hbm>> -> memref<1x1x10240xf32, #tpu.memory_space<hbm>>
      %dma_start3A_106 = tpu.memref_squeeze %dma_start3A_105 : memref<1x1x10240xf32, #tpu.memory_space<hbm>> -> memref<10240xf32, #tpu.memory_space<hbm>>
      %dma_start3A_107 = arith.constant 0 : i32
      %dma_start3A_108 = tpu.memref_slice %arg5[%select_n3A, %add3A_103, %dma_start3A_107] : memref<8x16x10240xf32, #tpu.memory_space<hbm>> -> memref<1x1x10240xf32, #tpu.memory_space<hbm>>
      %dma_start3A_109 = tpu.memref_squeeze %dma_start3A_108 : memref<1x1x10240xf32, #tpu.memory_space<hbm>> -> memref<10240xf32, #tpu.memory_space<hbm>>
      tpu.enqueue_dma source(%arg10 : memref<10240xf32, #tpu.memory_space<vmem>>) target(%dma_start3A_109 : memref<10240xf32, #tpu.memory_space<hbm>>) target_semaphore(%run_scoped3A : memref<!tpu.dma_semaphore, #tpu.memory_space<semaphore_mem>>)
      %dma_wait3A_110 = arith.constant 0 : i32
      %dma_wait3A_111 = tpu.memref_slice %arg5[%select_n3A, %add3A_103, %dma_wait3A_110] : memref<8x16x10240xf32, #tpu.memory_space<hbm>> -> memref<1x1x10240xf32, #tpu.memory_space<hbm>>
      %dma_wait3A_112 = tpu.memref_squeeze %dma_wait3A_111 : memref<1x1x10240xf32, #tpu.memory_space<hbm>> -> memref<10240xf32, #tpu.memory_space<hbm>>
      %dma_wait3A_113 = arith.constant 0 : i32
      %dma_wait3A_114 = tpu.memref_slice %arg5[%select_n3A, %add3A_103, %dma_wait3A_113] : memref<8x16x10240xf32, #tpu.memory_space<hbm>> -> memref<1x1x10240xf32, #tpu.memory_space<hbm>>
      %dma_wait3A_115 = tpu.memref_squeeze %dma_wait3A_114 : memref<1x1x10240xf32, #tpu.memory_space<hbm>> -> memref<10240xf32, #tpu.memory_space<hbm>>
      tpu.wait_dma2 semaphore(%run_scoped3A : memref<!tpu.dma_semaphore, #tpu.memory_space<semaphore_mem>>) src(%arg10 : memref<10240xf32, #tpu.memory_space<vmem>>) dst(%dma_wait3A_115 : memref<10240xf32, #tpu.memory_space<hbm>>)
      tpu.yield
    }) : () -> ()
    return
  }
}

#map = affine_map<(d0, d1) -> (0, 0)>
#map1 = affine_map<(d0, d1) -> (0)>
#map2 = affine_map<(d0, d1) -> (0, 0, 0)>
module attributes {stable_mosaic.version = 14 : i64} {
  func.func @k(%arg0: i32, %arg1: i32, %arg2: memref<16x10240xf32, #tpu.memory_space<hbm>>, %arg3: memref<2x320000xi32, #tpu.memory_space<hbm>>, %arg4: memref<320000xf32, #tpu.memory_space<hbm>>, %arg5: memref<8x16x10240xf32, #tpu.memory_space<hbm>>, %arg6: memref<4x10240xf32, #tpu.memory_space<vmem>>, %arg7: memref<10240xf32, #tpu.memory_space<vmem>>, %arg8: memref<10240xf32, #tpu.memory_space<vmem>>, %arg9: memref<10240xf32, #tpu.memory_space<vmem>>, %arg10: memref<10240xf32, #tpu.memory_space<vmem>>, %arg11: memref<2x800xi32, #tpu.memory_space<vmem>>, %arg12: memref<2x800xi32, #tpu.memory_space<vmem>>, %arg13: memref<2x800xf32, #tpu.memory_space<vmem>>, %arg14: memref<!tpu.dma_semaphore, #tpu.memory_space<semaphore_mem>>, %arg15: memref<!tpu.dma_semaphore, #tpu.memory_space<semaphore_mem>>, %arg16: memref<!tpu.dma_semaphore, #tpu.memory_space<semaphore_mem>>) attributes {dimension_semantics = [#tpu.dimension_semantics<core_parallel>, #tpu.dimension_semantics<subcore_parallel>], iteration_bounds = array<i64: 2, 16>, scalar_prefetch = 0 : i64, scratch_operands = 11 : i64, tpu.core_type = #tpu.core_type<sc_vector_subcore>, window_params = [{transform_indices = #map}, {transform_indices = #map}, {transform_indices = #map1}, {transform_indices = #map2}]} {
    %mul3A = arith.constant 16 : i32
    %mul3A_0 = arith.muli %arg0, %mul3A : i32
    %add3A = arith.addi %mul3A_0, %arg1 : i32
    %jit3A = arith.constant 4 : i32
    %div3A = arith.divsi %add3A, %jit3A : i32
    %sign3A = arith.constant 0 : i32
    %sign3A_1 = arith.cmpi sgt, %add3A, %sign3A : i32
    %sign3A_2 = arith.extui %sign3A_1 : i1 to i32
    %sign3A_3 = arith.constant 0 : i32
    %sign3A_4 = arith.cmpi slt, %add3A, %sign3A_3 : i32
    %sign3A_5 = arith.extui %sign3A_4 : i1 to i32
    %sign3A_6 = arith.subi %sign3A_2, %sign3A_5 : i32
    %sign3A_7 = arith.constant 0 : i32
    %sign3A_8 = arith.cmpi sgt, %jit3A, %sign3A_7 : i32
    %sign3A_9 = arith.extui %sign3A_8 : i1 to i32
    %sign3A_10 = arith.constant 0 : i32
    %sign3A_11 = arith.cmpi slt, %jit3A, %sign3A_10 : i32
    %sign3A_12 = arith.extui %sign3A_11 : i1 to i32
    %sign3A_13 = arith.subi %sign3A_9, %sign3A_12 : i32
    %ne3A = arith.cmpi ne, %sign3A_6, %sign3A_13 : i32
    %rem3A = arith.remsi %add3A, %jit3A : i32
    %ne3A_14 = arith.constant 0 : i32
    %ne3A_15 = arith.cmpi ne, %rem3A, %ne3A_14 : i32
    %and3A = arith.andi %ne3A, %ne3A_15 : i1
    %sub3A = arith.constant 1 : i32
    %sub3A_16 = arith.subi %div3A, %sub3A : i32
    %select_n3A = arith.select %and3A, %sub3A_16, %div3A : i32
    %jit3A_17 = arith.constant 4 : i32
    %eq3A = arith.constant 0 : i32
    %eq3A_18 = arith.cmpi eq, %jit3A_17, %eq3A : i32
    %jit3A_19 = arith.constant 1 : i32
    %select_n3A_20 = arith.select %eq3A_18, %jit3A_19, %jit3A_17 : i32
    %rem3A_21 = arith.remsi %add3A, %select_n3A_20 : i32
    %ne3A_22 = arith.constant 0 : i32
    %ne3A_23 = arith.cmpi ne, %rem3A_21, %ne3A_22 : i32
    %lt3A = arith.constant 0 : i32
    %lt3A_24 = arith.cmpi slt, %rem3A_21, %lt3A : i32
    %lt3A_25 = arith.constant 0 : i32
    %lt3A_26 = arith.cmpi slt, %select_n3A_20, %lt3A_25 : i32
    %ne3A_27 = arith.xori %lt3A_24, %lt3A_26 : i1
    %and3A_28 = arith.andi %ne3A_27, %ne3A_23 : i1
    %add3A_29 = arith.addi %rem3A_21, %select_n3A_20 : i32
    %select_n3A_30 = arith.select %and3A_28, %add3A_29, %rem3A_21 : i32
    %mul3A_31 = arith.constant 4 : i32
    %mul3A_32 = arith.muli %select_n3A_30, %mul3A_31 : i32
    %dma_start3A = arith.constant 0 : i32
    %dma_start3A_33 = tpu.memref_slice %arg2[%mul3A_32, %dma_start3A] : memref<16x10240xf32, #tpu.memory_space<hbm>> -> memref<4x10240xf32, #tpu.memory_space<hbm>>
    %dma_start3A_34 = arith.constant 0 : i32
    %dma_start3A_35 = tpu.memref_slice %arg2[%mul3A_32, %dma_start3A_34] : memref<16x10240xf32, #tpu.memory_space<hbm>> -> memref<4x10240xf32, #tpu.memory_space<hbm>>
    tpu.enqueue_dma source(%dma_start3A_35 : memref<4x10240xf32, #tpu.memory_space<hbm>>) target(%arg6 : memref<4x10240xf32, #tpu.memory_space<vmem>>) target_semaphore(%arg16 : memref<!tpu.dma_semaphore, #tpu.memory_space<semaphore_mem>>)
    %broadcast_in_dim3A = arith.constant 0.000000e+00 : f32
    %broadcast_in_dim3A_36 = vector.broadcast %broadcast_in_dim3A : f32 to vector<16xf32>
    %parallel_loop3A = arith.constant 0 : i32
    %parallel_loop3A_37 = arith.constant 320 : i32
    %parallel_loop3A_38 = arith.constant 1 : i32
    scf.for %parallel_loop3A_104 = %parallel_loop3A to %parallel_loop3A_37 step %parallel_loop3A_38  : i32 {
      %parallel_loop3A_105 = arith.constant 2 : i32
      %parallel_loop3A_106 = arith.muli %parallel_loop3A_104, %parallel_loop3A_105 : i32
      %parallel_loop3A_107 = arith.constant 0 : i32
      %parallel_loop3A_108 = arith.addi %parallel_loop3A_106, %parallel_loop3A_107 : i32
      %parallel_loop3A_109 = arith.constant 16 : i32
      %parallel_loop3A_110 = arith.muli %parallel_loop3A_108, %parallel_loop3A_109 : i32
      %parallel_loop3A_111 = arith.index_cast %parallel_loop3A_110 : i32 to index
      %parallel_loop3A_112 = tpu.vector_load %arg7[%parallel_loop3A_111] {strides = array<i32>} : memref<10240xf32, #tpu.memory_space<vmem>>, vector<16xf32>,
      tpu.vector_store %arg7[%parallel_loop3A_111], %broadcast_in_dim3A_36 {strides = array<i32>} : memref<10240xf32, #tpu.memory_space<vmem>>, vector<16xf32>,
      %parallel_loop3A_113 = arith.constant 2 : i32
      %parallel_loop3A_114 = arith.muli %parallel_loop3A_104, %parallel_loop3A_113 : i32
      %parallel_loop3A_115 = arith.constant 1 : i32
      %parallel_loop3A_116 = arith.addi %parallel_loop3A_114, %parallel_loop3A_115 : i32
      %parallel_loop3A_117 = arith.constant 16 : i32
      %parallel_loop3A_118 = arith.muli %parallel_loop3A_116, %parallel_loop3A_117 : i32
      %parallel_loop3A_119 = arith.index_cast %parallel_loop3A_118 : i32 to index
      %parallel_loop3A_120 = tpu.vector_load %arg7[%parallel_loop3A_119] {strides = array<i32>} : memref<10240xf32, #tpu.memory_space<vmem>>, vector<16xf32>,
      tpu.vector_store %arg7[%parallel_loop3A_119], %broadcast_in_dim3A_36 {strides = array<i32>} : memref<10240xf32, #tpu.memory_space<vmem>>, vector<16xf32>,
      %parallel_loop3A_121 = arith.constant 2 : i32
      %parallel_loop3A_122 = arith.muli %parallel_loop3A_104, %parallel_loop3A_121 : i32
      %parallel_loop3A_123 = arith.constant 0 : i32
      %parallel_loop3A_124 = arith.addi %parallel_loop3A_122, %parallel_loop3A_123 : i32
      %parallel_loop3A_125 = arith.constant 16 : i32
      %parallel_loop3A_126 = arith.muli %parallel_loop3A_124, %parallel_loop3A_125 : i32
      %parallel_loop3A_127 = arith.index_cast %parallel_loop3A_126 : i32 to index
      %parallel_loop3A_128 = tpu.vector_load %arg8[%parallel_loop3A_127] {strides = array<i32>} : memref<10240xf32, #tpu.memory_space<vmem>>, vector<16xf32>,
      tpu.vector_store %arg8[%parallel_loop3A_127], %broadcast_in_dim3A_36 {strides = array<i32>} : memref<10240xf32, #tpu.memory_space<vmem>>, vector<16xf32>,
      %parallel_loop3A_129 = arith.constant 2 : i32
      %parallel_loop3A_130 = arith.muli %parallel_loop3A_104, %parallel_loop3A_129 : i32
      %parallel_loop3A_131 = arith.constant 1 : i32
      %parallel_loop3A_132 = arith.addi %parallel_loop3A_130, %parallel_loop3A_131 : i32
      %parallel_loop3A_133 = arith.constant 16 : i32
      %parallel_loop3A_134 = arith.muli %parallel_loop3A_132, %parallel_loop3A_133 : i32
      %parallel_loop3A_135 = arith.index_cast %parallel_loop3A_134 : i32 to index
      %parallel_loop3A_136 = tpu.vector_load %arg8[%parallel_loop3A_135] {strides = array<i32>} : memref<10240xf32, #tpu.memory_space<vmem>>, vector<16xf32>,
      tpu.vector_store %arg8[%parallel_loop3A_135], %broadcast_in_dim3A_36 {strides = array<i32>} : memref<10240xf32, #tpu.memory_space<vmem>>, vector<16xf32>,
      %parallel_loop3A_137 = arith.constant 2 : i32
      %parallel_loop3A_138 = arith.muli %parallel_loop3A_104, %parallel_loop3A_137 : i32
      %parallel_loop3A_139 = arith.constant 0 : i32
      %parallel_loop3A_140 = arith.addi %parallel_loop3A_138, %parallel_loop3A_139 : i32
      %parallel_loop3A_141 = arith.constant 16 : i32
      %parallel_loop3A_142 = arith.muli %parallel_loop3A_140, %parallel_loop3A_141 : i32
      %parallel_loop3A_143 = arith.index_cast %parallel_loop3A_142 : i32 to index
      %parallel_loop3A_144 = tpu.vector_load %arg9[%parallel_loop3A_143] {strides = array<i32>} : memref<10240xf32, #tpu.memory_space<vmem>>, vector<16xf32>,
      tpu.vector_store %arg9[%parallel_loop3A_143], %broadcast_in_dim3A_36 {strides = array<i32>} : memref<10240xf32, #tpu.memory_space<vmem>>, vector<16xf32>,
      %parallel_loop3A_145 = arith.constant 2 : i32
      %parallel_loop3A_146 = arith.muli %parallel_loop3A_104, %parallel_loop3A_145 : i32
      %parallel_loop3A_147 = arith.constant 1 : i32
      %parallel_loop3A_148 = arith.addi %parallel_loop3A_146, %parallel_loop3A_147 : i32
      %parallel_loop3A_149 = arith.constant 16 : i32
      %parallel_loop3A_150 = arith.muli %parallel_loop3A_148, %parallel_loop3A_149 : i32
      %parallel_loop3A_151 = arith.index_cast %parallel_loop3A_150 : i32 to index
      %parallel_loop3A_152 = tpu.vector_load %arg9[%parallel_loop3A_151] {strides = array<i32>} : memref<10240xf32, #tpu.memory_space<vmem>>, vector<16xf32>,
      tpu.vector_store %arg9[%parallel_loop3A_151], %broadcast_in_dim3A_36 {strides = array<i32>} : memref<10240xf32, #tpu.memory_space<vmem>>, vector<16xf32>,
      %parallel_loop3A_153 = arith.constant 2 : i32
      %parallel_loop3A_154 = arith.muli %parallel_loop3A_104, %parallel_loop3A_153 : i32
      %parallel_loop3A_155 = arith.constant 0 : i32
      %parallel_loop3A_156 = arith.addi %parallel_loop3A_154, %parallel_loop3A_155 : i32
      %parallel_loop3A_157 = arith.constant 16 : i32
      %parallel_loop3A_158 = arith.muli %parallel_loop3A_156, %parallel_loop3A_157 : i32
      %parallel_loop3A_159 = arith.index_cast %parallel_loop3A_158 : i32 to index
      %parallel_loop3A_160 = tpu.vector_load %arg10[%parallel_loop3A_159] {strides = array<i32>} : memref<10240xf32, #tpu.memory_space<vmem>>, vector<16xf32>,
      tpu.vector_store %arg10[%parallel_loop3A_159], %broadcast_in_dim3A_36 {strides = array<i32>} : memref<10240xf32, #tpu.memory_space<vmem>>, vector<16xf32>,
      %parallel_loop3A_161 = arith.constant 2 : i32
      %parallel_loop3A_162 = arith.muli %parallel_loop3A_104, %parallel_loop3A_161 : i32
      %parallel_loop3A_163 = arith.constant 1 : i32
      %parallel_loop3A_164 = arith.addi %parallel_loop3A_162, %parallel_loop3A_163 : i32
      %parallel_loop3A_165 = arith.constant 16 : i32
      %parallel_loop3A_166 = arith.muli %parallel_loop3A_164, %parallel_loop3A_165 : i32
      %parallel_loop3A_167 = arith.index_cast %parallel_loop3A_166 : i32 to index
      %parallel_loop3A_168 = tpu.vector_load %arg10[%parallel_loop3A_167] {strides = array<i32>} : memref<10240xf32, #tpu.memory_space<vmem>>, vector<16xf32>,
      tpu.vector_store %arg10[%parallel_loop3A_167], %broadcast_in_dim3A_36 {strides = array<i32>} : memref<10240xf32, #tpu.memory_space<vmem>>, vector<16xf32>,
    } {sc.loop_unroll_factor = 8 : i64, sc.parallel_access}
    %eq3A_39 = arith.constant 0 : i32
    %eq3A_40 = arith.cmpi eq, %arg0, %eq3A_39 : i32
    %mul3A_41 = arith.constant 40000 : i32
    %mul3A_42 = arith.muli %select_n3A, %mul3A_41 : i32
    %sub3A_43 = arith.constant 4 : i32
    %sub3A_44 = arith.subi %select_n3A, %sub3A_43 : i32
    %mul3A_45 = arith.constant 40000 : i32
    %mul3A_46 = arith.muli %sub3A_44, %mul3A_45 : i32
    %add3A_47 = arith.constant 160000 : i32
    %add3A_48 = arith.addi %add3A_47, %mul3A_46 : i32
    %select_n3A_49 = arith.select %eq3A_40, %mul3A_42, %add3A_48 : i32
    %add3A_50 = arith.constant 0 : i32
    %add3A_51 = arith.addi %select_n3A_49, %add3A_50 : i32
    %multiple_of3A = tpu.assume_multiple %add3A_51, 8 : i32
    %dma_start3A_52 = arith.constant 0 : i32
    %dma_start3A_53 = arith.constant 0 : i32
    %dma_start3A_54 = arith.constant 0 : i32
    %dma_start3A_55 = tpu.memref_slice %arg11[%dma_start3A_53, %dma_start3A_54] : memref<2x800xi32, #tpu.memory_space<vmem>> -> memref<1x800xi32, #tpu.memory_space<vmem>>
    %dma_start3A_56 = tpu.memref_squeeze %dma_start3A_55 : memref<1x800xi32, #tpu.memory_space<vmem>> -> memref<800xi32, #tpu.memory_space<vmem>>
    %dma_start3A_57 = tpu.memref_slice %arg3[%dma_start3A_52, %multiple_of3A] : memref<2x320000xi32, #tpu.memory_space<hbm>> -> memref<1x800xi32, #tpu.memory_space<hbm>>
    %dma_start3A_58 = tpu.memref_squeeze %dma_start3A_57 : memref<1x800xi32, #tpu.memory_space<hbm>> -> memref<800xi32, #tpu.memory_space<hbm>>
    %dma_start3A_59 = arith.constant 0 : i32
    %dma_start3A_60 = tpu.memref_slice %arg11[%dma_start3A_53, %dma_start3A_59] : memref<2x800xi32, #tpu.memory_space<vmem>> -> memref<1x800xi32, #tpu.memory_space<vmem>>
    %dma_start3A_61 = tpu.memref_squeeze %dma_start3A_60 : memref<1x800xi32, #tpu.memory_space<vmem>> -> memref<800xi32, #tpu.memory_space<vmem>>
    %dma_start3A_62 = tpu.memref_slice %arg3[%dma_start3A_52, %multiple_of3A] : memref<2x320000xi32, #tpu.memory_space<hbm>> -> memref<1x800xi32, #tpu.memory_space<hbm>>
    %dma_start3A_63 = tpu.memref_squeeze %dma_start3A_62 : memref<1x800xi32, #tpu.memory_space<hbm>> -> memref<800xi32, #tpu.memory_space<hbm>>
    tpu.enqueue_dma source(%dma_start3A_63 : memref<800xi32, #tpu.memory_space<hbm>>) target(%dma_start3A_61 : memref<800xi32, #tpu.memory_space<vmem>>) target_semaphore(%arg14 : memref<!tpu.dma_semaphore, #tpu.memory_space<semaphore_mem>>)
    %dma_start3A_64 = arith.constant 1 : i32
    %dma_start3A_65 = arith.constant 0 : i32
    %dma_start3A_66 = arith.constant 0 : i32
    %dma_start3A_67 = tpu.memref_slice %arg12[%dma_start3A_65, %dma_start3A_66] : memref<2x800xi32, #tpu.memory_space<vmem>> -> memref<1x800xi32, #tpu.memory_space<vmem>>
    %dma_start3A_68 = tpu.memref_squeeze %dma_start3A_67 : memref<1x800xi32, #tpu.memory_space<vmem>> -> memref<800xi32, #tpu.memory_space<vmem>>
    %dma_start3A_69 = tpu.memref_slice %arg3[%dma_start3A_64, %multiple_of3A] : memref<2x320000xi32, #tpu.memory_space<hbm>> -> memref<1x800xi32, #tpu.memory_space<hbm>>
    %dma_start3A_70 = tpu.memref_squeeze %dma_start3A_69 : memref<1x800xi32, #tpu.memory_space<hbm>> -> memref<800xi32, #tpu.memory_space<hbm>>
    %dma_start3A_71 = arith.constant 0 : i32
    %dma_start3A_72 = tpu.memref_slice %arg12[%dma_start3A_65, %dma_start3A_71] : memref<2x800xi32, #tpu.memory_space<vmem>> -> memref<1x800xi32, #tpu.memory_space<vmem>>
    %dma_start3A_73 = tpu.memref_squeeze %dma_start3A_72 : memref<1x800xi32, #tpu.memory_space<vmem>> -> memref<800xi32, #tpu.memory_space<vmem>>
    %dma_start3A_74 = tpu.memref_slice %arg3[%dma_start3A_64, %multiple_of3A] : memref<2x320000xi32, #tpu.memory_space<hbm>> -> memref<1x800xi32, #tpu.memory_space<hbm>>
    %dma_start3A_75 = tpu.memref_squeeze %dma_start3A_74 : memref<1x800xi32, #tpu.memory_space<hbm>> -> memref<800xi32, #tpu.memory_space<hbm>>
    tpu.enqueue_dma source(%dma_start3A_75 : memref<800xi32, #tpu.memory_space<hbm>>) target(%dma_start3A_73 : memref<800xi32, #tpu.memory_space<vmem>>) target_semaphore(%arg14 : memref<!tpu.dma_semaphore, #tpu.memory_space<semaphore_mem>>)
    %dma_start3A_76 = arith.constant 0 : i32
    %dma_start3A_77 = arith.constant 0 : i32
    %dma_start3A_78 = tpu.memref_slice %arg13[%dma_start3A_76, %dma_start3A_77] : memref<2x800xf32, #tpu.memory_space<vmem>> -> memref<1x800xf32, #tpu.memory_space<vmem>>
    %dma_start3A_79 = tpu.memref_squeeze %dma_start3A_78 : memref<1x800xf32, #tpu.memory_space<vmem>> -> memref<800xf32, #tpu.memory_space<vmem>>
    %dma_start3A_80 = tpu.memref_slice %arg4[%multiple_of3A] : memref<320000xf32, #tpu.memory_space<hbm>> -> memref<800xf32, #tpu.memory_space<hbm>>
    %dma_start3A_81 = arith.constant 0 : i32
    %dma_start3A_82 = tpu.memref_slice %arg13[%dma_start3A_76, %dma_start3A_81] : memref<2x800xf32, #tpu.memory_space<vmem>> -> memref<1x800xf32, #tpu.memory_space<vmem>>
    %dma_start3A_83 = tpu.memref_squeeze %dma_start3A_82 : memref<1x800xf32, #tpu.memory_space<vmem>> -> memref<800xf32, #tpu.memory_space<vmem>>
    %dma_start3A_84 = tpu.memref_slice %arg4[%multiple_of3A] : memref<320000xf32, #tpu.memory_space<hbm>> -> memref<800xf32, #tpu.memory_space<hbm>>
    tpu.enqueue_dma source(%dma_start3A_84 : memref<800xf32, #tpu.memory_space<hbm>>) target(%dma_start3A_83 : memref<800xf32, #tpu.memory_space<vmem>>) target_semaphore(%arg14 : memref<!tpu.dma_semaphore, #tpu.memory_space<semaphore_mem>>)
    %dma_wait3A = arith.constant 0 : i32
    %dma_wait3A_85 = tpu.memref_slice %arg2[%mul3A_32, %dma_wait3A] : memref<16x10240xf32, #tpu.memory_space<hbm>> -> memref<4x10240xf32, #tpu.memory_space<hbm>>
    %dma_wait3A_86 = arith.constant 0 : i32
    %dma_wait3A_87 = tpu.memref_slice %arg2[%mul3A_32, %dma_wait3A_86] : memref<16x10240xf32, #tpu.memory_space<hbm>> -> memref<4x10240xf32, #tpu.memory_space<hbm>>
    tpu.wait_dma2 semaphore(%arg16 : memref<!tpu.dma_semaphore, #tpu.memory_space<semaphore_mem>>) src(%dma_wait3A_87 : memref<4x10240xf32, #tpu.memory_space<hbm>>) dst(%arg6 : memref<4x10240xf32, #tpu.memory_space<vmem>>)
    %eq3A_88 = arith.constant 0 : i32
    %eq3A_89 = arith.cmpi eq, %arg0, %eq3A_88 : i32
    %convert_element_type3A = arith.extui %eq3A_89 : i1 to i32
    %cond3A = arith.constant 0 : i32
    %cond3A_90 = arith.cmpi ne, %convert_element_type3A, %cond3A : i32
    scf.if %cond3A_90 {
      %scan3A = arith.constant 0 : i32
      %scan3A_104 = arith.constant 0 : i32
      %scan3A_105 = arith.constant 25 : i32
      %scan3A_106 = arith.addi %scan3A_104, %scan3A_105 : i32
      %scan3A_107 = arith.constant 1 : i32
      scf.for %scan3A_109 = %scan3A_104 to %scan3A_106 step %scan3A_107  : i32 {
        %mul3A_110 = arith.constant 2 : i32
        %mul3A_111 = arith.muli %scan3A_109, %mul3A_110 : i32
        %dma_wait3A_112 = arith.constant 0 : i32
        %dma_wait3A_113 = arith.constant 0 : i32
        %dma_wait3A_114 = arith.constant 0 : i32
        %dma_wait3A_115 = tpu.memref_slice %arg11[%dma_wait3A_113, %dma_wait3A_114] : memref<2x800xi32, #tpu.memory_space<vmem>> -> memref<1x800xi32, #tpu.memory_space<vmem>>
        %dma_wait3A_116 = tpu.memref_squeeze %dma_wait3A_115 : memref<1x800xi32, #tpu.memory_space<vmem>> -> memref<800xi32, #tpu.memory_space<vmem>>
        %dma_wait3A_117 = arith.constant 0 : i32
        %dma_wait3A_118 = tpu.memref_slice %arg3[%dma_wait3A_112, %dma_wait3A_117] : memref<2x320000xi32, #tpu.memory_space<hbm>> -> memref<1x800xi32, #tpu.memory_space<hbm>>
        %dma_wait3A_119 = tpu.memref_squeeze %dma_wait3A_118 : memref<1x800xi32, #tpu.memory_space<hbm>> -> memref<800xi32, #tpu.memory_space<hbm>>
        %dma_wait3A_120 = arith.constant 0 : i32
        %dma_wait3A_121 = tpu.memref_slice %arg11[%dma_wait3A_113, %dma_wait3A_120] : memref<2x800xi32, #tpu.memory_space<vmem>> -> memref<1x800xi32, #tpu.memory_space<vmem>>
        %dma_wait3A_122 = tpu.memref_squeeze %dma_wait3A_121 : memref<1x800xi32, #tpu.memory_space<vmem>> -> memref<800xi32, #tpu.memory_space<vmem>>
        %dma_wait3A_123 = arith.constant 0 : i32
        %dma_wait3A_124 = tpu.memref_slice %arg3[%dma_wait3A_112, %dma_wait3A_123] : memref<2x320000xi32, #tpu.memory_space<hbm>> -> memref<1x800xi32, #tpu.memory_space<hbm>>
        %dma_wait3A_125 = tpu.memref_squeeze %dma_wait3A_124 : memref<1x800xi32, #tpu.memory_space<hbm>> -> memref<800xi32, #tpu.memory_space<hbm>>
        tpu.wait_dma2 semaphore(%arg14 : memref<!tpu.dma_semaphore, #tpu.memory_space<semaphore_mem>>) src(%dma_wait3A_125 : memref<800xi32, #tpu.memory_space<hbm>>) dst(%dma_wait3A_122 : memref<800xi32, #tpu.memory_space<vmem>>)
        %dma_wait3A_126 = arith.constant 1 : i32
        %dma_wait3A_127 = arith.constant 0 : i32
        %dma_wait3A_128 = arith.constant 0 : i32
        %dma_wait3A_129 = tpu.memref_slice %arg12[%dma_wait3A_127, %dma_wait3A_128] : memref<2x800xi32, #tpu.memory_space<vmem>> -> memref<1x800xi32, #tpu.memory_space<vmem>>
        %dma_wait3A_130 = tpu.memref_squeeze %dma_wait3A_129 : memref<1x800xi32, #tpu.memory_space<vmem>> -> memref<800xi32, #tpu.memory_space<vmem>>
        %dma_wait3A_131 = arith.constant 0 : i32
        %dma_wait3A_132 = tpu.memref_slice %arg3[%dma_wait3A_126, %dma_wait3A_131] : memref<2x320000xi32, #tpu.memory_space<hbm>> -> memref<1x800xi32, #tpu.memory_space<hbm>>
        %dma_wait3A_133 = tpu.memref_squeeze %dma_wait3A_132 : memref<1x800xi32, #tpu.memory_space<hbm>> -> memref<800xi32, #tpu.memory_space<hbm>>
        %dma_wait3A_134 = arith.constant 0 : i32
        %dma_wait3A_135 = tpu.memref_slice %arg12[%dma_wait3A_127, %dma_wait3A_134] : memref<2x800xi32, #tpu.memory_space<vmem>> -> memref<1x800xi32, #tpu.memory_space<vmem>>
        %dma_wait3A_136 = tpu.memref_squeeze %dma_wait3A_135 : memref<1x800xi32, #tpu.memory_space<vmem>> -> memref<800xi32, #tpu.memory_space<vmem>>
        %dma_wait3A_137 = arith.constant 0 : i32
        %dma_wait3A_138 = tpu.memref_slice %arg3[%dma_wait3A_126, %dma_wait3A_137] : memref<2x320000xi32, #tpu.memory_space<hbm>> -> memref<1x800xi32, #tpu.memory_space<hbm>>
        %dma_wait3A_139 = tpu.memref_squeeze %dma_wait3A_138 : memref<1x800xi32, #tpu.memory_space<hbm>> -> memref<800xi32, #tpu.memory_space<hbm>>
        tpu.wait_dma2 semaphore(%arg14 : memref<!tpu.dma_semaphore, #tpu.memory_space<semaphore_mem>>) src(%dma_wait3A_139 : memref<800xi32, #tpu.memory_space<hbm>>) dst(%dma_wait3A_136 : memref<800xi32, #tpu.memory_space<vmem>>)
        %dma_wait3A_140 = arith.constant 0 : i32
        %dma_wait3A_141 = arith.constant 0 : i32
        %dma_wait3A_142 = tpu.memref_slice %arg13[%dma_wait3A_140, %dma_wait3A_141] : memref<2x800xf32, #tpu.memory_space<vmem>> -> memref<1x800xf32, #tpu.memory_space<vmem>>
        %dma_wait3A_143 = tpu.memref_squeeze %dma_wait3A_142 : memref<1x800xf32, #tpu.memory_space<vmem>> -> memref<800xf32, #tpu.memory_space<vmem>>
        %dma_wait3A_144 = arith.constant 0 : i32
        %dma_wait3A_145 = tpu.memref_slice %arg4[%dma_wait3A_144] : memref<320000xf32, #tpu.memory_space<hbm>> -> memref<800xf32, #tpu.memory_space<hbm>>
        %dma_wait3A_146 = arith.constant 0 : i32
        %dma_wait3A_147 = tpu.memref_slice %arg13[%dma_wait3A_140, %dma_wait3A_146] : memref<2x800xf32, #tpu.memory_space<vmem>> -> memref<1x800xf32, #tpu.memory_space<vmem>>
        %dma_wait3A_148 = tpu.memref_squeeze %dma_wait3A_147 : memref<1x800xf32, #tpu.memory_space<vmem>> -> memref<800xf32, #tpu.memory_space<vmem>>
        %dma_wait3A_149 = arith.constant 0 : i32
        %dma_wait3A_150 = tpu.memref_slice %arg4[%dma_wait3A_149] : memref<320000xf32, #tpu.memory_space<hbm>> -> memref<800xf32, #tpu.memory_space<hbm>>
        tpu.wait_dma2 semaphore(%arg14 : memref<!tpu.dma_semaphore, #tpu.memory_space<semaphore_mem>>) src(%dma_wait3A_150 : memref<800xf32, #tpu.memory_space<hbm>>) dst(%dma_wait3A_148 : memref<800xf32, #tpu.memory_space<vmem>>)
        %add3A_151 = arith.constant 1 : i32
        %add3A_152 = arith.addi %mul3A_111, %add3A_151 : i32
        %mul3A_153 = arith.constant 800 : i32
        %mul3A_154 = arith.muli %add3A_152, %mul3A_153 : i32
        %add3A_155 = arith.addi %select_n3A_49, %mul3A_154 : i32
        %multiple_of3A_156 = tpu.assume_multiple %add3A_155, 8 : i32
        %dma_start3A_157 = arith.constant 0 : i32
        %dma_start3A_158 = arith.constant 1 : i32
        %dma_start3A_159 = arith.constant 0 : i32
        %dma_start3A_160 = tpu.memref_slice %arg11[%dma_start3A_158, %dma_start3A_159] : memref<2x800xi32, #tpu.memory_space<vmem>> -> memref<1x800xi32, #tpu.memory_space<vmem>>
        %dma_start3A_161 = tpu.memref_squeeze %dma_start3A_160 : memref<1x800xi32, #tpu.memory_space<vmem>> -> memref<800xi32, #tpu.memory_space<vmem>>
        %dma_start3A_162 = tpu.memref_slice %arg3[%dma_start3A_157, %multiple_of3A_156] : memref<2x320000xi32, #tpu.memory_space<hbm>> -> memref<1x800xi32, #tpu.memory_space<hbm>>
        %dma_start3A_163 = tpu.memref_squeeze %dma_start3A_162 : memref<1x800xi32, #tpu.memory_space<hbm>> -> memref<800xi32, #tpu.memory_space<hbm>>
        %dma_start3A_164 = arith.constant 0 : i32
        %dma_start3A_165 = tpu.memref_slice %arg11[%dma_start3A_158, %dma_start3A_164] : memref<2x800xi32, #tpu.memory_space<vmem>> -> memref<1x800xi32, #tpu.memory_space<vmem>>
        %dma_start3A_166 = tpu.memref_squeeze %dma_start3A_165 : memref<1x800xi32, #tpu.memory_space<vmem>> -> memref<800xi32, #tpu.memory_space<vmem>>
        %dma_start3A_167 = tpu.memref_slice %arg3[%dma_start3A_157, %multiple_of3A_156] : memref<2x320000xi32, #tpu.memory_space<hbm>> -> memref<1x800xi32, #tpu.memory_space<hbm>>
        %dma_start3A_168 = tpu.memref_squeeze %dma_start3A_167 : memref<1x800xi32, #tpu.memory_space<hbm>> -> memref<800xi32, #tpu.memory_space<hbm>>
        tpu.enqueue_dma source(%dma_start3A_168 : memref<800xi32, #tpu.memory_space<hbm>>) target(%dma_start3A_166 : memref<800xi32, #tpu.memory_space<vmem>>) target_semaphore(%arg15 : memref<!tpu.dma_semaphore, #tpu.memory_space<semaphore_mem>>)
        %dma_start3A_169 = arith.constant 1 : i32
        %dma_start3A_170 = arith.constant 1 : i32
        %dma_start3A_171 = arith.constant 0 : i32
        %dma_start3A_172 = tpu.memref_slice %arg12[%dma_start3A_170, %dma_start3A_171] : memref<2x800xi32, #tpu.memory_space<vmem>> -> memref<1x800xi32, #tpu.memory_space<vmem>>
        %dma_start3A_173 = tpu.memref_squeeze %dma_start3A_172 : memref<1x800xi32, #tpu.memory_space<vmem>> -> memref<800xi32, #tpu.memory_space<vmem>>
        %dma_start3A_174 = tpu.memref_slice %arg3[%dma_start3A_169, %multiple_of3A_156] : memref<2x320000xi32, #tpu.memory_space<hbm>> -> memref<1x800xi32, #tpu.memory_space<hbm>>
        %dma_start3A_175 = tpu.memref_squeeze %dma_start3A_174 : memref<1x800xi32, #tpu.memory_space<hbm>> -> memref<800xi32, #tpu.memory_space<hbm>>
        %dma_start3A_176 = arith.constant 0 : i32
        %dma_start3A_177 = tpu.memref_slice %arg12[%dma_start3A_170, %dma_start3A_176] : memref<2x800xi32, #tpu.memory_space<vmem>> -> memref<1x800xi32, #tpu.memory_space<vmem>>
        %dma_start3A_178 = tpu.memref_squeeze %dma_start3A_177 : memref<1x800xi32, #tpu.memory_space<vmem>> -> memref<800xi32, #tpu.memory_space<vmem>>
        %dma_start3A_179 = tpu.memref_slice %arg3[%dma_start3A_169, %multiple_of3A_156] : memref<2x320000xi32, #tpu.memory_space<hbm>> -> memref<1x800xi32, #tpu.memory_space<hbm>>
        %dma_start3A_180 = tpu.memref_squeeze %dma_start3A_179 : memref<1x800xi32, #tpu.memory_space<hbm>> -> memref<800xi32, #tpu.memory_space<hbm>>
        tpu.enqueue_dma source(%dma_start3A_180 : memref<800xi32, #tpu.memory_space<hbm>>) target(%dma_start3A_178 : memref<800xi32, #tpu.memory_space<vmem>>) target_semaphore(%arg15 : memref<!tpu.dma_semaphore, #tpu.memory_space<semaphore_mem>>)
        %dma_start3A_181 = arith.constant 1 : i32
        %dma_start3A_182 = arith.constant 0 : i32
        %dma_start3A_183 = tpu.memref_slice %arg13[%dma_start3A_181, %dma_start3A_182] : memref<2x800xf32, #tpu.memory_space<vmem>> -> memref<1x800xf32, #tpu.memory_space<vmem>>
        %dma_start3A_184 = tpu.memref_squeeze %dma_start3A_183 : memref<1x800xf32, #tpu.memory_space<vmem>> -> memref<800xf32, #tpu.memory_space<vmem>>
        %dma_start3A_185 = tpu.memref_slice %arg4[%multiple_of3A_156] : memref<320000xf32, #tpu.memory_space<hbm>> -> memref<800xf32, #tpu.memory_space<hbm>>
        %dma_start3A_186 = arith.constant 0 : i32
        %dma_start3A_187 = tpu.memref_slice %arg13[%dma_start3A_181, %dma_start3A_186] : memref<2x800xf32, #tpu.memory_space<vmem>> -> memref<1x800xf32, #tpu.memory_space<vmem>>
        %dma_start3A_188 = tpu.memref_squeeze %dma_start3A_187 : memref<1x800xf32, #tpu.memory_space<vmem>> -> memref<800xf32, #tpu.memory_space<vmem>>
        %dma_start3A_189 = tpu.memref_slice %arg4[%multiple_of3A_156] : memref<320000xf32, #tpu.memory_space<hbm>> -> memref<800xf32, #tpu.memory_space<hbm>>
        tpu.enqueue_dma source(%dma_start3A_189 : memref<800xf32, #tpu.memory_space<hbm>>) target(%dma_start3A_188 : memref<800xf32, #tpu.memory_space<vmem>>) target_semaphore(%arg15 : memref<!tpu.dma_semaphore, #tpu.memory_space<semaphore_mem>>)
        %parallel_loop3A_190 = arith.constant 0 : i32
        %parallel_loop3A_191 = arith.constant 50 : i32
        %parallel_loop3A_192 = arith.constant 1 : i32
        %parallel_loop3A_193 = arith.constant 0 : i32
        %parallel_loop3A_194 = arith.constant 0 : i32
        %parallel_loop3A_195 = arith.constant 0 : i32
        scf.for %parallel_loop3A_248 = %parallel_loop3A_190 to %parallel_loop3A_191 step %parallel_loop3A_192  : i32 {
          %parallel_loop3A_249 = arith.constant 16 : i32
          %parallel_loop3A_250 = arith.muli %parallel_loop3A_248, %parallel_loop3A_249 : i32
          %parallel_loop3A_251 = arith.constant 0 : i32
          %parallel_loop3A_252 = tpu.memref_slice %arg11[%parallel_loop3A_193, %parallel_loop3A_251] : memref<2x800xi32, #tpu.memory_space<vmem>> -> memref<1x800xi32, #tpu.memory_space<vmem>>
          %parallel_loop3A_253 = tpu.memref_squeeze %parallel_loop3A_252 : memref<1x800xi32, #tpu.memory_space<vmem>> -> memref<800xi32, #tpu.memory_space<vmem>>
          %parallel_loop3A_254 = arith.index_cast %parallel_loop3A_250 : i32 to index
          %parallel_loop3A_255 = tpu.vector_load %parallel_loop3A_253[%parallel_loop3A_254] {strides = array<i32>} : memref<800xi32, #tpu.memory_space<vmem>>, vector<16xi32>,
          %parallel_loop3A_256 = arith.constant 0 : i32
          %parallel_loop3A_257 = tpu.memref_slice %arg12[%parallel_loop3A_194, %parallel_loop3A_256] : memref<2x800xi32, #tpu.memory_space<vmem>> -> memref<1x800xi32, #tpu.memory_space<vmem>>
          %parallel_loop3A_258 = tpu.memref_squeeze %parallel_loop3A_257 : memref<1x800xi32, #tpu.memory_space<vmem>> -> memref<800xi32, #tpu.memory_space<vmem>>
          %parallel_loop3A_259 = arith.index_cast %parallel_loop3A_250 : i32 to index
          %parallel_loop3A_260 = tpu.vector_load %parallel_loop3A_258[%parallel_loop3A_259] {strides = array<i32>} : memref<800xi32, #tpu.memory_space<vmem>>, vector<16xi32>,
          %parallel_loop3A_261 = arith.constant 0 : i32
          %parallel_loop3A_262 = tpu.memref_slice %arg13[%parallel_loop3A_195, %parallel_loop3A_261] : memref<2x800xf32, #tpu.memory_space<vmem>> -> memref<1x800xf32, #tpu.memory_space<vmem>>
          %parallel_loop3A_263 = tpu.memref_squeeze %parallel_loop3A_262 : memref<1x800xf32, #tpu.memory_space<vmem>> -> memref<800xf32, #tpu.memory_space<vmem>>
          %parallel_loop3A_264 = arith.index_cast %parallel_loop3A_250 : i32 to index
          %parallel_loop3A_265 = tpu.vector_load %parallel_loop3A_263[%parallel_loop3A_264] {strides = array<i32>} : memref<800xf32, #tpu.memory_space<vmem>>, vector<16xf32>,
          %parallel_loop3A_266 = arith.constant 0 : i32
          %parallel_loop3A_267 = arith.constant 0 : i32
          %parallel_loop3A_268 = tpu.memref_slice %arg6[%parallel_loop3A_266, %parallel_loop3A_267] : memref<4x10240xf32, #tpu.memory_space<vmem>> -> memref<1x10240xf32, #tpu.memory_space<vmem>>
          %parallel_loop3A_269 = tpu.memref_squeeze %parallel_loop3A_268 : memref<1x10240xf32, #tpu.memory_space<vmem>> -> memref<10240xf32, #tpu.memory_space<vmem>>
          %parallel_loop3A_270 = tpu.vector_load_idx %parallel_loop3A_269[%parallel_loop3A_255] : memref<10240xf32, #tpu.memory_space<vmem>>[vector<16xi32>], vector<16xf32>,
          %parallel_loop3A_271 = arith.mulf %parallel_loop3A_270, %parallel_loop3A_265 : vector<16xf32>
          tpu.vector_store_idx %arg7[%parallel_loop3A_260], %parallel_loop3A_271 {add = true} : memref<10240xf32, #tpu.memory_space<vmem>>[vector<16xi32>], vector<16xf32>,
          %parallel_loop3A_272 = arith.constant 1 : i32
          %parallel_loop3A_273 = arith.constant 0 : i32
          %parallel_loop3A_274 = tpu.memref_slice %arg6[%parallel_loop3A_272, %parallel_loop3A_273] : memref<4x10240xf32, #tpu.memory_space<vmem>> -> memref<1x10240xf32, #tpu.memory_space<vmem>>
          %parallel_loop3A_275 = tpu.memref_squeeze %parallel_loop3A_274 : memref<1x10240xf32, #tpu.memory_space<vmem>> -> memref<10240xf32, #tpu.memory_space<vmem>>
          %parallel_loop3A_276 = tpu.vector_load_idx %parallel_loop3A_275[%parallel_loop3A_255] : memref<10240xf32, #tpu.memory_space<vmem>>[vector<16xi32>], vector<16xf32>,
          %parallel_loop3A_277 = arith.mulf %parallel_loop3A_276, %parallel_loop3A_265 : vector<16xf32>
          tpu.vector_store_idx %arg8[%parallel_loop3A_260], %parallel_loop3A_277 {add = true} : memref<10240xf32, #tpu.memory_space<vmem>>[vector<16xi32>], vector<16xf32>,
          %parallel_loop3A_278 = arith.constant 2 : i32
          %parallel_loop3A_279 = arith.constant 0 : i32
          %parallel_loop3A_280 = tpu.memref_slice %arg6[%parallel_loop3A_278, %parallel_loop3A_279] : memref<4x10240xf32, #tpu.memory_space<vmem>> -> memref<1x10240xf32, #tpu.memory_space<vmem>>
          %parallel_loop3A_281 = tpu.memref_squeeze %parallel_loop3A_280 : memref<1x10240xf32, #tpu.memory_space<vmem>> -> memref<10240xf32, #tpu.memory_space<vmem>>
          %parallel_loop3A_282 = tpu.vector_load_idx %parallel_loop3A_281[%parallel_loop3A_255] : memref<10240xf32, #tpu.memory_space<vmem>>[vector<16xi32>], vector<16xf32>,
          %parallel_loop3A_283 = arith.mulf %parallel_loop3A_282, %parallel_loop3A_265 : vector<16xf32>
          tpu.vector_store_idx %arg9[%parallel_loop3A_260], %parallel_loop3A_283 {add = true} : memref<10240xf32, #tpu.memory_space<vmem>>[vector<16xi32>], vector<16xf32>,
          %parallel_loop3A_284 = arith.constant 3 : i32
          %parallel_loop3A_285 = arith.constant 0 : i32
          %parallel_loop3A_286 = tpu.memref_slice %arg6[%parallel_loop3A_284, %parallel_loop3A_285] : memref<4x10240xf32, #tpu.memory_space<vmem>> -> memref<1x10240xf32, #tpu.memory_space<vmem>>
          %parallel_loop3A_287 = tpu.memref_squeeze %parallel_loop3A_286 : memref<1x10240xf32, #tpu.memory_space<vmem>> -> memref<10240xf32, #tpu.memory_space<vmem>>
          %parallel_loop3A_288 = tpu.vector_load_idx %parallel_loop3A_287[%parallel_loop3A_255] : memref<10240xf32, #tpu.memory_space<vmem>>[vector<16xi32>], vector<16xf32>,
          %parallel_loop3A_289 = arith.mulf %parallel_loop3A_288, %parallel_loop3A_265 : vector<16xf32>
          tpu.vector_store_idx %arg10[%parallel_loop3A_260], %parallel_loop3A_289 {add = true} : memref<10240xf32, #tpu.memory_space<vmem>>[vector<16xi32>], vector<16xf32>,
        } {sc.loop_unroll_factor = 10 : i64, sc.parallel_access}
        %dma_wait3A_196 = arith.constant 0 : i32
        %dma_wait3A_197 = arith.constant 1 : i32
        %dma_wait3A_198 = arith.constant 0 : i32
        %dma_wait3A_199 = tpu.memref_slice %arg11[%dma_wait3A_197, %dma_wait3A_198] : memref<2x800xi32, #tpu.memory_space<vmem>> -> memref<1x800xi32, #tpu.memory_space<vmem>>
        %dma_wait3A_200 = tpu.memref_squeeze %dma_wait3A_199 : memref<1x800xi32, #tpu.memory_space<vmem>> -> memref<800xi32, #tpu.memory_space<vmem>>
        %dma_wait3A_201 = arith.constant 0 : i32
        %dma_wait3A_202 = tpu.memref_slice %arg3[%dma_wait3A_196, %dma_wait3A_201] : memref<2x320000xi32, #tpu.memory_space<hbm>> -> memref<1x800xi32, #tpu.memory_space<hbm>>
        %dma_wait3A_203 = tpu.memref_squeeze %dma_wait3A_202 : memref<1x800xi32, #tpu.memory_space<hbm>> -> memref<800xi32, #tpu.memory_space<hbm>>
        %dma_wait3A_204 = arith.constant 0 : i32
        %dma_wait3A_205 = tpu.memref_slice %arg11[%dma_wait3A_197, %dma_wait3A_204] : memref<2x800xi32, #tpu.memory_space<vmem>> -> memref<1x800xi32, #tpu.memory_space<vmem>>
        %dma_wait3A_206 = tpu.memref_squeeze %dma_wait3A_205 : memref<1x800xi32, #tpu.memory_space<vmem>> -> memref<800xi32, #tpu.memory_space<vmem>>
        %dma_wait3A_207 = arith.constant 0 : i32
        %dma_wait3A_208 = tpu.memref_slice %arg3[%dma_wait3A_196, %dma_wait3A_207] : memref<2x320000xi32, #tpu.memory_space<hbm>> -> memref<1x800xi32, #tpu.memory_space<hbm>>
        %dma_wait3A_209 = tpu.memref_squeeze %dma_wait3A_208 : memref<1x800xi32, #tpu.memory_space<hbm>> -> memref<800xi32, #tpu.memory_space<hbm>>
        tpu.wait_dma2 semaphore(%arg15 : memref<!tpu.dma_semaphore, #tpu.memory_space<semaphore_mem>>) src(%dma_wait3A_209 : memref<800xi32, #tpu.memory_space<hbm>>) dst(%dma_wait3A_206 : memref<800xi32, #tpu.memory_space<vmem>>)
        %dma_wait3A_210 = arith.constant 1 : i32
        %dma_wait3A_211 = arith.constant 1 : i32
        %dma_wait3A_212 = arith.constant 0 : i32
        %dma_wait3A_213 = tpu.memref_slice %arg12[%dma_wait3A_211, %dma_wait3A_212] : memref<2x800xi32, #tpu.memory_space<vmem>> -> memref<1x800xi32, #tpu.memory_space<vmem>>
        %dma_wait3A_214 = tpu.memref_squeeze %dma_wait3A_213 : memref<1x800xi32, #tpu.memory_space<vmem>> -> memref<800xi32, #tpu.memory_space<vmem>>
        %dma_wait3A_215 = arith.constant 0 : i32
        %dma_wait3A_216 = tpu.memref_slice %arg3[%dma_wait3A_210, %dma_wait3A_215] : memref<2x320000xi32, #tpu.memory_space<hbm>> -> memref<1x800xi32, #tpu.memory_space<hbm>>
        %dma_wait3A_217 = tpu.memref_squeeze %dma_wait3A_216 : memref<1x800xi32, #tpu.memory_space<hbm>> -> memref<800xi32, #tpu.memory_space<hbm>>
        %dma_wait3A_218 = arith.constant 0 : i32
        %dma_wait3A_219 = tpu.memref_slice %arg12[%dma_wait3A_211, %dma_wait3A_218] : memref<2x800xi32, #tpu.memory_space<vmem>> -> memref<1x800xi32, #tpu.memory_space<vmem>>
        %dma_wait3A_220 = tpu.memref_squeeze %dma_wait3A_219 : memref<1x800xi32, #tpu.memory_space<vmem>> -> memref<800xi32, #tpu.memory_space<vmem>>
        %dma_wait3A_221 = arith.constant 0 : i32
        %dma_wait3A_222 = tpu.memref_slice %arg3[%dma_wait3A_210, %dma_wait3A_221] : memref<2x320000xi32, #tpu.memory_space<hbm>> -> memref<1x800xi32, #tpu.memory_space<hbm>>
        %dma_wait3A_223 = tpu.memref_squeeze %dma_wait3A_222 : memref<1x800xi32, #tpu.memory_space<hbm>> -> memref<800xi32, #tpu.memory_space<hbm>>
        tpu.wait_dma2 semaphore(%arg15 : memref<!tpu.dma_semaphore, #tpu.memory_space<semaphore_mem>>) src(%dma_wait3A_223 : memref<800xi32, #tpu.memory_space<hbm>>) dst(%dma_wait3A_220 : memref<800xi32, #tpu.memory_space<vmem>>)
        %dma_wait3A_224 = arith.constant 1 : i32
        %dma_wait3A_225 = arith.constant 0 : i32
        %dma_wait3A_226 = tpu.memref_slice %arg13[%dma_wait3A_224, %dma_wait3A_225] : memref<2x800xf32, #tpu.memory_space<vmem>> -> memref<1x800xf32, #tpu.memory_space<vmem>>
        %dma_wait3A_227 = tpu.memref_squeeze %dma_wait3A_226 : memref<1x800xf32, #tpu.memory_space<vmem>> -> memref<800xf32, #tpu.memory_space<vmem>>
        %dma_wait3A_228 = arith.constant 0 : i32
        %dma_wait3A_229 = tpu.memref_slice %arg4[%dma_wait3A_228] : memref<320000xf32, #tpu.memory_space<hbm>> -> memref<800xf32, #tpu.memory_space<hbm>>
        %dma_wait3A_230 = arith.constant 0 : i32
        %dma_wait3A_231 = tpu.memref_slice %arg13[%dma_wait3A_224, %dma_wait3A_230] : memref<2x800xf32, #tpu.memory_space<vmem>> -> memref<1x800xf32, #tpu.memory_space<vmem>>
        %dma_wait3A_232 = tpu.memref_squeeze %dma_wait3A_231 : memref<1x800xf32, #tpu.memory_space<vmem>> -> memref<800xf32, #tpu.memory_space<vmem>>
        %dma_wait3A_233 = arith.constant 0 : i32
        %dma_wait3A_234 = tpu.memref_slice %arg4[%dma_wait3A_233] : memref<320000xf32, #tpu.memory_space<hbm>> -> memref<800xf32, #tpu.memory_space<hbm>>
        tpu.wait_dma2 semaphore(%arg15 : memref<!tpu.dma_semaphore, #tpu.memory_space<semaphore_mem>>) src(%dma_wait3A_234 : memref<800xf32, #tpu.memory_space<hbm>>) dst(%dma_wait3A_232 : memref<800xf32, #tpu.memory_space<vmem>>)
        %add3A_235 = arith.constant 2 : i32
        %add3A_236 = arith.addi %mul3A_111, %add3A_235 : i32
        %lt3A_237 = arith.constant 50 : i32
        %lt3A_238 = arith.cmpi slt, %add3A_236, %lt3A_237 : i32
        %convert_element_type3A_239 = arith.extui %lt3A_238 : i1 to i32
        %cond3A_240 = arith.constant 0 : i32
        %cond3A_241 = arith.cmpi ne, %convert_element_type3A_239, %cond3A_240 : i32
        scf.if %cond3A_241 {
          %add3A_248 = arith.constant 2 : i32
          %add3A_249 = arith.addi %mul3A_111, %add3A_248 : i32
          %mul3A_250 = arith.constant 800 : i32
          %mul3A_251 = arith.muli %add3A_249, %mul3A_250 : i32
          %add3A_252 = arith.addi %select_n3A_49, %mul3A_251 : i32
          %multiple_of3A_253 = tpu.assume_multiple %add3A_252, 8 : i32
          %dma_start3A_254 = arith.constant 0 : i32
          %dma_start3A_255 = arith.constant 0 : i32
          %dma_start3A_256 = arith.constant 0 : i32
          %dma_start3A_257 = tpu.memref_slice %arg11[%dma_start3A_255, %dma_start3A_256] : memref<2x800xi32, #tpu.memory_space<vmem>> -> memref<1x800xi32, #tpu.memory_space<vmem>>
          %dma_start3A_258 = tpu.memref_squeeze %dma_start3A_257 : memref<1x800xi32, #tpu.memory_space<vmem>> -> memref<800xi32, #tpu.memory_space<vmem>>
          %dma_start3A_259 = tpu.memref_slice %arg3[%dma_start3A_254, %multiple_of3A_253] : memref<2x320000xi32, #tpu.memory_space<hbm>> -> memref<1x800xi32, #tpu.memory_space<hbm>>
          %dma_start3A_260 = tpu.memref_squeeze %dma_start3A_259 : memref<1x800xi32, #tpu.memory_space<hbm>> -> memref<800xi32, #tpu.memory_space<hbm>>
          %dma_start3A_261 = arith.constant 0 : i32
          %dma_start3A_262 = tpu.memref_slice %arg11[%dma_start3A_255, %dma_start3A_261] : memref<2x800xi32, #tpu.memory_space<vmem>> -> memref<1x800xi32, #tpu.memory_space<vmem>>
          %dma_start3A_263 = tpu.memref_squeeze %dma_start3A_262 : memref<1x800xi32, #tpu.memory_space<vmem>> -> memref<800xi32, #tpu.memory_space<vmem>>
          %dma_start3A_264 = tpu.memref_slice %arg3[%dma_start3A_254, %multiple_of3A_253] : memref<2x320000xi32, #tpu.memory_space<hbm>> -> memref<1x800xi32, #tpu.memory_space<hbm>>
          %dma_start3A_265 = tpu.memref_squeeze %dma_start3A_264 : memref<1x800xi32, #tpu.memory_space<hbm>> -> memref<800xi32, #tpu.memory_space<hbm>>
          tpu.enqueue_dma source(%dma_start3A_265 : memref<800xi32, #tpu.memory_space<hbm>>) target(%dma_start3A_263 : memref<800xi32, #tpu.memory_space<vmem>>) target_semaphore(%arg14 : memref<!tpu.dma_semaphore, #tpu.memory_space<semaphore_mem>>)
          %dma_start3A_266 = arith.constant 1 : i32
          %dma_start3A_267 = arith.constant 0 : i32
          %dma_start3A_268 = arith.constant 0 : i32
          %dma_start3A_269 = tpu.memref_slice %arg12[%dma_start3A_267, %dma_start3A_268] : memref<2x800xi32, #tpu.memory_space<vmem>> -> memref<1x800xi32, #tpu.memory_space<vmem>>
          %dma_start3A_270 = tpu.memref_squeeze %dma_start3A_269 : memref<1x800xi32, #tpu.memory_space<vmem>> -> memref<800xi32, #tpu.memory_space<vmem>>
          %dma_start3A_271 = tpu.memref_slice %arg3[%dma_start3A_266, %multiple_of3A_253] : memref<2x320000xi32, #tpu.memory_space<hbm>> -> memref<1x800xi32, #tpu.memory_space<hbm>>
          %dma_start3A_272 = tpu.memref_squeeze %dma_start3A_271 : memref<1x800xi32, #tpu.memory_space<hbm>> -> memref<800xi32, #tpu.memory_space<hbm>>
          %dma_start3A_273 = arith.constant 0 : i32
          %dma_start3A_274 = tpu.memref_slice %arg12[%dma_start3A_267, %dma_start3A_273] : memref<2x800xi32, #tpu.memory_space<vmem>> -> memref<1x800xi32, #tpu.memory_space<vmem>>
          %dma_start3A_275 = tpu.memref_squeeze %dma_start3A_274 : memref<1x800xi32, #tpu.memory_space<vmem>> -> memref<800xi32, #tpu.memory_space<vmem>>
          %dma_start3A_276 = tpu.memref_slice %arg3[%dma_start3A_266, %multiple_of3A_253] : memref<2x320000xi32, #tpu.memory_space<hbm>> -> memref<1x800xi32, #tpu.memory_space<hbm>>
          %dma_start3A_277 = tpu.memref_squeeze %dma_start3A_276 : memref<1x800xi32, #tpu.memory_space<hbm>> -> memref<800xi32, #tpu.memory_space<hbm>>
          tpu.enqueue_dma source(%dma_start3A_277 : memref<800xi32, #tpu.memory_space<hbm>>) target(%dma_start3A_275 : memref<800xi32, #tpu.memory_space<vmem>>) target_semaphore(%arg14 : memref<!tpu.dma_semaphore, #tpu.memory_space<semaphore_mem>>)
          %dma_start3A_278 = arith.constant 0 : i32
          %dma_start3A_279 = arith.constant 0 : i32
          %dma_start3A_280 = tpu.memref_slice %arg13[%dma_start3A_278, %dma_start3A_279] : memref<2x800xf32, #tpu.memory_space<vmem>> -> memref<1x800xf32, #tpu.memory_space<vmem>>
          %dma_start3A_281 = tpu.memref_squeeze %dma_start3A_280 : memref<1x800xf32, #tpu.memory_space<vmem>> -> memref<800xf32, #tpu.memory_space<vmem>>
          %dma_start3A_282 = tpu.memref_slice %arg4[%multiple_of3A_253] : memref<320000xf32, #tpu.memory_space<hbm>> -> memref<800xf32, #tpu.memory_space<hbm>>
          %dma_start3A_283 = arith.constant 0 : i32
          %dma_start3A_284 = tpu.memref_slice %arg13[%dma_start3A_278, %dma_start3A_283] : memref<2x800xf32, #tpu.memory_space<vmem>> -> memref<1x800xf32, #tpu.memory_space<vmem>>
          %dma_start3A_285 = tpu.memref_squeeze %dma_start3A_284 : memref<1x800xf32, #tpu.memory_space<vmem>> -> memref<800xf32, #tpu.memory_space<vmem>>
          %dma_start3A_286 = tpu.memref_slice %arg4[%multiple_of3A_253] : memref<320000xf32, #tpu.memory_space<hbm>> -> memref<800xf32, #tpu.memory_space<hbm>>
          tpu.enqueue_dma source(%dma_start3A_286 : memref<800xf32, #tpu.memory_space<hbm>>) target(%dma_start3A_285 : memref<800xf32, #tpu.memory_space<vmem>>) target_semaphore(%arg14 : memref<!tpu.dma_semaphore, #tpu.memory_space<semaphore_mem>>)
        } else {
        }
        %parallel_loop3A_242 = arith.constant 0 : i32
        %parallel_loop3A_243 = arith.constant 50 : i32
        %parallel_loop3A_244 = arith.constant 1 : i32
        %parallel_loop3A_245 = arith.constant 1 : i32
        %parallel_loop3A_246 = arith.constant 1 : i32
        %parallel_loop3A_247 = arith.constant 1 : i32
        scf.for %parallel_loop3A_248 = %parallel_loop3A_242 to %parallel_loop3A_243 step %parallel_loop3A_244  : i32 {
          %parallel_loop3A_249 = arith.constant 16 : i32
          %parallel_loop3A_250 = arith.muli %parallel_loop3A_248, %parallel_loop3A_249 : i32
          %parallel_loop3A_251 = arith.constant 0 : i32
          %parallel_loop3A_252 = tpu.memref_slice %arg11[%parallel_loop3A_245, %parallel_loop3A_251] : memref<2x800xi32, #tpu.memory_space<vmem>> -> memref<1x800xi32, #tpu.memory_space<vmem>>
          %parallel_loop3A_253 = tpu.memref_squeeze %parallel_loop3A_252 : memref<1x800xi32, #tpu.memory_space<vmem>> -> memref<800xi32, #tpu.memory_space<vmem>>
          %parallel_loop3A_254 = arith.index_cast %parallel_loop3A_250 : i32 to index
          %parallel_loop3A_255 = tpu.vector_load %parallel_loop3A_253[%parallel_loop3A_254] {strides = array<i32>} : memref<800xi32, #tpu.memory_space<vmem>>, vector<16xi32>,
          %parallel_loop3A_256 = arith.constant 0 : i32
          %parallel_loop3A_257 = tpu.memref_slice %arg12[%parallel_loop3A_246, %parallel_loop3A_256] : memref<2x800xi32, #tpu.memory_space<vmem>> -> memref<1x800xi32, #tpu.memory_space<vmem>>
          %parallel_loop3A_258 = tpu.memref_squeeze %parallel_loop3A_257 : memref<1x800xi32, #tpu.memory_space<vmem>> -> memref<800xi32, #tpu.memory_space<vmem>>
          %parallel_loop3A_259 = arith.index_cast %parallel_loop3A_250 : i32 to index
          %parallel_loop3A_260 = tpu.vector_load %parallel_loop3A_258[%parallel_loop3A_259] {strides = array<i32>} : memref<800xi32, #tpu.memory_space<vmem>>, vector<16xi32>,
          %parallel_loop3A_261 = arith.constant 0 : i32
          %parallel_loop3A_262 = tpu.memref_slice %arg13[%parallel_loop3A_247, %parallel_loop3A_261] : memref<2x800xf32, #tpu.memory_space<vmem>> -> memref<1x800xf32, #tpu.memory_space<vmem>>
          %parallel_loop3A_263 = tpu.memref_squeeze %parallel_loop3A_262 : memref<1x800xf32, #tpu.memory_space<vmem>> -> memref<800xf32, #tpu.memory_space<vmem>>
          %parallel_loop3A_264 = arith.index_cast %parallel_loop3A_250 : i32 to index
          %parallel_loop3A_265 = tpu.vector_load %parallel_loop3A_263[%parallel_loop3A_264] {strides = array<i32>} : memref<800xf32, #tpu.memory_space<vmem>>, vector<16xf32>,
          %parallel_loop3A_266 = arith.constant 0 : i32
          %parallel_loop3A_267 = arith.constant 0 : i32
          %parallel_loop3A_268 = tpu.memref_slice %arg6[%parallel_loop3A_266, %parallel_loop3A_267] : memref<4x10240xf32, #tpu.memory_space<vmem>> -> memref<1x10240xf32, #tpu.memory_space<vmem>>
          %parallel_loop3A_269 = tpu.memref_squeeze %parallel_loop3A_268 : memref<1x10240xf32, #tpu.memory_space<vmem>> -> memref<10240xf32, #tpu.memory_space<vmem>>
          %parallel_loop3A_270 = tpu.vector_load_idx %parallel_loop3A_269[%parallel_loop3A_255] : memref<10240xf32, #tpu.memory_space<vmem>>[vector<16xi32>], vector<16xf32>,
          %parallel_loop3A_271 = arith.mulf %parallel_loop3A_270, %parallel_loop3A_265 : vector<16xf32>
          tpu.vector_store_idx %arg7[%parallel_loop3A_260], %parallel_loop3A_271 {add = true} : memref<10240xf32, #tpu.memory_space<vmem>>[vector<16xi32>], vector<16xf32>,
          %parallel_loop3A_272 = arith.constant 1 : i32
          %parallel_loop3A_273 = arith.constant 0 : i32
          %parallel_loop3A_274 = tpu.memref_slice %arg6[%parallel_loop3A_272, %parallel_loop3A_273] : memref<4x10240xf32, #tpu.memory_space<vmem>> -> memref<1x10240xf32, #tpu.memory_space<vmem>>
          %parallel_loop3A_275 = tpu.memref_squeeze %parallel_loop3A_274 : memref<1x10240xf32, #tpu.memory_space<vmem>> -> memref<10240xf32, #tpu.memory_space<vmem>>
          %parallel_loop3A_276 = tpu.vector_load_idx %parallel_loop3A_275[%parallel_loop3A_255] : memref<10240xf32, #tpu.memory_space<vmem>>[vector<16xi32>], vector<16xf32>,
          %parallel_loop3A_277 = arith.mulf %parallel_loop3A_276, %parallel_loop3A_265 : vector<16xf32>
          tpu.vector_store_idx %arg8[%parallel_loop3A_260], %parallel_loop3A_277 {add = true} : memref<10240xf32, #tpu.memory_space<vmem>>[vector<16xi32>], vector<16xf32>,
          %parallel_loop3A_278 = arith.constant 2 : i32
          %parallel_loop3A_279 = arith.constant 0 : i32
          %parallel_loop3A_280 = tpu.memref_slice %arg6[%parallel_loop3A_278, %parallel_loop3A_279] : memref<4x10240xf32, #tpu.memory_space<vmem>> -> memref<1x10240xf32, #tpu.memory_space<vmem>>
          %parallel_loop3A_281 = tpu.memref_squeeze %parallel_loop3A_280 : memref<1x10240xf32, #tpu.memory_space<vmem>> -> memref<10240xf32, #tpu.memory_space<vmem>>
          %parallel_loop3A_282 = tpu.vector_load_idx %parallel_loop3A_281[%parallel_loop3A_255] : memref<10240xf32, #tpu.memory_space<vmem>>[vector<16xi32>], vector<16xf32>,
          %parallel_loop3A_283 = arith.mulf %parallel_loop3A_282, %parallel_loop3A_265 : vector<16xf32>
          tpu.vector_store_idx %arg9[%parallel_loop3A_260], %parallel_loop3A_283 {add = true} : memref<10240xf32, #tpu.memory_space<vmem>>[vector<16xi32>], vector<16xf32>,
          %parallel_loop3A_284 = arith.constant 3 : i32
          %parallel_loop3A_285 = arith.constant 0 : i32
          %parallel_loop3A_286 = tpu.memref_slice %arg6[%parallel_loop3A_284, %parallel_loop3A_285] : memref<4x10240xf32, #tpu.memory_space<vmem>> -> memref<1x10240xf32, #tpu.memory_space<vmem>>
          %parallel_loop3A_287 = tpu.memref_squeeze %parallel_loop3A_286 : memref<1x10240xf32, #tpu.memory_space<vmem>> -> memref<10240xf32, #tpu.memory_space<vmem>>
          %parallel_loop3A_288 = tpu.vector_load_idx %parallel_loop3A_287[%parallel_loop3A_255] : memref<10240xf32, #tpu.memory_space<vmem>>[vector<16xi32>], vector<16xf32>,
          %parallel_loop3A_289 = arith.mulf %parallel_loop3A_288, %parallel_loop3A_265 : vector<16xf32>
          tpu.vector_store_idx %arg10[%parallel_loop3A_260], %parallel_loop3A_289 {add = true} : memref<10240xf32, #tpu.memory_space<vmem>>[vector<16xi32>], vector<16xf32>,
        } {sc.loop_unroll_factor = 10 : i64, sc.parallel_access}
      }
      %scan3A_108 = arith.constant 25 : i32
    } else {
    }
    %eq3A_91 = arith.constant 1 : i32
    %eq3A_92 = arith.cmpi eq, %arg0, %eq3A_91 : i32
    %convert_element_type3A_93 = arith.extui %eq3A_92 : i1 to i32
    %cond3A_94 = arith.constant 0 : i32
    %cond3A_95 = arith.cmpi ne, %convert_element_type3A_93, %cond3A_94 : i32
    scf.if %cond3A_95 {
      %scan3A = arith.constant 0 : i32
      %scan3A_104 = arith.constant 0 : i32
      %scan3A_105 = arith.constant 25 : i32
      %scan3A_106 = arith.addi %scan3A_104, %scan3A_105 : i32
      %scan3A_107 = arith.constant 1 : i32
      scf.for %scan3A_109 = %scan3A_104 to %scan3A_106 step %scan3A_107  : i32 {
        %mul3A_110 = arith.constant 2 : i32
        %mul3A_111 = arith.muli %scan3A_109, %mul3A_110 : i32
        %dma_wait3A_112 = arith.constant 0 : i32
        %dma_wait3A_113 = arith.constant 0 : i32
        %dma_wait3A_114 = arith.constant 0 : i32
        %dma_wait3A_115 = tpu.memref_slice %arg11[%dma_wait3A_113, %dma_wait3A_114] : memref<2x800xi32, #tpu.memory_space<vmem>> -> memref<1x800xi32, #tpu.memory_space<vmem>>
        %dma_wait3A_116 = tpu.memref_squeeze %dma_wait3A_115 : memref<1x800xi32, #tpu.memory_space<vmem>> -> memref<800xi32, #tpu.memory_space<vmem>>
        %dma_wait3A_117 = arith.constant 0 : i32
        %dma_wait3A_118 = tpu.memref_slice %arg3[%dma_wait3A_112, %dma_wait3A_117] : memref<2x320000xi32, #tpu.memory_space<hbm>> -> memref<1x800xi32, #tpu.memory_space<hbm>>
        %dma_wait3A_119 = tpu.memref_squeeze %dma_wait3A_118 : memref<1x800xi32, #tpu.memory_space<hbm>> -> memref<800xi32, #tpu.memory_space<hbm>>
        %dma_wait3A_120 = arith.constant 0 : i32
        %dma_wait3A_121 = tpu.memref_slice %arg11[%dma_wait3A_113, %dma_wait3A_120] : memref<2x800xi32, #tpu.memory_space<vmem>> -> memref<1x800xi32, #tpu.memory_space<vmem>>
        %dma_wait3A_122 = tpu.memref_squeeze %dma_wait3A_121 : memref<1x800xi32, #tpu.memory_space<vmem>> -> memref<800xi32, #tpu.memory_space<vmem>>
        %dma_wait3A_123 = arith.constant 0 : i32
        %dma_wait3A_124 = tpu.memref_slice %arg3[%dma_wait3A_112, %dma_wait3A_123] : memref<2x320000xi32, #tpu.memory_space<hbm>> -> memref<1x800xi32, #tpu.memory_space<hbm>>
        %dma_wait3A_125 = tpu.memref_squeeze %dma_wait3A_124 : memref<1x800xi32, #tpu.memory_space<hbm>> -> memref<800xi32, #tpu.memory_space<hbm>>
        tpu.wait_dma2 semaphore(%arg14 : memref<!tpu.dma_semaphore, #tpu.memory_space<semaphore_mem>>) src(%dma_wait3A_125 : memref<800xi32, #tpu.memory_space<hbm>>) dst(%dma_wait3A_122 : memref<800xi32, #tpu.memory_space<vmem>>)
        %dma_wait3A_126 = arith.constant 1 : i32
        %dma_wait3A_127 = arith.constant 0 : i32
        %dma_wait3A_128 = arith.constant 0 : i32
        %dma_wait3A_129 = tpu.memref_slice %arg12[%dma_wait3A_127, %dma_wait3A_128] : memref<2x800xi32, #tpu.memory_space<vmem>> -> memref<1x800xi32, #tpu.memory_space<vmem>>
        %dma_wait3A_130 = tpu.memref_squeeze %dma_wait3A_129 : memref<1x800xi32, #tpu.memory_space<vmem>> -> memref<800xi32, #tpu.memory_space<vmem>>
        %dma_wait3A_131 = arith.constant 0 : i32
        %dma_wait3A_132 = tpu.memref_slice %arg3[%dma_wait3A_126, %dma_wait3A_131] : memref<2x320000xi32, #tpu.memory_space<hbm>> -> memref<1x800xi32, #tpu.memory_space<hbm>>
        %dma_wait3A_133 = tpu.memref_squeeze %dma_wait3A_132 : memref<1x800xi32, #tpu.memory_space<hbm>> -> memref<800xi32, #tpu.memory_space<hbm>>
        %dma_wait3A_134 = arith.constant 0 : i32
        %dma_wait3A_135 = tpu.memref_slice %arg12[%dma_wait3A_127, %dma_wait3A_134] : memref<2x800xi32, #tpu.memory_space<vmem>> -> memref<1x800xi32, #tpu.memory_space<vmem>>
        %dma_wait3A_136 = tpu.memref_squeeze %dma_wait3A_135 : memref<1x800xi32, #tpu.memory_space<vmem>> -> memref<800xi32, #tpu.memory_space<vmem>>
        %dma_wait3A_137 = arith.constant 0 : i32
        %dma_wait3A_138 = tpu.memref_slice %arg3[%dma_wait3A_126, %dma_wait3A_137] : memref<2x320000xi32, #tpu.memory_space<hbm>> -> memref<1x800xi32, #tpu.memory_space<hbm>>
        %dma_wait3A_139 = tpu.memref_squeeze %dma_wait3A_138 : memref<1x800xi32, #tpu.memory_space<hbm>> -> memref<800xi32, #tpu.memory_space<hbm>>
        tpu.wait_dma2 semaphore(%arg14 : memref<!tpu.dma_semaphore, #tpu.memory_space<semaphore_mem>>) src(%dma_wait3A_139 : memref<800xi32, #tpu.memory_space<hbm>>) dst(%dma_wait3A_136 : memref<800xi32, #tpu.memory_space<vmem>>)
        %dma_wait3A_140 = arith.constant 0 : i32
        %dma_wait3A_141 = arith.constant 0 : i32
        %dma_wait3A_142 = tpu.memref_slice %arg13[%dma_wait3A_140, %dma_wait3A_141] : memref<2x800xf32, #tpu.memory_space<vmem>> -> memref<1x800xf32, #tpu.memory_space<vmem>>
        %dma_wait3A_143 = tpu.memref_squeeze %dma_wait3A_142 : memref<1x800xf32, #tpu.memory_space<vmem>> -> memref<800xf32, #tpu.memory_space<vmem>>
        %dma_wait3A_144 = arith.constant 0 : i32
        %dma_wait3A_145 = tpu.memref_slice %arg4[%dma_wait3A_144] : memref<320000xf32, #tpu.memory_space<hbm>> -> memref<800xf32, #tpu.memory_space<hbm>>
        %dma_wait3A_146 = arith.constant 0 : i32
        %dma_wait3A_147 = tpu.memref_slice %arg13[%dma_wait3A_140, %dma_wait3A_146] : memref<2x800xf32, #tpu.memory_space<vmem>> -> memref<1x800xf32, #tpu.memory_space<vmem>>
        %dma_wait3A_148 = tpu.memref_squeeze %dma_wait3A_147 : memref<1x800xf32, #tpu.memory_space<vmem>> -> memref<800xf32, #tpu.memory_space<vmem>>
        %dma_wait3A_149 = arith.constant 0 : i32
        %dma_wait3A_150 = tpu.memref_slice %arg4[%dma_wait3A_149] : memref<320000xf32, #tpu.memory_space<hbm>> -> memref<800xf32, #tpu.memory_space<hbm>>
        tpu.wait_dma2 semaphore(%arg14 : memref<!tpu.dma_semaphore, #tpu.memory_space<semaphore_mem>>) src(%dma_wait3A_150 : memref<800xf32, #tpu.memory_space<hbm>>) dst(%dma_wait3A_148 : memref<800xf32, #tpu.memory_space<vmem>>)
        %add3A_151 = arith.constant 1 : i32
        %add3A_152 = arith.addi %mul3A_111, %add3A_151 : i32
        %mul3A_153 = arith.constant 800 : i32
        %mul3A_154 = arith.muli %add3A_152, %mul3A_153 : i32
        %add3A_155 = arith.addi %select_n3A_49, %mul3A_154 : i32
        %multiple_of3A_156 = tpu.assume_multiple %add3A_155, 8 : i32
        %dma_start3A_157 = arith.constant 0 : i32
        %dma_start3A_158 = arith.constant 1 : i32
        %dma_start3A_159 = arith.constant 0 : i32
        %dma_start3A_160 = tpu.memref_slice %arg11[%dma_start3A_158, %dma_start3A_159] : memref<2x800xi32, #tpu.memory_space<vmem>> -> memref<1x800xi32, #tpu.memory_space<vmem>>
        %dma_start3A_161 = tpu.memref_squeeze %dma_start3A_160 : memref<1x800xi32, #tpu.memory_space<vmem>> -> memref<800xi32, #tpu.memory_space<vmem>>
        %dma_start3A_162 = tpu.memref_slice %arg3[%dma_start3A_157, %multiple_of3A_156] : memref<2x320000xi32, #tpu.memory_space<hbm>> -> memref<1x800xi32, #tpu.memory_space<hbm>>
        %dma_start3A_163 = tpu.memref_squeeze %dma_start3A_162 : memref<1x800xi32, #tpu.memory_space<hbm>> -> memref<800xi32, #tpu.memory_space<hbm>>
        %dma_start3A_164 = arith.constant 0 : i32
        %dma_start3A_165 = tpu.memref_slice %arg11[%dma_start3A_158, %dma_start3A_164] : memref<2x800xi32, #tpu.memory_space<vmem>> -> memref<1x800xi32, #tpu.memory_space<vmem>>
        %dma_start3A_166 = tpu.memref_squeeze %dma_start3A_165 : memref<1x800xi32, #tpu.memory_space<vmem>> -> memref<800xi32, #tpu.memory_space<vmem>>
        %dma_start3A_167 = tpu.memref_slice %arg3[%dma_start3A_157, %multiple_of3A_156] : memref<2x320000xi32, #tpu.memory_space<hbm>> -> memref<1x800xi32, #tpu.memory_space<hbm>>
        %dma_start3A_168 = tpu.memref_squeeze %dma_start3A_167 : memref<1x800xi32, #tpu.memory_space<hbm>> -> memref<800xi32, #tpu.memory_space<hbm>>
        tpu.enqueue_dma source(%dma_start3A_168 : memref<800xi32, #tpu.memory_space<hbm>>) target(%dma_start3A_166 : memref<800xi32, #tpu.memory_space<vmem>>) target_semaphore(%arg15 : memref<!tpu.dma_semaphore, #tpu.memory_space<semaphore_mem>>)
        %dma_start3A_169 = arith.constant 1 : i32
        %dma_start3A_170 = arith.constant 1 : i32
        %dma_start3A_171 = arith.constant 0 : i32
        %dma_start3A_172 = tpu.memref_slice %arg12[%dma_start3A_170, %dma_start3A_171] : memref<2x800xi32, #tpu.memory_space<vmem>> -> memref<1x800xi32, #tpu.memory_space<vmem>>
        %dma_start3A_173 = tpu.memref_squeeze %dma_start3A_172 : memref<1x800xi32, #tpu.memory_space<vmem>> -> memref<800xi32, #tpu.memory_space<vmem>>
        %dma_start3A_174 = tpu.memref_slice %arg3[%dma_start3A_169, %multiple_of3A_156] : memref<2x320000xi32, #tpu.memory_space<hbm>> -> memref<1x800xi32, #tpu.memory_space<hbm>>
        %dma_start3A_175 = tpu.memref_squeeze %dma_start3A_174 : memref<1x800xi32, #tpu.memory_space<hbm>> -> memref<800xi32, #tpu.memory_space<hbm>>
        %dma_start3A_176 = arith.constant 0 : i32
        %dma_start3A_177 = tpu.memref_slice %arg12[%dma_start3A_170, %dma_start3A_176] : memref<2x800xi32, #tpu.memory_space<vmem>> -> memref<1x800xi32, #tpu.memory_space<vmem>>
        %dma_start3A_178 = tpu.memref_squeeze %dma_start3A_177 : memref<1x800xi32, #tpu.memory_space<vmem>> -> memref<800xi32, #tpu.memory_space<vmem>>
        %dma_start3A_179 = tpu.memref_slice %arg3[%dma_start3A_169, %multiple_of3A_156] : memref<2x320000xi32, #tpu.memory_space<hbm>> -> memref<1x800xi32, #tpu.memory_space<hbm>>
        %dma_start3A_180 = tpu.memref_squeeze %dma_start3A_179 : memref<1x800xi32, #tpu.memory_space<hbm>> -> memref<800xi32, #tpu.memory_space<hbm>>
        tpu.enqueue_dma source(%dma_start3A_180 : memref<800xi32, #tpu.memory_space<hbm>>) target(%dma_start3A_178 : memref<800xi32, #tpu.memory_space<vmem>>) target_semaphore(%arg15 : memref<!tpu.dma_semaphore, #tpu.memory_space<semaphore_mem>>)
        %dma_start3A_181 = arith.constant 1 : i32
        %dma_start3A_182 = arith.constant 0 : i32
        %dma_start3A_183 = tpu.memref_slice %arg13[%dma_start3A_181, %dma_start3A_182] : memref<2x800xf32, #tpu.memory_space<vmem>> -> memref<1x800xf32, #tpu.memory_space<vmem>>
        %dma_start3A_184 = tpu.memref_squeeze %dma_start3A_183 : memref<1x800xf32, #tpu.memory_space<vmem>> -> memref<800xf32, #tpu.memory_space<vmem>>
        %dma_start3A_185 = tpu.memref_slice %arg4[%multiple_of3A_156] : memref<320000xf32, #tpu.memory_space<hbm>> -> memref<800xf32, #tpu.memory_space<hbm>>
        %dma_start3A_186 = arith.constant 0 : i32
        %dma_start3A_187 = tpu.memref_slice %arg13[%dma_start3A_181, %dma_start3A_186] : memref<2x800xf32, #tpu.memory_space<vmem>> -> memref<1x800xf32, #tpu.memory_space<vmem>>
        %dma_start3A_188 = tpu.memref_squeeze %dma_start3A_187 : memref<1x800xf32, #tpu.memory_space<vmem>> -> memref<800xf32, #tpu.memory_space<vmem>>
        %dma_start3A_189 = tpu.memref_slice %arg4[%multiple_of3A_156] : memref<320000xf32, #tpu.memory_space<hbm>> -> memref<800xf32, #tpu.memory_space<hbm>>
        tpu.enqueue_dma source(%dma_start3A_189 : memref<800xf32, #tpu.memory_space<hbm>>) target(%dma_start3A_188 : memref<800xf32, #tpu.memory_space<vmem>>) target_semaphore(%arg15 : memref<!tpu.dma_semaphore, #tpu.memory_space<semaphore_mem>>)
        %parallel_loop3A_190 = arith.constant 0 : i32
        %parallel_loop3A_191 = arith.constant 50 : i32
        %parallel_loop3A_192 = arith.constant 1 : i32
        %parallel_loop3A_193 = arith.constant 0 : i32
        %parallel_loop3A_194 = arith.constant 0 : i32
        %parallel_loop3A_195 = arith.constant 0 : i32
        scf.for %parallel_loop3A_248 = %parallel_loop3A_190 to %parallel_loop3A_191 step %parallel_loop3A_192  : i32 {
          %parallel_loop3A_249 = arith.constant 16 : i32
          %parallel_loop3A_250 = arith.muli %parallel_loop3A_248, %parallel_loop3A_249 : i32
          %parallel_loop3A_251 = arith.constant 0 : i32
          %parallel_loop3A_252 = tpu.memref_slice %arg11[%parallel_loop3A_193, %parallel_loop3A_251] : memref<2x800xi32, #tpu.memory_space<vmem>> -> memref<1x800xi32, #tpu.memory_space<vmem>>
          %parallel_loop3A_253 = tpu.memref_squeeze %parallel_loop3A_252 : memref<1x800xi32, #tpu.memory_space<vmem>> -> memref<800xi32, #tpu.memory_space<vmem>>
          %parallel_loop3A_254 = arith.index_cast %parallel_loop3A_250 : i32 to index
          %parallel_loop3A_255 = tpu.vector_load %parallel_loop3A_253[%parallel_loop3A_254] {strides = array<i32>} : memref<800xi32, #tpu.memory_space<vmem>>, vector<16xi32>,
          %parallel_loop3A_256 = arith.constant 0 : i32
          %parallel_loop3A_257 = tpu.memref_slice %arg12[%parallel_loop3A_194, %parallel_loop3A_256] : memref<2x800xi32, #tpu.memory_space<vmem>> -> memref<1x800xi32, #tpu.memory_space<vmem>>
          %parallel_loop3A_258 = tpu.memref_squeeze %parallel_loop3A_257 : memref<1x800xi32, #tpu.memory_space<vmem>> -> memref<800xi32, #tpu.memory_space<vmem>>
          %parallel_loop3A_259 = arith.index_cast %parallel_loop3A_250 : i32 to index
          %parallel_loop3A_260 = tpu.vector_load %parallel_loop3A_258[%parallel_loop3A_259] {strides = array<i32>} : memref<800xi32, #tpu.memory_space<vmem>>, vector<16xi32>,
          %parallel_loop3A_261 = arith.constant 0 : i32
          %parallel_loop3A_262 = tpu.memref_slice %arg13[%parallel_loop3A_195, %parallel_loop3A_261] : memref<2x800xf32, #tpu.memory_space<vmem>> -> memref<1x800xf32, #tpu.memory_space<vmem>>
          %parallel_loop3A_263 = tpu.memref_squeeze %parallel_loop3A_262 : memref<1x800xf32, #tpu.memory_space<vmem>> -> memref<800xf32, #tpu.memory_space<vmem>>
          %parallel_loop3A_264 = arith.index_cast %parallel_loop3A_250 : i32 to index
          %parallel_loop3A_265 = tpu.vector_load %parallel_loop3A_263[%parallel_loop3A_264] {strides = array<i32>} : memref<800xf32, #tpu.memory_space<vmem>>, vector<16xf32>,
          %parallel_loop3A_266 = arith.constant 0 : i32
          %parallel_loop3A_267 = arith.constant 0 : i32
          %parallel_loop3A_268 = tpu.memref_slice %arg6[%parallel_loop3A_266, %parallel_loop3A_267] : memref<4x10240xf32, #tpu.memory_space<vmem>> -> memref<1x10240xf32, #tpu.memory_space<vmem>>
          %parallel_loop3A_269 = tpu.memref_squeeze %parallel_loop3A_268 : memref<1x10240xf32, #tpu.memory_space<vmem>> -> memref<10240xf32, #tpu.memory_space<vmem>>
          %parallel_loop3A_270 = tpu.vector_load_idx %parallel_loop3A_269[%parallel_loop3A_255] : memref<10240xf32, #tpu.memory_space<vmem>>[vector<16xi32>], vector<16xf32>,
          %parallel_loop3A_271 = arith.mulf %parallel_loop3A_270, %parallel_loop3A_265 : vector<16xf32>
          tpu.vector_store_idx %arg7[%parallel_loop3A_260], %parallel_loop3A_271 {add = true} : memref<10240xf32, #tpu.memory_space<vmem>>[vector<16xi32>], vector<16xf32>,
          %parallel_loop3A_272 = arith.constant 1 : i32
          %parallel_loop3A_273 = arith.constant 0 : i32
          %parallel_loop3A_274 = tpu.memref_slice %arg6[%parallel_loop3A_272, %parallel_loop3A_273] : memref<4x10240xf32, #tpu.memory_space<vmem>> -> memref<1x10240xf32, #tpu.memory_space<vmem>>
          %parallel_loop3A_275 = tpu.memref_squeeze %parallel_loop3A_274 : memref<1x10240xf32, #tpu.memory_space<vmem>> -> memref<10240xf32, #tpu.memory_space<vmem>>
          %parallel_loop3A_276 = tpu.vector_load_idx %parallel_loop3A_275[%parallel_loop3A_255] : memref<10240xf32, #tpu.memory_space<vmem>>[vector<16xi32>], vector<16xf32>,
          %parallel_loop3A_277 = arith.mulf %parallel_loop3A_276, %parallel_loop3A_265 : vector<16xf32>
          tpu.vector_store_idx %arg8[%parallel_loop3A_260], %parallel_loop3A_277 {add = true} : memref<10240xf32, #tpu.memory_space<vmem>>[vector<16xi32>], vector<16xf32>,
          %parallel_loop3A_278 = arith.constant 2 : i32
          %parallel_loop3A_279 = arith.constant 0 : i32
          %parallel_loop3A_280 = tpu.memref_slice %arg6[%parallel_loop3A_278, %parallel_loop3A_279] : memref<4x10240xf32, #tpu.memory_space<vmem>> -> memref<1x10240xf32, #tpu.memory_space<vmem>>
          %parallel_loop3A_281 = tpu.memref_squeeze %parallel_loop3A_280 : memref<1x10240xf32, #tpu.memory_space<vmem>> -> memref<10240xf32, #tpu.memory_space<vmem>>
          %parallel_loop3A_282 = tpu.vector_load_idx %parallel_loop3A_281[%parallel_loop3A_255] : memref<10240xf32, #tpu.memory_space<vmem>>[vector<16xi32>], vector<16xf32>,
          %parallel_loop3A_283 = arith.mulf %parallel_loop3A_282, %parallel_loop3A_265 : vector<16xf32>
          tpu.vector_store_idx %arg9[%parallel_loop3A_260], %parallel_loop3A_283 {add = true} : memref<10240xf32, #tpu.memory_space<vmem>>[vector<16xi32>], vector<16xf32>,
          %parallel_loop3A_284 = arith.constant 3 : i32
          %parallel_loop3A_285 = arith.constant 0 : i32
          %parallel_loop3A_286 = tpu.memref_slice %arg6[%parallel_loop3A_284, %parallel_loop3A_285] : memref<4x10240xf32, #tpu.memory_space<vmem>> -> memref<1x10240xf32, #tpu.memory_space<vmem>>
          %parallel_loop3A_287 = tpu.memref_squeeze %parallel_loop3A_286 : memref<1x10240xf32, #tpu.memory_space<vmem>> -> memref<10240xf32, #tpu.memory_space<vmem>>
          %parallel_loop3A_288 = tpu.vector_load_idx %parallel_loop3A_287[%parallel_loop3A_255] : memref<10240xf32, #tpu.memory_space<vmem>>[vector<16xi32>], vector<16xf32>,
          %parallel_loop3A_289 = arith.mulf %parallel_loop3A_288, %parallel_loop3A_265 : vector<16xf32>
          tpu.vector_store_idx %arg10[%parallel_loop3A_260], %parallel_loop3A_289 {add = true} : memref<10240xf32, #tpu.memory_space<vmem>>[vector<16xi32>], vector<16xf32>,
        } {sc.loop_unroll_factor = 10 : i64, sc.parallel_access}
        %dma_wait3A_196 = arith.constant 0 : i32
        %dma_wait3A_197 = arith.constant 1 : i32
        %dma_wait3A_198 = arith.constant 0 : i32
        %dma_wait3A_199 = tpu.memref_slice %arg11[%dma_wait3A_197, %dma_wait3A_198] : memref<2x800xi32, #tpu.memory_space<vmem>> -> memref<1x800xi32, #tpu.memory_space<vmem>>
        %dma_wait3A_200 = tpu.memref_squeeze %dma_wait3A_199 : memref<1x800xi32, #tpu.memory_space<vmem>> -> memref<800xi32, #tpu.memory_space<vmem>>
        %dma_wait3A_201 = arith.constant 0 : i32
        %dma_wait3A_202 = tpu.memref_slice %arg3[%dma_wait3A_196, %dma_wait3A_201] : memref<2x320000xi32, #tpu.memory_space<hbm>> -> memref<1x800xi32, #tpu.memory_space<hbm>>
        %dma_wait3A_203 = tpu.memref_squeeze %dma_wait3A_202 : memref<1x800xi32, #tpu.memory_space<hbm>> -> memref<800xi32, #tpu.memory_space<hbm>>
        %dma_wait3A_204 = arith.constant 0 : i32
        %dma_wait3A_205 = tpu.memref_slice %arg11[%dma_wait3A_197, %dma_wait3A_204] : memref<2x800xi32, #tpu.memory_space<vmem>> -> memref<1x800xi32, #tpu.memory_space<vmem>>
        %dma_wait3A_206 = tpu.memref_squeeze %dma_wait3A_205 : memref<1x800xi32, #tpu.memory_space<vmem>> -> memref<800xi32, #tpu.memory_space<vmem>>
        %dma_wait3A_207 = arith.constant 0 : i32
        %dma_wait3A_208 = tpu.memref_slice %arg3[%dma_wait3A_196, %dma_wait3A_207] : memref<2x320000xi32, #tpu.memory_space<hbm>> -> memref<1x800xi32, #tpu.memory_space<hbm>>
        %dma_wait3A_209 = tpu.memref_squeeze %dma_wait3A_208 : memref<1x800xi32, #tpu.memory_space<hbm>> -> memref<800xi32, #tpu.memory_space<hbm>>
        tpu.wait_dma2 semaphore(%arg15 : memref<!tpu.dma_semaphore, #tpu.memory_space<semaphore_mem>>) src(%dma_wait3A_209 : memref<800xi32, #tpu.memory_space<hbm>>) dst(%dma_wait3A_206 : memref<800xi32, #tpu.memory_space<vmem>>)
        %dma_wait3A_210 = arith.constant 1 : i32
        %dma_wait3A_211 = arith.constant 1 : i32
        %dma_wait3A_212 = arith.constant 0 : i32
        %dma_wait3A_213 = tpu.memref_slice %arg12[%dma_wait3A_211, %dma_wait3A_212] : memref<2x800xi32, #tpu.memory_space<vmem>> -> memref<1x800xi32, #tpu.memory_space<vmem>>
        %dma_wait3A_214 = tpu.memref_squeeze %dma_wait3A_213 : memref<1x800xi32, #tpu.memory_space<vmem>> -> memref<800xi32, #tpu.memory_space<vmem>>
        %dma_wait3A_215 = arith.constant 0 : i32
        %dma_wait3A_216 = tpu.memref_slice %arg3[%dma_wait3A_210, %dma_wait3A_215] : memref<2x320000xi32, #tpu.memory_space<hbm>> -> memref<1x800xi32, #tpu.memory_space<hbm>>
        %dma_wait3A_217 = tpu.memref_squeeze %dma_wait3A_216 : memref<1x800xi32, #tpu.memory_space<hbm>> -> memref<800xi32, #tpu.memory_space<hbm>>
        %dma_wait3A_218 = arith.constant 0 : i32
        %dma_wait3A_219 = tpu.memref_slice %arg12[%dma_wait3A_211, %dma_wait3A_218] : memref<2x800xi32, #tpu.memory_space<vmem>> -> memref<1x800xi32, #tpu.memory_space<vmem>>
        %dma_wait3A_220 = tpu.memref_squeeze %dma_wait3A_219 : memref<1x800xi32, #tpu.memory_space<vmem>> -> memref<800xi32, #tpu.memory_space<vmem>>
        %dma_wait3A_221 = arith.constant 0 : i32
        %dma_wait3A_222 = tpu.memref_slice %arg3[%dma_wait3A_210, %dma_wait3A_221] : memref<2x320000xi32, #tpu.memory_space<hbm>> -> memref<1x800xi32, #tpu.memory_space<hbm>>
        %dma_wait3A_223 = tpu.memref_squeeze %dma_wait3A_222 : memref<1x800xi32, #tpu.memory_space<hbm>> -> memref<800xi32, #tpu.memory_space<hbm>>
        tpu.wait_dma2 semaphore(%arg15 : memref<!tpu.dma_semaphore, #tpu.memory_space<semaphore_mem>>) src(%dma_wait3A_223 : memref<800xi32, #tpu.memory_space<hbm>>) dst(%dma_wait3A_220 : memref<800xi32, #tpu.memory_space<vmem>>)
        %dma_wait3A_224 = arith.constant 1 : i32
        %dma_wait3A_225 = arith.constant 0 : i32
        %dma_wait3A_226 = tpu.memref_slice %arg13[%dma_wait3A_224, %dma_wait3A_225] : memref<2x800xf32, #tpu.memory_space<vmem>> -> memref<1x800xf32, #tpu.memory_space<vmem>>
        %dma_wait3A_227 = tpu.memref_squeeze %dma_wait3A_226 : memref<1x800xf32, #tpu.memory_space<vmem>> -> memref<800xf32, #tpu.memory_space<vmem>>
        %dma_wait3A_228 = arith.constant 0 : i32
        %dma_wait3A_229 = tpu.memref_slice %arg4[%dma_wait3A_228] : memref<320000xf32, #tpu.memory_space<hbm>> -> memref<800xf32, #tpu.memory_space<hbm>>
        %dma_wait3A_230 = arith.constant 0 : i32
        %dma_wait3A_231 = tpu.memref_slice %arg13[%dma_wait3A_224, %dma_wait3A_230] : memref<2x800xf32, #tpu.memory_space<vmem>> -> memref<1x800xf32, #tpu.memory_space<vmem>>
        %dma_wait3A_232 = tpu.memref_squeeze %dma_wait3A_231 : memref<1x800xf32, #tpu.memory_space<vmem>> -> memref<800xf32, #tpu.memory_space<vmem>>
        %dma_wait3A_233 = arith.constant 0 : i32
        %dma_wait3A_234 = tpu.memref_slice %arg4[%dma_wait3A_233] : memref<320000xf32, #tpu.memory_space<hbm>> -> memref<800xf32, #tpu.memory_space<hbm>>
        tpu.wait_dma2 semaphore(%arg15 : memref<!tpu.dma_semaphore, #tpu.memory_space<semaphore_mem>>) src(%dma_wait3A_234 : memref<800xf32, #tpu.memory_space<hbm>>) dst(%dma_wait3A_232 : memref<800xf32, #tpu.memory_space<vmem>>)
        %add3A_235 = arith.constant 2 : i32
        %add3A_236 = arith.addi %mul3A_111, %add3A_235 : i32
        %lt3A_237 = arith.constant 50 : i32
        %lt3A_238 = arith.cmpi slt, %add3A_236, %lt3A_237 : i32
        %convert_element_type3A_239 = arith.extui %lt3A_238 : i1 to i32
        %cond3A_240 = arith.constant 0 : i32
        %cond3A_241 = arith.cmpi ne, %convert_element_type3A_239, %cond3A_240 : i32
        scf.if %cond3A_241 {
          %add3A_248 = arith.constant 2 : i32
          %add3A_249 = arith.addi %mul3A_111, %add3A_248 : i32
          %mul3A_250 = arith.constant 800 : i32
          %mul3A_251 = arith.muli %add3A_249, %mul3A_250 : i32
          %add3A_252 = arith.addi %select_n3A_49, %mul3A_251 : i32
          %multiple_of3A_253 = tpu.assume_multiple %add3A_252, 8 : i32
          %dma_start3A_254 = arith.constant 0 : i32
          %dma_start3A_255 = arith.constant 0 : i32
          %dma_start3A_256 = arith.constant 0 : i32
          %dma_start3A_257 = tpu.memref_slice %arg11[%dma_start3A_255, %dma_start3A_256] : memref<2x800xi32, #tpu.memory_space<vmem>> -> memref<1x800xi32, #tpu.memory_space<vmem>>
          %dma_start3A_258 = tpu.memref_squeeze %dma_start3A_257 : memref<1x800xi32, #tpu.memory_space<vmem>> -> memref<800xi32, #tpu.memory_space<vmem>>
          %dma_start3A_259 = tpu.memref_slice %arg3[%dma_start3A_254, %multiple_of3A_253] : memref<2x320000xi32, #tpu.memory_space<hbm>> -> memref<1x800xi32, #tpu.memory_space<hbm>>
          %dma_start3A_260 = tpu.memref_squeeze %dma_start3A_259 : memref<1x800xi32, #tpu.memory_space<hbm>> -> memref<800xi32, #tpu.memory_space<hbm>>
          %dma_start3A_261 = arith.constant 0 : i32
          %dma_start3A_262 = tpu.memref_slice %arg11[%dma_start3A_255, %dma_start3A_261] : memref<2x800xi32, #tpu.memory_space<vmem>> -> memref<1x800xi32, #tpu.memory_space<vmem>>
          %dma_start3A_263 = tpu.memref_squeeze %dma_start3A_262 : memref<1x800xi32, #tpu.memory_space<vmem>> -> memref<800xi32, #tpu.memory_space<vmem>>
          %dma_start3A_264 = tpu.memref_slice %arg3[%dma_start3A_254, %multiple_of3A_253] : memref<2x320000xi32, #tpu.memory_space<hbm>> -> memref<1x800xi32, #tpu.memory_space<hbm>>
          %dma_start3A_265 = tpu.memref_squeeze %dma_start3A_264 : memref<1x800xi32, #tpu.memory_space<hbm>> -> memref<800xi32, #tpu.memory_space<hbm>>
          tpu.enqueue_dma source(%dma_start3A_265 : memref<800xi32, #tpu.memory_space<hbm>>) target(%dma_start3A_263 : memref<800xi32, #tpu.memory_space<vmem>>) target_semaphore(%arg14 : memref<!tpu.dma_semaphore, #tpu.memory_space<semaphore_mem>>)
          %dma_start3A_266 = arith.constant 1 : i32
          %dma_start3A_267 = arith.constant 0 : i32
          %dma_start3A_268 = arith.constant 0 : i32
          %dma_start3A_269 = tpu.memref_slice %arg12[%dma_start3A_267, %dma_start3A_268] : memref<2x800xi32, #tpu.memory_space<vmem>> -> memref<1x800xi32, #tpu.memory_space<vmem>>
          %dma_start3A_270 = tpu.memref_squeeze %dma_start3A_269 : memref<1x800xi32, #tpu.memory_space<vmem>> -> memref<800xi32, #tpu.memory_space<vmem>>
          %dma_start3A_271 = tpu.memref_slice %arg3[%dma_start3A_266, %multiple_of3A_253] : memref<2x320000xi32, #tpu.memory_space<hbm>> -> memref<1x800xi32, #tpu.memory_space<hbm>>
          %dma_start3A_272 = tpu.memref_squeeze %dma_start3A_271 : memref<1x800xi32, #tpu.memory_space<hbm>> -> memref<800xi32, #tpu.memory_space<hbm>>
          %dma_start3A_273 = arith.constant 0 : i32
          %dma_start3A_274 = tpu.memref_slice %arg12[%dma_start3A_267, %dma_start3A_273] : memref<2x800xi32, #tpu.memory_space<vmem>> -> memref<1x800xi32, #tpu.memory_space<vmem>>
          %dma_start3A_275 = tpu.memref_squeeze %dma_start3A_274 : memref<1x800xi32, #tpu.memory_space<vmem>> -> memref<800xi32, #tpu.memory_space<vmem>>
          %dma_start3A_276 = tpu.memref_slice %arg3[%dma_start3A_266, %multiple_of3A_253] : memref<2x320000xi32, #tpu.memory_space<hbm>> -> memref<1x800xi32, #tpu.memory_space<hbm>>
          %dma_start3A_277 = tpu.memref_squeeze %dma_start3A_276 : memref<1x800xi32, #tpu.memory_space<hbm>> -> memref<800xi32, #tpu.memory_space<hbm>>
          tpu.enqueue_dma source(%dma_start3A_277 : memref<800xi32, #tpu.memory_space<hbm>>) target(%dma_start3A_275 : memref<800xi32, #tpu.memory_space<vmem>>) target_semaphore(%arg14 : memref<!tpu.dma_semaphore, #tpu.memory_space<semaphore_mem>>)
          %dma_start3A_278 = arith.constant 0 : i32
          %dma_start3A_279 = arith.constant 0 : i32
          %dma_start3A_280 = tpu.memref_slice %arg13[%dma_start3A_278, %dma_start3A_279] : memref<2x800xf32, #tpu.memory_space<vmem>> -> memref<1x800xf32, #tpu.memory_space<vmem>>
          %dma_start3A_281 = tpu.memref_squeeze %dma_start3A_280 : memref<1x800xf32, #tpu.memory_space<vmem>> -> memref<800xf32, #tpu.memory_space<vmem>>
          %dma_start3A_282 = tpu.memref_slice %arg4[%multiple_of3A_253] : memref<320000xf32, #tpu.memory_space<hbm>> -> memref<800xf32, #tpu.memory_space<hbm>>
          %dma_start3A_283 = arith.constant 0 : i32
          %dma_start3A_284 = tpu.memref_slice %arg13[%dma_start3A_278, %dma_start3A_283] : memref<2x800xf32, #tpu.memory_space<vmem>> -> memref<1x800xf32, #tpu.memory_space<vmem>>
          %dma_start3A_285 = tpu.memref_squeeze %dma_start3A_284 : memref<1x800xf32, #tpu.memory_space<vmem>> -> memref<800xf32, #tpu.memory_space<vmem>>
          %dma_start3A_286 = tpu.memref_slice %arg4[%multiple_of3A_253] : memref<320000xf32, #tpu.memory_space<hbm>> -> memref<800xf32, #tpu.memory_space<hbm>>
          tpu.enqueue_dma source(%dma_start3A_286 : memref<800xf32, #tpu.memory_space<hbm>>) target(%dma_start3A_285 : memref<800xf32, #tpu.memory_space<vmem>>) target_semaphore(%arg14 : memref<!tpu.dma_semaphore, #tpu.memory_space<semaphore_mem>>)
        } else {
        }
        %parallel_loop3A_242 = arith.constant 0 : i32
        %parallel_loop3A_243 = arith.constant 50 : i32
        %parallel_loop3A_244 = arith.constant 1 : i32
        %parallel_loop3A_245 = arith.constant 1 : i32
        %parallel_loop3A_246 = arith.constant 1 : i32
        %parallel_loop3A_247 = arith.constant 1 : i32
        scf.for %parallel_loop3A_248 = %parallel_loop3A_242 to %parallel_loop3A_243 step %parallel_loop3A_244  : i32 {
          %parallel_loop3A_249 = arith.constant 16 : i32
          %parallel_loop3A_250 = arith.muli %parallel_loop3A_248, %parallel_loop3A_249 : i32
          %parallel_loop3A_251 = arith.constant 0 : i32
          %parallel_loop3A_252 = tpu.memref_slice %arg11[%parallel_loop3A_245, %parallel_loop3A_251] : memref<2x800xi32, #tpu.memory_space<vmem>> -> memref<1x800xi32, #tpu.memory_space<vmem>>
          %parallel_loop3A_253 = tpu.memref_squeeze %parallel_loop3A_252 : memref<1x800xi32, #tpu.memory_space<vmem>> -> memref<800xi32, #tpu.memory_space<vmem>>
          %parallel_loop3A_254 = arith.index_cast %parallel_loop3A_250 : i32 to index
          %parallel_loop3A_255 = tpu.vector_load %parallel_loop3A_253[%parallel_loop3A_254] {strides = array<i32>} : memref<800xi32, #tpu.memory_space<vmem>>, vector<16xi32>,
          %parallel_loop3A_256 = arith.constant 0 : i32
          %parallel_loop3A_257 = tpu.memref_slice %arg12[%parallel_loop3A_246, %parallel_loop3A_256] : memref<2x800xi32, #tpu.memory_space<vmem>> -> memref<1x800xi32, #tpu.memory_space<vmem>>
          %parallel_loop3A_258 = tpu.memref_squeeze %parallel_loop3A_257 : memref<1x800xi32, #tpu.memory_space<vmem>> -> memref<800xi32, #tpu.memory_space<vmem>>
          %parallel_loop3A_259 = arith.index_cast %parallel_loop3A_250 : i32 to index
          %parallel_loop3A_260 = tpu.vector_load %parallel_loop3A_258[%parallel_loop3A_259] {strides = array<i32>} : memref<800xi32, #tpu.memory_space<vmem>>, vector<16xi32>,
          %parallel_loop3A_261 = arith.constant 0 : i32
          %parallel_loop3A_262 = tpu.memref_slice %arg13[%parallel_loop3A_247, %parallel_loop3A_261] : memref<2x800xf32, #tpu.memory_space<vmem>> -> memref<1x800xf32, #tpu.memory_space<vmem>>
          %parallel_loop3A_263 = tpu.memref_squeeze %parallel_loop3A_262 : memref<1x800xf32, #tpu.memory_space<vmem>> -> memref<800xf32, #tpu.memory_space<vmem>>
          %parallel_loop3A_264 = arith.index_cast %parallel_loop3A_250 : i32 to index
          %parallel_loop3A_265 = tpu.vector_load %parallel_loop3A_263[%parallel_loop3A_264] {strides = array<i32>} : memref<800xf32, #tpu.memory_space<vmem>>, vector<16xf32>,
          %parallel_loop3A_266 = arith.constant 0 : i32
          %parallel_loop3A_267 = arith.constant 0 : i32
          %parallel_loop3A_268 = tpu.memref_slice %arg6[%parallel_loop3A_266, %parallel_loop3A_267] : memref<4x10240xf32, #tpu.memory_space<vmem>> -> memref<1x10240xf32, #tpu.memory_space<vmem>>
          %parallel_loop3A_269 = tpu.memref_squeeze %parallel_loop3A_268 : memref<1x10240xf32, #tpu.memory_space<vmem>> -> memref<10240xf32, #tpu.memory_space<vmem>>
          %parallel_loop3A_270 = tpu.vector_load_idx %parallel_loop3A_269[%parallel_loop3A_255] : memref<10240xf32, #tpu.memory_space<vmem>>[vector<16xi32>], vector<16xf32>,
          %parallel_loop3A_271 = arith.mulf %parallel_loop3A_270, %parallel_loop3A_265 : vector<16xf32>
          tpu.vector_store_idx %arg7[%parallel_loop3A_260], %parallel_loop3A_271 {add = true} : memref<10240xf32, #tpu.memory_space<vmem>>[vector<16xi32>], vector<16xf32>,
          %parallel_loop3A_272 = arith.constant 1 : i32
          %parallel_loop3A_273 = arith.constant 0 : i32
          %parallel_loop3A_274 = tpu.memref_slice %arg6[%parallel_loop3A_272, %parallel_loop3A_273] : memref<4x10240xf32, #tpu.memory_space<vmem>> -> memref<1x10240xf32, #tpu.memory_space<vmem>>
          %parallel_loop3A_275 = tpu.memref_squeeze %parallel_loop3A_274 : memref<1x10240xf32, #tpu.memory_space<vmem>> -> memref<10240xf32, #tpu.memory_space<vmem>>
          %parallel_loop3A_276 = tpu.vector_load_idx %parallel_loop3A_275[%parallel_loop3A_255] : memref<10240xf32, #tpu.memory_space<vmem>>[vector<16xi32>], vector<16xf32>,
          %parallel_loop3A_277 = arith.mulf %parallel_loop3A_276, %parallel_loop3A_265 : vector<16xf32>
          tpu.vector_store_idx %arg8[%parallel_loop3A_260], %parallel_loop3A_277 {add = true} : memref<10240xf32, #tpu.memory_space<vmem>>[vector<16xi32>], vector<16xf32>,
          %parallel_loop3A_278 = arith.constant 2 : i32
          %parallel_loop3A_279 = arith.constant 0 : i32
          %parallel_loop3A_280 = tpu.memref_slice %arg6[%parallel_loop3A_278, %parallel_loop3A_279] : memref<4x10240xf32, #tpu.memory_space<vmem>> -> memref<1x10240xf32, #tpu.memory_space<vmem>>
          %parallel_loop3A_281 = tpu.memref_squeeze %parallel_loop3A_280 : memref<1x10240xf32, #tpu.memory_space<vmem>> -> memref<10240xf32, #tpu.memory_space<vmem>>
          %parallel_loop3A_282 = tpu.vector_load_idx %parallel_loop3A_281[%parallel_loop3A_255] : memref<10240xf32, #tpu.memory_space<vmem>>[vector<16xi32>], vector<16xf32>,
          %parallel_loop3A_283 = arith.mulf %parallel_loop3A_282, %parallel_loop3A_265 : vector<16xf32>
          tpu.vector_store_idx %arg9[%parallel_loop3A_260], %parallel_loop3A_283 {add = true} : memref<10240xf32, #tpu.memory_space<vmem>>[vector<16xi32>], vector<16xf32>,
          %parallel_loop3A_284 = arith.constant 3 : i32
          %parallel_loop3A_285 = arith.constant 0 : i32
          %parallel_loop3A_286 = tpu.memref_slice %arg6[%parallel_loop3A_284, %parallel_loop3A_285] : memref<4x10240xf32, #tpu.memory_space<vmem>> -> memref<1x10240xf32, #tpu.memory_space<vmem>>
          %parallel_loop3A_287 = tpu.memref_squeeze %parallel_loop3A_286 : memref<1x10240xf32, #tpu.memory_space<vmem>> -> memref<10240xf32, #tpu.memory_space<vmem>>
          %parallel_loop3A_288 = tpu.vector_load_idx %parallel_loop3A_287[%parallel_loop3A_255] : memref<10240xf32, #tpu.memory_space<vmem>>[vector<16xi32>], vector<16xf32>,
          %parallel_loop3A_289 = arith.mulf %parallel_loop3A_288, %parallel_loop3A_265 : vector<16xf32>
          tpu.vector_store_idx %arg10[%parallel_loop3A_260], %parallel_loop3A_289 {add = true} : memref<10240xf32, #tpu.memory_space<vmem>>[vector<16xi32>], vector<16xf32>,
        } {sc.loop_unroll_factor = 10 : i64, sc.parallel_access}
      }
      %scan3A_108 = arith.constant 25 : i32
    } else {
    }
    %add3A_96 = arith.constant 0 : i32
    %add3A_97 = arith.addi %mul3A_32, %add3A_96 : i32
    "tpu.region"() ({
      %run_scoped3A = tpu.sem_alloc : memref<!tpu.dma_semaphore, #tpu.memory_space<semaphore_mem>>
      %dma_start3A_104 = arith.constant 0 : i32
      %dma_start3A_105 = tpu.memref_slice %arg5[%select_n3A, %add3A_97, %dma_start3A_104] : memref<8x16x10240xf32, #tpu.memory_space<hbm>> -> memref<1x1x10240xf32, #tpu.memory_space<hbm>>
      %dma_start3A_106 = tpu.memref_squeeze %dma_start3A_105 : memref<1x1x10240xf32, #tpu.memory_space<hbm>> -> memref<10240xf32, #tpu.memory_space<hbm>>
      %dma_start3A_107 = arith.constant 0 : i32
      %dma_start3A_108 = tpu.memref_slice %arg5[%select_n3A, %add3A_97, %dma_start3A_107] : memref<8x16x10240xf32, #tpu.memory_space<hbm>> -> memref<1x1x10240xf32, #tpu.memory_space<hbm>>
      %dma_start3A_109 = tpu.memref_squeeze %dma_start3A_108 : memref<1x1x10240xf32, #tpu.memory_space<hbm>> -> memref<10240xf32, #tpu.memory_space<hbm>>
      tpu.enqueue_dma source(%arg7 : memref<10240xf32, #tpu.memory_space<vmem>>) target(%dma_start3A_109 : memref<10240xf32, #tpu.memory_space<hbm>>) target_semaphore(%run_scoped3A : memref<!tpu.dma_semaphore, #tpu.memory_space<semaphore_mem>>)
      %dma_wait3A_110 = arith.constant 0 : i32
      %dma_wait3A_111 = tpu.memref_slice %arg5[%select_n3A, %add3A_97, %dma_wait3A_110] : memref<8x16x10240xf32, #tpu.memory_space<hbm>> -> memref<1x1x10240xf32, #tpu.memory_space<hbm>>
      %dma_wait3A_112 = tpu.memref_squeeze %dma_wait3A_111 : memref<1x1x10240xf32, #tpu.memory_space<hbm>> -> memref<10240xf32, #tpu.memory_space<hbm>>
      %dma_wait3A_113 = arith.constant 0 : i32
      %dma_wait3A_114 = tpu.memref_slice %arg5[%select_n3A, %add3A_97, %dma_wait3A_113] : memref<8x16x10240xf32, #tpu.memory_space<hbm>> -> memref<1x1x10240xf32, #tpu.memory_space<hbm>>
      %dma_wait3A_115 = tpu.memref_squeeze %dma_wait3A_114 : memref<1x1x10240xf32, #tpu.memory_space<hbm>> -> memref<10240xf32, #tpu.memory_space<hbm>>
      tpu.wait_dma2 semaphore(%run_scoped3A : memref<!tpu.dma_semaphore, #tpu.memory_space<semaphore_mem>>) src(%arg7 : memref<10240xf32, #tpu.memory_space<vmem>>) dst(%dma_wait3A_115 : memref<10240xf32, #tpu.memory_space<hbm>>)
      tpu.yield
    }) : () -> ()
    %add3A_98 = arith.constant 1 : i32
    %add3A_99 = arith.addi %mul3A_32, %add3A_98 : i32
    "tpu.region"() ({
      %run_scoped3A = tpu.sem_alloc : memref<!tpu.dma_semaphore, #tpu.memory_space<semaphore_mem>>
      %dma_start3A_104 = arith.constant 0 : i32
      %dma_start3A_105 = tpu.memref_slice %arg5[%select_n3A, %add3A_99, %dma_start3A_104] : memref<8x16x10240xf32, #tpu.memory_space<hbm>> -> memref<1x1x10240xf32, #tpu.memory_space<hbm>>
      %dma_start3A_106 = tpu.memref_squeeze %dma_start3A_105 : memref<1x1x10240xf32, #tpu.memory_space<hbm>> -> memref<10240xf32, #tpu.memory_space<hbm>>
      %dma_start3A_107 = arith.constant 0 : i32
      %dma_start3A_108 = tpu.memref_slice %arg5[%select_n3A, %add3A_99, %dma_start3A_107] : memref<8x16x10240xf32, #tpu.memory_space<hbm>> -> memref<1x1x10240xf32, #tpu.memory_space<hbm>>
      %dma_start3A_109 = tpu.memref_squeeze %dma_start3A_108 : memref<1x1x10240xf32, #tpu.memory_space<hbm>> -> memref<10240xf32, #tpu.memory_space<hbm>>
      tpu.enqueue_dma source(%arg8 : memref<10240xf32, #tpu.memory_space<vmem>>) target(%dma_start3A_109 : memref<10240xf32, #tpu.memory_space<hbm>>) target_semaphore(%run_scoped3A : memref<!tpu.dma_semaphore, #tpu.memory_space<semaphore_mem>>)
      %dma_wait3A_110 = arith.constant 0 : i32
      %dma_wait3A_111 = tpu.memref_slice %arg5[%select_n3A, %add3A_99, %dma_wait3A_110] : memref<8x16x10240xf32, #tpu.memory_space<hbm>> -> memref<1x1x10240xf32, #tpu.memory_space<hbm>>
      %dma_wait3A_112 = tpu.memref_squeeze %dma_wait3A_111 : memref<1x1x10240xf32, #tpu.memory_space<hbm>> -> memref<10240xf32, #tpu.memory_space<hbm>>
      %dma_wait3A_113 = arith.constant 0 : i32
      %dma_wait3A_114 = tpu.memref_slice %arg5[%select_n3A, %add3A_99, %dma_wait3A_113] : memref<8x16x10240xf32, #tpu.memory_space<hbm>> -> memref<1x1x10240xf32, #tpu.memory_space<hbm>>
      %dma_wait3A_115 = tpu.memref_squeeze %dma_wait3A_114 : memref<1x1x10240xf32, #tpu.memory_space<hbm>> -> memref<10240xf32, #tpu.memory_space<hbm>>
      tpu.wait_dma2 semaphore(%run_scoped3A : memref<!tpu.dma_semaphore, #tpu.memory_space<semaphore_mem>>) src(%arg8 : memref<10240xf32, #tpu.memory_space<vmem>>) dst(%dma_wait3A_115 : memref<10240xf32, #tpu.memory_space<hbm>>)
      tpu.yield
    }) : () -> ()
    %add3A_100 = arith.constant 2 : i32
    %add3A_101 = arith.addi %mul3A_32, %add3A_100 : i32
    "tpu.region"() ({
      %run_scoped3A = tpu.sem_alloc : memref<!tpu.dma_semaphore, #tpu.memory_space<semaphore_mem>>
      %dma_start3A_104 = arith.constant 0 : i32
      %dma_start3A_105 = tpu.memref_slice %arg5[%select_n3A, %add3A_101, %dma_start3A_104] : memref<8x16x10240xf32, #tpu.memory_space<hbm>> -> memref<1x1x10240xf32, #tpu.memory_space<hbm>>
      %dma_start3A_106 = tpu.memref_squeeze %dma_start3A_105 : memref<1x1x10240xf32, #tpu.memory_space<hbm>> -> memref<10240xf32, #tpu.memory_space<hbm>>
      %dma_start3A_107 = arith.constant 0 : i32
      %dma_start3A_108 = tpu.memref_slice %arg5[%select_n3A, %add3A_101, %dma_start3A_107] : memref<8x16x10240xf32, #tpu.memory_space<hbm>> -> memref<1x1x10240xf32, #tpu.memory_space<hbm>>
      %dma_start3A_109 = tpu.memref_squeeze %dma_start3A_108 : memref<1x1x10240xf32, #tpu.memory_space<hbm>> -> memref<10240xf32, #tpu.memory_space<hbm>>
      tpu.enqueue_dma source(%arg9 : memref<10240xf32, #tpu.memory_space<vmem>>) target(%dma_start3A_109 : memref<10240xf32, #tpu.memory_space<hbm>>) target_semaphore(%run_scoped3A : memref<!tpu.dma_semaphore, #tpu.memory_space<semaphore_mem>>)
      %dma_wait3A_110 = arith.constant 0 : i32
      %dma_wait3A_111 = tpu.memref_slice %arg5[%select_n3A, %add3A_101, %dma_wait3A_110] : memref<8x16x10240xf32, #tpu.memory_space<hbm>> -> memref<1x1x10240xf32, #tpu.memory_space<hbm>>
      %dma_wait3A_112 = tpu.memref_squeeze %dma_wait3A_111 : memref<1x1x10240xf32, #tpu.memory_space<hbm>> -> memref<10240xf32, #tpu.memory_space<hbm>>
      %dma_wait3A_113 = arith.constant 0 : i32
      %dma_wait3A_114 = tpu.memref_slice %arg5[%select_n3A, %add3A_101, %dma_wait3A_113] : memref<8x16x10240xf32, #tpu.memory_space<hbm>> -> memref<1x1x10240xf32, #tpu.memory_space<hbm>>
      %dma_wait3A_115 = tpu.memref_squeeze %dma_wait3A_114 : memref<1x1x10240xf32, #tpu.memory_space<hbm>> -> memref<10240xf32, #tpu.memory_space<hbm>>
      tpu.wait_dma2 semaphore(%run_scoped3A : memref<!tpu.dma_semaphore, #tpu.memory_space<semaphore_mem>>) src(%arg9 : memref<10240xf32, #tpu.memory_space<vmem>>) dst(%dma_wait3A_115 : memref<10240xf32, #tpu.memory_space<hbm>>)
      tpu.yield
    }) : () -> ()
    %add3A_102 = arith.constant 3 : i32
    %add3A_103 = arith.addi %mul3A_32, %add3A_102 : i32
    "tpu.region"() ({
      %run_scoped3A = tpu.sem_alloc : memref<!tpu.dma_semaphore, #tpu.memory_space<semaphore_mem>>
      %dma_start3A_104 = arith.constant 0 : i32
      %dma_start3A_105 = tpu.memref_slice %arg5[%select_n3A, %add3A_103, %dma_start3A_104] : memref<8x16x10240xf32, #tpu.memory_space<hbm>> -> memref<1x1x10240xf32, #tpu.memory_space<hbm>>
      %dma_start3A_106 = tpu.memref_squeeze %dma_start3A_105 : memref<1x1x10240xf32, #tpu.memory_space<hbm>> -> memref<10240xf32, #tpu.memory_space<hbm>>
      %dma_start3A_107 = arith.constant 0 : i32
      %dma_start3A_108 = tpu.memref_slice %arg5[%select_n3A, %add3A_103, %dma_start3A_107] : memref<8x16x10240xf32, #tpu.memory_space<hbm>> -> memref<1x1x10240xf32, #tpu.memory_space<hbm>>
      %dma_start3A_109 = tpu.memref_squeeze %dma_start3A_108 : memref<1x1x10240xf32, #tpu.memory_space<hbm>> -> memref<10240xf32, #tpu.memory_space<hbm>>
      tpu.enqueue_dma source(%arg10 : memref<10240xf32, #tpu.memory_space<vmem>>) target(%dma_start3A_109 : memref<10240xf32, #tpu.memory_space<hbm>>) target_semaphore(%run_scoped3A : memref<!tpu.dma_semaphore, #tpu.memory_space<semaphore_mem>>)
      %dma_wait3A_110 = arith.constant 0 : i32
      %dma_wait3A_111 = tpu.memref_slice %arg5[%select_n3A, %add3A_103, %dma_wait3A_110] : memref<8x16x10240xf32, #tpu.memory_space<hbm>> -> memref<1x1x10240xf32, #tpu.memory_space<hbm>>
      %dma_wait3A_112 = tpu.memref_squeeze %dma_wait3A_111 : memref<1x1x10240xf32, #tpu.memory_space<hbm>> -> memref<10240xf32, #tpu.memory_space<hbm>>
      %dma_wait3A_113 = arith.constant 0 : i32
      %dma_wait3A_114 = tpu.memref_slice %arg5[%select_n3A, %add3A_103, %dma_wait3A_113] : memref<8x16x10240xf32, #tpu.memory_space<hbm>> -> memref<1x1x10240xf32, #tpu.memory_space<hbm>>
      %dma_wait3A_115 = tpu.memref_squeeze %dma_wait3A_114 : memref<1x1x10240xf32, #tpu.memory_space<hbm>> -> memref<10240xf32, #tpu.memory_space<hbm>>
      tpu.wait_dma2 semaphore(%run_scoped3A : memref<!tpu.dma_semaphore, #tpu.memory_space<semaphore_mem>>) src(%arg10 : memref<10240xf32, #tpu.memory_space<vmem>>) dst(%dma_wait3A_115 : memref<10240xf32, #tpu.memory_space<hbm>>)
      tpu.yield
    }) : () -> ()
    return
  }
}

module attributes {stable_mosaic.version = 14 : i64} {
  func.func @_mm1_body(%arg0: memref<10000x128xf32, #tpu.memory_space<vmem>>, %arg1: memref<128x16xf32, #tpu.memory_space<vmem>>, %arg2: memref<16x10240xf32, #tpu.memory_space<vmem>>) attributes {dimension_semantics = [], scalar_prefetch = 0 : i64, scratch_operands = 0 : i64, tpu.core_type = #tpu.core_type<tc>} {
    %get3A = arith.constant 0 : index
    %get3A_0 = arith.constant 0 : index
    %get3A_1 = vector.load %arg1[%get3A, %get3A_0] : memref<128x16xf32, #tpu.memory_space<vmem>>, vector<128x16xf32>
    %get3A_2 = arith.constant 0 : index
    %get3A_3 = arith.constant 0 : index
    %get3A_4 = vector.load %arg0[%get3A_2, %get3A_3] : memref<10000x128xf32, #tpu.memory_space<vmem>>, vector<10000x128xf32>
    %dot_general3A = arith.constant dense<0.000000e+00> : vector<16x10000xf32>
    %dot_general3A_5 = tpu.matmul %get3A_1, %get3A_4, %dot_general3A {dimension_numbers = #tpu.dot_dimension_numbers<[0], [1], [1], [0], [0, 1, 1, 0], [], []>, transpose_lhs_hint = false} : vector<128x16xf32>, vector<10000x128xf32>, vector<16x10000xf32> -> vector<16x10000xf32>
    %broadcast_in_dim3A = arith.constant 0.000000e+00 : f32
    %broadcast_in_dim3A_6 = vector.broadcast %broadcast_in_dim3A : f32 to vector<16x240xf32>
    %concatenate3A = tpu.concatenate %dot_general3A_5, %broadcast_in_dim3A_6 in 1 : vector<16x10000xf32>, vector<16x240xf32> -> vector<16x10240xf32>
    %swap3A = arith.constant 0 : index
    %swap3A_7 = arith.constant 0 : index
    %swap3A_8 = vector.load %arg2[%swap3A, %swap3A_7] : memref<16x10240xf32, #tpu.memory_space<vmem>>, vector<16x10240xf32>
    tpu.vector_store %arg2[%swap3A, %swap3A_7], %concatenate3A {strides = array<i32>} : memref<16x10240xf32, #tpu.memory_space<vmem>>, vector<16x10240xf32>,
    return
  }
}

module attributes {stable_mosaic.version = 14 : i64} {
  func.func @_mid_body(%arg0: memref<8x16x10240xf32, #tpu.memory_space<vmem>>, %arg1: memref<16x1xf32, #tpu.memory_space<vmem>>, %arg2: memref<16x16xf32, #tpu.memory_space<vmem>>, %arg3: memref<16x10240xf32, #tpu.memory_space<vmem>>) attributes {dimension_semantics = [], scalar_prefetch = 0 : i64, scratch_operands = 0 : i64, tpu.core_type = #tpu.core_type<tc>} {
    %get3A = arith.constant 0 : index
    %get3A_0 = arith.constant 0 : index
    %get3A_1 = arith.constant 0 : index
    %get3A_2 = vector.load %arg0[%get3A, %get3A_0, %get3A_1] : memref<8x16x10240xf32, #tpu.memory_space<vmem>>, vector<8x16x10240xf32>
    %reduce_sum3A = arith.constant dense<0.000000e+00> : vector<16x10240xf32>
    %reduce_sum3A_3 = vector.multi_reduction <add>, %get3A_2, %reduce_sum3A [0] : vector<8x16x10240xf32> to vector<16x10240xf32>
    %get3A_4 = arith.constant 0 : index
    %get3A_5 = arith.constant 0 : index
    %get3A_6 = vector.load %arg1[%get3A_4, %get3A_5] : memref<16x1xf32, #tpu.memory_space<vmem>>, vector<16x1xf32>
    %add3A = vector.broadcast %get3A_6 : vector<16x1xf32> to vector<16x10240xf32>
    %add3A_7 = arith.addf %reduce_sum3A_3, %add3A : vector<16x10240xf32>
    %get3A_8 = arith.constant 0 : index
    %get3A_9 = arith.constant 0 : index
    %get3A_10 = vector.load %arg2[%get3A_8, %get3A_9] : memref<16x16xf32, #tpu.memory_space<vmem>>, vector<16x16xf32>
    %dot_general3A = arith.constant dense<0.000000e+00> : vector<16x10240xf32>
    %dot_general3A_11 = tpu.matmul %get3A_10, %add3A_7, %dot_general3A {dimension_numbers = #tpu.dot_dimension_numbers<[0], [0], [1], [1], [0, 1, 1, 1], [], []>, transpose_lhs_hint = false} : vector<16x16xf32>, vector<16x10240xf32>, vector<16x10240xf32> -> vector<16x10240xf32>
    %swap3A = arith.constant 0 : index
    %swap3A_12 = arith.constant 0 : index
    %swap3A_13 = vector.load %arg3[%swap3A, %swap3A_12] : memref<16x10240xf32, #tpu.memory_space<vmem>>, vector<16x10240xf32>
    tpu.vector_store %arg3[%swap3A, %swap3A_12], %dot_general3A_11 {strides = array<i32>} : memref<16x10240xf32, #tpu.memory_space<vmem>>, vector<16x10240xf32>,
    return
  }
}

module attributes {stable_mosaic.version = 14 : i64} {
  func.func @_fin_body(%arg0: memref<8x16x10240xf32, #tpu.memory_space<vmem>>, %arg1: memref<1x7xf32, #tpu.memory_space<vmem>>, %arg2: memref<16x16xf32, #tpu.memory_space<vmem>>, %arg3: memref<10000x7xf32, #tpu.memory_space<vmem>>) attributes {dimension_semantics = [], scalar_prefetch = 0 : i64, scratch_operands = 0 : i64, tpu.core_type = #tpu.core_type<tc>} {
    %get3A = arith.constant 0 : index
    %get3A_0 = arith.constant 0 : index
    %get3A_1 = arith.constant 0 : index
    %get3A_2 = vector.load %arg0[%get3A, %get3A_0, %get3A_1] : memref<8x16x10240xf32, #tpu.memory_space<vmem>>, vector<8x16x10240xf32>
    %reduce_sum3A = arith.constant dense<0.000000e+00> : vector<16x10240xf32>
    %reduce_sum3A_3 = vector.multi_reduction <add>, %get3A_2, %reduce_sum3A [0] : vector<8x16x10240xf32> to vector<16x10240xf32>
    %get3A_4 = arith.constant 0 : index
    %get3A_5 = arith.constant 0 : index
    %get3A_6 = vector.load %arg2[%get3A_4, %get3A_5] : memref<16x16xf32, #tpu.memory_space<vmem>>, vector<16x16xf32>
    %dot_general3A = arith.constant dense<0.000000e+00> : vector<10240x16xf32>
    %dot_general3A_7 = tpu.matmul %reduce_sum3A_3, %get3A_6, %dot_general3A {dimension_numbers = #tpu.dot_dimension_numbers<[0], [0], [1], [1], [0, 1, 1, 1], [], []>, transpose_lhs_hint = false} : vector<16x10240xf32>, vector<16x16xf32>, vector<10240x16xf32> -> vector<10240x16xf32>
    %slice3A = vector.extract_strided_slice %dot_general3A_7 {offsets = [0, 0], sizes = [10000, 7], strides = [1, 1]} : vector<10240x16xf32> to vector<10000x7xf32>
    %get3A_8 = arith.constant 0 : index
    %get3A_9 = arith.constant 0 : index
    %get3A_10 = vector.load %arg1[%get3A_8, %get3A_9] : memref<1x7xf32, #tpu.memory_space<vmem>>, vector<1x7xf32>
    %add3A = vector.broadcast %get3A_10 : vector<1x7xf32> to vector<10000x7xf32>
    %add3A_11 = arith.addf %slice3A, %add3A : vector<10000x7xf32>
    %swap3A = arith.constant 0 : index
    %swap3A_12 = arith.constant 0 : index
    %swap3A_13 = vector.load %arg3[%swap3A, %swap3A_12] : memref<10000x7xf32, #tpu.memory_space<vmem>>, vector<10000x7xf32>
    tpu.vector_store %arg3[%swap3A, %swap3A_12], %add3A_11 {strides = array<i32>} : memref<10000x7xf32, #tpu.memory_space<vmem>>, vector<10000x7xf32>,
    return
  }
}

</mosaic_0001>

<sc_bundles>
// kernel: kernel.10.cloned.1.call-start
scs
__scs_entry_jumppad:
0x0: {  	(pc) =	sbr.rel $0x88, $3  }
0x1: {  	(tag) =	ssettag $0x0;
	lr =	simm.s32 $0x1  }
0x2: {  	[smem:$0x3F9A] =	sst lr;
	_ =	strace $0xD0000000  }
0x3: {  	_ = 	snop  }
0x4: {  	_ = 	snop  }
0x5: {  	_ = 	snop  }
0x6: {  	_ = 	snop  }
0x7: {  	_ = 	snop  }
__scs_overlays_trampoline_lowered:
0x8: {  	[smem:$0x3FA9] =	sst s0  }
0x9: {  	[smem:$0x3FAA] =	sst s1  }
0xa: {  	[smem:$0x3FAB] =	sst s2  }
0xb: {  	[smem:$0x3FAC] =	sst s3  }
0xc: {  	[smem:$0x3FAD] =	sst s4  }
0xd: {  	[smem:$0x3FAE] =	sst s5  }
0xe: {  	[smem:$0x3FAF] =	sst s6  }
0xf: {  	[smem:$0x3FB0] =	sst s7  }
0x10: {  	[smem:$0x3FB1] =	sst s8  }
0x11: {  	[smem:$0x3FB2] =	sst s9;
	s0 =	simm.s32 @!p0 $0x0  }
0x12: {  	s1 =	sld [smem:$0x3F98];
	s0 =	simm.s32 @p0 $0x1  }
0x13: {  	[smem:$0x3FB3] =	sst s0;
	s0 =	simm.s32 @!p1 $0x0  }
0x14: {  	s2 =	sld [smem:$0x3F97];
	s0 =	simm.s32 @p1 $0x1  }
0x15: {  	[smem:$0x3FB4] =	sst s0;
	s0 =	simm.s32 @!p2 $0x0  }
0x16: {  	s3 =	sld [smem:$0x3FDB];
	s0 =	simm.s32 @p2 $0x1  }
0x17: {  	s4 =	simm.s32 $0x1BF5;
	[smem:$0x3FB6] =	sst s0  }
0x18: {  	s0 =	sld [smem:$0x3F99];
	_ =	swait.ge [sflag:s4], $0x0  }
0x19: {  	s7 =	sld [smem:$0x3F9A]  }
0x1a: {  	s8 =	sadd.s32 $0xFFFFE003, lr  }
0x1b: {  	s9 =	sadd.s32 $0xFFFFFEF7, lr;
	s5 =	simm.s32 $0xFFFFFFFF;
	p2 =	slt.u32 s8, $0xFFFFF086  }
0x1c: {  	p1 =	slt.u32 s9, $0xF7A;
	s5 =	simm.s32 @!p2 $0x0  }
0x1d: {  	s5 =	simm.s32 @p1 $0x1;
	p0 =	seq.s32 s7, s2  }
0x1e: {  	s7 =	smul.u32 @!p0 $0xF7A, s2;
	p2 =	seq.s32 @!p0 s5, $0x0  }
0x1f: {  	s9 =	smul.u32 $0xF7A, s1;
	s8 =	simm.s32 @!p0 $0x1BF5;
	p2 =	por !p2, p0  }
0x20: {  	[sflag:s8] =	ssyncset.s32 @!p0 $0xFFFFF086;
	s6 =	sadd.s32 @!p0 s3, s7;
	s7 =	simm.s32 @!p0 $0x108  }
0x21: {  	s3 =	sadd.s32 s3, s9;
	s6 =	sadd.s32 @!p0 $0x88, s6;
	s7 =	simm.s32 @p2 $0x1082  }
0x22: {  	[simem:s7], [sflag:s8] =	dma.local @!p0 [hbm:s6], $0xF7A  }
0x23: {  	s9 =	sor.u32 $0xD0000000, s2;
	s6 =	simm.s32 $0x108;
	_ =	swait.ge @!p0 [sflag:s8], $0x0  }
0x24: {  	s3 =	sadd.s32 $0x88, s3;
	s6 =	simm.s32 @!p1 $0x1082;
	[sflag:s4] =	ssyncset.s32 $0xFFFFF086  }
0x25: {  	[simem:s6], [sflag:s4] =	dma.local [hbm:s3], $0xF7A  }
0x26: {  	[smem:$0x3F9A] =	sst s1;
	(tag) =	ssettag s2;
	_ =	strace s9  }
0x27: {  	s1 =	sld [smem:$0x3FAA]  }
0x28: {  	s2 =	sld [smem:$0x3FAB]  }
0x29: {  	s4 =	sld [smem:$0x3FAD]  }
0x2a: {  	p0 =	seq.s32 s5, $0x0;
	s5 =	sld [smem:$0x3FAE]  }
0x2b: {  	s6 =	sld [smem:$0x3FAF]  }
0x2c: {  	s7 =	sld [smem:$0x3FB0]  }
0x2d: {  	s3 =	simm.s32 $0x108;
	s8 =	sld [smem:$0x3FB1]  }
0x2e: {  	s3 =	simm.s32 @!p0 $0x1082;
	s9 =	sld [smem:$0x3FB2]  }
0x2f: {  	lr =	sadd.s32 s0, s3;
	s0 =	sld [smem:$0x3FA9]  }
0x30: {  	s3 =	sld [smem:$0x3FAC]  }
0x31: {  	[smem:$0x3FB5] =	sst s10  }
0x32: {  	s10 =	sld [smem:$0x3FB3];
	_ =	sdelay $0x3  }
0x33: {  	p0 =	seq.s32 s10, $0x1;
	s10 =	sld [smem:$0x3FB5];
	_ =	sdelay $0x3  }
0x34: {  	[smem:$0x3FB5] =	sst s10  }
0x35: {  	s10 =	sld [smem:$0x3FB4];
	_ =	sdelay $0x3  }
0x36: {  	p1 =	seq.s32 s10, $0x1;
	s10 =	sld [smem:$0x3FB5];
	_ =	sdelay $0x3  }
0x37: {  	[smem:$0x3FB5] =	sst s10  }
0x38: {  	s10 =	sld [smem:$0x3FB6]  }
0x39: {  	_ = 	snop;
	(pc) =	sbr.ind lr, $3  }
0x3a: {  	_ = 	snop  }
0x3b: {  	_ = 	snop  }
0x3c: {  	p2 =	seq.s32 s10, $0x1;
	s10 =	sld [smem:$0x3FB5]  }
0x3d: {  	_ =	shalt  }
0x3e: {  	_ =	shalt  }
0x3f: {  	_ =	shalt  }
0x40: {  	_ =	shalt  }
0x41: {  	_ =	shalt  }
0x42: {  	_ =	shalt  }
0x43: {  	_ =	shalt  }
0x44: {  	_ =	shalt  }
0x45: {  	_ =	shalt  }
0x46: {  	_ =	shalt  }
0x47: {  	_ =	shalt  }
0x48: {  	_ =	shalt  }
0x49: {  	_ =	shalt  }
0x4a: {  	_ =	shalt  }
0x4b: {  	_ =	shalt  }
0x4c: {  	_ =	shalt  }
0x4d: {  	_ =	shalt  }
0x4e: {  	_ =	shalt  }
0x4f: {  	_ =	shalt  }
0x50: {  	_ =	shalt  }
0x51: {  	_ =	shalt  }
0x52: {  	_ =	shalt  }
0x53: {  	_ =	shalt  }
0x54: {  	_ =	shalt  }
0x55: {  	_ =	shalt  }
0x56: {  	_ =	shalt  }
0x57: {  	_ =	shalt  }
0x58: {  	_ =	shalt  }
0x59: {  	_ =	shalt  }
0x5a: {  	_ =	shalt  }
0x5b: {  	_ =	shalt  }
0x5c: {  	_ =	shalt  }
0x5d: {  	_ =	shalt  }
0x5e: {  	_ =	shalt  }
0x5f: {  	_ =	shalt  }
0x60: {  	_ =	shalt  }
0x61: {  	_ =	shalt  }
0x62: {  	_ =	shalt  }
0x63: {  	_ =	shalt  }
0x64: {  	_ =	shalt  }
0x65: {  	_ =	shalt  }
0x66: {  	_ =	shalt  }
0x67: {  	_ =	shalt  }
0x68: {  	_ =	shalt  }
0x69: {  	_ =	shalt  }
0x6a: {  	_ =	shalt  }
0x6b: {  	_ =	shalt  }
0x6c: {  	_ =	shalt  }
0x6d: {  	_ =	shalt  }
0x6e: {  	_ =	shalt  }
0x6f: {  	_ =	shalt  }
0x70: {  	_ =	shalt  }
0x71: {  	_ =	shalt  }
0x72: {  	_ =	shalt  }
0x73: {  	_ =	shalt  }
0x74: {  	_ =	shalt  }
0x75: {  	_ =	shalt  }
0x76: {  	_ =	shalt  }
0x77: {  	_ =	shalt  }
0x78: {  	_ =	shalt  }
0x79: {  	_ =	shalt  }
0x7a: {  	_ =	shalt  }
0x7b: {  	_ =	shalt  }
0x7c: {  	_ =	shalt  }
0x7d: {  	_ =	shalt  }
0x7e: {  	_ =	shalt  }
0x7f: {  	_ =	shalt  }
0x80: {  	_ =	shalt  }
0x81: {  	_ =	shalt  }
0x82: {  	_ =	shalt  }
0x83: {  	_ =	shalt  }
0x84: {  	_ =	shalt  }
0x85: {  	_ =	shalt  }
0x86: {  	_ =	shalt  }
0x87: {  	_ =	shalt  }
.Lfunc_end0:
.L_simem_size_0:
called_computation.1_lowered:
.L_overlay_start_0:
0x88: {  	s2 =	sld [smem:$0x3FD9]  }
0x89: {  	s3 =	sld [smem:$0x3FFE];
	_ =	sdelay $0x1  }
0x8a: {  	s1 =	srdreg.scid  }
0x8b: {  	s0 =	sand.u32 $0x1, s1  }
0x8c: {  	s17 =	sshll.u32 s0, $0xA;
	s2 =	sadd.s32 s3, s2  }
0x8d: {  	s2 =	sadd.s32 s2, s17  }
0x8e: {  	[smem:$0x3FC1] =	sst s2  }
0x8f: {  	_ = 	snop  }
0x90: {  	s2 =	sld [smem:$0x3FC7];
	(tm) =	ssettm $0x1  }
0x91: {  	s18 =	sld [smem:$0x3FFB];
	_ =	sdelay $0x3  }
0x92: {  	_ =	strace s18  }
0x93: {  	s3 =	sld [smem:$0x3FFC];
	_ =	sdelay $0x3  }
0x94: {  	_ =	strace s3  }
0x95: {  	s3 =	sld [smem:$0x3FFD];
	_ =	sdelay $0x3  }
0x96: {  	_ =	strace s3  }
0x97: {  	_ =	strace $0x8FFFFFFF  }
0x98: {  	s19 =	sld [smem:$0x3FDB];
	_ =	sdelay $0x1  }
0x99: {  	s4 =	simm.s32 $_scs_section_size  }
0x9a: {  	s5 =	simm.s32 $_size__tile_overlayer_lowered;
	s6 =	simm.s32 $_tile_overlayer_lowered  }
0x9b: {  	s22 =	simm.s32 $0x1BFF;
	s21 =	sshll.u32 s6, $0x1;
	s3 =	sadd.s32 s4, s19  }
0x9c: {  	s7 =	simm.s32 $0x0;
	s20 =	sshll.u32 s5, $0x1;
	s5 =	sadd.s32 s21, s3  }
0x9d: {  	[timem:s7], [sflag:s22] =	dma.local [hbm:s5], s20  }
0x9e: {  	_ =	swait.ge [sflag:s22], s20  }
0x9f: {  	s4 =	ssub.s32 $0x0, s20;
	[sflag:s22] =	ssyncset.done $0x0  }
0xa0: {  	[sflag:s22] =	ssyncadd.s32 s4;
	_ =	sdelay $0x1  }
0xa1: {  	s23 =	simm.s32 $0x1B8B  }
0xa2: {  	_ =	swait.ge [sflag:s23], $0x1  }
0xa3: {  	[sflag:s23] =	ssyncset.done $0x0  }
0xa4: {  	s25 =	simm.s32 $0x1B8E;
	s24 =	sld [smem:$0x3FFE];
	[sflag:s23] =	ssyncadd.s32 $0xFFFFFFFF  }
0xa5: {  	s26 =	simm.s32 $execute0_lowered;
	[smem:$0x3FD2] =	sst s25  }
0xa6: {  	s5 =	sshll.u32 s26, $0x1;
	_ =	strace $0x80000049;
	[dreg:$0x1] =	wrdreg $0xFFFFFFFF  }
0xa7: {  	s28 =	simm.s32 $_size_execute0_lowered;
	s3 =	sadd.s32 s3, s5;
	[dreg:$0x0] =	wrdreg $0x0  }
0xa8: {  	s5 =	sshll.u32 s28, $0x1;
	[dreg:$0x2] =	wrdreg s3  }
0xa9: {  	[dreg:$0x3] =	wrdreg s5  }
0xaa: {  	[dreg:$0x4] =	wrdreg $0xC0  }
0xab: {  	_ =	task [dreg:s7], $0x5FFFF  }
0xac: {  	[dreg:$0x1] =	wrdreg $0xFFFFFFFF  }
0xad: {  	[dreg:$0x0] =	wrdreg $0x60  }
0xae: {  	[dreg:$0x2] =	wrdreg s24  }
0xaf: {  	[dreg:$0x3] =	wrdreg s2  }
0xb0: {  	[dreg:$0x4] =	wrdreg $0x9  }
0xb1: {  	_ =	task.clear_ibuf [dreg:s7], $0x5FFFF;
	_ =	strace $0x90000049  }
0xb2: {  	s29 =	simm.s32 $0x9;
	_ =	strace $0x8000004B  }
0xb3: {  	_ =	swait.ge [sflag:s29], $0x1  }
0xb4: {  	[sflag:s29] =	ssyncadd.s32 $0xFFFFFFFF  }
0xb5: {  	_ =	strace $0x9000004B  }
0xb6: {  	_ =	sfence  }
0xb7: {  	s30 =	sld [smem:$0x0];
	_ =	sdelay $0x2  }
0xb8: {  	s31 =	sshll.u32 s1, $0xD;
	s1 =	sshrl.u32 s1, $0x2  }
0xb9: {  	s3 =	sand.u32 $0x4000, s31;
	s1 =	sadd.s32 s1, s30  }
0xba: {  	s0 =	sor.u32 s3, s0;
	s1 =	sshll.u32 s1, $0x11  }
0xbb: {  	s0 =	sor.u32 s1, s0  }
0xbc: {  	s0 =	sadd.s32 $0x8F2B, s0  }
0xbd: {  	[sflag:s0] =	ssyncadd.remote.s32 $0x1  }
0xbe: {  	_ =	sfence.sel $0xFFFF  }
0xbf: {  	[dreg:$0x0] =	wrdreg $0xFFFFFFFF;
	(pc) =	sbr.abs _section_cstart, $3  }
0xc0: {  	[dreg:$0x1] =	wrdreg $0xFFFFFFFF  }
0xc1: {  	_ =	task.clear_ibuf [dreg:s7], $0x2FFFF;
	_ =	strace $0x9FFFFFFF  }
0xc2: {  	(tm) =	ssettm $0x7FFFFFFF  }
0xc3: {  	_ =	shalt  }
tec
execute0_lowered:
.L_overlay_start_1:
0x0: {  	(tag) =	ssettag $0x1  }
0x1: {  	s0 =	srdreg.scid;
	s1 =	rddreg [dreg:$0x0]  }
0x2: {  	s2 =	rddreg [dreg:$0x1];
	s5 =	stileid.u32;
	s20 =	simm.s32 $0x3  }
0x3: {  	s21 =	simm.s32 $0x14320;
	s28 =	simm.s32 $0x5000;
	s29 =	simm.s32 $0xF000  }
0x4: {  	s30 =	simm.s32 $0x7800;
	s31 =	simm.s32 $0x11800;
	s0 =	sand.u32 $0x1, s0  }
0x5: {  	s17 =	simm.s32 $0x0;
	s4 =	sand.u32 $0x3, s5;
	s3 =	sshll.u32 s0, $0x4  }
0x6: {  	p1 =	sne.s32 s4, $0x0;
	s6 =	smul.u32 $0xA000, s4;
	s4 =	simm.s32 $0x1  }
0x7: {  	s8 =	ssub.s32 $0x2, s0;
	s5 =	sor.u32 s5, s3;
	s3 =	simm.s32 $0x0  }
0x8: {  	s22 =	sshrl.u32 s8, $0x1;
	p0 =	seq.s32 s5, $0x0;
	[smem:$0x7FF] =	sst s3  }
0x9: {  	s5 =	sshrl.u32 s5, $0x2;
	s7 =	sshrl.u32 s6, $0x3;
	p0 =	por !p1, !p0  }
0xa: {  	s8 =	ssub.s32 s8, s22;
	s22 =	simm.s32 $0x14960;
	p0 =	por !p0, !p0  }
0xb: {  	_ =	strace $0x8000004A;
	s7 =	sadd.s32 s7, s1;
	s4 =	simm.s32 @!p0 $0x0  }
0xc: {  	s16 =	smax.u32 s8, $0x1;
	s7 =	sadd.s32 $0x14C00, s7;
	s9 =	ssub.s32 s5, s4  }
0xd: {  	[dreg:$0x3] =	wrdreg s7;
	p0 =	sne.s32 s0, $0x0;
	s11 =	smul.u32 $0x9C40, s9  }
0xe: {  	s0 =	simm.s32 $0x2;
	s4 =	sadd.s32 $0x1200, s1;
	s9 =	smul.u32 $0x28000, s9  }
0xf: {  	s1 =	sadd.s32 $0x19C00, s1;
	s5 =	simm.s32 $0x1;
	s10 =	sadd.s32 $0x4E200, s11  }
0x10: {  	s23 =	sshrl.u32 s11, $0x3;
	s6 =	sadd.s32 s6, s9;
	s10 =	sshrl.u32 s10, $0x3  }
0x11: {  	s12 =	sadd.s32 s4, s23;
	s7 =	sadd.s32 s2, s23;
	s24 =	sshrl.u32 s6, $0x3  }
0x12: {  	s25 =	sadd.s32 $0x2800, s6;
	s9 =	sadd.s32 $0x5000, s6;
	s6 =	sadd.s32 $0x7800, s6  }
0x13: {  	s23 =	simm.s32 $0x14FA0;
	[dreg:$0x4] =	wrdreg s12;
	s10 =	sadd.s32 s4, s10  }
0x14: {  	[dreg:$0x6] =	wrdreg s7;
	s7 =	sadd.s32 s1, s24;
	s26 =	sshrl.u32 s9, $0x3  }
.Ltmp0:
0x15: {  	s6 =	sshrl.u32 s6, $0x3;
	s24 =	simm.s32 $0xA000;
	(pc) =	sbr.rel .LBB2_1-.Ltmp0, $4  }
0x16: {  	[dreg:$0x5] =	wrdreg s10;
	s10 =	sadd.s32 $0x320, s11;
	s11 =	sadd.s32 $0x640, s11  }
0x17: {  	[dreg:$0x7] =	wrdreg s7;
	s7 =	sshrl.u32 s25, $0x3;
	s14 =	sadd.s32 s1, s26  }
0x18: {  	s15 =	sadd.s32 s1, s6;
	s25 =	simm.s32 $0x2800;
	s7 =	sadd.s32 s1, s7  }
0x19: {  	v0 =	vimm.f32 $0.0e+00;
	s26 =	simm.s32 $0xC800;
	s1 =	simm.s32 $0x4;
	[dreg:$0x8] =	wrdreg s7  }
.LBB2_14:
0x1a: {  	s6 =	rddreg [dreg:$0x7]  }
0x1b: {  	[hbm4b:s6+s3] =	stream.linear.scatter [tilespmem:s24], [sflag:$0x4], $0x2800, $0x38;
	[tilespmem:$0x152C0] =	vst v63  }
0x1c: {  	_ =	swait.ge [sflag:s1], $0x2800  }
0x1d: {  	[sflag:s1] =	ssyncset.done $0x0  }
0x1e: {  	s19 =	rddreg [dreg:$0x8];
	[sflag:s1] =	ssyncadd.s32 $0xFFFFD800  }
0x1f: {  	[hbm4b:s19+s3] =	stream.linear.scatter [tilespmem:s26], [sflag:$0x4], $0x2800, $0x38;
	[tilespmem:$0x152C0] =	vst v63  }
0x20: {  	_ =	swait.ge [sflag:s1], $0x2800  }
0x21: {  	[sflag:s1] =	ssyncset.done $0x0  }
0x22: {  	[sflag:s1] =	ssyncadd.s32 $0xFFFFD800  }
0x23: {  	[hbm4b:s14+s3] =	stream.linear.scatter [tilespmem:s29], [sflag:$0x4], $0x2800, $0x38;
	[tilespmem:$0x152C0] =	vst v63  }
0x24: {  	s17 =	sadd.s32 $0x1, s17;
	_ =	swait.ge [sflag:s1], $0x2800  }
0x25: {  	p1 =	sne.s32 s17, s16;
	[sflag:s1] =	ssyncset.done $0x0  }
.Ltmp1:
0x26: {  	[sflag:s1] =	ssyncadd.s32 $0xFFFFD800;
	(pc) =	sbr.rel @!p1 .LBB2_15-.Ltmp1, $4  }
0x27: {  	[hbm4b:s15+s3] =	stream.linear.scatter [tilespmem:s31], [sflag:$0x4], $0x2800, $0x38;
	[tilespmem:$0x152C0] =	vst v63  }
0x28: {  	_ =	swait.ge [sflag:s1], $0x2800  }
0x29: {  	[sflag:s1] =	ssyncset.done $0x0  }
0x2a: {  	[sflag:s1] =	ssyncadd.s32 $0xFFFFD800  }
.LBB2_1:
0x2b: {  	s6 =	rddreg [dreg:$0x3];
	s9 =	simm.s32 $0xA080  }
0x2c: {  	[tilespmem:s3], [sflag:$0x3] =	stream.linear.gather [hbm4b:s6+s3], $0xA000, $0x38;
	[tilespmem:$0x152C0] =	vst v63  }
0x2d: {  	[tilespmem:s9+$0xFFFFFF90] =	vst v0  }
0x2e: {  	[tilespmem:s9+$0xFFFFFF80] =	vst v0  }
0x2f: {  	[tilespmem:s9+$0xFFFFFFB0] =	vst v0  }
0x30: {  	[tilespmem:s9+$0xFFFFFFA0] =	vst v0  }
0x31: {  	[tilespmem:s9+$0xFFFFFFD0] =	vst v0  }
0x32: {  	[tilespmem:s9+$0xFFFFFFC0] =	vst v0  }
0x33: {  	[tilespmem:s9+$0xFFFFFFE0] =	vst v0  }
0x34: {  	[tilespmem:s9+$0xFFFFFFF0] =	vst v0  }
0x35: {  	[tilespmem:s9+$0x10] =	vst v0  }
0x36: {  	[tilespmem:s9+$0x0] =	vst v0  }
0x37: {  	[tilespmem:s9+$0x30] =	vst v0  }
0x38: {  	[tilespmem:s9+$0x20] =	vst v0  }
0x39: {  	[tilespmem:s9+$0x50] =	vst v0  }
0x3a: {  	[tilespmem:s9+$0x40] =	vst v0  }
0x3b: {  	[tilespmem:s9+$0x70] =	vst v0  }
0x3c: {  	s7 =	simm.s32 $0xC880;
	[tilespmem:s9+$0x60] =	vst v0  }
0x3d: {  	[tilespmem:s7+$0xFFFFFFF0] =	vst v0  }
0x3e: {  	[tilespmem:s7+$0xFFFFFFE0] =	vst v0  }
0x3f: {  	[tilespmem:s7+$0x70] =	vst v0  }
0x40: {  	[tilespmem:s7+$0x60] =	vst v0  }
0x41: {  	[tilespmem:s7+$0x50] =	vst v0  }
0x42: {  	[tilespmem:s7+$0x40] =	vst v0  }
0x43: {  	[tilespmem:s7+$0x30] =	vst v0  }
0x44: {  	[tilespmem:s7+$0x20] =	vst v0  }
0x45: {  	[tilespmem:s7+$0xFFFFFFD0] =	vst v0  }
0x46: {  	[tilespmem:s7+$0x10] =	vst v0  }
0x47: {  	[tilespmem:s7+$0xFFFFFFC0] =	vst v0  }
0x48: {  	s8 =	simm.s32 $0xF080;
	[tilespmem:s7+$0xFFFFFFB0] =	vst v0  }
0x49: {  	[tilespmem:s8+$0xFFFFFFE0] =	vst v0  }
0x4a: {  	[tilespmem:s8+$0xFFFFFFF0] =	vst v0  }
0x4b: {  	[tilespmem:s8+$0x60] =	vst v0  }
0x4c: {  	[tilespmem:s8+$0x70] =	vst v0  }
0x4d: {  	[tilespmem:s8+$0x40] =	vst v0  }
0x4e: {  	[tilespmem:s8+$0x50] =	vst v0  }
0x4f: {  	[tilespmem:s8+$0x20] =	vst v0  }
0x50: {  	s6 =	simm.s32 $0x11880;
	[tilespmem:s8+$0x30] =	vst v0  }
0x51: {  	[tilespmem:s6+$0xFFFFFFE0] =	vst v0  }
0x52: {  	[tilespmem:s6+$0xFFFFFFF0] =	vst v0  }
0x53: {  	[tilespmem:s6+$0x70] =	vst v0  }
0x54: {  	[tilespmem:s6+$0x60] =	vst v0  }
0x55: {  	[tilespmem:s6+$0x40] =	vst v0  }
0x56: {  	s18 =	simm.s32 $0x0;
	s19 =	simm.s32 $0xC980;
	[tilespmem:s6+$0x50] =	vst v0  }
0x57: {  	s12 =	simm.s32 $0xA180;
	s13 =	simm.s32 $0x11880;
	s9 =	simm.s32 $0xF080;
	[tilespmem:s6+$0x20] =	vst v0  }
.LBB2_2:
0x58: {  	s18 =	sadd.s32 $0x8, s18;
	[tilespmem:s6+$0x30] =	vst v0;
	s13 =	sadd.s32 $0x100, s13;
	s8 =	sadd.s32 $0x100, s8  }
0x59: {  	p1 =	slt.u32 s18, $0x138;
	[tilespmem:s7+$0xFFFFFF90] =	vst v0  }
0x5a: {  	[tilespmem:s9+$0xFFFFFFC0] =	vst v0  }
0x5b: {  	[tilespmem:s7+$0x0] =	vst v0  }
0x5c: {  	[tilespmem:s7+$0xFFFFFFA0] =	vst v0  }
0x5d: {  	[tilespmem:s9+$0xFFFFFFA0] =	vst v0  }
0x5e: {  	[tilespmem:s9+$0xFFFFFFB0] =	vst v0  }
0x5f: {  	[tilespmem:s7+$0xFFFFFF80] =	vst v0;
	s7 =	smov.u32 s19  }
0x60: {  	[tilespmem:s9+$0xFFFFFFD0] =	vst v0  }
0x61: {  	[tilespmem:s6+$0xFFFFFFD0] =	vst v0  }
0x62: {  	[tilespmem:s9+$0x0] =	vst v0  }
0x63: {  	[tilespmem:s9+$0xFFFFFF90] =	vst v0  }
0x64: {  	[tilespmem:s6+$0xFFFFFFC0] =	vst v0  }
0x65: {  	[tilespmem:s6+$0xFFFFFFA0] =	vst v0  }
0x66: {  	[tilespmem:s6+$0xFFFFFFB0] =	vst v0  }
0x67: {  	[tilespmem:s9+$0xFFFFFF80] =	vst v0  }
0x68: {  	[tilespmem:s9+$0x10] =	vst v0;
	s9 =	smov.u32 s8  }
0x69: {  	[tilespmem:s6+$0x0] =	vst v0  }
0x6a: {  	[tilespmem:s6+$0xFFFFFF80] =	vst v0  }
0x6b: {  	[tilespmem:s6+$0x10] =	vst v0  }
0x6c: {  	[tilespmem:s6+$0xFFFFFF90] =	vst v0;
	s6 =	smov.u32 s13  }
0x6d: {  	[tilespmem:s12+$0xFFFFFF90] =	vst v0  }
0x6e: {  	[tilespmem:s12+$0xFFFFFF80] =	vst v0  }
0x6f: {  	[tilespmem:s12+$0xFFFFFFB0] =	vst v0  }
0x70: {  	[tilespmem:s12+$0xFFFFFFA0] =	vst v0  }
0x71: {  	[tilespmem:s12+$0xFFFFFFD0] =	vst v0  }
0x72: {  	[tilespmem:s12+$0xFFFFFFC0] =	vst v0  }
0x73: {  	[tilespmem:s12+$0xFFFFFFE0] =	vst v0  }
0x74: {  	[tilespmem:s12+$0xFFFFFFF0] =	vst v0  }
0x75: {  	[tilespmem:s19+$0xFFFFFFF0] =	vst v0  }
0x76: {  	[tilespmem:s19+$0xFFFFFFE0] =	vst v0  }
0x77: {  	[tilespmem:s8+$0xFFFFFFE0] =	vst v0  }
0x78: {  	[tilespmem:s8+$0xFFFFFFF0] =	vst v0  }
0x79: {  	[tilespmem:s13+$0xFFFFFFE0] =	vst v0  }
0x7a: {  	[tilespmem:s13+$0xFFFFFFF0] =	vst v0  }
0x7b: {  	[tilespmem:s12+$0x10] =	vst v0  }
0x7c: {  	[tilespmem:s12+$0x0] =	vst v0  }
0x7d: {  	[tilespmem:s12+$0x30] =	vst v0  }
0x7e: {  	[tilespmem:s12+$0x20] =	vst v0  }
0x7f: {  	[tilespmem:s12+$0x50] =	vst v0  }
0x80: {  	[tilespmem:s12+$0x40] =	vst v0  }
0x81: {  	[tilespmem:s12+$0x70] =	vst v0  }
0x82: {  	[tilespmem:s12+$0x60] =	vst v0  }
0x83: {  	[tilespmem:s19+$0x70] =	vst v0  }
0x84: {  	[tilespmem:s19+$0x60] =	vst v0  }
0x85: {  	[tilespmem:s8+$0x60] =	vst v0  }
0x86: {  	[tilespmem:s8+$0x70] =	vst v0  }
0x87: {  	[tilespmem:s13+$0x70] =	vst v0  }
0x88: {  	[tilespmem:s13+$0x60] =	vst v0  }
0x89: {  	[tilespmem:s19+$0x50] =	vst v0  }
0x8a: {  	[tilespmem:s19+$0x40] =	vst v0  }
0x8b: {  	[tilespmem:s8+$0x40] =	vst v0  }
0x8c: {  	[tilespmem:s8+$0x50] =	vst v0  }
0x8d: {  	[tilespmem:s13+$0x40] =	vst v0  }
0x8e: {  	[tilespmem:s19+$0x30] =	vst v0  }
0x8f: {  	[tilespmem:s13+$0x50] =	vst v0  }
0x90: {  	[tilespmem:s19+$0x20] =	vst v0  }
0x91: {  	[tilespmem:s8+$0x20] =	vst v0  }
0x92: {  	[tilespmem:s8+$0x30] =	vst v0  }
.Ltmp2:
0x93: {  	[tilespmem:s13+$0x20] =	vst v0;
	(pc) =	sbr.rel @p1 .LBB2_2-.Ltmp2, $4  }
0x94: {  	[tilespmem:s19+$0xFFFFFFD0] =	vst v0  }
0x95: {  	[tilespmem:s19+$0x10] =	vst v0  }
0x96: {  	[tilespmem:s19+$0xFFFFFFC0] =	vst v0  }
0x97: {  	s12 =	sadd.s32 $0x100, s12;
	s19 =	sadd.s32 $0x100, s19;
	[tilespmem:s7+$0xFFFFFFB0] =	vst v0  }
0x98: {  	[tilespmem:s6+$0x30] =	vst v0  }
0x99: {  	[tilespmem:s7+$0xFFFFFF90] =	vst v0  }
0x9a: {  	[tilespmem:s9+$0xFFFFFFC0] =	vst v0  }
0x9b: {  	[tilespmem:s7+$0x0] =	vst v0  }
0x9c: {  	[tilespmem:s7+$0xFFFFFFA0] =	vst v0  }
0x9d: {  	[tilespmem:s7+$0xFFFFFF80] =	vst v0  }
0x9e: {  	[tilespmem:s9+$0xFFFFFFD0] =	vst v0  }
0x9f: {  	[tilespmem:s9+$0xFFFFFFA0] =	vst v0  }
0xa0: {  	[tilespmem:s9+$0xFFFFFFB0] =	vst v0  }
0xa1: {  	[tilespmem:s6+$0xFFFFFFD0] =	vst v0  }
0xa2: {  	[tilespmem:s9+$0x0] =	vst v0  }
0xa3: {  	[tilespmem:s9+$0xFFFFFF90] =	vst v0  }
0xa4: {  	[tilespmem:s6+$0xFFFFFFC0] =	vst v0  }
0xa5: {  	[tilespmem:s9+$0xFFFFFF80] =	vst v0  }
0xa6: {  	[tilespmem:s9+$0x10] =	vst v0  }
0xa7: {  	[tilespmem:s6+$0xFFFFFFA0] =	vst v0  }
0xa8: {  	[tilespmem:s6+$0xFFFFFFB0] =	vst v0  }
0xa9: {  	[tilespmem:s6+$0x0] =	vst v0  }
0xaa: {  	[tilespmem:s6+$0xFFFFFF80] =	vst v0  }
0xab: {  	[tilespmem:s6+$0x10] =	vst v0  }
0xac: {  	[tilespmem:s6+$0xFFFFFF90] =	vst v0  }
0xad: {  	s18 =	simm.s32 $0x0;
	s8 =	simm.s32 $0x14000;
	s6 =	rddreg [dreg:$0x4]  }
0xae: {  	[tilespmem:s8], [sflag:$0x1] =	stream.linear.gather [hbm4b:s6+s18], $0x320, $0x38;
	[tilespmem:$0x152C0] =	vst v63  }
0xaf: {  	s12 =	simm.s32 $0x14640;
	s9 =	rddreg [dreg:$0x5]  }
0xb0: {  	[tilespmem:s12], [sflag:$0x1] =	stream.linear.gather [hbm4b:s9+s18], $0x320, $0x38;
	[tilespmem:$0x152C0] =	vst v63  }
.Ltmp3:
0xb1: {  	s19 =	simm.s32 $0x14C80;
	s13 =	rddreg [dreg:$0x6];
	(pc) =	sbr.rel @p0 .LBB2_9-.Ltmp3, $4  }
0xb2: {  	[tilespmem:s19], [sflag:$0x1] =	stream.linear.gather [hbm4b:s13+s18], $0x320, $0x38;
	[tilespmem:$0x152C0] =	vst v63  }
0xb3: {  	_ =	swait.ge [sflag:s20], $0xA000  }
0xb4: {  	[sflag:s20] =	ssyncset.done $0x0  }
0xb5: {  	[sflag:s20] =	ssyncadd.s32 $0xFFFF6000  }
.LBB2_4:
0xb6: {  	_ =	swait.ge [sflag:s5], $0x320  }
0xb7: {  	[sflag:s5] =	ssyncset.done $0x0  }
0xb8: {  	[sflag:s5] =	ssyncadd.s32 $0xFFFFFCE0  }
0xb9: {  	_ =	swait.ge [sflag:s5], $0x320  }
0xba: {  	s19 =	smul.u32 $0x640, s18;
	[sflag:s5] =	ssyncset.done $0x0  }
0xbb: {  	[sflag:s5] =	ssyncadd.s32 $0xFFFFFCE0  }
0xbc: {  	s6 =	sadd.s32 s19, s10;
	_ =	swait.ge [sflag:s5], $0x320  }
0xbd: {  	s7 =	sshrl.u32 s6, $0x3;
	s6 =	sadd.s32 $0x4E200, s6;
	[sflag:s5] =	ssyncset.done $0x0  }
0xbe: {  	s8 =	sadd.s32 s4, s7;
	s6 =	sshrl.u32 s6, $0x3;
	[sflag:s5] =	ssyncadd.s32 $0xFFFFFCE0  }
0xbf: {  	[tilespmem:s21], [sflag:$0x2] =	stream.linear.gather [hbm4b:s8+s3], $0x320, $0x38;
	[tilespmem:$0x152C0] =	vst v63  }
0xc0: {  	s6 =	sadd.s32 s4, s6  }
0xc1: {  	[tilespmem:s22], [sflag:$0x2] =	stream.linear.gather [hbm4b:s6+s3], $0x320, $0x38;
	[tilespmem:$0x152C0] =	vst v63  }
0xc2: {  	s13 =	simm.s32 $0x14050;
	s12 =	sadd.s32 s2, s7  }
0xc3: {  	[tilespmem:s23], [sflag:$0x2] =	stream.linear.gather [hbm4b:s12+s3], $0x320, $0x38;
	[tilespmem:$0x152C0] =	vst v63  }
0xc4: {  	v1 =	vld [tilespmem:s13+$0x40]  }
0xc5: {  	v2 =	vld [tilespmem:s13+$0xFFFFFFC0]  }
0xc6: {  	v3 =	vld [tilespmem:s13+$0xFFFFFFD0]  }
0xc7: {  	v4 =	vld [tilespmem:s13+$0xFFFFFFE0]  }
0xc8: {  	v5 =	vld [tilespmem:s13+$0xFFFFFFF0]  }
0xc9: {  	v6 =	vld [tilespmem:s13+$0x0]  }
0xca: {  	s6 =	simm.s32 $0x14690;
	v7 =	vld [tilespmem:s13+$0x10]  }
0xcb: {  	s7 =	simm.s32 $0x14CD0;
	v8 =	vld [tilespmem:s6+$0x40]  }
0xcc: {  	v10 =	vld [tilespmem:s7+$0x40]  }
0xcd: {  	v11 =	vld [tilespmem:s13+$0x20]  }
0xce: {  	v12 =	vld [tilespmem:s13+$0x30]  }
0xcf: {  	v13 =	vld [tilespmem:s13+$0xFFFFFFB0]  }
0xd0: {  	v23 =	vld [tilespmem:s7+$0xFFFFFFB0]  }
0xd1: {  	v24 =	vld [tilespmem:s7+$0xFFFFFFC0]  }
0xd2: {  	v25 =	vld [tilespmem:s7+$0xFFFFFFD0]  }
0xd3: {  	v26 =	vld [tilespmem:s7+$0xFFFFFFE0]  }
0xd4: {  	v27 =	vld [tilespmem:s7+$0xFFFFFFF0]  }
0xd5: {  	v28 =	vld [tilespmem:s7+$0x0]  }
0xd6: {  	v29 =	vld [tilespmem:s7+$0x10]  }
0xd7: {  	v30 =	vld [tilespmem:s7+$0x20]  }
0xd8: {  	v31 =	vld [tilespmem:s6+$0xFFFFFFB0]  }
0xd9: {  	v32 =	vld [tilespmem:s6+$0xFFFFFFC0]  }
0xda: {  	v33 =	vld [tilespmem:s6+$0xFFFFFFD0]  }
0xdb: {  	v34 =	vld [tilespmem:s6+$0xFFFFFFE0]  }
0xdc: {  	v35 =	vld [tilespmem:s6+$0xFFFFFFF0]  }
0xdd: {  	v36 =	vld [tilespmem:s6+$0x30]  }
0xde: {  	v9 =	vld.idx.msk [tilespmem:v1+s3+$0x0], $0xffff  }
0xdf: {  	v14 =	vld.idx.msk [tilespmem:v2+s3+$0x0], $0xffff  }
0xe0: {  	v15 =	vld.idx.msk [tilespmem:v3+s3+$0x0], $0xffff  }
0xe1: {  	v16 =	vld.idx.msk [tilespmem:v4+s3+$0x0], $0xffff  }
0xe2: {  	v17 =	vld.idx.msk [tilespmem:v5+s3+$0x0], $0xffff  }
0xe3: {  	v19 =	vld.idx.msk [tilespmem:v13+s3+$0x0], $0xffff  }
0xe4: {  	v18 =	vld.idx.msk [tilespmem:v6+s3+$0x0], $0xffff  }
0xe5: {  	v20 =	vld.idx.msk [tilespmem:v7+s3+$0x0], $0xffff  }
0xe6: {  	v21 =	vld.idx.msk [tilespmem:v11+s3+$0x0], $0xffff  }
0xe7: {  	v22 =	vld.idx.msk [tilespmem:v12+s3+$0x0], $0xffff;
	v9 =	vmul.f32 v9, v10  }
0xe8: {  	v52 =	vmul.f32 v19, v23;
	v19 =	vld [tilespmem:s6+$0x20]  }
0xe9: {  	v14 =	vmul.f32 v14, v24;
	[tilespmem:v8+s24+$0x0] =	vst.idx.add.f32.msk $0xffff, v9  }
0xea: {  	v15 =	vmul.f32 v15, v25;
	[tilespmem:v31+s24+$0x0] =	vst.idx.add.f32.msk $0xffff, v52  }
0xeb: {  	v53 =	vmul.f32 v16, v26;
	[tilespmem:v32+s24+$0x0] =	vst.idx.add.f32.msk $0xffff, v14  }
0xec: {  	v54 =	vmul.f32 v17, v27;
	[tilespmem:v33+s24+$0x0] =	vst.idx.add.f32.msk $0xffff, v15  }
0xed: {  	[tilespmem:v34+s24+$0x0] =	vst.idx.add.f32.msk $0xffff, v53  }
0xee: {  	[tilespmem:v35+s24+$0x0] =	vst.idx.add.f32.msk $0xffff, v54  }
0xef: {  	v9 =	vld.idx.msk [tilespmem:v1+s25+$0x0], $0xffff  }
0xf0: {  	v59 =	vld.idx.msk [tilespmem:v13+s25+$0x0], $0xffff  }
0xf1: {  	v60 =	vld.idx.msk [tilespmem:v2+s25+$0x0], $0xffff  }
0xf2: {  	v61 =	vld.idx.msk [tilespmem:v3+s25+$0x0], $0xffff  }
0xf3: {  	v57 =	vmul.f32 v21, v30;
	v62 =	vld.idx.msk [tilespmem:v4+s25+$0x0], $0xffff  }
0xf4: {  	v63 =	vld.idx.msk [tilespmem:v5+s25+$0x0], $0xffff  }
0xf5: {  	v9 =	vmul.f32 v9, v10;
	[tilespmem:v19+s24+$0x0] =	vst.idx.add.f32.msk $0xffff, v57  }
0xf6: {  	v14 =	vmul.f32 v60, v24;
	v39 =	vld.idx.msk [tilespmem:v11+s25+$0x0], $0xffff  }
0xf7: {  	v15 =	vmul.f32 v61, v25;
	[tilespmem:v8+s26+$0x0] =	vst.idx.add.f32.msk $0xffff, v9  }
0xf8: {  	v41 =	vmul.f32 v62, v26;
	[tilespmem:v32+s26+$0x0] =	vst.idx.add.f32.msk $0xffff, v14  }
0xf9: {  	v42 =	vmul.f32 v63, v27;
	[tilespmem:v33+s26+$0x0] =	vst.idx.add.f32.msk $0xffff, v15  }
0xfa: {  	[tilespmem:v34+s26+$0x0] =	vst.idx.add.f32.msk $0xffff, v41  }
0xfb: {  	[tilespmem:v35+s26+$0x0] =	vst.idx.add.f32.msk $0xffff, v42  }
0xfc: {  	v9 =	vld.idx.msk [tilespmem:v1+s28+$0x0], $0xffff  }
0xfd: {  	v48 =	vld.idx.msk [tilespmem:v2+s28+$0x0], $0xffff  }
0xfe: {  	v49 =	vld.idx.msk [tilespmem:v3+s28+$0x0], $0xffff  }
0xff: {  	v50 =	vld.idx.msk [tilespmem:v4+s28+$0x0], $0xffff;
	v45 =	vmul.f32 v39, v30  }
0x100: {  	v51 =	vld.idx.msk [tilespmem:v5+s28+$0x0], $0xffff  }
0x101: {  	v9 =	vmul.f32 v9, v10;
	[tilespmem:v19+s26+$0x0] =	vst.idx.add.f32.msk $0xffff, v45  }
0x102: {  	v54 =	vld.idx.msk [tilespmem:v11+s28+$0x0], $0xffff  }
0x103: {  	v14 =	vmul.f32 v48, v24;
	[tilespmem:v8+s29+$0x0] =	vst.idx.add.f32.msk $0xffff, v9  }
0x104: {  	v15 =	vmul.f32 v49, v25;
	v9 =	vld [tilespmem:s7+$0x30]  }
0x105: {  	[tilespmem:v32+s29+$0x0] =	vst.idx.add.f32.msk $0xffff, v14  }
0x106: {  	v57 =	vmul.f32 v51, v27;
	[tilespmem:v33+s29+$0x0] =	vst.idx.add.f32.msk $0xffff, v15  }
0x107: {  	v1 =	vld.idx.msk [tilespmem:v1+s30+$0x0], $0xffff  }
0x108: {  	[tilespmem:v35+s29+$0x0] =	vst.idx.add.f32.msk $0xffff, v57  }
0x109: {  	v2 =	vld.idx.msk [tilespmem:v2+s30+$0x0], $0xffff  }
0x10a: {  	v3 =	vld.idx.msk [tilespmem:v3+s30+$0x0], $0xffff  }
0x10b: {  	v5 =	vld.idx.msk [tilespmem:v5+s30+$0x0], $0xffff;
	v60 =	vmul.f32 v54, v30  }
0x10c: {  	v58 =	vmul.f32 v22, v9;
	v1 =	vmul.f32 v1, v10;
	v10 =	vld [tilespmem:s6+$0x0]  }
0x10d: {  	[tilespmem:v19+s29+$0x0] =	vst.idx.add.f32.msk $0xffff, v60  }
0x10e: {  	[tilespmem:v36+s24+$0x0] =	vst.idx.add.f32.msk $0xffff, v58  }
0x10f: {  	[tilespmem:v8+s31+$0x0] =	vst.idx.add.f32.msk $0xffff, v1  }
0x110: {  	v1 =	vld [tilespmem:s6+$0x10]  }
0x111: {  	v2 =	vmul.f32 v2, v24;
	v11 =	vld.idx.msk [tilespmem:v11+s30+$0x0], $0xffff  }
0x112: {  	v8 =	vmul.f32 v59, v23;
	v40 =	vld.idx.msk [tilespmem:v12+s25+$0x0], $0xffff  }
0x113: {  	[tilespmem:v32+s31+$0x0] =	vst.idx.add.f32.msk $0xffff, v2  }
0x114: {  	v55 =	vmul.f32 v18, v28;
	[tilespmem:v31+s26+$0x0] =	vst.idx.add.f32.msk $0xffff, v8  }
0x115: {  	v47 =	vld.idx.msk [tilespmem:v13+s28+$0x0], $0xffff  }
0x116: {  	v56 =	vmul.f32 v20, v29;
	[tilespmem:v10+s24+$0x0] =	vst.idx.add.f32.msk $0xffff, v55  }
0x117: {  	v37 =	vld.idx.msk [tilespmem:v6+s25+$0x0], $0xffff  }
0x118: {  	v2 =	vmul.f32 v5, v27;
	[tilespmem:v1+s24+$0x0] =	vst.idx.add.f32.msk $0xffff, v56  }
0x119: {  	v46 =	vmul.f32 v40, v9;
	v38 =	vld.idx.msk [tilespmem:v7+s25+$0x0], $0xffff  }
0x11a: {  	[tilespmem:v35+s31+$0x0] =	vst.idx.add.f32.msk $0xffff, v2  }
0x11b: {  	[tilespmem:v36+s26+$0x0] =	vst.idx.add.f32.msk $0xffff, v46;
	v8 =	vmul.f32 v47, v23  }
0x11c: {  	v55 =	vld.idx.msk [tilespmem:v12+s28+$0x0], $0xffff;
	v43 =	vmul.f32 v37, v28  }
0x11d: {  	[tilespmem:v31+s29+$0x0] =	vst.idx.add.f32.msk $0xffff, v8  }
0x11e: {  	v44 =	vmul.f32 v38, v29;
	[tilespmem:v10+s26+$0x0] =	vst.idx.add.f32.msk $0xffff, v43  }
0x11f: {  	v52 =	vld.idx.msk [tilespmem:v6+s28+$0x0], $0xffff  }
0x120: {  	v56 =	vmul.f32 v50, v26;
	[tilespmem:v1+s26+$0x0] =	vst.idx.add.f32.msk $0xffff, v44  }
0x121: {  	v53 =	vld.idx.msk [tilespmem:v7+s28+$0x0], $0xffff  }
0x122: {  	[tilespmem:v34+s29+$0x0] =	vst.idx.add.f32.msk $0xffff, v56  }
0x123: {  	v62 =	vld.idx.msk [tilespmem:v13+s30+$0x0], $0xffff;
	v61 =	vmul.f32 v55, v9  }
0x124: {  	v4 =	vld.idx.msk [tilespmem:v4+s30+$0x0], $0xffff;
	v58 =	vmul.f32 v52, v28  }
0x125: {  	[tilespmem:v36+s29+$0x0] =	vst.idx.add.f32.msk $0xffff, v61  }
0x126: {  	v59 =	vmul.f32 v53, v29;
	[tilespmem:v10+s29+$0x0] =	vst.idx.add.f32.msk $0xffff, v58  }
0x127: {  	v6 =	vld.idx.msk [tilespmem:v6+s30+$0x0], $0xffff  }
0x128: {  	[tilespmem:v1+s29+$0x0] =	vst.idx.add.f32.msk $0xffff, v59  }
0x129: {  	v3 =	vmul.f32 v3, v25;
	v7 =	vld.idx.msk [tilespmem:v7+s30+$0x0], $0xffff  }
0x12a: {  	v2 =	vmul.f32 v11, v30;
	v12 =	vld.idx.msk [tilespmem:v12+s30+$0x0], $0xffff  }
0x12b: {  	[tilespmem:v33+s31+$0x0] =	vst.idx.add.f32.msk $0xffff, v3;
	v8 =	vmul.f32 v62, v23  }
0x12c: {  	[tilespmem:v19+s31+$0x0] =	vst.idx.add.f32.msk $0xffff, v2;
	v4 =	vmul.f32 v4, v26  }
0x12d: {  	[tilespmem:v31+s31+$0x0] =	vst.idx.add.f32.msk $0xffff, v8;
	v3 =	vmul.f32 v6, v28  }
0x12e: {  	[tilespmem:v34+s31+$0x0] =	vst.idx.add.f32.msk $0xffff, v4;
	v63 =	vmul.f32 v7, v29  }
0x12f: {  	[tilespmem:v10+s31+$0x0] =	vst.idx.add.f32.msk $0xffff, v3;
	v3 =	vmul.f32 v12, v9  }
0x130: {  	[tilespmem:v1+s31+$0x0] =	vst.idx.add.f32.msk $0xffff, v63  }
0x131: {  	s9 =	simm.s32 $0x140F0;
	s8 =	simm.s32 $0x0;
	[tilespmem:v36+s31+$0x0] =	vst.idx.add.f32.msk $0xffff, v3  }
.LBB2_5:
0x132: {  	v18 =	vld [tilespmem:s9+$0x40];
	s8 =	sadd.s32 $0xA, s8  }
0x133: {  	v1 =	vld [tilespmem:s9+$0xFFFFFFC0];
	p1 =	slt.u32 s8, $0x28  }
0x134: {  	v3 =	vld [tilespmem:s9+$0xFFFFFFD0]  }
0x135: {  	v4 =	vld [tilespmem:s9+$0xFFFFFFE0]  }
0x136: {  	v5 =	vld [tilespmem:s9+$0xFFFFFFF0]  }
0x137: {  	v6 =	vld [tilespmem:s9+$0x0]  }
0x138: {  	s6 =	sadd.s32 $0xA0, s6;
	v2 =	vld [tilespmem:s9+$0x10]  }
0x139: {  	v25 =	vld [tilespmem:s6+$0x40]  }
0x13a: {  	s7 =	sadd.s32 $0xA0, s7;
	v10 =	vld.idx.msk [tilespmem:v18+s3+$0x0], $0xffff  }
0x13b: {  	v21 =	vld [tilespmem:s7+$0x40]  }
0x13c: {  	v8 =	vld [tilespmem:s9+$0x20]  }
0x13d: {  	v7 =	vld [tilespmem:s9+$0x30]  }
0x13e: {  	v9 =	vld [tilespmem:s9+$0xFFFFFFB0]  }
0x13f: {  	v11 =	vld.idx.msk [tilespmem:v1+s3+$0x0], $0xffff  }
0x140: {  	v14 =	vld.idx.msk [tilespmem:v3+s3+$0x0], $0xffff;
	v10 =	vmul.f32 v10, v21  }
0x141: {  	v19 =	vld.idx.msk [tilespmem:v4+s3+$0x0], $0xffff  }
0x142: {  	[tilespmem:v25+s24+$0x0] =	vst.idx.add.f32.msk $0xffff, v10  }
0x143: {  	v10 =	vld.idx.msk [tilespmem:v18+s25+$0x0], $0xffff  }
0x144: {  	v20 =	vld.idx.msk [tilespmem:v5+s3+$0x0], $0xffff  }
0x145: {  	v22 =	vld.idx.msk [tilespmem:v6+s3+$0x0], $0xffff  }
0x146: {  	v13 =	vld.idx.msk [tilespmem:v9+s3+$0x0], $0xffff  }
0x147: {  	v23 =	vld.idx.msk [tilespmem:v2+s3+$0x0], $0xffff  }
0x148: {  	v24 =	vld.idx.msk [tilespmem:v8+s3+$0x0], $0xffff  }
0x149: {  	v10 =	vmul.f32 v10, v21;
	v26 =	vld.idx.msk [tilespmem:v7+s3+$0x0], $0xffff  }
0x14a: {  	v12 =	vld [tilespmem:s7+$0xFFFFFFB0]  }
0x14b: {  	[tilespmem:v25+s26+$0x0] =	vst.idx.add.f32.msk $0xffff, v10  }
0x14c: {  	v27 =	vld.idx.msk [tilespmem:v18+s28+$0x0], $0xffff  }
0x14d: {  	v17 =	vld [tilespmem:s7+$0xFFFFFFC0]  }
0x14e: {  	v16 =	vld [tilespmem:s7+$0xFFFFFFD0]  }
0x14f: {  	v28 =	vmul.f32 v13, v12;
	v15 =	vld [tilespmem:s7+$0xFFFFFFE0]  }
0x150: {  	v13 =	vld [tilespmem:s7+$0xFFFFFFF0]  }
0x151: {  	v10 =	vld [tilespmem:s7+$0x0]  }
0x152: {  	v27 =	vmul.f32 v27, v21;
	v29 =	vmul.f32 v11, v17;
	v11 =	vld [tilespmem:s7+$0x10]  }
0x153: {  	v30 =	vmul.f32 v14, v16;
	v14 =	vld [tilespmem:s7+$0x20]  }
0x154: {  	v31 =	vmul.f32 v19, v15;
	[tilespmem:v25+s29+$0x0] =	vst.idx.add.f32.msk $0xffff, v27  }
0x155: {  	v32 =	vmul.f32 v20, v13;
	v27 =	vld.idx.msk [tilespmem:v18+s30+$0x0], $0xffff  }
0x156: {  	v33 =	vmul.f32 v22, v10;
	v18 =	vld [tilespmem:s7+$0x30]  }
0x157: {  	v22 =	vld [tilespmem:s6+$0xFFFFFFB0];
	v34 =	vmul.f32 v23, v11  }
0x158: {  	v23 =	vld [tilespmem:s6+$0xFFFFFFC0];
	v35 =	vmul.f32 v24, v14  }
0x159: {  	v24 =	vld [tilespmem:s6+$0xFFFFFFD0]  }
0x15a: {  	v20 =	vld [tilespmem:s6+$0xFFFFFFE0]  }
0x15b: {  	v19 =	vld [tilespmem:s6+$0xFFFFFFF0];
	v36 =	vmul.f32 v26, v18;
	v26 =	vmul.f32 v27, v21  }
0x15c: {  	v21 =	vld [tilespmem:s6+$0x0]  }
0x15d: {  	[tilespmem:v25+s31+$0x0] =	vst.idx.add.f32.msk $0xffff, v26  }
0x15e: {  	v25 =	vld [tilespmem:s6+$0x10]  }
0x15f: {  	v26 =	vld [tilespmem:s6+$0x20]  }
0x160: {  	v27 =	vld [tilespmem:s6+$0x30]  }
0x161: {  	[tilespmem:v22+s24+$0x0] =	vst.idx.add.f32.msk $0xffff, v28  }
0x162: {  	[tilespmem:v23+s24+$0x0] =	vst.idx.add.f32.msk $0xffff, v29  }
0x163: {  	[tilespmem:v24+s24+$0x0] =	vst.idx.add.f32.msk $0xffff, v30  }
0x164: {  	[tilespmem:v20+s24+$0x0] =	vst.idx.add.f32.msk $0xffff, v31  }
0x165: {  	[tilespmem:v19+s24+$0x0] =	vst.idx.add.f32.msk $0xffff, v32  }
0x166: {  	[tilespmem:v21+s24+$0x0] =	vst.idx.add.f32.msk $0xffff, v33  }
0x167: {  	[tilespmem:v25+s24+$0x0] =	vst.idx.add.f32.msk $0xffff, v34  }
0x168: {  	[tilespmem:v26+s24+$0x0] =	vst.idx.add.f32.msk $0xffff, v35  }
0x169: {  	[tilespmem:v27+s24+$0x0] =	vst.idx.add.f32.msk $0xffff, v36  }
0x16a: {  	v28 =	vld.idx.msk [tilespmem:v9+s25+$0x0], $0xffff  }
0x16b: {  	v29 =	vld.idx.msk [tilespmem:v1+s25+$0x0], $0xffff  }
0x16c: {  	v30 =	vld.idx.msk [tilespmem:v3+s25+$0x0], $0xffff  }
0x16d: {  	v31 =	vld.idx.msk [tilespmem:v4+s25+$0x0], $0xffff  }
0x16e: {  	v32 =	vld.idx.msk [tilespmem:v5+s25+$0x0], $0xffff  }
0x16f: {  	v33 =	vld.idx.msk [tilespmem:v6+s25+$0x0], $0xffff  }
0x170: {  	v28 =	vmul.f32 v28, v12;
	v34 =	vld.idx.msk [tilespmem:v2+s25+$0x0], $0xffff  }
0x171: {  	v29 =	vmul.f32 v29, v17;
	v35 =	vld.idx.msk [tilespmem:v8+s25+$0x0], $0xffff  }
0x172: {  	v30 =	vmul.f32 v30, v16;
	v36 =	vld.idx.msk [tilespmem:v7+s25+$0x0], $0xffff  }
0x173: {  	[tilespmem:v22+s26+$0x0] =	vst.idx.add.f32.msk $0xffff, v28;
	v28 =	vmul.f32 v31, v15  }
0x174: {  	[tilespmem:v23+s26+$0x0] =	vst.idx.add.f32.msk $0xffff, v29;
	v29 =	vmul.f32 v32, v13  }
0x175: {  	[tilespmem:v24+s26+$0x0] =	vst.idx.add.f32.msk $0xffff, v30;
	v30 =	vmul.f32 v33, v10  }
0x176: {  	[tilespmem:v20+s26+$0x0] =	vst.idx.add.f32.msk $0xffff, v28;
	v28 =	vmul.f32 v34, v11  }
0x177: {  	[tilespmem:v19+s26+$0x0] =	vst.idx.add.f32.msk $0xffff, v29;
	v29 =	vmul.f32 v35, v14  }
0x178: {  	[tilespmem:v21+s26+$0x0] =	vst.idx.add.f32.msk $0xffff, v30;
	v30 =	vmul.f32 v36, v18  }
0x179: {  	[tilespmem:v25+s26+$0x0] =	vst.idx.add.f32.msk $0xffff, v28  }
0x17a: {  	[tilespmem:v26+s26+$0x0] =	vst.idx.add.f32.msk $0xffff, v29  }
0x17b: {  	[tilespmem:v27+s26+$0x0] =	vst.idx.add.f32.msk $0xffff, v30  }
0x17c: {  	v28 =	vld.idx.msk [tilespmem:v9+s28+$0x0], $0xffff  }
0x17d: {  	v29 =	vld.idx.msk [tilespmem:v1+s28+$0x0], $0xffff  }
0x17e: {  	v30 =	vld.idx.msk [tilespmem:v3+s28+$0x0], $0xffff  }
0x17f: {  	v31 =	vld.idx.msk [tilespmem:v4+s28+$0x0], $0xffff  }
0x180: {  	v32 =	vld.idx.msk [tilespmem:v5+s28+$0x0], $0xffff  }
0x181: {  	v33 =	vld.idx.msk [tilespmem:v6+s28+$0x0], $0xffff  }
0x182: {  	v28 =	vmul.f32 v28, v12;
	v34 =	vld.idx.msk [tilespmem:v2+s28+$0x0], $0xffff  }
0x183: {  	v29 =	vmul.f32 v29, v17;
	v35 =	vld.idx.msk [tilespmem:v8+s28+$0x0], $0xffff  }
0x184: {  	v30 =	vmul.f32 v30, v16;
	v36 =	vld.idx.msk [tilespmem:v7+s28+$0x0], $0xffff  }
0x185: {  	[tilespmem:v22+s29+$0x0] =	vst.idx.add.f32.msk $0xffff, v28;
	v28 =	vmul.f32 v31, v15  }
0x186: {  	[tilespmem:v23+s29+$0x0] =	vst.idx.add.f32.msk $0xffff, v29;
	v29 =	vmul.f32 v32, v13  }
0x187: {  	[tilespmem:v24+s29+$0x0] =	vst.idx.add.f32.msk $0xffff, v30;
	v30 =	vmul.f32 v33, v10  }
0x188: {  	[tilespmem:v20+s29+$0x0] =	vst.idx.add.f32.msk $0xffff, v28;
	v28 =	vmul.f32 v34, v11  }
0x189: {  	[tilespmem:v19+s29+$0x0] =	vst.idx.add.f32.msk $0xffff, v29;
	v29 =	vmul.f32 v35, v14  }
0x18a: {  	[tilespmem:v21+s29+$0x0] =	vst.idx.add.f32.msk $0xffff, v30;
	v30 =	vmul.f32 v36, v18  }
0x18b: {  	[tilespmem:v25+s29+$0x0] =	vst.idx.add.f32.msk $0xffff, v28  }
0x18c: {  	[tilespmem:v26+s29+$0x0] =	vst.idx.add.f32.msk $0xffff, v29  }
0x18d: {  	[tilespmem:v27+s29+$0x0] =	vst.idx.add.f32.msk $0xffff, v30  }
0x18e: {  	v9 =	vld.idx.msk [tilespmem:v9+s30+$0x0], $0xffff  }
0x18f: {  	v1 =	vld.idx.msk [tilespmem:v1+s30+$0x0], $0xffff  }
0x190: {  	v3 =	vld.idx.msk [tilespmem:v3+s30+$0x0], $0xffff  }
0x191: {  	v4 =	vld.idx.msk [tilespmem:v4+s30+$0x0], $0xffff  }
0x192: {  	v5 =	vld.idx.msk [tilespmem:v5+s30+$0x0], $0xffff  }
0x193: {  	v6 =	vld.idx.msk [tilespmem:v6+s30+$0x0], $0xffff  }
0x194: {  	v9 =	vmul.f32 v9, v12;
	v2 =	vld.idx.msk [tilespmem:v2+s30+$0x0], $0xffff  }
0x195: {  	v1 =	vmul.f32 v1, v17;
	v8 =	vld.idx.msk [tilespmem:v8+s30+$0x0], $0xffff  }
0x196: {  	v3 =	vmul.f32 v3, v16;
	v7 =	vld.idx.msk [tilespmem:v7+s30+$0x0], $0xffff  }
0x197: {  	v4 =	vmul.f32 v4, v15;
	[tilespmem:v22+s31+$0x0] =	vst.idx.add.f32.msk $0xffff, v9  }
0x198: {  	[tilespmem:v23+s31+$0x0] =	vst.idx.add.f32.msk $0xffff, v1;
	v1 =	vmul.f32 v5, v13  }
0x199: {  	[tilespmem:v24+s31+$0x0] =	vst.idx.add.f32.msk $0xffff, v3;
	v3 =	vmul.f32 v6, v10  }
0x19a: {  	v2 =	vmul.f32 v2, v11;
	[tilespmem:v20+s31+$0x0] =	vst.idx.add.f32.msk $0xffff, v4  }
.Ltmp4:
0x19b: {  	[tilespmem:v19+s31+$0x0] =	vst.idx.add.f32.msk $0xffff, v1;
	v1 =	vmul.f32 v8, v14;
	(pc) =	sbr.rel @p1 .LBB2_5-.Ltmp4, $4  }
0x19c: {  	[tilespmem:v21+s31+$0x0] =	vst.idx.add.f32.msk $0xffff, v3;
	v3 =	vmul.f32 v7, v18  }
0x19d: {  	[tilespmem:v25+s31+$0x0] =	vst.idx.add.f32.msk $0xffff, v2  }
0x19e: {  	[tilespmem:v26+s31+$0x0] =	vst.idx.add.f32.msk $0xffff, v1  }
0x19f: {  	s9 =	sadd.s32 $0xA0, s9;
	[tilespmem:v27+s31+$0x0] =	vst.idx.add.f32.msk $0xffff, v3  }
0x1a0: {  	_ =	swait.ge [sflag:s0], $0x320  }
0x1a1: {  	[sflag:s0] =	ssyncset.done $0x0  }
0x1a2: {  	[sflag:s0] =	ssyncadd.s32 $0xFFFFFCE0  }
0x1a3: {  	_ =	swait.ge [sflag:s0], $0x320  }
0x1a4: {  	p1 =	seq.s32 s18, $0x18;
	[sflag:s0] =	ssyncset.done $0x0  }
0x1a5: {  	s6 =	sadd.s32 @!p1 s19, s11;
	[sflag:s0] =	ssyncadd.s32 $0xFFFFFCE0  }
0x1a6: {  	s9 =	simm.s32 @!p1 $0x0;
	s12 =	simm.s32 @!p1 $0x14000;
	_ =	swait.ge [sflag:s0], $0x320  }
0x1a7: {  	s7 =	sshrl.u32 @!p1 s6, $0x3;
	s6 =	sadd.s32 @!p1 $0x4E200, s6;
	[sflag:s0] =	ssyncset.done $0x0  }
0x1a8: {  	s8 =	sadd.s32 @!p1 s4, s7;
	s6 =	sshrl.u32 @!p1 s6, $0x3;
	[sflag:s0] =	ssyncadd.s32 $0xFFFFFCE0  }
0x1a9: {  	[tilespmem:s12], [sflag:$0x1] =	stream.linear.gather @!p1 [hbm4b:s8+s9], $0x320, $0x38;
	[tilespmem:$0x152C0] =	vst v63  }
0x1aa: {  	s6 =	sadd.s32 @!p1 s4, s6;
	s8 =	simm.s32 @!p1 $0x14640  }
0x1ab: {  	[tilespmem:s8], [sflag:$0x1] =	stream.linear.gather @!p1 [hbm4b:s6+s9], $0x320, $0x38;
	[tilespmem:$0x152C0] =	vst v63  }
0x1ac: {  	s19 =	simm.s32 $0x143B0;
	s6 =	sadd.s32 @!p1 s2, s7;
	s7 =	simm.s32 @!p1 $0x14C80  }
0x1ad: {  	[tilespmem:s7], [sflag:$0x1] =	stream.linear.gather @!p1 [hbm4b:s6+s9], $0x320, $0x38;
	[tilespmem:$0x152C0] =	vst v63  }
0x1ae: {  	v1 =	vld [tilespmem:s19+$0x0]  }
0x1af: {  	v2 =	vld [tilespmem:s19+$0xFFFFFF80]  }
0x1b0: {  	v3 =	vld [tilespmem:s19+$0xFFFFFF90]  }
0x1b1: {  	v4 =	vld [tilespmem:s19+$0xFFFFFFA0]  }
0x1b2: {  	v5 =	vld [tilespmem:s19+$0xFFFFFFB0]  }
0x1b3: {  	v6 =	vld [tilespmem:s19+$0xFFFFFFC0]  }
0x1b4: {  	s6 =	simm.s32 $0x149F0;
	v7 =	vld [tilespmem:s19+$0xFFFFFFD0]  }
0x1b5: {  	s7 =	simm.s32 $0x15030;
	v8 =	vld [tilespmem:s6+$0x0]  }
0x1b6: {  	v10 =	vld [tilespmem:s7+$0x0]  }
0x1b7: {  	v11 =	vld [tilespmem:s19+$0xFFFFFFE0]  }
0x1b8: {  	v12 =	vld [tilespmem:s19+$0xFFFFFFF0]  }
0x1b9: {  	v13 =	vld [tilespmem:s19+$0xFFFFFF70]  }
0x1ba: {  	v23 =	vld [tilespmem:s7+$0xFFFFFF70]  }
0x1bb: {  	v24 =	vld [tilespmem:s7+$0xFFFFFF80]  }
0x1bc: {  	v25 =	vld [tilespmem:s7+$0xFFFFFF90]  }
0x1bd: {  	v26 =	vld [tilespmem:s7+$0xFFFFFFA0]  }
0x1be: {  	v27 =	vld [tilespmem:s7+$0xFFFFFFB0]  }
0x1bf: {  	v28 =	vld [tilespmem:s7+$0xFFFFFFC0]  }
0x1c0: {  	v29 =	vld [tilespmem:s7+$0xFFFFFFD0]  }
0x1c1: {  	v30 =	vld [tilespmem:s7+$0xFFFFFFE0]  }
0x1c2: {  	v31 =	vld [tilespmem:s6+$0xFFFFFF70]  }
0x1c3: {  	v32 =	vld [tilespmem:s6+$0xFFFFFF80]  }
0x1c4: {  	v33 =	vld [tilespmem:s6+$0xFFFFFF90]  }
0x1c5: {  	v34 =	vld [tilespmem:s6+$0xFFFFFFA0]  }
0x1c6: {  	v35 =	vld [tilespmem:s6+$0xFFFFFFB0]  }
0x1c7: {  	v36 =	vld [tilespmem:s6+$0xFFFFFFF0]  }
0x1c8: {  	v9 =	vld.idx.msk [tilespmem:v1+s3+$0x0], $0xffff  }
0x1c9: {  	v14 =	vld.idx.msk [tilespmem:v2+s3+$0x0], $0xffff  }
0x1ca: {  	v15 =	vld.idx.msk [tilespmem:v3+s3+$0x0], $0xffff  }
0x1cb: {  	v16 =	vld.idx.msk [tilespmem:v4+s3+$0x0], $0xffff  }
0x1cc: {  	v17 =	vld.idx.msk [tilespmem:v5+s3+$0x0], $0xffff  }
0x1cd: {  	v19 =	vld.idx.msk [tilespmem:v13+s3+$0x0], $0xffff  }
0x1ce: {  	v18 =	vld.idx.msk [tilespmem:v6+s3+$0x0], $0xffff  }
0x1cf: {  	v20 =	vld.idx.msk [tilespmem:v7+s3+$0x0], $0xffff  }
0x1d0: {  	v21 =	vld.idx.msk [tilespmem:v11+s3+$0x0], $0xffff  }
0x1d1: {  	v22 =	vld.idx.msk [tilespmem:v12+s3+$0x0], $0xffff;
	v9 =	vmul.f32 v9, v10  }
0x1d2: {  	v52 =	vmul.f32 v19, v23;
	v19 =	vld [tilespmem:s6+$0xFFFFFFE0]  }
0x1d3: {  	v14 =	vmul.f32 v14, v24;
	[tilespmem:v8+s24+$0x0] =	vst.idx.add.f32.msk $0xffff, v9  }
0x1d4: {  	v15 =	vmul.f32 v15, v25;
	[tilespmem:v31+s24+$0x0] =	vst.idx.add.f32.msk $0xffff, v52  }
0x1d5: {  	v53 =	vmul.f32 v16, v26;
	[tilespmem:v32+s24+$0x0] =	vst.idx.add.f32.msk $0xffff, v14  }
0x1d6: {  	v54 =	vmul.f32 v17, v27;
	[tilespmem:v33+s24+$0x0] =	vst.idx.add.f32.msk $0xffff, v15  }
0x1d7: {  	[tilespmem:v34+s24+$0x0] =	vst.idx.add.f32.msk $0xffff, v53  }
0x1d8: {  	[tilespmem:v35+s24+$0x0] =	vst.idx.add.f32.msk $0xffff, v54  }
0x1d9: {  	v9 =	vld.idx.msk [tilespmem:v1+s25+$0x0], $0xffff  }
0x1da: {  	v59 =	vld.idx.msk [tilespmem:v13+s25+$0x0], $0xffff  }
0x1db: {  	v60 =	vld.idx.msk [tilespmem:v2+s25+$0x0], $0xffff  }
0x1dc: {  	v61 =	vld.idx.msk [tilespmem:v3+s25+$0x0], $0xffff  }
0x1dd: {  	v57 =	vmul.f32 v21, v30;
	v62 =	vld.idx.msk [tilespmem:v4+s25+$0x0], $0xffff  }
0x1de: {  	v63 =	vld.idx.msk [tilespmem:v5+s25+$0x0], $0xffff  }
0x1df: {  	v9 =	vmul.f32 v9, v10;
	[tilespmem:v19+s24+$0x0] =	vst.idx.add.f32.msk $0xffff, v57  }
0x1e0: {  	v14 =	vmul.f32 v60, v24;
	v39 =	vld.idx.msk [tilespmem:v11+s25+$0x0], $0xffff  }
0x1e1: {  	v15 =	vmul.f32 v61, v25;
	[tilespmem:v8+s26+$0x0] =	vst.idx.add.f32.msk $0xffff, v9  }
0x1e2: {  	v41 =	vmul.f32 v62, v26;
	[tilespmem:v32+s26+$0x0] =	vst.idx.add.f32.msk $0xffff, v14  }
0x1e3: {  	v42 =	vmul.f32 v63, v27;
	[tilespmem:v33+s26+$0x0] =	vst.idx.add.f32.msk $0xffff, v15  }
0x1e4: {  	[tilespmem:v34+s26+$0x0] =	vst.idx.add.f32.msk $0xffff, v41  }
0x1e5: {  	[tilespmem:v35+s26+$0x0] =	vst.idx.add.f32.msk $0xffff, v42  }
0x1e6: {  	v9 =	vld.idx.msk [tilespmem:v1+s28+$0x0], $0xffff  }
0x1e7: {  	v48 =	vld.idx.msk [tilespmem:v2+s28+$0x0], $0xffff  }
0x1e8: {  	v49 =	vld.idx.msk [tilespmem:v3+s28+$0x0], $0xffff  }
0x1e9: {  	v50 =	vld.idx.msk [tilespmem:v4+s28+$0x0], $0xffff;
	v45 =	vmul.f32 v39, v30  }
0x1ea: {  	v51 =	vld.idx.msk [tilespmem:v5+s28+$0x0], $0xffff  }
0x1eb: {  	v9 =	vmul.f32 v9, v10;
	[tilespmem:v19+s26+$0x0] =	vst.idx.add.f32.msk $0xffff, v45  }
0x1ec: {  	v54 =	vld.idx.msk [tilespmem:v11+s28+$0x0], $0xffff  }
0x1ed: {  	v14 =	vmul.f32 v48, v24;
	[tilespmem:v8+s29+$0x0] =	vst.idx.add.f32.msk $0xffff, v9  }
0x1ee: {  	v15 =	vmul.f32 v49, v25;
	v9 =	vld [tilespmem:s7+$0xFFFFFFF0]  }
0x1ef: {  	[tilespmem:v32+s29+$0x0] =	vst.idx.add.f32.msk $0xffff, v14  }
0x1f0: {  	v57 =	vmul.f32 v51, v27;
	[tilespmem:v33+s29+$0x0] =	vst.idx.add.f32.msk $0xffff, v15  }
0x1f1: {  	v1 =	vld.idx.msk [tilespmem:v1+s30+$0x0], $0xffff  }
0x1f2: {  	[tilespmem:v35+s29+$0x0] =	vst.idx.add.f32.msk $0xffff, v57  }
0x1f3: {  	v2 =	vld.idx.msk [tilespmem:v2+s30+$0x0], $0xffff  }
0x1f4: {  	v3 =	vld.idx.msk [tilespmem:v3+s30+$0x0], $0xffff  }
0x1f5: {  	v5 =	vld.idx.msk [tilespmem:v5+s30+$0x0], $0xffff;
	v60 =	vmul.f32 v54, v30  }
0x1f6: {  	v58 =	vmul.f32 v22, v9;
	v1 =	vmul.f32 v1, v10;
	v10 =	vld [tilespmem:s6+$0xFFFFFFC0]  }
0x1f7: {  	[tilespmem:v19+s29+$0x0] =	vst.idx.add.f32.msk $0xffff, v60  }
0x1f8: {  	[tilespmem:v36+s24+$0x0] =	vst.idx.add.f32.msk $0xffff, v58  }
0x1f9: {  	[tilespmem:v8+s31+$0x0] =	vst.idx.add.f32.msk $0xffff, v1  }
0x1fa: {  	v1 =	vld [tilespmem:s6+$0xFFFFFFD0]  }
0x1fb: {  	v2 =	vmul.f32 v2, v24;
	v11 =	vld.idx.msk [tilespmem:v11+s30+$0x0], $0xffff  }
0x1fc: {  	v8 =	vmul.f32 v59, v23;
	v40 =	vld.idx.msk [tilespmem:v12+s25+$0x0], $0xffff  }
0x1fd: {  	[tilespmem:v32+s31+$0x0] =	vst.idx.add.f32.msk $0xffff, v2  }
0x1fe: {  	v55 =	vmul.f32 v18, v28;
	[tilespmem:v31+s26+$0x0] =	vst.idx.add.f32.msk $0xffff, v8  }
0x1ff: {  	v47 =	vld.idx.msk [tilespmem:v13+s28+$0x0], $0xffff  }
0x200: {  	v56 =	vmul.f32 v20, v29;
	[tilespmem:v10+s24+$0x0] =	vst.idx.add.f32.msk $0xffff, v55  }
0x201: {  	v37 =	vld.idx.msk [tilespmem:v6+s25+$0x0], $0xffff  }
0x202: {  	v2 =	vmul.f32 v5, v27;
	[tilespmem:v1+s24+$0x0] =	vst.idx.add.f32.msk $0xffff, v56  }
0x203: {  	v46 =	vmul.f32 v40, v9;
	v38 =	vld.idx.msk [tilespmem:v7+s25+$0x0], $0xffff  }
0x204: {  	[tilespmem:v35+s31+$0x0] =	vst.idx.add.f32.msk $0xffff, v2  }
0x205: {  	[tilespmem:v36+s26+$0x0] =	vst.idx.add.f32.msk $0xffff, v46;
	v8 =	vmul.f32 v47, v23  }
0x206: {  	v55 =	vld.idx.msk [tilespmem:v12+s28+$0x0], $0xffff;
	v43 =	vmul.f32 v37, v28  }
0x207: {  	[tilespmem:v31+s29+$0x0] =	vst.idx.add.f32.msk $0xffff, v8  }
0x208: {  	v44 =	vmul.f32 v38, v29;
	[tilespmem:v10+s26+$0x0] =	vst.idx.add.f32.msk $0xffff, v43  }
0x209: {  	v52 =	vld.idx.msk [tilespmem:v6+s28+$0x0], $0xffff  }
0x20a: {  	v56 =	vmul.f32 v50, v26;
	[tilespmem:v1+s26+$0x0] =	vst.idx.add.f32.msk $0xffff, v44  }
0x20b: {  	v53 =	vld.idx.msk [tilespmem:v7+s28+$0x0], $0xffff  }
0x20c: {  	[tilespmem:v34+s29+$0x0] =	vst.idx.add.f32.msk $0xffff, v56  }
0x20d: {  	v62 =	vld.idx.msk [tilespmem:v13+s30+$0x0], $0xffff;
	v61 =	vmul.f32 v55, v9  }
0x20e: {  	v4 =	vld.idx.msk [tilespmem:v4+s30+$0x0], $0xffff;
	v58 =	vmul.f32 v52, v28  }
0x20f: {  	[tilespmem:v36+s29+$0x0] =	vst.idx.add.f32.msk $0xffff, v61  }
0x210: {  	v59 =	vmul.f32 v53, v29;
	[tilespmem:v10+s29+$0x0] =	vst.idx.add.f32.msk $0xffff, v58  }
0x211: {  	v6 =	vld.idx.msk [tilespmem:v6+s30+$0x0], $0xffff  }
0x212: {  	[tilespmem:v1+s29+$0x0] =	vst.idx.add.f32.msk $0xffff, v59  }
0x213: {  	v3 =	vmul.f32 v3, v25;
	v7 =	vld.idx.msk [tilespmem:v7+s30+$0x0], $0xffff  }
0x214: {  	v2 =	vmul.f32 v11, v30;
	v12 =	vld.idx.msk [tilespmem:v12+s30+$0x0], $0xffff  }
0x215: {  	[tilespmem:v33+s31+$0x0] =	vst.idx.add.f32.msk $0xffff, v3;
	v8 =	vmul.f32 v62, v23  }
0x216: {  	[tilespmem:v19+s31+$0x0] =	vst.idx.add.f32.msk $0xffff, v2;
	v4 =	vmul.f32 v4, v26  }
0x217: {  	[tilespmem:v31+s31+$0x0] =	vst.idx.add.f32.msk $0xffff, v8;
	v3 =	vmul.f32 v6, v28  }
0x218: {  	[tilespmem:v34+s31+$0x0] =	vst.idx.add.f32.msk $0xffff, v4;
	v63 =	vmul.f32 v7, v29  }
0x219: {  	[tilespmem:v10+s31+$0x0] =	vst.idx.add.f32.msk $0xffff, v3;
	v3 =	vmul.f32 v12, v9  }
0x21a: {  	[tilespmem:v1+s31+$0x0] =	vst.idx.add.f32.msk $0xffff, v63  }
0x21b: {  	s8 =	simm.s32 $0x0;
	s9 =	simm.s32 $0x14450;
	[tilespmem:v36+s31+$0x0] =	vst.idx.add.f32.msk $0xffff, v3  }
.LBB2_7:
0x21c: {  	v18 =	vld [tilespmem:s9+$0x0];
	s8 =	sadd.s32 $0xA, s8  }
0x21d: {  	v1 =	vld [tilespmem:s9+$0xFFFFFF80];
	p1 =	slt.u32 s8, $0x28  }
0x21e: {  	v3 =	vld [tilespmem:s9+$0xFFFFFF90]  }
0x21f: {  	v4 =	vld [tilespmem:s9+$0xFFFFFFA0]  }
0x220: {  	v5 =	vld [tilespmem:s9+$0xFFFFFFB0]  }
0x221: {  	v6 =	vld [tilespmem:s9+$0xFFFFFFC0]  }
0x222: {  	s6 =	sadd.s32 $0xA0, s6;
	v2 =	vld [tilespmem:s9+$0xFFFFFFD0]  }
0x223: {  	v25 =	vld [tilespmem:s6+$0x0]  }
0x224: {  	s7 =	sadd.s32 $0xA0, s7;
	v10 =	vld.idx.msk [tilespmem:v18+s3+$0x0], $0xffff  }
0x225: {  	v21 =	vld [tilespmem:s7+$0x0]  }
0x226: {  	v8 =	vld [tilespmem:s9+$0xFFFFFFE0]  }
0x227: {  	v7 =	vld [tilespmem:s9+$0xFFFFFFF0]  }
0x228: {  	v9 =	vld [tilespmem:s9+$0xFFFFFF70]  }
0x229: {  	v11 =	vld.idx.msk [tilespmem:v1+s3+$0x0], $0xffff  }
0x22a: {  	v14 =	vld.idx.msk [tilespmem:v3+s3+$0x0], $0xffff;
	v10 =	vmul.f32 v10, v21  }
0x22b: {  	v19 =	vld.idx.msk [tilespmem:v4+s3+$0x0], $0xffff  }
0x22c: {  	[tilespmem:v25+s24+$0x0] =	vst.idx.add.f32.msk $0xffff, v10  }
0x22d: {  	v10 =	vld.idx.msk [tilespmem:v18+s25+$0x0], $0xffff  }
0x22e: {  	v20 =	vld.idx.msk [tilespmem:v5+s3+$0x0], $0xffff  }
0x22f: {  	v22 =	vld.idx.msk [tilespmem:v6+s3+$0x0], $0xffff  }
0x230: {  	v13 =	vld.idx.msk [tilespmem:v9+s3+$0x0], $0xffff  }
0x231: {  	v23 =	vld.idx.msk [tilespmem:v2+s3+$0x0], $0xffff  }
0x232: {  	v24 =	vld.idx.msk [tilespmem:v8+s3+$0x0], $0xffff  }
0x233: {  	v10 =	vmul.f32 v10, v21;
	v26 =	vld.idx.msk [tilespmem:v7+s3+$0x0], $0xffff  }
0x234: {  	v12 =	vld [tilespmem:s7+$0xFFFFFF70]  }
0x235: {  	[tilespmem:v25+s26+$0x0] =	vst.idx.add.f32.msk $0xffff, v10  }
0x236: {  	v27 =	vld.idx.msk [tilespmem:v18+s28+$0x0], $0xffff  }
0x237: {  	v17 =	vld [tilespmem:s7+$0xFFFFFF80]  }
0x238: {  	v16 =	vld [tilespmem:s7+$0xFFFFFF90]  }
0x239: {  	v28 =	vmul.f32 v13, v12;
	v15 =	vld [tilespmem:s7+$0xFFFFFFA0]  }
0x23a: {  	v13 =	vld [tilespmem:s7+$0xFFFFFFB0]  }
0x23b: {  	v10 =	vld [tilespmem:s7+$0xFFFFFFC0]  }
0x23c: {  	v27 =	vmul.f32 v27, v21;
	v29 =	vmul.f32 v11, v17;
	v11 =	vld [tilespmem:s7+$0xFFFFFFD0]  }
0x23d: {  	v30 =	vmul.f32 v14, v16;
	v14 =	vld [tilespmem:s7+$0xFFFFFFE0]  }
0x23e: {  	v31 =	vmul.f32 v19, v15;
	[tilespmem:v25+s29+$0x0] =	vst.idx.add.f32.msk $0xffff, v27  }
0x23f: {  	v32 =	vmul.f32 v20, v13;
	v27 =	vld.idx.msk [tilespmem:v18+s30+$0x0], $0xffff  }
0x240: {  	v33 =	vmul.f32 v22, v10;
	v18 =	vld [tilespmem:s7+$0xFFFFFFF0]  }
0x241: {  	v22 =	vld [tilespmem:s6+$0xFFFFFF70];
	v34 =	vmul.f32 v23, v11  }
0x242: {  	v23 =	vld [tilespmem:s6+$0xFFFFFF80];
	v35 =	vmul.f32 v24, v14  }
0x243: {  	v24 =	vld [tilespmem:s6+$0xFFFFFF90]  }
0x244: {  	v20 =	vld [tilespmem:s6+$0xFFFFFFA0]  }
0x245: {  	v19 =	vld [tilespmem:s6+$0xFFFFFFB0];
	v36 =	vmul.f32 v26, v18;
	v26 =	vmul.f32 v27, v21  }
0x246: {  	v21 =	vld [tilespmem:s6+$0xFFFFFFC0]  }
0x247: {  	[tilespmem:v25+s31+$0x0] =	vst.idx.add.f32.msk $0xffff, v26  }
0x248: {  	v25 =	vld [tilespmem:s6+$0xFFFFFFD0]  }
0x249: {  	v26 =	vld [tilespmem:s6+$0xFFFFFFE0]  }
0x24a: {  	v27 =	vld [tilespmem:s6+$0xFFFFFFF0]  }
0x24b: {  	[tilespmem:v22+s24+$0x0] =	vst.idx.add.f32.msk $0xffff, v28  }
0x24c: {  	[tilespmem:v23+s24+$0x0] =	vst.idx.add.f32.msk $0xffff, v29  }
0x24d: {  	[tilespmem:v24+s24+$0x0] =	vst.idx.add.f32.msk $0xffff, v30  }
0x24e: {  	[tilespmem:v20+s24+$0x0] =	vst.idx.add.f32.msk $0xffff, v31  }
0x24f: {  	[tilespmem:v19+s24+$0x0] =	vst.idx.add.f32.msk $0xffff, v32  }
0x250: {  	[tilespmem:v21+s24+$0x0] =	vst.idx.add.f32.msk $0xffff, v33  }
0x251: {  	[tilespmem:v25+s24+$0x0] =	vst.idx.add.f32.msk $0xffff, v34  }
0x252: {  	[tilespmem:v26+s24+$0x0] =	vst.idx.add.f32.msk $0xffff, v35  }
0x253: {  	[tilespmem:v27+s24+$0x0] =	vst.idx.add.f32.msk $0xffff, v36  }
0x254: {  	v28 =	vld.idx.msk [tilespmem:v9+s25+$0x0], $0xffff  }
0x255: {  	v29 =	vld.idx.msk [tilespmem:v1+s25+$0x0], $0xffff  }
0x256: {  	v30 =	vld.idx.msk [tilespmem:v3+s25+$0x0], $0xffff  }
0x257: {  	v31 =	vld.idx.msk [tilespmem:v4+s25+$0x0], $0xffff  }
0x258: {  	v32 =	vld.idx.msk [tilespmem:v5+s25+$0x0], $0xffff  }
0x259: {  	v33 =	vld.idx.msk [tilespmem:v6+s25+$0x0], $0xffff  }
0x25a: {  	v28 =	vmul.f32 v28, v12;
	v34 =	vld.idx.msk [tilespmem:v2+s25+$0x0], $0xffff  }
0x25b: {  	v29 =	vmul.f32 v29, v17;
	v35 =	vld.idx.msk [tilespmem:v8+s25+$0x0], $0xffff  }
0x25c: {  	v30 =	vmul.f32 v30, v16;
	v36 =	vld.idx.msk [tilespmem:v7+s25+$0x0], $0xffff  }
0x25d: {  	[tilespmem:v22+s26+$0x0] =	vst.idx.add.f32.msk $0xffff, v28;
	v28 =	vmul.f32 v31, v15  }
0x25e: {  	[tilespmem:v23+s26+$0x0] =	vst.idx.add.f32.msk $0xffff, v29;
	v29 =	vmul.f32 v32, v13  }
0x25f: {  	[tilespmem:v24+s26+$0x0] =	vst.idx.add.f32.msk $0xffff, v30;
	v30 =	vmul.f32 v33, v10  }
0x260: {  	[tilespmem:v20+s26+$0x0] =	vst.idx.add.f32.msk $0xffff, v28;
	v28 =	vmul.f32 v34, v11  }
0x261: {  	[tilespmem:v19+s26+$0x0] =	vst.idx.add.f32.msk $0xffff, v29;
	v29 =	vmul.f32 v35, v14  }
0x262: {  	[tilespmem:v21+s26+$0x0] =	vst.idx.add.f32.msk $0xffff, v30;
	v30 =	vmul.f32 v36, v18  }
0x263: {  	[tilespmem:v25+s26+$0x0] =	vst.idx.add.f32.msk $0xffff, v28  }
0x264: {  	[tilespmem:v26+s26+$0x0] =	vst.idx.add.f32.msk $0xffff, v29  }
0x265: {  	[tilespmem:v27+s26+$0x0] =	vst.idx.add.f32.msk $0xffff, v30  }
0x266: {  	v28 =	vld.idx.msk [tilespmem:v9+s28+$0x0], $0xffff  }
0x267: {  	v29 =	vld.idx.msk [tilespmem:v1+s28+$0x0], $0xffff  }
0x268: {  	v30 =	vld.idx.msk [tilespmem:v3+s28+$0x0], $0xffff  }
0x269: {  	v31 =	vld.idx.msk [tilespmem:v4+s28+$0x0], $0xffff  }
0x26a: {  	v32 =	vld.idx.msk [tilespmem:v5+s28+$0x0], $0xffff  }
0x26b: {  	v33 =	vld.idx.msk [tilespmem:v6+s28+$0x0], $0xffff  }
0x26c: {  	v28 =	vmul.f32 v28, v12;
	v34 =	vld.idx.msk [tilespmem:v2+s28+$0x0], $0xffff  }
0x26d: {  	v29 =	vmul.f32 v29, v17;
	v35 =	vld.idx.msk [tilespmem:v8+s28+$0x0], $0xffff  }
0x26e: {  	v30 =	vmul.f32 v30, v16;
	v36 =	vld.idx.msk [tilespmem:v7+s28+$0x0], $0xffff  }
0x26f: {  	[tilespmem:v22+s29+$0x0] =	vst.idx.add.f32.msk $0xffff, v28;
	v28 =	vmul.f32 v31, v15  }
0x270: {  	[tilespmem:v23+s29+$0x0] =	vst.idx.add.f32.msk $0xffff, v29;
	v29 =	vmul.f32 v32, v13  }
0x271: {  	[tilespmem:v24+s29+$0x0] =	vst.idx.add.f32.msk $0xffff, v30;
	v30 =	vmul.f32 v33, v10  }
0x272: {  	[tilespmem:v20+s29+$0x0] =	vst.idx.add.f32.msk $0xffff, v28;
	v28 =	vmul.f32 v34, v11  }
0x273: {  	[tilespmem:v19+s29+$0x0] =	vst.idx.add.f32.msk $0xffff, v29;
	v29 =	vmul.f32 v35, v14  }
0x274: {  	[tilespmem:v21+s29+$0x0] =	vst.idx.add.f32.msk $0xffff, v30;
	v30 =	vmul.f32 v36, v18  }
0x275: {  	[tilespmem:v25+s29+$0x0] =	vst.idx.add.f32.msk $0xffff, v28  }
0x276: {  	[tilespmem:v26+s29+$0x0] =	vst.idx.add.f32.msk $0xffff, v29  }
0x277: {  	[tilespmem:v27+s29+$0x0] =	vst.idx.add.f32.msk $0xffff, v30  }
0x278: {  	v9 =	vld.idx.msk [tilespmem:v9+s30+$0x0], $0xffff  }
0x279: {  	v1 =	vld.idx.msk [tilespmem:v1+s30+$0x0], $0xffff  }
0x27a: {  	v3 =	vld.idx.msk [tilespmem:v3+s30+$0x0], $0xffff  }
0x27b: {  	v4 =	vld.idx.msk [tilespmem:v4+s30+$0x0], $0xffff  }
0x27c: {  	v5 =	vld.idx.msk [tilespmem:v5+s30+$0x0], $0xffff  }
0x27d: {  	v6 =	vld.idx.msk [tilespmem:v6+s30+$0x0], $0xffff  }
0x27e: {  	v9 =	vmul.f32 v9, v12;
	v2 =	vld.idx.msk [tilespmem:v2+s30+$0x0], $0xffff  }
0x27f: {  	v1 =	vmul.f32 v1, v17;
	v8 =	vld.idx.msk [tilespmem:v8+s30+$0x0], $0xffff  }
0x280: {  	v3 =	vmul.f32 v3, v16;
	v7 =	vld.idx.msk [tilespmem:v7+s30+$0x0], $0xffff  }
0x281: {  	v4 =	vmul.f32 v4, v15;
	[tilespmem:v22+s31+$0x0] =	vst.idx.add.f32.msk $0xffff, v9  }
0x282: {  	[tilespmem:v23+s31+$0x0] =	vst.idx.add.f32.msk $0xffff, v1;
	v1 =	vmul.f32 v5, v13  }
0x283: {  	[tilespmem:v24+s31+$0x0] =	vst.idx.add.f32.msk $0xffff, v3;
	v3 =	vmul.f32 v6, v10  }
0x284: {  	v2 =	vmul.f32 v2, v11;
	[tilespmem:v20+s31+$0x0] =	vst.idx.add.f32.msk $0xffff, v4  }
.Ltmp5:
0x285: {  	[tilespmem:v19+s31+$0x0] =	vst.idx.add.f32.msk $0xffff, v1;
	v1 =	vmul.f32 v8, v14;
	(pc) =	sbr.rel @p1 .LBB2_7-.Ltmp5, $4  }
0x286: {  	[tilespmem:v21+s31+$0x0] =	vst.idx.add.f32.msk $0xffff, v3;
	v3 =	vmul.f32 v7, v18  }
0x287: {  	[tilespmem:v25+s31+$0x0] =	vst.idx.add.f32.msk $0xffff, v2  }
0x288: {  	[tilespmem:v26+s31+$0x0] =	vst.idx.add.f32.msk $0xffff, v1  }
0x289: {  	s9 =	sadd.s32 $0xA0, s9;
	[tilespmem:v27+s31+$0x0] =	vst.idx.add.f32.msk $0xffff, v3  }
0x28a: {  	s18 =	sadd.s32 $0x1, s18  }
0x28b: {  	p1 =	seq.s32 s18, $0x19  }
.Ltmp6:
0x28c: {  	_ = 	snop;
	(pc) =	sbr.rel @!p1 .LBB2_4-.Ltmp6, $4  }
.Ltmp7:
0x28d: {  	_ = 	snop;
	(pc) =	sbr.rel @p1 .LBB2_14-.Ltmp7, $4  }
0x28e: {  	_ = 	snop  }
0x28f: {  	_ = 	snop  }
0x290: {  	_ = 	snop  }
0x291: {  	_ = 	snop  }
.LBB2_9:
0x292: {  	_ =	swait.ge [sflag:s5], $0x320  }
0x293: {  	[sflag:s5] =	ssyncset.done $0x0  }
0x294: {  	[sflag:s5] =	ssyncadd.s32 $0xFFFFFCE0  }
0x295: {  	_ =	swait.ge [sflag:s5], $0x320  }
0x296: {  	s19 =	smul.u32 $0x640, s18;
	[sflag:s5] =	ssyncset.done $0x0  }
0x297: {  	[sflag:s5] =	ssyncadd.s32 $0xFFFFFCE0  }
0x298: {  	s6 =	sadd.s32 s19, s10;
	_ =	swait.ge [sflag:s5], $0x320  }
0x299: {  	s7 =	sshrl.u32 s6, $0x3;
	s6 =	sadd.s32 $0x4E200, s6;
	[sflag:s5] =	ssyncset.done $0x0  }
0x29a: {  	s8 =	sadd.s32 s4, s7;
	s6 =	sshrl.u32 s6, $0x3;
	[sflag:s5] =	ssyncadd.s32 $0xFFFFFCE0  }
0x29b: {  	[tilespmem:s21], [sflag:$0x2] =	stream.linear.gather [hbm4b:s8+s3], $0x320, $0x38;
	[tilespmem:$0x152C0] =	vst v63  }
0x29c: {  	s6 =	sadd.s32 s4, s6  }
0x29d: {  	[tilespmem:s22], [sflag:$0x2] =	stream.linear.gather [hbm4b:s6+s3], $0x320, $0x38;
	[tilespmem:$0x152C0] =	vst v63  }
0x29e: {  	s13 =	simm.s32 $0x14050;
	s12 =	sadd.s32 s2, s7  }
0x29f: {  	[tilespmem:s23], [sflag:$0x2] =	stream.linear.gather [hbm4b:s12+s3], $0x320, $0x38;
	[tilespmem:$0x152C0] =	vst v63  }
0x2a0: {  	v1 =	vld [tilespmem:s13+$0x40]  }
0x2a1: {  	v2 =	vld [tilespmem:s13+$0xFFFFFFC0]  }
0x2a2: {  	v3 =	vld [tilespmem:s13+$0xFFFFFFD0]  }
0x2a3: {  	v4 =	vld [tilespmem:s13+$0xFFFFFFE0]  }
0x2a4: {  	v5 =	vld [tilespmem:s13+$0xFFFFFFF0]  }
0x2a5: {  	v6 =	vld [tilespmem:s13+$0x0]  }
0x2a6: {  	s6 =	simm.s32 $0x14690;
	v7 =	vld [tilespmem:s13+$0x10]  }
0x2a7: {  	s7 =	simm.s32 $0x14CD0;
	v8 =	vld [tilespmem:s6+$0x40]  }
0x2a8: {  	v10 =	vld [tilespmem:s7+$0x40]  }
0x2a9: {  	v11 =	vld [tilespmem:s13+$0x20]  }
0x2aa: {  	v12 =	vld [tilespmem:s13+$0x30]  }
0x2ab: {  	v13 =	vld [tilespmem:s13+$0xFFFFFFB0]  }
0x2ac: {  	v23 =	vld [tilespmem:s7+$0xFFFFFFB0]  }
0x2ad: {  	v24 =	vld [tilespmem:s7+$0xFFFFFFC0]  }
0x2ae: {  	v25 =	vld [tilespmem:s7+$0xFFFFFFD0]  }
0x2af: {  	v26 =	vld [tilespmem:s7+$0xFFFFFFE0]  }
0x2b0: {  	v27 =	vld [tilespmem:s7+$0xFFFFFFF0]  }
0x2b1: {  	v28 =	vld [tilespmem:s7+$0x0]  }
0x2b2: {  	v29 =	vld [tilespmem:s7+$0x10]  }
0x2b3: {  	v30 =	vld [tilespmem:s7+$0x20]  }
0x2b4: {  	v31 =	vld [tilespmem:s6+$0xFFFFFFB0]  }
0x2b5: {  	v32 =	vld [tilespmem:s6+$0xFFFFFFC0]  }
0x2b6: {  	v33 =	vld [tilespmem:s6+$0xFFFFFFD0]  }
0x2b7: {  	v34 =	vld [tilespmem:s6+$0xFFFFFFE0]  }
0x2b8: {  	v35 =	vld [tilespmem:s6+$0xFFFFFFF0]  }
0x2b9: {  	v36 =	vld [tilespmem:s6+$0x30]  }
0x2ba: {  	v9 =	vld.idx.msk [tilespmem:v1+s3+$0x0], $0xffff  }
0x2bb: {  	v14 =	vld.idx.msk [tilespmem:v2+s3+$0x0], $0xffff  }
0x2bc: {  	v15 =	vld.idx.msk [tilespmem:v3+s3+$0x0], $0xffff  }
0x2bd: {  	v16 =	vld.idx.msk [tilespmem:v4+s3+$0x0], $0xffff  }
0x2be: {  	v17 =	vld.idx.msk [tilespmem:v5+s3+$0x0], $0xffff  }
0x2bf: {  	v19 =	vld.idx.msk [tilespmem:v13+s3+$0x0], $0xffff  }
0x2c0: {  	v18 =	vld.idx.msk [tilespmem:v6+s3+$0x0], $0xffff  }
0x2c1: {  	v20 =	vld.idx.msk [tilespmem:v7+s3+$0x0], $0xffff  }
0x2c2: {  	v21 =	vld.idx.msk [tilespmem:v11+s3+$0x0], $0xffff  }
0x2c3: {  	v22 =	vld.idx.msk [tilespmem:v12+s3+$0x0], $0xffff;
	v9 =	vmul.f32 v9, v10  }
0x2c4: {  	v52 =	vmul.f32 v19, v23;
	v19 =	vld [tilespmem:s6+$0x20]  }
0x2c5: {  	v14 =	vmul.f32 v14, v24;
	[tilespmem:v8+s24+$0x0] =	vst.idx.add.f32.msk $0xffff, v9  }
0x2c6: {  	v15 =	vmul.f32 v15, v25;
	[tilespmem:v31+s24+$0x0] =	vst.idx.add.f32.msk $0xffff, v52  }
0x2c7: {  	v53 =	vmul.f32 v16, v26;
	[tilespmem:v32+s24+$0x0] =	vst.idx.add.f32.msk $0xffff, v14  }
0x2c8: {  	v54 =	vmul.f32 v17, v27;
	[tilespmem:v33+s24+$0x0] =	vst.idx.add.f32.msk $0xffff, v15  }
0x2c9: {  	[tilespmem:v34+s24+$0x0] =	vst.idx.add.f32.msk $0xffff, v53  }
0x2ca: {  	[tilespmem:v35+s24+$0x0] =	vst.idx.add.f32.msk $0xffff, v54  }
0x2cb: {  	v9 =	vld.idx.msk [tilespmem:v1+s25+$0x0], $0xffff  }
0x2cc: {  	v59 =	vld.idx.msk [tilespmem:v13+s25+$0x0], $0xffff  }
0x2cd: {  	v60 =	vld.idx.msk [tilespmem:v2+s25+$0x0], $0xffff  }
0x2ce: {  	v61 =	vld.idx.msk [tilespmem:v3+s25+$0x0], $0xffff  }
0x2cf: {  	v57 =	vmul.f32 v21, v30;
	v62 =	vld.idx.msk [tilespmem:v4+s25+$0x0], $0xffff  }
0x2d0: {  	v63 =	vld.idx.msk [tilespmem:v5+s25+$0x0], $0xffff  }
0x2d1: {  	v9 =	vmul.f32 v9, v10;
	[tilespmem:v19+s24+$0x0] =	vst.idx.add.f32.msk $0xffff, v57  }
0x2d2: {  	v14 =	vmul.f32 v60, v24;
	v39 =	vld.idx.msk [tilespmem:v11+s25+$0x0], $0xffff  }
0x2d3: {  	v15 =	vmul.f32 v61, v25;
	[tilespmem:v8+s26+$0x0] =	vst.idx.add.f32.msk $0xffff, v9  }
0x2d4: {  	v41 =	vmul.f32 v62, v26;
	[tilespmem:v32+s26+$0x0] =	vst.idx.add.f32.msk $0xffff, v14  }
0x2d5: {  	v42 =	vmul.f32 v63, v27;
	[tilespmem:v33+s26+$0x0] =	vst.idx.add.f32.msk $0xffff, v15  }
0x2d6: {  	[tilespmem:v34+s26+$0x0] =	vst.idx.add.f32.msk $0xffff, v41  }
0x2d7: {  	[tilespmem:v35+s26+$0x0] =	vst.idx.add.f32.msk $0xffff, v42  }
0x2d8: {  	v9 =	vld.idx.msk [tilespmem:v1+s28+$0x0], $0xffff  }
0x2d9: {  	v48 =	vld.idx.msk [tilespmem:v2+s28+$0x0], $0xffff  }
0x2da: {  	v49 =	vld.idx.msk [tilespmem:v3+s28+$0x0], $0xffff  }
0x2db: {  	v50 =	vld.idx.msk [tilespmem:v4+s28+$0x0], $0xffff;
	v45 =	vmul.f32 v39, v30  }
0x2dc: {  	v51 =	vld.idx.msk [tilespmem:v5+s28+$0x0], $0xffff  }
0x2dd: {  	v9 =	vmul.f32 v9, v10;
	[tilespmem:v19+s26+$0x0] =	vst.idx.add.f32.msk $0xffff, v45  }
0x2de: {  	v54 =	vld.idx.msk [tilespmem:v11+s28+$0x0], $0xffff  }
0x2df: {  	v14 =	vmul.f32 v48, v24;
	[tilespmem:v8+s29+$0x0] =	vst.idx.add.f32.msk $0xffff, v9  }
0x2e0: {  	v15 =	vmul.f32 v49, v25;
	v9 =	vld [tilespmem:s7+$0x30]  }
0x2e1: {  	[tilespmem:v32+s29+$0x0] =	vst.idx.add.f32.msk $0xffff, v14  }
0x2e2: {  	v57 =	vmul.f32 v51, v27;
	[tilespmem:v33+s29+$0x0] =	vst.idx.add.f32.msk $0xffff, v15  }
0x2e3: {  	v1 =	vld.idx.msk [tilespmem:v1+s30+$0x0], $0xffff  }
0x2e4: {  	[tilespmem:v35+s29+$0x0] =	vst.idx.add.f32.msk $0xffff, v57  }
0x2e5: {  	v2 =	vld.idx.msk [tilespmem:v2+s30+$0x0], $0xffff  }
0x2e6: {  	v3 =	vld.idx.msk [tilespmem:v3+s30+$0x0], $0xffff  }
0x2e7: {  	v5 =	vld.idx.msk [tilespmem:v5+s30+$0x0], $0xffff;
	v60 =	vmul.f32 v54, v30  }
0x2e8: {  	v58 =	vmul.f32 v22, v9;
	v1 =	vmul.f32 v1, v10;
	v10 =	vld [tilespmem:s6+$0x0]  }
0x2e9: {  	[tilespmem:v19+s29+$0x0] =	vst.idx.add.f32.msk $0xffff, v60  }
0x2ea: {  	[tilespmem:v36+s24+$0x0] =	vst.idx.add.f32.msk $0xffff, v58  }
0x2eb: {  	[tilespmem:v8+s31+$0x0] =	vst.idx.add.f32.msk $0xffff, v1  }
0x2ec: {  	v1 =	vld [tilespmem:s6+$0x10]  }
0x2ed: {  	v2 =	vmul.f32 v2, v24;
	v11 =	vld.idx.msk [tilespmem:v11+s30+$0x0], $0xffff  }
0x2ee: {  	v8 =	vmul.f32 v59, v23;
	v40 =	vld.idx.msk [tilespmem:v12+s25+$0x0], $0xffff  }
0x2ef: {  	[tilespmem:v32+s31+$0x0] =	vst.idx.add.f32.msk $0xffff, v2  }
0x2f0: {  	v55 =	vmul.f32 v18, v28;
	[tilespmem:v31+s26+$0x0] =	vst.idx.add.f32.msk $0xffff, v8  }
0x2f1: {  	v47 =	vld.idx.msk [tilespmem:v13+s28+$0x0], $0xffff  }
0x2f2: {  	v56 =	vmul.f32 v20, v29;
	[tilespmem:v10+s24+$0x0] =	vst.idx.add.f32.msk $0xffff, v55  }
0x2f3: {  	v37 =	vld.idx.msk [tilespmem:v6+s25+$0x0], $0xffff  }
0x2f4: {  	v2 =	vmul.f32 v5, v27;
	[tilespmem:v1+s24+$0x0] =	vst.idx.add.f32.msk $0xffff, v56  }
0x2f5: {  	v46 =	vmul.f32 v40, v9;
	v38 =	vld.idx.msk [tilespmem:v7+s25+$0x0], $0xffff  }
0x2f6: {  	[tilespmem:v35+s31+$0x0] =	vst.idx.add.f32.msk $0xffff, v2  }
0x2f7: {  	[tilespmem:v36+s26+$0x0] =	vst.idx.add.f32.msk $0xffff, v46;
	v8 =	vmul.f32 v47, v23  }
0x2f8: {  	v55 =	vld.idx.msk [tilespmem:v12+s28+$0x0], $0xffff;
	v43 =	vmul.f32 v37, v28  }
0x2f9: {  	[tilespmem:v31+s29+$0x0] =	vst.idx.add.f32.msk $0xffff, v8  }
0x2fa: {  	v44 =	vmul.f32 v38, v29;
	[tilespmem:v10+s26+$0x0] =	vst.idx.add.f32.msk $0xffff, v43  }
0x2fb: {  	v52 =	vld.idx.msk [tilespmem:v6+s28+$0x0], $0xffff  }
0x2fc: {  	v56 =	vmul.f32 v50, v26;
	[tilespmem:v1+s26+$0x0] =	vst.idx.add.f32.msk $0xffff, v44  }
0x2fd: {  	v53 =	vld.idx.msk [tilespmem:v7+s28+$0x0], $0xffff  }
0x2fe: {  	[tilespmem:v34+s29+$0x0] =	vst.idx.add.f32.msk $0xffff, v56  }
0x2ff: {  	v62 =	vld.idx.msk [tilespmem:v13+s30+$0x0], $0xffff;
	v61 =	vmul.f32 v55, v9  }
0x300: {  	v4 =	vld.idx.msk [tilespmem:v4+s30+$0x0], $0xffff;
	v58 =	vmul.f32 v52, v28  }
0x301: {  	[tilespmem:v36+s29+$0x0] =	vst.idx.add.f32.msk $0xffff, v61  }
0x302: {  	v59 =	vmul.f32 v53, v29;
	[tilespmem:v10+s29+$0x0] =	vst.idx.add.f32.msk $0xffff, v58  }
0x303: {  	v6 =	vld.idx.msk [tilespmem:v6+s30+$0x0], $0xffff  }
0x304: {  	[tilespmem:v1+s29+$0x0] =	vst.idx.add.f32.msk $0xffff, v59  }
0x305: {  	v3 =	vmul.f32 v3, v25;
	v7 =	vld.idx.msk [tilespmem:v7+s30+$0x0], $0xffff  }
0x306: {  	v2 =	vmul.f32 v11, v30;
	v12 =	vld.idx.msk [tilespmem:v12+s30+$0x0], $0xffff  }
0x307: {  	[tilespmem:v33+s31+$0x0] =	vst.idx.add.f32.msk $0xffff, v3;
	v8 =	vmul.f32 v62, v23  }
0x308: {  	[tilespmem:v19+s31+$0x0] =	vst.idx.add.f32.msk $0xffff, v2;
	v4 =	vmul.f32 v4, v26  }
0x309: {  	[tilespmem:v31+s31+$0x0] =	vst.idx.add.f32.msk $0xffff, v8;
	v3 =	vmul.f32 v6, v28  }
0x30a: {  	[tilespmem:v34+s31+$0x0] =	vst.idx.add.f32.msk $0xffff, v4;
	v63 =	vmul.f32 v7, v29  }
0x30b: {  	[tilespmem:v10+s31+$0x0] =	vst.idx.add.f32.msk $0xffff, v3;
	v3 =	vmul.f32 v12, v9  }
0x30c: {  	[tilespmem:v1+s31+$0x0] =	vst.idx.add.f32.msk $0xffff, v63  }
0x30d: {  	s9 =	simm.s32 $0x140F0;
	s8 =	simm.s32 $0x0;
	[tilespmem:v36+s31+$0x0] =	vst.idx.add.f32.msk $0xffff, v3  }
.LBB2_10:
0x30e: {  	v18 =	vld [tilespmem:s9+$0x40];
	s8 =	sadd.s32 $0xA, s8  }
0x30f: {  	v1 =	vld [tilespmem:s9+$0xFFFFFFC0];
	p1 =	slt.u32 s8, $0x28  }
0x310: {  	v3 =	vld [tilespmem:s9+$0xFFFFFFD0]  }
0x311: {  	v4 =	vld [tilespmem:s9+$0xFFFFFFE0]  }
0x312: {  	v5 =	vld [tilespmem:s9+$0xFFFFFFF0]  }
0x313: {  	v6 =	vld [tilespmem:s9+$0x0]  }
0x314: {  	s6 =	sadd.s32 $0xA0, s6;
	v2 =	vld [tilespmem:s9+$0x10]  }
0x315: {  	v25 =	vld [tilespmem:s6+$0x40]  }
0x316: {  	s7 =	sadd.s32 $0xA0, s7;
	v10 =	vld.idx.msk [tilespmem:v18+s3+$0x0], $0xffff  }
0x317: {  	v21 =	vld [tilespmem:s7+$0x40]  }
0x318: {  	v8 =	vld [tilespmem:s9+$0x20]  }
0x319: {  	v7 =	vld [tilespmem:s9+$0x30]  }
0x31a: {  	v9 =	vld [tilespmem:s9+$0xFFFFFFB0]  }
0x31b: {  	v11 =	vld.idx.msk [tilespmem:v1+s3+$0x0], $0xffff  }
0x31c: {  	v14 =	vld.idx.msk [tilespmem:v3+s3+$0x0], $0xffff;
	v10 =	vmul.f32 v10, v21  }
0x31d: {  	v19 =	vld.idx.msk [tilespmem:v4+s3+$0x0], $0xffff  }
0x31e: {  	[tilespmem:v25+s24+$0x0] =	vst.idx.add.f32.msk $0xffff, v10  }
0x31f: {  	v10 =	vld.idx.msk [tilespmem:v18+s25+$0x0], $0xffff  }
0x320: {  	v20 =	vld.idx.msk [tilespmem:v5+s3+$0x0], $0xffff  }
0x321: {  	v22 =	vld.idx.msk [tilespmem:v6+s3+$0x0], $0xffff  }
0x322: {  	v13 =	vld.idx.msk [tilespmem:v9+s3+$0x0], $0xffff  }
0x323: {  	v23 =	vld.idx.msk [tilespmem:v2+s3+$0x0], $0xffff  }
0x324: {  	v24 =	vld.idx.msk [tilespmem:v8+s3+$0x0], $0xffff  }
0x325: {  	v10 =	vmul.f32 v10, v21;
	v26 =	vld.idx.msk [tilespmem:v7+s3+$0x0], $0xffff  }
0x326: {  	v12 =	vld [tilespmem:s7+$0xFFFFFFB0]  }
0x327: {  	[tilespmem:v25+s26+$0x0] =	vst.idx.add.f32.msk $0xffff, v10  }
0x328: {  	v27 =	vld.idx.msk [tilespmem:v18+s28+$0x0], $0xffff  }
0x329: {  	v17 =	vld [tilespmem:s7+$0xFFFFFFC0]  }
0x32a: {  	v16 =	vld [tilespmem:s7+$0xFFFFFFD0]  }
0x32b: {  	v28 =	vmul.f32 v13, v12;
	v15 =	vld [tilespmem:s7+$0xFFFFFFE0]  }
0x32c: {  	v13 =	vld [tilespmem:s7+$0xFFFFFFF0]  }
0x32d: {  	v10 =	vld [tilespmem:s7+$0x0]  }
0x32e: {  	v27 =	vmul.f32 v27, v21;
	v29 =	vmul.f32 v11, v17;
	v11 =	vld [tilespmem:s7+$0x10]  }
0x32f: {  	v30 =	vmul.f32 v14, v16;
	v14 =	vld [tilespmem:s7+$0x20]  }
0x330: {  	v31 =	vmul.f32 v19, v15;
	[tilespmem:v25+s29+$0x0] =	vst.idx.add.f32.msk $0xffff, v27  }
0x331: {  	v32 =	vmul.f32 v20, v13;
	v27 =	vld.idx.msk [tilespmem:v18+s30+$0x0], $0xffff  }
0x332: {  	v33 =	vmul.f32 v22, v10;
	v18 =	vld [tilespmem:s7+$0x30]  }
0x333: {  	v22 =	vld [tilespmem:s6+$0xFFFFFFB0];
	v34 =	vmul.f32 v23, v11  }
0x334: {  	v23 =	vld [tilespmem:s6+$0xFFFFFFC0];
	v35 =	vmul.f32 v24, v14  }
0x335: {  	v24 =	vld [tilespmem:s6+$0xFFFFFFD0]  }
0x336: {  	v20 =	vld [tilespmem:s6+$0xFFFFFFE0]  }
0x337: {  	v19 =	vld [tilespmem:s6+$0xFFFFFFF0];
	v36 =	vmul.f32 v26, v18;
	v26 =	vmul.f32 v27, v21  }
0x338: {  	v21 =	vld [tilespmem:s6+$0x0]  }
0x339: {  	[tilespmem:v25+s31+$0x0] =	vst.idx.add.f32.msk $0xffff, v26  }
0x33a: {  	v25 =	vld [tilespmem:s6+$0x10]  }
0x33b: {  	v26 =	vld [tilespmem:s6+$0x20]  }
0x33c: {  	v27 =	vld [tilespmem:s6+$0x30]  }
0x33d: {  	[tilespmem:v22+s24+$0x0] =	vst.idx.add.f32.msk $0xffff, v28  }
0x33e: {  	[tilespmem:v23+s24+$0x0] =	vst.idx.add.f32.msk $0xffff, v29  }
0x33f: {  	[tilespmem:v24+s24+$0x0] =	vst.idx.add.f32.msk $0xffff, v30  }
0x340: {  	[tilespmem:v20+s24+$0x0] =	vst.idx.add.f32.msk $0xffff, v31  }
0x341: {  	[tilespmem:v19+s24+$0x0] =	vst.idx.add.f32.msk $0xffff, v32  }
0x342: {  	[tilespmem:v21+s24+$0x0] =	vst.idx.add.f32.msk $0xffff, v33  }
0x343: {  	[tilespmem:v25+s24+$0x0] =	vst.idx.add.f32.msk $0xffff, v34  }
0x344: {  	[tilespmem:v26+s24+$0x0] =	vst.idx.add.f32.msk $0xffff, v35  }
0x345: {  	[tilespmem:v27+s24+$0x0] =	vst.idx.add.f32.msk $0xffff, v36  }
0x346: {  	v28 =	vld.idx.msk [tilespmem:v9+s25+$0x0], $0xffff  }
0x347: {  	v29 =	vld.idx.msk [tilespmem:v1+s25+$0x0], $0xffff  }
0x348: {  	v30 =	vld.idx.msk [tilespmem:v3+s25+$0x0], $0xffff  }
0x349: {  	v31 =	vld.idx.msk [tilespmem:v4+s25+$0x0], $0xffff  }
0x34a: {  	v32 =	vld.idx.msk [tilespmem:v5+s25+$0x0], $0xffff  }
0x34b: {  	v33 =	vld.idx.msk [tilespmem:v6+s25+$0x0], $0xffff  }
0x34c: {  	v28 =	vmul.f32 v28, v12;
	v34 =	vld.idx.msk [tilespmem:v2+s25+$0x0], $0xffff  }
0x34d: {  	v29 =	vmul.f32 v29, v17;
	v35 =	vld.idx.msk [tilespmem:v8+s25+$0x0], $0xffff  }
0x34e: {  	v30 =	vmul.f32 v30, v16;
	v36 =	vld.idx.msk [tilespmem:v7+s25+$0x0], $0xffff  }
0x34f: {  	[tilespmem:v22+s26+$0x0] =	vst.idx.add.f32.msk $0xffff, v28;
	v28 =	vmul.f32 v31, v15  }
0x350: {  	[tilespmem:v23+s26+$0x0] =	vst.idx.add.f32.msk $0xffff, v29;
	v29 =	vmul.f32 v32, v13  }
0x351: {  	[tilespmem:v24+s26+$0x0] =	vst.idx.add.f32.msk $0xffff, v30;
	v30 =	vmul.f32 v33, v10  }
0x352: {  	[tilespmem:v20+s26+$0x0] =	vst.idx.add.f32.msk $0xffff, v28;
	v28 =	vmul.f32 v34, v11  }
0x353: {  	[tilespmem:v19+s26+$0x0] =	vst.idx.add.f32.msk $0xffff, v29;
	v29 =	vmul.f32 v35, v14  }
0x354: {  	[tilespmem:v21+s26+$0x0] =	vst.idx.add.f32.msk $0xffff, v30;
	v30 =	vmul.f32 v36, v18  }
0x355: {  	[tilespmem:v25+s26+$0x0] =	vst.idx.add.f32.msk $0xffff, v28  }
0x356: {  	[tilespmem:v26+s26+$0x0] =	vst.idx.add.f32.msk $0xffff, v29  }
0x357: {  	[tilespmem:v27+s26+$0x0] =	vst.idx.add.f32.msk $0xffff, v30  }
0x358: {  	v28 =	vld.idx.msk [tilespmem:v9+s28+$0x0], $0xffff  }
0x359: {  	v29 =	vld.idx.msk [tilespmem:v1+s28+$0x0], $0xffff  }
0x35a: {  	v30 =	vld.idx.msk [tilespmem:v3+s28+$0x0], $0xffff  }
0x35b: {  	v31 =	vld.idx.msk [tilespmem:v4+s28+$0x0], $0xffff  }
0x35c: {  	v32 =	vld.idx.msk [tilespmem:v5+s28+$0x0], $0xffff  }
0x35d: {  	v33 =	vld.idx.msk [tilespmem:v6+s28+$0x0], $0xffff  }
0x35e: {  	v28 =	vmul.f32 v28, v12;
	v34 =	vld.idx.msk [tilespmem:v2+s28+$0x0], $0xffff  }
0x35f: {  	v29 =	vmul.f32 v29, v17;
	v35 =	vld.idx.msk [tilespmem:v8+s28+$0x0], $0xffff  }
0x360: {  	v30 =	vmul.f32 v30, v16;
	v36 =	vld.idx.msk [tilespmem:v7+s28+$0x0], $0xffff  }
0x361: {  	[tilespmem:v22+s29+$0x0] =	vst.idx.add.f32.msk $0xffff, v28;
	v28 =	vmul.f32 v31, v15  }
0x362: {  	[tilespmem:v23+s29+$0x0] =	vst.idx.add.f32.msk $0xffff, v29;
	v29 =	vmul.f32 v32, v13  }
0x363: {  	[tilespmem:v24+s29+$0x0] =	vst.idx.add.f32.msk $0xffff, v30;
	v30 =	vmul.f32 v33, v10  }
0x364: {  	[tilespmem:v20+s29+$0x0] =	vst.idx.add.f32.msk $0xffff, v28;
	v28 =	vmul.f32 v34, v11  }
0x365: {  	[tilespmem:v19+s29+$0x0] =	vst.idx.add.f32.msk $0xffff, v29;
	v29 =	vmul.f32 v35, v14  }
0x366: {  	[tilespmem:v21+s29+$0x0] =	vst.idx.add.f32.msk $0xffff, v30;
	v30 =	vmul.f32 v36, v18  }
0x367: {  	[tilespmem:v25+s29+$0x0] =	vst.idx.add.f32.msk $0xffff, v28  }
0x368: {  	[tilespmem:v26+s29+$0x0] =	vst.idx.add.f32.msk $0xffff, v29  }
0x369: {  	[tilespmem:v27+s29+$0x0] =	vst.idx.add.f32.msk $0xffff, v30  }
0x36a: {  	v9 =	vld.idx.msk [tilespmem:v9+s30+$0x0], $0xffff  }
0x36b: {  	v1 =	vld.idx.msk [tilespmem:v1+s30+$0x0], $0xffff  }
0x36c: {  	v3 =	vld.idx.msk [tilespmem:v3+s30+$0x0], $0xffff  }
0x36d: {  	v4 =	vld.idx.msk [tilespmem:v4+s30+$0x0], $0xffff  }
0x36e: {  	v5 =	vld.idx.msk [tilespmem:v5+s30+$0x0], $0xffff  }
0x36f: {  	v6 =	vld.idx.msk [tilespmem:v6+s30+$0x0], $0xffff  }
0x370: {  	v9 =	vmul.f32 v9, v12;
	v2 =	vld.idx.msk [tilespmem:v2+s30+$0x0], $0xffff  }
0x371: {  	v1 =	vmul.f32 v1, v17;
	v8 =	vld.idx.msk [tilespmem:v8+s30+$0x0], $0xffff  }
0x372: {  	v3 =	vmul.f32 v3, v16;
	v7 =	vld.idx.msk [tilespmem:v7+s30+$0x0], $0xffff  }
0x373: {  	v4 =	vmul.f32 v4, v15;
	[tilespmem:v22+s31+$0x0] =	vst.idx.add.f32.msk $0xffff, v9  }
0x374: {  	[tilespmem:v23+s31+$0x0] =	vst.idx.add.f32.msk $0xffff, v1;
	v1 =	vmul.f32 v5, v13  }
0x375: {  	[tilespmem:v24+s31+$0x0] =	vst.idx.add.f32.msk $0xffff, v3;
	v3 =	vmul.f32 v6, v10  }
0x376: {  	v2 =	vmul.f32 v2, v11;
	[tilespmem:v20+s31+$0x0] =	vst.idx.add.f32.msk $0xffff, v4  }
.Ltmp8:
0x377: {  	[tilespmem:v19+s31+$0x0] =	vst.idx.add.f32.msk $0xffff, v1;
	v1 =	vmul.f32 v8, v14;
	(pc) =	sbr.rel @p1 .LBB2_10-.Ltmp8, $4  }
0x378: {  	[tilespmem:v21+s31+$0x0] =	vst.idx.add.f32.msk $0xffff, v3;
	v3 =	vmul.f32 v7, v18  }
0x379: {  	[tilespmem:v25+s31+$0x0] =	vst.idx.add.f32.msk $0xffff, v2  }
0x37a: {  	[tilespmem:v26+s31+$0x0] =	vst.idx.add.f32.msk $0xffff, v1  }
0x37b: {  	s9 =	sadd.s32 $0xA0, s9;
	[tilespmem:v27+s31+$0x0] =	vst.idx.add.f32.msk $0xffff, v3  }
0x37c: {  	_ =	swait.ge [sflag:s0], $0x320  }
0x37d: {  	[sflag:s0] =	ssyncset.done $0x0  }
0x37e: {  	[sflag:s0] =	ssyncadd.s32 $0xFFFFFCE0  }
0x37f: {  	_ =	swait.ge [sflag:s0], $0x320  }
0x380: {  	p1 =	seq.s32 s18, $0x18;
	[sflag:s0] =	ssyncset.done $0x0  }
0x381: {  	s6 =	sadd.s32 @!p1 s19, s11;
	[sflag:s0] =	ssyncadd.s32 $0xFFFFFCE0  }
0x382: {  	s9 =	simm.s32 @!p1 $0x0;
	s12 =	simm.s32 @!p1 $0x14000;
	_ =	swait.ge [sflag:s0], $0x320  }
0x383: {  	s7 =	sshrl.u32 @!p1 s6, $0x3;
	s6 =	sadd.s32 @!p1 $0x4E200, s6;
	[sflag:s0] =	ssyncset.done $0x0  }
0x384: {  	s8 =	sadd.s32 @!p1 s4, s7;
	s6 =	sshrl.u32 @!p1 s6, $0x3;
	[sflag:s0] =	ssyncadd.s32 $0xFFFFFCE0  }
0x385: {  	[tilespmem:s12], [sflag:$0x1] =	stream.linear.gather @!p1 [hbm4b:s8+s9], $0x320, $0x38;
	[tilespmem:$0x152C0] =	vst v63  }
0x386: {  	s6 =	sadd.s32 @!p1 s4, s6;
	s8 =	simm.s32 @!p1 $0x14640  }
0x387: {  	[tilespmem:s8], [sflag:$0x1] =	stream.linear.gather @!p1 [hbm4b:s6+s9], $0x320, $0x38;
	[tilespmem:$0x152C0] =	vst v63  }
0x388: {  	s19 =	simm.s32 $0x143B0;
	s6 =	sadd.s32 @!p1 s2, s7;
	s7 =	simm.s32 @!p1 $0x14C80  }
0x389: {  	[tilespmem:s7], [sflag:$0x1] =	stream.linear.gather @!p1 [hbm4b:s6+s9], $0x320, $0x38;
	[tilespmem:$0x152C0] =	vst v63  }
0x38a: {  	v1 =	vld [tilespmem:s19+$0x0]  }
0x38b: {  	v2 =	vld [tilespmem:s19+$0xFFFFFF80]  }
0x38c: {  	v3 =	vld [tilespmem:s19+$0xFFFFFF90]  }
0x38d: {  	v4 =	vld [tilespmem:s19+$0xFFFFFFA0]  }
0x38e: {  	v5 =	vld [tilespmem:s19+$0xFFFFFFB0]  }
0x38f: {  	v6 =	vld [tilespmem:s19+$0xFFFFFFC0]  }
0x390: {  	s6 =	simm.s32 $0x149F0;
	v7 =	vld [tilespmem:s19+$0xFFFFFFD0]  }
0x391: {  	s7 =	simm.s32 $0x15030;
	v8 =	vld [tilespmem:s6+$0x0]  }
0x392: {  	v10 =	vld [tilespmem:s7+$0x0]  }
0x393: {  	v11 =	vld [tilespmem:s19+$0xFFFFFFE0]  }
0x394: {  	v12 =	vld [tilespmem:s19+$0xFFFFFFF0]  }
0x395: {  	v13 =	vld [tilespmem:s19+$0xFFFFFF70]  }
0x396: {  	v23 =	vld [tilespmem:s7+$0xFFFFFF70]  }
0x397: {  	v24 =	vld [tilespmem:s7+$0xFFFFFF80]  }
0x398: {  	v25 =	vld [tilespmem:s7+$0xFFFFFF90]  }
0x399: {  	v26 =	vld [tilespmem:s7+$0xFFFFFFA0]  }
0x39a: {  	v27 =	vld [tilespmem:s7+$0xFFFFFFB0]  }
0x39b: {  	v28 =	vld [tilespmem:s7+$0xFFFFFFC0]  }
0x39c: {  	v29 =	vld [tilespmem:s7+$0xFFFFFFD0]  }
0x39d: {  	v30 =	vld [tilespmem:s7+$0xFFFFFFE0]  }
0x39e: {  	v31 =	vld [tilespmem:s6+$0xFFFFFF70]  }
0x39f: {  	v32 =	vld [tilespmem:s6+$0xFFFFFF80]  }
0x3a0: {  	v33 =	vld [tilespmem:s6+$0xFFFFFF90]  }
0x3a1: {  	v34 =	vld [tilespmem:s6+$0xFFFFFFA0]  }
0x3a2: {  	v35 =	vld [tilespmem:s6+$0xFFFFFFB0]  }
0x3a3: {  	v36 =	vld [tilespmem:s6+$0xFFFFFFF0]  }
0x3a4: {  	v9 =	vld.idx.msk [tilespmem:v1+s3+$0x0], $0xffff  }
0x3a5: {  	v14 =	vld.idx.msk [tilespmem:v2+s3+$0x0], $0xffff  }
0x3a6: {  	v15 =	vld.idx.msk [tilespmem:v3+s3+$0x0], $0xffff  }
0x3a7: {  	v16 =	vld.idx.msk [tilespmem:v4+s3+$0x0], $0xffff  }
0x3a8: {  	v17 =	vld.idx.msk [tilespmem:v5+s3+$0x0], $0xffff  }
0x3a9: {  	v19 =	vld.idx.msk [tilespmem:v13+s3+$0x0], $0xffff  }
0x3aa: {  	v18 =	vld.idx.msk [tilespmem:v6+s3+$0x0], $0xffff  }
0x3ab: {  	v20 =	vld.idx.msk [tilespmem:v7+s3+$0x0], $0xffff  }
0x3ac: {  	v21 =	vld.idx.msk [tilespmem:v11+s3+$0x0], $0xffff  }
0x3ad: {  	v22 =	vld.idx.msk [tilespmem:v12+s3+$0x0], $0xffff;
	v9 =	vmul.f32 v9, v10  }
0x3ae: {  	v52 =	vmul.f32 v19, v23;
	v19 =	vld [tilespmem:s6+$0xFFFFFFE0]  }
0x3af: {  	v14 =	vmul.f32 v14, v24;
	[tilespmem:v8+s24+$0x0] =	vst.idx.add.f32.msk $0xffff, v9  }
0x3b0: {  	v15 =	vmul.f32 v15, v25;
	[tilespmem:v31+s24+$0x0] =	vst.idx.add.f32.msk $0xffff, v52  }
0x3b1: {  	v53 =	vmul.f32 v16, v26;
	[tilespmem:v32+s24+$0x0] =	vst.idx.add.f32.msk $0xffff, v14  }
0x3b2: {  	v54 =	vmul.f32 v17, v27;
	[tilespmem:v33+s24+$0x0] =	vst.idx.add.f32.msk $0xffff, v15  }
0x3b3: {  	[tilespmem:v34+s24+$0x0] =	vst.idx.add.f32.msk $0xffff, v53  }
0x3b4: {  	[tilespmem:v35+s24+$0x0] =	vst.idx.add.f32.msk $0xffff, v54  }
0x3b5: {  	v9 =	vld.idx.msk [tilespmem:v1+s25+$0x0], $0xffff  }
0x3b6: {  	v59 =	vld.idx.msk [tilespmem:v13+s25+$0x0], $0xffff  }
0x3b7: {  	v60 =	vld.idx.msk [tilespmem:v2+s25+$0x0], $0xffff  }
0x3b8: {  	v61 =	vld.idx.msk [tilespmem:v3+s25+$0x0], $0xffff  }
0x3b9: {  	v57 =	vmul.f32 v21, v30;
	v62 =	vld.idx.msk [tilespmem:v4+s25+$0x0], $0xffff  }
0x3ba: {  	v63 =	vld.idx.msk [tilespmem:v5+s25+$0x0], $0xffff  }
0x3bb: {  	v9 =	vmul.f32 v9, v10;
	[tilespmem:v19+s24+$0x0] =	vst.idx.add.f32.msk $0xffff, v57  }
0x3bc: {  	v14 =	vmul.f32 v60, v24;
	v39 =	vld.idx.msk [tilespmem:v11+s25+$0x0], $0xffff  }
0x3bd: {  	v15 =	vmul.f32 v61, v25;
	[tilespmem:v8+s26+$0x0] =	vst.idx.add.f32.msk $0xffff, v9  }
0x3be: {  	v41 =	vmul.f32 v62, v26;
	[tilespmem:v32+s26+$0x0] =	vst.idx.add.f32.msk $0xffff, v14  }
0x3bf: {  	v42 =	vmul.f32 v63, v27;
	[tilespmem:v33+s26+$0x0] =	vst.idx.add.f32.msk $0xffff, v15  }
0x3c0: {  	[tilespmem:v34+s26+$0x0] =	vst.idx.add.f32.msk $0xffff, v41  }
0x3c1: {  	[tilespmem:v35+s26+$0x0] =	vst.idx.add.f32.msk $0xffff, v42  }
0x3c2: {  	v9 =	vld.idx.msk [tilespmem:v1+s28+$0x0], $0xffff  }
0x3c3: {  	v48 =	vld.idx.msk [tilespmem:v2+s28+$0x0], $0xffff  }
0x3c4: {  	v49 =	vld.idx.msk [tilespmem:v3+s28+$0x0], $0xffff  }
0x3c5: {  	v50 =	vld.idx.msk [tilespmem:v4+s28+$0x0], $0xffff;
	v45 =	vmul.f32 v39, v30  }
0x3c6: {  	v51 =	vld.idx.msk [tilespmem:v5+s28+$0x0], $0xffff  }
0x3c7: {  	v9 =	vmul.f32 v9, v10;
	[tilespmem:v19+s26+$0x0] =	vst.idx.add.f32.msk $0xffff, v45  }
0x3c8: {  	v54 =	vld.idx.msk [tilespmem:v11+s28+$0x0], $0xffff  }
0x3c9: {  	v14 =	vmul.f32 v48, v24;
	[tilespmem:v8+s29+$0x0] =	vst.idx.add.f32.msk $0xffff, v9  }
0x3ca: {  	v15 =	vmul.f32 v49, v25;
	v9 =	vld [tilespmem:s7+$0xFFFFFFF0]  }
0x3cb: {  	[tilespmem:v32+s29+$0x0] =	vst.idx.add.f32.msk $0xffff, v14  }
0x3cc: {  	v57 =	vmul.f32 v51, v27;
	[tilespmem:v33+s29+$0x0] =	vst.idx.add.f32.msk $0xffff, v15  }
0x3cd: {  	v1 =	vld.idx.msk [tilespmem:v1+s30+$0x0], $0xffff  }
0x3ce: {  	[tilespmem:v35+s29+$0x0] =	vst.idx.add.f32.msk $0xffff, v57  }
0x3cf: {  	v2 =	vld.idx.msk [tilespmem:v2+s30+$0x0], $0xffff  }
0x3d0: {  	v3 =	vld.idx.msk [tilespmem:v3+s30+$0x0], $0xffff  }
0x3d1: {  	v5 =	vld.idx.msk [tilespmem:v5+s30+$0x0], $0xffff;
	v60 =	vmul.f32 v54, v30  }
0x3d2: {  	v58 =	vmul.f32 v22, v9;
	v1 =	vmul.f32 v1, v10;
	v10 =	vld [tilespmem:s6+$0xFFFFFFC0]  }
0x3d3: {  	[tilespmem:v19+s29+$0x0] =	vst.idx.add.f32.msk $0xffff, v60  }
0x3d4: {  	[tilespmem:v36+s24+$0x0] =	vst.idx.add.f32.msk $0xffff, v58  }
0x3d5: {  	[tilespmem:v8+s31+$0x0] =	vst.idx.add.f32.msk $0xffff, v1  }
0x3d6: {  	v1 =	vld [tilespmem:s6+$0xFFFFFFD0]  }
0x3d7: {  	v2 =	vmul.f32 v2, v24;
	v11 =	vld.idx.msk [tilespmem:v11+s30+$0x0], $0xffff  }
0x3d8: {  	v8 =	vmul.f32 v59, v23;
	v40 =	vld.idx.msk [tilespmem:v12+s25+$0x0], $0xffff  }
0x3d9: {  	[tilespmem:v32+s31+$0x0] =	vst.idx.add.f32.msk $0xffff, v2  }
0x3da: {  	v55 =	vmul.f32 v18, v28;
	[tilespmem:v31+s26+$0x0] =	vst.idx.add.f32.msk $0xffff, v8  }
0x3db: {  	v47 =	vld.idx.msk [tilespmem:v13+s28+$0x0], $0xffff  }
0x3dc: {  	v56 =	vmul.f32 v20, v29;
	[tilespmem:v10+s24+$0x0] =	vst.idx.add.f32.msk $0xffff, v55  }
0x3dd: {  	v37 =	vld.idx.msk [tilespmem:v6+s25+$0x0], $0xffff  }
0x3de: {  	v2 =	vmul.f32 v5, v27;
	[tilespmem:v1+s24+$0x0] =	vst.idx.add.f32.msk $0xffff, v56  }
0x3df: {  	v46 =	vmul.f32 v40, v9;
	v38 =	vld.idx.msk [tilespmem:v7+s25+$0x0], $0xffff  }
0x3e0: {  	[tilespmem:v35+s31+$0x0] =	vst.idx.add.f32.msk $0xffff, v2  }
0x3e1: {  	[tilespmem:v36+s26+$0x0] =	vst.idx.add.f32.msk $0xffff, v46;
	v8 =	vmul.f32 v47, v23  }
0x3e2: {  	v55 =	vld.idx.msk [tilespmem:v12+s28+$0x0], $0xffff;
	v43 =	vmul.f32 v37, v28  }
0x3e3: {  	[tilespmem:v31+s29+$0x0] =	vst.idx.add.f32.msk $0xffff, v8  }
0x3e4: {  	v44 =	vmul.f32 v38, v29;
	[tilespmem:v10+s26+$0x0] =	vst.idx.add.f32.msk $0xffff, v43  }
0x3e5: {  	v52 =	vld.idx.msk [tilespmem:v6+s28+$0x0], $0xffff  }
0x3e6: {  	v56 =	vmul.f32 v50, v26;
	[tilespmem:v1+s26+$0x0] =	vst.idx.add.f32.msk $0xffff, v44  }
0x3e7: {  	v53 =	vld.idx.msk [tilespmem:v7+s28+$0x0], $0xffff  }
0x3e8: {  	[tilespmem:v34+s29+$0x0] =	vst.idx.add.f32.msk $0xffff, v56  }
0x3e9: {  	v62 =	vld.idx.msk [tilespmem:v13+s30+$0x0], $0xffff;
	v61 =	vmul.f32 v55, v9  }
0x3ea: {  	v4 =	vld.idx.msk [tilespmem:v4+s30+$0x0], $0xffff;
	v58 =	vmul.f32 v52, v28  }
0x3eb: {  	[tilespmem:v36+s29+$0x0] =	vst.idx.add.f32.msk $0xffff, v61  }
0x3ec: {  	v59 =	vmul.f32 v53, v29;
	[tilespmem:v10+s29+$0x0] =	vst.idx.add.f32.msk $0xffff, v58  }
0x3ed: {  	v6 =	vld.idx.msk [tilespmem:v6+s30+$0x0], $0xffff  }
0x3ee: {  	[tilespmem:v1+s29+$0x0] =	vst.idx.add.f32.msk $0xffff, v59  }
0x3ef: {  	v3 =	vmul.f32 v3, v25;
	v7 =	vld.idx.msk [tilespmem:v7+s30+$0x0], $0xffff  }
0x3f0: {  	v2 =	vmul.f32 v11, v30;
	v12 =	vld.idx.msk [tilespmem:v12+s30+$0x0], $0xffff  }
0x3f1: {  	[tilespmem:v33+s31+$0x0] =	vst.idx.add.f32.msk $0xffff, v3;
	v8 =	vmul.f32 v62, v23  }
0x3f2: {  	[tilespmem:v19+s31+$0x0] =	vst.idx.add.f32.msk $0xffff, v2;
	v4 =	vmul.f32 v4, v26  }
0x3f3: {  	[tilespmem:v31+s31+$0x0] =	vst.idx.add.f32.msk $0xffff, v8;
	v3 =	vmul.f32 v6, v28  }
0x3f4: {  	[tilespmem:v34+s31+$0x0] =	vst.idx.add.f32.msk $0xffff, v4;
	v63 =	vmul.f32 v7, v29  }
0x3f5: {  	[tilespmem:v10+s31+$0x0] =	vst.idx.add.f32.msk $0xffff, v3;
	v3 =	vmul.f32 v12, v9  }
0x3f6: {  	[tilespmem:v1+s31+$0x0] =	vst.idx.add.f32.msk $0xffff, v63  }
0x3f7: {  	s8 =	simm.s32 $0x0;
	s9 =	simm.s32 $0x14450;
	[tilespmem:v36+s31+$0x0] =	vst.idx.add.f32.msk $0xffff, v3  }
.LBB2_12:
0x3f8: {  	v18 =	vld [tilespmem:s9+$0x0];
	s8 =	sadd.s32 $0xA, s8  }
0x3f9: {  	v1 =	vld [tilespmem:s9+$0xFFFFFF80];
	p1 =	slt.u32 s8, $0x28  }
0x3fa: {  	v3 =	vld [tilespmem:s9+$0xFFFFFF90]  }
0x3fb: {  	v4 =	vld [tilespmem:s9+$0xFFFFFFA0]  }
0x3fc: {  	v5 =	vld [tilespmem:s9+$0xFFFFFFB0]  }
0x3fd: {  	v6 =	vld [tilespmem:s9+$0xFFFFFFC0]  }
0x3fe: {  	s6 =	sadd.s32 $0xA0, s6;
	v2 =	vld [tilespmem:s9+$0xFFFFFFD0]  }
0x3ff: {  	v25 =	vld [tilespmem:s6+$0x0]  }
0x400: {  	s7 =	sadd.s32 $0xA0, s7;
	v10 =	vld.idx.msk [tilespmem:v18+s3+$0x0], $0xffff  }
0x401: {  	v21 =	vld [tilespmem:s7+$0x0]  }
0x402: {  	v8 =	vld [tilespmem:s9+$0xFFFFFFE0]  }
0x403: {  	v7 =	vld [tilespmem:s9+$0xFFFFFFF0]  }
0x404: {  	v9 =	vld [tilespmem:s9+$0xFFFFFF70]  }
0x405: {  	v11 =	vld.idx.msk [tilespmem:v1+s3+$0x0], $0xffff  }
0x406: {  	v14 =	vld.idx.msk [tilespmem:v3+s3+$0x0], $0xffff;
	v10 =	vmul.f32 v10, v21  }
0x407: {  	v19 =	vld.idx.msk [tilespmem:v4+s3+$0x0], $0xffff  }
0x408: {  	[tilespmem:v25+s24+$0x0] =	vst.idx.add.f32.msk $0xffff, v10  }
0x409: {  	v10 =	vld.idx.msk [tilespmem:v18+s25+$0x0], $0xffff  }
0x40a: {  	v20 =	vld.idx.msk [tilespmem:v5+s3+$0x0], $0xffff  }
0x40b: {  	v22 =	vld.idx.msk [tilespmem:v6+s3+$0x0], $0xffff  }
0x40c: {  	v13 =	vld.idx.msk [tilespmem:v9+s3+$0x0], $0xffff  }
0x40d: {  	v23 =	vld.idx.msk [tilespmem:v2+s3+$0x0], $0xffff  }
0x40e: {  	v24 =	vld.idx.msk [tilespmem:v8+s3+$0x0], $0xffff  }
0x40f: {  	v10 =	vmul.f32 v10, v21;
	v26 =	vld.idx.msk [tilespmem:v7+s3+$0x0], $0xffff  }
0x410: {  	v12 =	vld [tilespmem:s7+$0xFFFFFF70]  }
0x411: {  	[tilespmem:v25+s26+$0x0] =	vst.idx.add.f32.msk $0xffff, v10  }
0x412: {  	v27 =	vld.idx.msk [tilespmem:v18+s28+$0x0], $0xffff  }
0x413: {  	v17 =	vld [tilespmem:s7+$0xFFFFFF80]  }
0x414: {  	v16 =	vld [tilespmem:s7+$0xFFFFFF90]  }
0x415: {  	v28 =	vmul.f32 v13, v12;
	v15 =	vld [tilespmem:s7+$0xFFFFFFA0]  }
0x416: {  	v13 =	vld [tilespmem:s7+$0xFFFFFFB0]  }
0x417: {  	v10 =	vld [tilespmem:s7+$0xFFFFFFC0]  }
0x418: {  	v27 =	vmul.f32 v27, v21;
	v29 =	vmul.f32 v11, v17;
	v11 =	vld [tilespmem:s7+$0xFFFFFFD0]  }
0x419: {  	v30 =	vmul.f32 v14, v16;
	v14 =	vld [tilespmem:s7+$0xFFFFFFE0]  }
0x41a: {  	v31 =	vmul.f32 v19, v15;
	[tilespmem:v25+s29+$0x0] =	vst.idx.add.f32.msk $0xffff, v27  }
0x41b: {  	v32 =	vmul.f32 v20, v13;
	v27 =	vld.idx.msk [tilespmem:v18+s30+$0x0], $0xffff  }
0x41c: {  	v33 =	vmul.f32 v22, v10;
	v18 =	vld [tilespmem:s7+$0xFFFFFFF0]  }
0x41d: {  	v22 =	vld [tilespmem:s6+$0xFFFFFF70];
	v34 =	vmul.f32 v23, v11  }
0x41e: {  	v23 =	vld [tilespmem:s6+$0xFFFFFF80];
	v35 =	vmul.f32 v24, v14  }
0x41f: {  	v24 =	vld [tilespmem:s6+$0xFFFFFF90]  }
0x420: {  	v20 =	vld [tilespmem:s6+$0xFFFFFFA0]  }
0x421: {  	v19 =	vld [tilespmem:s6+$0xFFFFFFB0];
	v36 =	vmul.f32 v26, v18;
	v26 =	vmul.f32 v27, v21  }
0x422: {  	v21 =	vld [tilespmem:s6+$0xFFFFFFC0]  }
0x423: {  	[tilespmem:v25+s31+$0x0] =	vst.idx.add.f32.msk $0xffff, v26  }
0x424: {  	v25 =	vld [tilespmem:s6+$0xFFFFFFD0]  }
0x425: {  	v26 =	vld [tilespmem:s6+$0xFFFFFFE0]  }
0x426: {  	v27 =	vld [tilespmem:s6+$0xFFFFFFF0]  }
0x427: {  	[tilespmem:v22+s24+$0x0] =	vst.idx.add.f32.msk $0xffff, v28  }
0x428: {  	[tilespmem:v23+s24+$0x0] =	vst.idx.add.f32.msk $0xffff, v29  }
0x429: {  	[tilespmem:v24+s24+$0x0] =	vst.idx.add.f32.msk $0xffff, v30  }
0x42a: {  	[tilespmem:v20+s24+$0x0] =	vst.idx.add.f32.msk $0xffff, v31  }
0x42b: {  	[tilespmem:v19+s24+$0x0] =	vst.idx.add.f32.msk $0xffff, v32  }
0x42c: {  	[tilespmem:v21+s24+$0x0] =	vst.idx.add.f32.msk $0xffff, v33  }
0x42d: {  	[tilespmem:v25+s24+$0x0] =	vst.idx.add.f32.msk $0xffff, v34  }
0x42e: {  	[tilespmem:v26+s24+$0x0] =	vst.idx.add.f32.msk $0xffff, v35  }
0x42f: {  	[tilespmem:v27+s24+$0x0] =	vst.idx.add.f32.msk $0xffff, v36  }
0x430: {  	v28 =	vld.idx.msk [tilespmem:v9+s25+$0x0], $0xffff  }
0x431: {  	v29 =	vld.idx.msk [tilespmem:v1+s25+$0x0], $0xffff  }
0x432: {  	v30 =	vld.idx.msk [tilespmem:v3+s25+$0x0], $0xffff  }
0x433: {  	v31 =	vld.idx.msk [tilespmem:v4+s25+$0x0], $0xffff  }
0x434: {  	v32 =	vld.idx.msk [tilespmem:v5+s25+$0x0], $0xffff  }
0x435: {  	v33 =	vld.idx.msk [tilespmem:v6+s25+$0x0], $0xffff  }
0x436: {  	v28 =	vmul.f32 v28, v12;
	v34 =	vld.idx.msk [tilespmem:v2+s25+$0x0], $0xffff  }
0x437: {  	v29 =	vmul.f32 v29, v17;
	v35 =	vld.idx.msk [tilespmem:v8+s25+$0x0], $0xffff  }
0x438: {  	v30 =	vmul.f32 v30, v16;
	v36 =	vld.idx.msk [tilespmem:v7+s25+$0x0], $0xffff  }
0x439: {  	[tilespmem:v22+s26+$0x0] =	vst.idx.add.f32.msk $0xffff, v28;
	v28 =	vmul.f32 v31, v15  }
0x43a: {  	[tilespmem:v23+s26+$0x0] =	vst.idx.add.f32.msk $0xffff, v29;
	v29 =	vmul.f32 v32, v13  }
0x43b: {  	[tilespmem:v24+s26+$0x0] =	vst.idx.add.f32.msk $0xffff, v30;
	v30 =	vmul.f32 v33, v10  }
0x43c: {  	[tilespmem:v20+s26+$0x0] =	vst.idx.add.f32.msk $0xffff, v28;
	v28 =	vmul.f32 v34, v11  }
0x43d: {  	[tilespmem:v19+s26+$0x0] =	vst.idx.add.f32.msk $0xffff, v29;
	v29 =	vmul.f32 v35, v14  }
0x43e: {  	[tilespmem:v21+s26+$0x0] =	vst.idx.add.f32.msk $0xffff, v30;
	v30 =	vmul.f32 v36, v18  }
0x43f: {  	[tilespmem:v25+s26+$0x0] =	vst.idx.add.f32.msk $0xffff, v28  }
0x440: {  	[tilespmem:v26+s26+$0x0] =	vst.idx.add.f32.msk $0xffff, v29  }
0x441: {  	[tilespmem:v27+s26+$0x0] =	vst.idx.add.f32.msk $0xffff, v30  }
0x442: {  	v28 =	vld.idx.msk [tilespmem:v9+s28+$0x0], $0xffff  }
0x443: {  	v29 =	vld.idx.msk [tilespmem:v1+s28+$0x0], $0xffff  }
0x444: {  	v30 =	vld.idx.msk [tilespmem:v3+s28+$0x0], $0xffff  }
0x445: {  	v31 =	vld.idx.msk [tilespmem:v4+s28+$0x0], $0xffff  }
0x446: {  	v32 =	vld.idx.msk [tilespmem:v5+s28+$0x0], $0xffff  }
0x447: {  	v33 =	vld.idx.msk [tilespmem:v6+s28+$0x0], $0xffff  }
0x448: {  	v28 =	vmul.f32 v28, v12;
	v34 =	vld.idx.msk [tilespmem:v2+s28+$0x0], $0xffff  }
0x449: {  	v29 =	vmul.f32 v29, v17;
	v35 =	vld.idx.msk [tilespmem:v8+s28+$0x0], $0xffff  }
0x44a: {  	v30 =	vmul.f32 v30, v16;
	v36 =	vld.idx.msk [tilespmem:v7+s28+$0x0], $0xffff  }
0x44b: {  	[tilespmem:v22+s29+$0x0] =	vst.idx.add.f32.msk $0xffff, v28;
	v28 =	vmul.f32 v31, v15  }
0x44c: {  	[tilespmem:v23+s29+$0x0] =	vst.idx.add.f32.msk $0xffff, v29;
	v29 =	vmul.f32 v32, v13  }
0x44d: {  	[tilespmem:v24+s29+$0x0] =	vst.idx.add.f32.msk $0xffff, v30;
	v30 =	vmul.f32 v33, v10  }
0x44e: {  	[tilespmem:v20+s29+$0x0] =	vst.idx.add.f32.msk $0xffff, v28;
	v28 =	vmul.f32 v34, v11  }
0x44f: {  	[tilespmem:v19+s29+$0x0] =	vst.idx.add.f32.msk $0xffff, v29;
	v29 =	vmul.f32 v35, v14  }
0x450: {  	[tilespmem:v21+s29+$0x0] =	vst.idx.add.f32.msk $0xffff, v30;
	v30 =	vmul.f32 v36, v18  }
0x451: {  	[tilespmem:v25+s29+$0x0] =	vst.idx.add.f32.msk $0xffff, v28  }
0x452: {  	[tilespmem:v26+s29+$0x0] =	vst.idx.add.f32.msk $0xffff, v29  }
0x453: {  	[tilespmem:v27+s29+$0x0] =	vst.idx.add.f32.msk $0xffff, v30  }
0x454: {  	v9 =	vld.idx.msk [tilespmem:v9+s30+$0x0], $0xffff  }
0x455: {  	v1 =	vld.idx.msk [tilespmem:v1+s30+$0x0], $0xffff  }
0x456: {  	v3 =	vld.idx.msk [tilespmem:v3+s30+$0x0], $0xffff  }
0x457: {  	v4 =	vld.idx.msk [tilespmem:v4+s30+$0x0], $0xffff  }
0x458: {  	v5 =	vld.idx.msk [tilespmem:v5+s30+$0x0], $0xffff  }
0x459: {  	v6 =	vld.idx.msk [tilespmem:v6+s30+$0x0], $0xffff  }
0x45a: {  	v9 =	vmul.f32 v9, v12;
	v2 =	vld.idx.msk [tilespmem:v2+s30+$0x0], $0xffff  }
0x45b: {  	v1 =	vmul.f32 v1, v17;
	v8 =	vld.idx.msk [tilespmem:v8+s30+$0x0], $0xffff  }
0x45c: {  	v3 =	vmul.f32 v3, v16;
	v7 =	vld.idx.msk [tilespmem:v7+s30+$0x0], $0xffff  }
0x45d: {  	v4 =	vmul.f32 v4, v15;
	[tilespmem:v22+s31+$0x0] =	vst.idx.add.f32.msk $0xffff, v9  }
0x45e: {  	[tilespmem:v23+s31+$0x0] =	vst.idx.add.f32.msk $0xffff, v1;
	v1 =	vmul.f32 v5, v13  }
0x45f: {  	[tilespmem:v24+s31+$0x0] =	vst.idx.add.f32.msk $0xffff, v3;
	v3 =	vmul.f32 v6, v10  }
0x460: {  	v2 =	vmul.f32 v2, v11;
	[tilespmem:v20+s31+$0x0] =	vst.idx.add.f32.msk $0xffff, v4  }
.Ltmp9:
0x461: {  	[tilespmem:v19+s31+$0x0] =	vst.idx.add.f32.msk $0xffff, v1;
	v1 =	vmul.f32 v8, v14;
	(pc) =	sbr.rel @p1 .LBB2_12-.Ltmp9, $4  }
0x462: {  	[tilespmem:v21+s31+$0x0] =	vst.idx.add.f32.msk $0xffff, v3;
	v3 =	vmul.f32 v7, v18  }
0x463: {  	[tilespmem:v25+s31+$0x0] =	vst.idx.add.f32.msk $0xffff, v2  }
0x464: {  	[tilespmem:v26+s31+$0x0] =	vst.idx.add.f32.msk $0xffff, v1  }
0x465: {  	s9 =	sadd.s32 $0xA0, s9;
	[tilespmem:v27+s31+$0x0] =	vst.idx.add.f32.msk $0xffff, v3  }
0x466: {  	s18 =	sadd.s32 $0x1, s18  }
0x467: {  	p1 =	sne.s32 s18, $0x19  }
.Ltmp10:
0x468: {  	_ = 	snop;
	(pc) =	sbr.rel @p1 .LBB2_9-.Ltmp10, $4  }
.Ltmp11:
0x469: {  	_ = 	snop;
	(pc) =	sbr.rel @!p1 .LBB2_14-.Ltmp11, $4  }
0x46a: {  	_ = 	snop  }
0x46b: {  	_ = 	snop  }
0x46c: {  	_ = 	snop  }
0x46d: {  	_ = 	snop  }
.LBB2_15:
0x46e: {  	_ =	sfence.sel $0x180000  }
0x46f: {  	[bflag:$0x0] =	sbarrier.arrive $0xFFFF  }
0x470: {  	_ =	strace $0x9000004A  }
0x471: {  	s0 =	stileid.u32;
	[bflag:$0x2] =	sbarrier.arrive $0xFFFF  }
0x472: {  	p0 =	sne.s32 s0, $0x0;
	s0 =	rddreg [dreg:$0x2]  }
0x473: {  	s0 =	sadd.s32 @!p0 $0x100000, s0  }
0x474: {  	[sflag:s0] =	ssyncadd.tile.s32 @!p0 $0x1;
	_ =	shalt  }
.Lfunc_end2:
_tile_overlayer_lowered:
.L_overlay_start_2:
0x475: {  	(tag) =	ssettag $0x2  }
0x476: {  	s0 =	rddreg [dreg:$0x0];
	s2 =	stileid.u32  }
0x477: {  	s1 =	rddreg [dreg:$0x1];
	p0 =	sne.s32 s2, $0x0  }
0x478: {  	s3 =	rddreg [dreg:$0x2];
	[bflag:$0x3] =	sbarrier.arrive $0xFFFF;
	s2 =	simm.s32 @!p0 $0x1C04  }
0x479: {  	[timem:s3], [sflag:s2] =	dma.local @!p0 [hbm:s0], s1  }
0x47a: {  	s0 =	simm.s32 @!p0 $0x4  }
0x47b: {  	_ =	swait.ge @!p0 [sflag:s0], s1  }
0x47c: {  	s1 =	ssub.s32 @!p0 $0x0, s1;
	[sflag:s0] =	ssyncset.done @!p0 $0x0  }
0x47d: {  	[sflag:s0] =	ssyncadd.s32 @!p0 s1  }
0x47e: {  	[bflag:$0x3] =	sbarrier.arrive $0xFFFF  }
0x47f: {  	_ =	shalt  }

// kernel: kernel.7.cloned.1.call-start
scs
__scs_entry_jumppad:
0x0: {  	(pc) =	sbr.rel $0x88, $3  }
0x1: {  	(tag) =	ssettag $0x0;
	lr =	simm.s32 $0x1  }
0x2: {  	[smem:$0x3F9A] =	sst lr;
	_ =	strace $0xD0000000  }
0x3: {  	_ = 	snop  }
0x4: {  	_ = 	snop  }
0x5: {  	_ = 	snop  }
0x6: {  	_ = 	snop  }
0x7: {  	_ = 	snop  }
__scs_overlays_trampoline_lowered:
0x8: {  	[smem:$0x3FA9] =	sst s0  }
0x9: {  	[smem:$0x3FAA] =	sst s1  }
0xa: {  	[smem:$0x3FAB] =	sst s2  }
0xb: {  	[smem:$0x3FAC] =	sst s3  }
0xc: {  	[smem:$0x3FAD] =	sst s4  }
0xd: {  	[smem:$0x3FAE] =	sst s5  }
0xe: {  	[smem:$0x3FAF] =	sst s6  }
0xf: {  	[smem:$0x3FB0] =	sst s7  }
0x10: {  	[smem:$0x3FB1] =	sst s8  }
0x11: {  	[smem:$0x3FB2] =	sst s9;
	s0 =	simm.s32 @!p0 $0x0  }
0x12: {  	s1 =	sld [smem:$0x3F98];
	s0 =	simm.s32 @p0 $0x1  }
0x13: {  	[smem:$0x3FB3] =	sst s0;
	s0 =	simm.s32 @!p1 $0x0  }
0x14: {  	s2 =	sld [smem:$0x3F97];
	s0 =	simm.s32 @p1 $0x1  }
0x15: {  	[smem:$0x3FB4] =	sst s0;
	s0 =	simm.s32 @!p2 $0x0  }
0x16: {  	s3 =	sld [smem:$0x3FDB];
	s0 =	simm.s32 @p2 $0x1  }
0x17: {  	s4 =	simm.s32 $0x1BF5;
	[smem:$0x3FB6] =	sst s0  }
0x18: {  	s0 =	sld [smem:$0x3F99];
	_ =	swait.ge [sflag:s4], $0x0  }
0x19: {  	s7 =	sld [smem:$0x3F9A]  }
0x1a: {  	s8 =	sadd.s32 $0xFFFFE003, lr  }
0x1b: {  	s9 =	sadd.s32 $0xFFFFFEF7, lr;
	s5 =	simm.s32 $0xFFFFFFFF;
	p2 =	slt.u32 s8, $0xFFFFF086  }
0x1c: {  	p1 =	slt.u32 s9, $0xF7A;
	s5 =	simm.s32 @!p2 $0x0  }
0x1d: {  	s5 =	simm.s32 @p1 $0x1;
	p0 =	seq.s32 s7, s2  }
0x1e: {  	s7 =	smul.u32 @!p0 $0xF7A, s2;
	p2 =	seq.s32 @!p0 s5, $0x0  }
0x1f: {  	s9 =	smul.u32 $0xF7A, s1;
	s8 =	simm.s32 @!p0 $0x1BF5;
	p2 =	por !p2, p0  }
0x20: {  	[sflag:s8] =	ssyncset.s32 @!p0 $0xFFFFF086;
	s6 =	sadd.s32 @!p0 s3, s7;
	s7 =	simm.s32 @!p0 $0x108  }
0x21: {  	s3 =	sadd.s32 s3, s9;
	s6 =	sadd.s32 @!p0 $0x88, s6;
	s7 =	simm.s32 @p2 $0x1082  }
0x22: {  	[simem:s7], [sflag:s8] =	dma.local @!p0 [hbm:s6], $0xF7A  }
0x23: {  	s9 =	sor.u32 $0xD0000000, s2;
	s6 =	simm.s32 $0x108;
	_ =	swait.ge @!p0 [sflag:s8], $0x0  }
0x24: {  	s3 =	sadd.s32 $0x88, s3;
	s6 =	simm.s32 @!p1 $0x1082;
	[sflag:s4] =	ssyncset.s32 $0xFFFFF086  }
0x25: {  	[simem:s6], [sflag:s4] =	dma.local [hbm:s3], $0xF7A  }
0x26: {  	[smem:$0x3F9A] =	sst s1;
	(tag) =	ssettag s2;
	_ =	strace s9  }
0x27: {  	s1 =	sld [smem:$0x3FAA]  }
0x28: {  	s2 =	sld [smem:$0x3FAB]  }
0x29: {  	s4 =	sld [smem:$0x3FAD]  }
0x2a: {  	p0 =	seq.s32 s5, $0x0;
	s5 =	sld [smem:$0x3FAE]  }
0x2b: {  	s6 =	sld [smem:$0x3FAF]  }
0x2c: {  	s7 =	sld [smem:$0x3FB0]  }
0x2d: {  	s3 =	simm.s32 $0x108;
	s8 =	sld [smem:$0x3FB1]  }
0x2e: {  	s3 =	simm.s32 @!p0 $0x1082;
	s9 =	sld [smem:$0x3FB2]  }
0x2f: {  	lr =	sadd.s32 s0, s3;
	s0 =	sld [smem:$0x3FA9]  }
0x30: {  	s3 =	sld [smem:$0x3FAC]  }
0x31: {  	[smem:$0x3FB5] =	sst s10  }
0x32: {  	s10 =	sld [smem:$0x3FB3];
	_ =	sdelay $0x3  }
0x33: {  	p0 =	seq.s32 s10, $0x1;
	s10 =	sld [smem:$0x3FB5];
	_ =	sdelay $0x3  }
0x34: {  	[smem:$0x3FB5] =	sst s10  }
0x35: {  	s10 =	sld [smem:$0x3FB4];
	_ =	sdelay $0x3  }
0x36: {  	p1 =	seq.s32 s10, $0x1;
	s10 =	sld [smem:$0x3FB5];
	_ =	sdelay $0x3  }
0x37: {  	[smem:$0x3FB5] =	sst s10  }
0x38: {  	s10 =	sld [smem:$0x3FB6]  }
0x39: {  	_ = 	snop;
	(pc) =	sbr.ind lr, $3  }
0x3a: {  	_ = 	snop  }
0x3b: {  	_ = 	snop  }
0x3c: {  	p2 =	seq.s32 s10, $0x1;
	s10 =	sld [smem:$0x3FB5]  }
0x3d: {  	_ =	shalt  }
0x3e: {  	_ =	shalt  }
0x3f: {  	_ =	shalt  }
0x40: {  	_ =	shalt  }
0x41: {  	_ =	shalt  }
0x42: {  	_ =	shalt  }
0x43: {  	_ =	shalt  }
0x44: {  	_ =	shalt  }
0x45: {  	_ =	shalt  }
0x46: {  	_ =	shalt  }
0x47: {  	_ =	shalt  }
0x48: {  	_ =	shalt  }
0x49: {  	_ =	shalt  }
0x4a: {  	_ =	shalt  }
0x4b: {  	_ =	shalt  }
0x4c: {  	_ =	shalt  }
0x4d: {  	_ =	shalt  }
0x4e: {  	_ =	shalt  }
0x4f: {  	_ =	shalt  }
0x50: {  	_ =	shalt  }
0x51: {  	_ =	shalt  }
0x52: {  	_ =	shalt  }
0x53: {  	_ =	shalt  }
0x54: {  	_ =	shalt  }
0x55: {  	_ =	shalt  }
0x56: {  	_ =	shalt  }
0x57: {  	_ =	shalt  }
0x58: {  	_ =	shalt  }
0x59: {  	_ =	shalt  }
0x5a: {  	_ =	shalt  }
0x5b: {  	_ =	shalt  }
0x5c: {  	_ =	shalt  }
0x5d: {  	_ =	shalt  }
0x5e: {  	_ =	shalt  }
0x5f: {  	_ =	shalt  }
0x60: {  	_ =	shalt  }
0x61: {  	_ =	shalt  }
0x62: {  	_ =	shalt  }
0x63: {  	_ =	shalt  }
0x64: {  	_ =	shalt  }
0x65: {  	_ =	shalt  }
0x66: {  	_ =	shalt  }
0x67: {  	_ =	shalt  }
0x68: {  	_ =	shalt  }
0x69: {  	_ =	shalt  }
0x6a: {  	_ =	shalt  }
0x6b: {  	_ =	shalt  }
0x6c: {  	_ =	shalt  }
0x6d: {  	_ =	shalt  }
0x6e: {  	_ =	shalt  }
0x6f: {  	_ =	shalt  }
0x70: {  	_ =	shalt  }
0x71: {  	_ =	shalt  }
0x72: {  	_ =	shalt  }
0x73: {  	_ =	shalt  }
0x74: {  	_ =	shalt  }
0x75: {  	_ =	shalt  }
0x76: {  	_ =	shalt  }
0x77: {  	_ =	shalt  }
0x78: {  	_ =	shalt  }
0x79: {  	_ =	shalt  }
0x7a: {  	_ =	shalt  }
0x7b: {  	_ =	shalt  }
0x7c: {  	_ =	shalt  }
0x7d: {  	_ =	shalt  }
0x7e: {  	_ =	shalt  }
0x7f: {  	_ =	shalt  }
0x80: {  	_ =	shalt  }
0x81: {  	_ =	shalt  }
0x82: {  	_ =	shalt  }
0x83: {  	_ =	shalt  }
0x84: {  	_ =	shalt  }
0x85: {  	_ =	shalt  }
0x86: {  	_ =	shalt  }
0x87: {  	_ =	shalt  }
.Lfunc_end0:
.L_simem_size_0:
called_computation_lowered:
.L_overlay_start_0:
0x88: {  	s2 =	sld [smem:$0x3FD9]  }
0x89: {  	s3 =	sld [smem:$0x3FFE];
	_ =	sdelay $0x1  }
0x8a: {  	s1 =	srdreg.scid  }
0x8b: {  	s0 =	sand.u32 $0x1, s1  }
0x8c: {  	s17 =	sshll.u32 s0, $0xA;
	s2 =	sadd.s32 s3, s2  }
0x8d: {  	s2 =	sadd.s32 s2, s17  }
0x8e: {  	[smem:$0x3FC1] =	sst s2  }
0x8f: {  	_ = 	snop  }
0x90: {  	s2 =	sld [smem:$0x3FC7];
	(tm) =	ssettm $0x1  }
0x91: {  	s18 =	sld [smem:$0x3FFB];
	_ =	sdelay $0x3  }
0x92: {  	_ =	strace s18  }
0x93: {  	s3 =	sld [smem:$0x3FFC];
	_ =	sdelay $0x3  }
0x94: {  	_ =	strace s3  }
0x95: {  	s3 =	sld [smem:$0x3FFD];
	_ =	sdelay $0x3  }
0x96: {  	_ =	strace s3  }
0x97: {  	_ =	strace $0x8FFFFFFF  }
0x98: {  	s19 =	sld [smem:$0x3FDB];
	_ =	sdelay $0x1  }
0x99: {  	s4 =	simm.s32 $_scs_section_size  }
0x9a: {  	s5 =	simm.s32 $_size__tile_overlayer_lowered;
	s6 =	simm.s32 $_tile_overlayer_lowered  }
0x9b: {  	s22 =	simm.s32 $0x1BFF;
	s21 =	sshll.u32 s6, $0x1;
	s3 =	sadd.s32 s4, s19  }
0x9c: {  	s7 =	simm.s32 $0x0;
	s20 =	sshll.u32 s5, $0x1;
	s5 =	sadd.s32 s21, s3  }
0x9d: {  	[timem:s7], [sflag:s22] =	dma.local [hbm:s5], s20  }
0x9e: {  	_ =	swait.ge [sflag:s22], s20  }
0x9f: {  	s4 =	ssub.s32 $0x0, s20;
	[sflag:s22] =	ssyncset.done $0x0  }
0xa0: {  	[sflag:s22] =	ssyncadd.s32 s4;
	_ =	sdelay $0x1  }
0xa1: {  	s23 =	simm.s32 $0x1B8B  }
0xa2: {  	_ =	swait.ge [sflag:s23], $0x1  }
0xa3: {  	[sflag:s23] =	ssyncset.done $0x0  }
0xa4: {  	s25 =	simm.s32 $0x1B8E;
	s24 =	sld [smem:$0x3FFE];
	[sflag:s23] =	ssyncadd.s32 $0xFFFFFFFF  }
0xa5: {  	s26 =	simm.s32 $execute0_lowered;
	[smem:$0x3FD2] =	sst s25  }
0xa6: {  	s5 =	sshll.u32 s26, $0x1;
	_ =	strace $0x80000046;
	[dreg:$0x1] =	wrdreg $0xFFFFFFFF  }
0xa7: {  	s28 =	simm.s32 $_size_execute0_lowered;
	s3 =	sadd.s32 s3, s5;
	[dreg:$0x0] =	wrdreg $0x0  }
0xa8: {  	s5 =	sshll.u32 s28, $0x1;
	[dreg:$0x2] =	wrdreg s3  }
0xa9: {  	[dreg:$0x3] =	wrdreg s5  }
0xaa: {  	[dreg:$0x4] =	wrdreg $0xC0  }
0xab: {  	_ =	task [dreg:s7], $0x5FFFF  }
0xac: {  	[dreg:$0x1] =	wrdreg $0xFFFFFFFF  }
0xad: {  	[dreg:$0x0] =	wrdreg $0x60  }
0xae: {  	[dreg:$0x2] =	wrdreg s24  }
0xaf: {  	[dreg:$0x3] =	wrdreg s2  }
0xb0: {  	[dreg:$0x4] =	wrdreg $0x9  }
0xb1: {  	_ =	task.clear_ibuf [dreg:s7], $0x5FFFF;
	_ =	strace $0x90000046  }
0xb2: {  	s29 =	simm.s32 $0x9;
	_ =	strace $0x80000048  }
0xb3: {  	_ =	swait.ge [sflag:s29], $0x1  }
0xb4: {  	[sflag:s29] =	ssyncadd.s32 $0xFFFFFFFF  }
0xb5: {  	_ =	strace $0x90000048  }
0xb6: {  	_ =	sfence  }
0xb7: {  	s30 =	sld [smem:$0x0];
	_ =	sdelay $0x2  }
0xb8: {  	s31 =	sshll.u32 s1, $0xD;
	s1 =	sshrl.u32 s1, $0x2  }
0xb9: {  	s3 =	sand.u32 $0x4000, s31;
	s1 =	sadd.s32 s1, s30  }
0xba: {  	s0 =	sor.u32 s3, s0;
	s1 =	sshll.u32 s1, $0x11  }
0xbb: {  	s0 =	sor.u32 s1, s0  }
0xbc: {  	s0 =	sadd.s32 $0x8F2B, s0  }
0xbd: {  	[sflag:s0] =	ssyncadd.remote.s32 $0x1  }
0xbe: {  	_ =	sfence.sel $0xFFFF  }
0xbf: {  	[dreg:$0x0] =	wrdreg $0xFFFFFFFF;
	(pc) =	sbr.abs _section_cstart, $3  }
0xc0: {  	[dreg:$0x1] =	wrdreg $0xFFFFFFFF  }
0xc1: {  	_ =	task.clear_ibuf [dreg:s7], $0x2FFFF;
	_ =	strace $0x9FFFFFFF  }
0xc2: {  	(tm) =	ssettm $0x7FFFFFFF  }
0xc3: {  	_ =	shalt  }
tec
execute0_lowered:
.L_overlay_start_1:
0x0: {  	(tag) =	ssettag $0x1  }
0x1: {  	s0 =	srdreg.scid;
	s1 =	rddreg [dreg:$0x0]  }
0x2: {  	s2 =	rddreg [dreg:$0x1];
	s5 =	stileid.u32;
	s20 =	simm.s32 $0x3  }
0x3: {  	s21 =	simm.s32 $0x14320;
	s28 =	simm.s32 $0x5000;
	s29 =	simm.s32 $0xF000  }
0x4: {  	s30 =	simm.s32 $0x7800;
	s31 =	simm.s32 $0x11800;
	s0 =	sand.u32 $0x1, s0  }
0x5: {  	s17 =	simm.s32 $0x0;
	s4 =	sand.u32 $0x3, s5;
	s3 =	sshll.u32 s0, $0x4  }
0x6: {  	p1 =	sne.s32 s4, $0x0;
	s6 =	smul.u32 $0xA000, s4;
	s4 =	simm.s32 $0x1  }
0x7: {  	s8 =	ssub.s32 $0x2, s0;
	s5 =	sor.u32 s5, s3;
	s3 =	simm.s32 $0x0  }
0x8: {  	s22 =	sshrl.u32 s8, $0x1;
	p0 =	seq.s32 s5, $0x0;
	[smem:$0x7FF] =	sst s3  }
0x9: {  	s5 =	sshrl.u32 s5, $0x2;
	s7 =	sshrl.u32 s6, $0x3;
	p0 =	por !p1, !p0  }
0xa: {  	s8 =	ssub.s32 s8, s22;
	s22 =	simm.s32 $0x14960;
	p0 =	por !p0, !p0  }
0xb: {  	_ =	strace $0x80000047;
	s7 =	sadd.s32 s7, s1;
	s4 =	simm.s32 @!p0 $0x0  }
0xc: {  	s16 =	smax.u32 s8, $0x1;
	s7 =	sadd.s32 $0x14C00, s7;
	s9 =	ssub.s32 s5, s4  }
0xd: {  	[dreg:$0x3] =	wrdreg s7;
	p0 =	sne.s32 s0, $0x0;
	s11 =	smul.u32 $0x9C40, s9  }
0xe: {  	s0 =	simm.s32 $0x2;
	s4 =	sadd.s32 $0x1200, s1;
	s9 =	smul.u32 $0x28000, s9  }
0xf: {  	s1 =	sadd.s32 $0x19C00, s1;
	s5 =	simm.s32 $0x1;
	s10 =	sadd.s32 $0x4E200, s11  }
0x10: {  	s23 =	sshrl.u32 s11, $0x3;
	s6 =	sadd.s32 s6, s9;
	s10 =	sshrl.u32 s10, $0x3  }
0x11: {  	s12 =	sadd.s32 s4, s23;
	s7 =	sadd.s32 s2, s23;
	s24 =	sshrl.u32 s6, $0x3  }
0x12: {  	s25 =	sadd.s32 $0x2800, s6;
	s9 =	sadd.s32 $0x5000, s6;
	s6 =	sadd.s32 $0x7800, s6  }
0x13: {  	s23 =	simm.s32 $0x14FA0;
	[dreg:$0x4] =	wrdreg s12;
	s10 =	sadd.s32 s4, s10  }
0x14: {  	[dreg:$0x6] =	wrdreg s7;
	s7 =	sadd.s32 s1, s24;
	s26 =	sshrl.u32 s9, $0x3  }
.Ltmp0:
0x15: {  	s6 =	sshrl.u32 s6, $0x3;
	s24 =	simm.s32 $0xA000;
	(pc) =	sbr.rel .LBB2_1-.Ltmp0, $4  }
0x16: {  	[dreg:$0x5] =	wrdreg s10;
	s10 =	sadd.s32 $0x320, s11;
	s11 =	sadd.s32 $0x640, s11  }
0x17: {  	[dreg:$0x7] =	wrdreg s7;
	s7 =	sshrl.u32 s25, $0x3;
	s14 =	sadd.s32 s1, s26  }
0x18: {  	s15 =	sadd.s32 s1, s6;
	s25 =	simm.s32 $0x2800;
	s7 =	sadd.s32 s1, s7  }
0x19: {  	v0 =	vimm.f32 $0.0e+00;
	s26 =	simm.s32 $0xC800;
	s1 =	simm.s32 $0x4;
	[dreg:$0x8] =	wrdreg s7  }
.LBB2_14:
0x1a: {  	s6 =	rddreg [dreg:$0x7]  }
0x1b: {  	[hbm4b:s6+s3] =	stream.linear.scatter [tilespmem:s24], [sflag:$0x4], $0x2800, $0x38;
	[tilespmem:$0x152C0] =	vst v63  }
0x1c: {  	_ =	swait.ge [sflag:s1], $0x2800  }
0x1d: {  	[sflag:s1] =	ssyncset.done $0x0  }
0x1e: {  	s19 =	rddreg [dreg:$0x8];
	[sflag:s1] =	ssyncadd.s32 $0xFFFFD800  }
0x1f: {  	[hbm4b:s19+s3] =	stream.linear.scatter [tilespmem:s26], [sflag:$0x4], $0x2800, $0x38;
	[tilespmem:$0x152C0] =	vst v63  }
0x20: {  	_ =	swait.ge [sflag:s1], $0x2800  }
0x21: {  	[sflag:s1] =	ssyncset.done $0x0  }
0x22: {  	[sflag:s1] =	ssyncadd.s32 $0xFFFFD800  }
0x23: {  	[hbm4b:s14+s3] =	stream.linear.scatter [tilespmem:s29], [sflag:$0x4], $0x2800, $0x38;
	[tilespmem:$0x152C0] =	vst v63  }
0x24: {  	s17 =	sadd.s32 $0x1, s17;
	_ =	swait.ge [sflag:s1], $0x2800  }
0x25: {  	p1 =	sne.s32 s17, s16;
	[sflag:s1] =	ssyncset.done $0x0  }
.Ltmp1:
0x26: {  	[sflag:s1] =	ssyncadd.s32 $0xFFFFD800;
	(pc) =	sbr.rel @!p1 .LBB2_15-.Ltmp1, $4  }
0x27: {  	[hbm4b:s15+s3] =	stream.linear.scatter [tilespmem:s31], [sflag:$0x4], $0x2800, $0x38;
	[tilespmem:$0x152C0] =	vst v63  }
0x28: {  	_ =	swait.ge [sflag:s1], $0x2800  }
0x29: {  	[sflag:s1] =	ssyncset.done $0x0  }
0x2a: {  	[sflag:s1] =	ssyncadd.s32 $0xFFFFD800  }
.LBB2_1:
0x2b: {  	s6 =	rddreg [dreg:$0x3];
	s9 =	simm.s32 $0xA080  }
0x2c: {  	[tilespmem:s3], [sflag:$0x3] =	stream.linear.gather [hbm4b:s6+s3], $0xA000, $0x38;
	[tilespmem:$0x152C0] =	vst v63  }
0x2d: {  	[tilespmem:s9+$0xFFFFFF90] =	vst v0  }
0x2e: {  	[tilespmem:s9+$0xFFFFFF80] =	vst v0  }
0x2f: {  	[tilespmem:s9+$0xFFFFFFB0] =	vst v0  }
0x30: {  	[tilespmem:s9+$0xFFFFFFA0] =	vst v0  }
0x31: {  	[tilespmem:s9+$0xFFFFFFD0] =	vst v0  }
0x32: {  	[tilespmem:s9+$0xFFFFFFC0] =	vst v0  }
0x33: {  	[tilespmem:s9+$0xFFFFFFE0] =	vst v0  }
0x34: {  	[tilespmem:s9+$0xFFFFFFF0] =	vst v0  }
0x35: {  	[tilespmem:s9+$0x10] =	vst v0  }
0x36: {  	[tilespmem:s9+$0x0] =	vst v0  }
0x37: {  	[tilespmem:s9+$0x30] =	vst v0  }
0x38: {  	[tilespmem:s9+$0x20] =	vst v0  }
0x39: {  	[tilespmem:s9+$0x50] =	vst v0  }
0x3a: {  	[tilespmem:s9+$0x40] =	vst v0  }
0x3b: {  	[tilespmem:s9+$0x70] =	vst v0  }
0x3c: {  	s7 =	simm.s32 $0xC880;
	[tilespmem:s9+$0x60] =	vst v0  }
0x3d: {  	[tilespmem:s7+$0xFFFFFFF0] =	vst v0  }
0x3e: {  	[tilespmem:s7+$0xFFFFFFE0] =	vst v0  }
0x3f: {  	[tilespmem:s7+$0x70] =	vst v0  }
0x40: {  	[tilespmem:s7+$0x60] =	vst v0  }
0x41: {  	[tilespmem:s7+$0x50] =	vst v0  }
0x42: {  	[tilespmem:s7+$0x40] =	vst v0  }
0x43: {  	[tilespmem:s7+$0x30] =	vst v0  }
0x44: {  	[tilespmem:s7+$0x20] =	vst v0  }
0x45: {  	[tilespmem:s7+$0xFFFFFFD0] =	vst v0  }
0x46: {  	[tilespmem:s7+$0x10] =	vst v0  }
0x47: {  	[tilespmem:s7+$0xFFFFFFC0] =	vst v0  }
0x48: {  	s8 =	simm.s32 $0xF080;
	[tilespmem:s7+$0xFFFFFFB0] =	vst v0  }
0x49: {  	[tilespmem:s8+$0xFFFFFFE0] =	vst v0  }
0x4a: {  	[tilespmem:s8+$0xFFFFFFF0] =	vst v0  }
0x4b: {  	[tilespmem:s8+$0x60] =	vst v0  }
0x4c: {  	[tilespmem:s8+$0x70] =	vst v0  }
0x4d: {  	[tilespmem:s8+$0x40] =	vst v0  }
0x4e: {  	[tilespmem:s8+$0x50] =	vst v0  }
0x4f: {  	[tilespmem:s8+$0x20] =	vst v0  }
0x50: {  	s6 =	simm.s32 $0x11880;
	[tilespmem:s8+$0x30] =	vst v0  }
0x51: {  	[tilespmem:s6+$0xFFFFFFE0] =	vst v0  }
0x52: {  	[tilespmem:s6+$0xFFFFFFF0] =	vst v0  }
0x53: {  	[tilespmem:s6+$0x70] =	vst v0  }
0x54: {  	[tilespmem:s6+$0x60] =	vst v0  }
0x55: {  	[tilespmem:s6+$0x40] =	vst v0  }
0x56: {  	s18 =	simm.s32 $0x0;
	s19 =	simm.s32 $0xC980;
	[tilespmem:s6+$0x50] =	vst v0  }
0x57: {  	s12 =	simm.s32 $0xA180;
	s13 =	simm.s32 $0x11880;
	s9 =	simm.s32 $0xF080;
	[tilespmem:s6+$0x20] =	vst v0  }
.LBB2_2:
0x58: {  	s18 =	sadd.s32 $0x8, s18;
	[tilespmem:s6+$0x30] =	vst v0;
	s13 =	sadd.s32 $0x100, s13;
	s8 =	sadd.s32 $0x100, s8  }
0x59: {  	p1 =	slt.u32 s18, $0x138;
	[tilespmem:s7+$0xFFFFFF90] =	vst v0  }
0x5a: {  	[tilespmem:s9+$0xFFFFFFC0] =	vst v0  }
0x5b: {  	[tilespmem:s7+$0x0] =	vst v0  }
0x5c: {  	[tilespmem:s7+$0xFFFFFFA0] =	vst v0  }
0x5d: {  	[tilespmem:s9+$0xFFFFFFA0] =	vst v0  }
0x5e: {  	[tilespmem:s9+$0xFFFFFFB0] =	vst v0  }
0x5f: {  	[tilespmem:s7+$0xFFFFFF80] =	vst v0;
	s7 =	smov.u32 s19  }
0x60: {  	[tilespmem:s9+$0xFFFFFFD0] =	vst v0  }
0x61: {  	[tilespmem:s6+$0xFFFFFFD0] =	vst v0  }
0x62: {  	[tilespmem:s9+$0x0] =	vst v0  }
0x63: {  	[tilespmem:s9+$0xFFFFFF90] =	vst v0  }
0x64: {  	[tilespmem:s6+$0xFFFFFFC0] =	vst v0  }
0x65: {  	[tilespmem:s6+$0xFFFFFFA0] =	vst v0  }
0x66: {  	[tilespmem:s6+$0xFFFFFFB0] =	vst v0  }
0x67: {  	[tilespmem:s9+$0xFFFFFF80] =	vst v0  }
0x68: {  	[tilespmem:s9+$0x10] =	vst v0;
	s9 =	smov.u32 s8  }
0x69: {  	[tilespmem:s6+$0x0] =	vst v0  }
0x6a: {  	[tilespmem:s6+$0xFFFFFF80] =	vst v0  }
0x6b: {  	[tilespmem:s6+$0x10] =	vst v0  }
0x6c: {  	[tilespmem:s6+$0xFFFFFF90] =	vst v0;
	s6 =	smov.u32 s13  }
0x6d: {  	[tilespmem:s12+$0xFFFFFF90] =	vst v0  }
0x6e: {  	[tilespmem:s12+$0xFFFFFF80] =	vst v0  }
0x6f: {  	[tilespmem:s12+$0xFFFFFFB0] =	vst v0  }
0x70: {  	[tilespmem:s12+$0xFFFFFFA0] =	vst v0  }
0x71: {  	[tilespmem:s12+$0xFFFFFFD0] =	vst v0  }
0x72: {  	[tilespmem:s12+$0xFFFFFFC0] =	vst v0  }
0x73: {  	[tilespmem:s12+$0xFFFFFFE0] =	vst v0  }
0x74: {  	[tilespmem:s12+$0xFFFFFFF0] =	vst v0  }
0x75: {  	[tilespmem:s19+$0xFFFFFFF0] =	vst v0  }
0x76: {  	[tilespmem:s19+$0xFFFFFFE0] =	vst v0  }
0x77: {  	[tilespmem:s8+$0xFFFFFFE0] =	vst v0  }
0x78: {  	[tilespmem:s8+$0xFFFFFFF0] =	vst v0  }
0x79: {  	[tilespmem:s13+$0xFFFFFFE0] =	vst v0  }
0x7a: {  	[tilespmem:s13+$0xFFFFFFF0] =	vst v0  }
0x7b: {  	[tilespmem:s12+$0x10] =	vst v0  }
0x7c: {  	[tilespmem:s12+$0x0] =	vst v0  }
0x7d: {  	[tilespmem:s12+$0x30] =	vst v0  }
0x7e: {  	[tilespmem:s12+$0x20] =	vst v0  }
0x7f: {  	[tilespmem:s12+$0x50] =	vst v0  }
0x80: {  	[tilespmem:s12+$0x40] =	vst v0  }
0x81: {  	[tilespmem:s12+$0x70] =	vst v0  }
0x82: {  	[tilespmem:s12+$0x60] =	vst v0  }
0x83: {  	[tilespmem:s19+$0x70] =	vst v0  }
0x84: {  	[tilespmem:s19+$0x60] =	vst v0  }
0x85: {  	[tilespmem:s8+$0x60] =	vst v0  }
0x86: {  	[tilespmem:s8+$0x70] =	vst v0  }
0x87: {  	[tilespmem:s13+$0x70] =	vst v0  }
0x88: {  	[tilespmem:s13+$0x60] =	vst v0  }
0x89: {  	[tilespmem:s19+$0x50] =	vst v0  }
0x8a: {  	[tilespmem:s19+$0x40] =	vst v0  }
0x8b: {  	[tilespmem:s8+$0x40] =	vst v0  }
0x8c: {  	[tilespmem:s8+$0x50] =	vst v0  }
0x8d: {  	[tilespmem:s13+$0x40] =	vst v0  }
0x8e: {  	[tilespmem:s19+$0x30] =	vst v0  }
0x8f: {  	[tilespmem:s13+$0x50] =	vst v0  }
0x90: {  	[tilespmem:s19+$0x20] =	vst v0  }
0x91: {  	[tilespmem:s8+$0x20] =	vst v0  }
0x92: {  	[tilespmem:s8+$0x30] =	vst v0  }
.Ltmp2:
0x93: {  	[tilespmem:s13+$0x20] =	vst v0;
	(pc) =	sbr.rel @p1 .LBB2_2-.Ltmp2, $4  }
0x94: {  	[tilespmem:s19+$0xFFFFFFD0] =	vst v0  }
0x95: {  	[tilespmem:s19+$0x10] =	vst v0  }
0x96: {  	[tilespmem:s19+$0xFFFFFFC0] =	vst v0  }
0x97: {  	s12 =	sadd.s32 $0x100, s12;
	s19 =	sadd.s32 $0x100, s19;
	[tilespmem:s7+$0xFFFFFFB0] =	vst v0  }
0x98: {  	[tilespmem:s6+$0x30] =	vst v0  }
0x99: {  	[tilespmem:s7+$0xFFFFFF90] =	vst v0  }
0x9a: {  	[tilespmem:s9+$0xFFFFFFC0] =	vst v0  }
0x9b: {  	[tilespmem:s7+$0x0] =	vst v0  }
0x9c: {  	[tilespmem:s7+$0xFFFFFFA0] =	vst v0  }
0x9d: {  	[tilespmem:s7+$0xFFFFFF80] =	vst v0  }
0x9e: {  	[tilespmem:s9+$0xFFFFFFD0] =	vst v0  }
0x9f: {  	[tilespmem:s9+$0xFFFFFFA0] =	vst v0  }
0xa0: {  	[tilespmem:s9+$0xFFFFFFB0] =	vst v0  }
0xa1: {  	[tilespmem:s6+$0xFFFFFFD0] =	vst v0  }
0xa2: {  	[tilespmem:s9+$0x0] =	vst v0  }
0xa3: {  	[tilespmem:s9+$0xFFFFFF90] =	vst v0  }
0xa4: {  	[tilespmem:s6+$0xFFFFFFC0] =	vst v0  }
0xa5: {  	[tilespmem:s9+$0xFFFFFF80] =	vst v0  }
0xa6: {  	[tilespmem:s9+$0x10] =	vst v0  }
0xa7: {  	[tilespmem:s6+$0xFFFFFFA0] =	vst v0  }
0xa8: {  	[tilespmem:s6+$0xFFFFFFB0] =	vst v0  }
0xa9: {  	[tilespmem:s6+$0x0] =	vst v0  }
0xaa: {  	[tilespmem:s6+$0xFFFFFF80] =	vst v0  }
0xab: {  	[tilespmem:s6+$0x10] =	vst v0  }
0xac: {  	[tilespmem:s6+$0xFFFFFF90] =	vst v0  }
0xad: {  	s18 =	simm.s32 $0x0;
	s8 =	simm.s32 $0x14000;
	s6 =	rddreg [dreg:$0x4]  }
0xae: {  	[tilespmem:s8], [sflag:$0x1] =	stream.linear.gather [hbm4b:s6+s18], $0x320, $0x38;
	[tilespmem:$0x152C0] =	vst v63  }
0xaf: {  	s12 =	simm.s32 $0x14640;
	s9 =	rddreg [dreg:$0x5]  }
0xb0: {  	[tilespmem:s12], [sflag:$0x1] =	stream.linear.gather [hbm4b:s9+s18], $0x320, $0x38;
	[tilespmem:$0x152C0] =	vst v63  }
.Ltmp3:
0xb1: {  	s19 =	simm.s32 $0x14C80;
	s13 =	rddreg [dreg:$0x6];
	(pc) =	sbr.rel @p0 .LBB2_9-.Ltmp3, $4  }
0xb2: {  	[tilespmem:s19], [sflag:$0x1] =	stream.linear.gather [hbm4b:s13+s18], $0x320, $0x38;
	[tilespmem:$0x152C0] =	vst v63  }
0xb3: {  	_ =	swait.ge [sflag:s20], $0xA000  }
0xb4: {  	[sflag:s20] =	ssyncset.done $0x0  }
0xb5: {  	[sflag:s20] =	ssyncadd.s32 $0xFFFF6000  }
.LBB2_4:
0xb6: {  	_ =	swait.ge [sflag:s5], $0x320  }
0xb7: {  	[sflag:s5] =	ssyncset.done $0x0  }
0xb8: {  	[sflag:s5] =	ssyncadd.s32 $0xFFFFFCE0  }
0xb9: {  	_ =	swait.ge [sflag:s5], $0x320  }
0xba: {  	s19 =	smul.u32 $0x640, s18;
	[sflag:s5] =	ssyncset.done $0x0  }
0xbb: {  	[sflag:s5] =	ssyncadd.s32 $0xFFFFFCE0  }
0xbc: {  	s6 =	sadd.s32 s19, s10;
	_ =	swait.ge [sflag:s5], $0x320  }
0xbd: {  	s7 =	sshrl.u32 s6, $0x3;
	s6 =	sadd.s32 $0x4E200, s6;
	[sflag:s5] =	ssyncset.done $0x0  }
0xbe: {  	s8 =	sadd.s32 s4, s7;
	s6 =	sshrl.u32 s6, $0x3;
	[sflag:s5] =	ssyncadd.s32 $0xFFFFFCE0  }
0xbf: {  	[tilespmem:s21], [sflag:$0x2] =	stream.linear.gather [hbm4b:s8+s3], $0x320, $0x38;
	[tilespmem:$0x152C0] =	vst v63  }
0xc0: {  	s6 =	sadd.s32 s4, s6  }
0xc1: {  	[tilespmem:s22], [sflag:$0x2] =	stream.linear.gather [hbm4b:s6+s3], $0x320, $0x38;
	[tilespmem:$0x152C0] =	vst v63  }
0xc2: {  	s13 =	simm.s32 $0x14050;
	s12 =	sadd.s32 s2, s7  }
0xc3: {  	[tilespmem:s23], [sflag:$0x2] =	stream.linear.gather [hbm4b:s12+s3], $0x320, $0x38;
	[tilespmem:$0x152C0] =	vst v63  }
0xc4: {  	v1 =	vld [tilespmem:s13+$0x40]  }
0xc5: {  	v2 =	vld [tilespmem:s13+$0xFFFFFFC0]  }
0xc6: {  	v3 =	vld [tilespmem:s13+$0xFFFFFFD0]  }
0xc7: {  	v4 =	vld [tilespmem:s13+$0xFFFFFFE0]  }
0xc8: {  	v5 =	vld [tilespmem:s13+$0xFFFFFFF0]  }
0xc9: {  	v6 =	vld [tilespmem:s13+$0x0]  }
0xca: {  	s6 =	simm.s32 $0x14690;
	v7 =	vld [tilespmem:s13+$0x10]  }
0xcb: {  	s7 =	simm.s32 $0x14CD0;
	v8 =	vld [tilespmem:s6+$0x40]  }
0xcc: {  	v10 =	vld [tilespmem:s7+$0x40]  }
0xcd: {  	v11 =	vld [tilespmem:s13+$0x20]  }
0xce: {  	v12 =	vld [tilespmem:s13+$0x30]  }
0xcf: {  	v13 =	vld [tilespmem:s13+$0xFFFFFFB0]  }
0xd0: {  	v23 =	vld [tilespmem:s7+$0xFFFFFFB0]  }
0xd1: {  	v24 =	vld [tilespmem:s7+$0xFFFFFFC0]  }
0xd2: {  	v25 =	vld [tilespmem:s7+$0xFFFFFFD0]  }
0xd3: {  	v26 =	vld [tilespmem:s7+$0xFFFFFFE0]  }
0xd4: {  	v27 =	vld [tilespmem:s7+$0xFFFFFFF0]  }
0xd5: {  	v28 =	vld [tilespmem:s7+$0x0]  }
0xd6: {  	v29 =	vld [tilespmem:s7+$0x10]  }
0xd7: {  	v30 =	vld [tilespmem:s7+$0x20]  }
0xd8: {  	v31 =	vld [tilespmem:s6+$0xFFFFFFB0]  }
0xd9: {  	v32 =	vld [tilespmem:s6+$0xFFFFFFC0]  }
0xda: {  	v33 =	vld [tilespmem:s6+$0xFFFFFFD0]  }
0xdb: {  	v34 =	vld [tilespmem:s6+$0xFFFFFFE0]  }
0xdc: {  	v35 =	vld [tilespmem:s6+$0xFFFFFFF0]  }
0xdd: {  	v36 =	vld [tilespmem:s6+$0x30]  }
0xde: {  	v9 =	vld.idx.msk [tilespmem:v1+s3+$0x0], $0xffff  }
0xdf: {  	v14 =	vld.idx.msk [tilespmem:v2+s3+$0x0], $0xffff  }
0xe0: {  	v15 =	vld.idx.msk [tilespmem:v3+s3+$0x0], $0xffff  }
0xe1: {  	v16 =	vld.idx.msk [tilespmem:v4+s3+$0x0], $0xffff  }
0xe2: {  	v17 =	vld.idx.msk [tilespmem:v5+s3+$0x0], $0xffff  }
0xe3: {  	v19 =	vld.idx.msk [tilespmem:v13+s3+$0x0], $0xffff  }
0xe4: {  	v18 =	vld.idx.msk [tilespmem:v6+s3+$0x0], $0xffff  }
0xe5: {  	v20 =	vld.idx.msk [tilespmem:v7+s3+$0x0], $0xffff  }
0xe6: {  	v21 =	vld.idx.msk [tilespmem:v11+s3+$0x0], $0xffff  }
0xe7: {  	v22 =	vld.idx.msk [tilespmem:v12+s3+$0x0], $0xffff;
	v9 =	vmul.f32 v9, v10  }
0xe8: {  	v52 =	vmul.f32 v19, v23;
	v19 =	vld [tilespmem:s6+$0x20]  }
0xe9: {  	v14 =	vmul.f32 v14, v24;
	[tilespmem:v8+s24+$0x0] =	vst.idx.add.f32.msk $0xffff, v9  }
0xea: {  	v15 =	vmul.f32 v15, v25;
	[tilespmem:v31+s24+$0x0] =	vst.idx.add.f32.msk $0xffff, v52  }
0xeb: {  	v53 =	vmul.f32 v16, v26;
	[tilespmem:v32+s24+$0x0] =	vst.idx.add.f32.msk $0xffff, v14  }
0xec: {  	v54 =	vmul.f32 v17, v27;
	[tilespmem:v33+s24+$0x0] =	vst.idx.add.f32.msk $0xffff, v15  }
0xed: {  	[tilespmem:v34+s24+$0x0] =	vst.idx.add.f32.msk $0xffff, v53  }
0xee: {  	[tilespmem:v35+s24+$0x0] =	vst.idx.add.f32.msk $0xffff, v54  }
0xef: {  	v9 =	vld.idx.msk [tilespmem:v1+s25+$0x0], $0xffff  }
0xf0: {  	v59 =	vld.idx.msk [tilespmem:v13+s25+$0x0], $0xffff  }
0xf1: {  	v60 =	vld.idx.msk [tilespmem:v2+s25+$0x0], $0xffff  }
0xf2: {  	v61 =	vld.idx.msk [tilespmem:v3+s25+$0x0], $0xffff  }
0xf3: {  	v57 =	vmul.f32 v21, v30;
	v62 =	vld.idx.msk [tilespmem:v4+s25+$0x0], $0xffff  }
0xf4: {  	v63 =	vld.idx.msk [tilespmem:v5+s25+$0x0], $0xffff  }
0xf5: {  	v9 =	vmul.f32 v9, v10;
	[tilespmem:v19+s24+$0x0] =	vst.idx.add.f32.msk $0xffff, v57  }
0xf6: {  	v14 =	vmul.f32 v60, v24;
	v39 =	vld.idx.msk [tilespmem:v11+s25+$0x0], $0xffff  }
0xf7: {  	v15 =	vmul.f32 v61, v25;
	[tilespmem:v8+s26+$0x0] =	vst.idx.add.f32.msk $0xffff, v9  }
0xf8: {  	v41 =	vmul.f32 v62, v26;
	[tilespmem:v32+s26+$0x0] =	vst.idx.add.f32.msk $0xffff, v14  }
0xf9: {  	v42 =	vmul.f32 v63, v27;
	[tilespmem:v33+s26+$0x0] =	vst.idx.add.f32.msk $0xffff, v15  }
0xfa: {  	[tilespmem:v34+s26+$0x0] =	vst.idx.add.f32.msk $0xffff, v41  }
0xfb: {  	[tilespmem:v35+s26+$0x0] =	vst.idx.add.f32.msk $0xffff, v42  }
0xfc: {  	v9 =	vld.idx.msk [tilespmem:v1+s28+$0x0], $0xffff  }
0xfd: {  	v48 =	vld.idx.msk [tilespmem:v2+s28+$0x0], $0xffff  }
0xfe: {  	v49 =	vld.idx.msk [tilespmem:v3+s28+$0x0], $0xffff  }
0xff: {  	v50 =	vld.idx.msk [tilespmem:v4+s28+$0x0], $0xffff;
	v45 =	vmul.f32 v39, v30  }
0x100: {  	v51 =	vld.idx.msk [tilespmem:v5+s28+$0x0], $0xffff  }
0x101: {  	v9 =	vmul.f32 v9, v10;
	[tilespmem:v19+s26+$0x0] =	vst.idx.add.f32.msk $0xffff, v45  }
0x102: {  	v54 =	vld.idx.msk [tilespmem:v11+s28+$0x0], $0xffff  }
0x103: {  	v14 =	vmul.f32 v48, v24;
	[tilespmem:v8+s29+$0x0] =	vst.idx.add.f32.msk $0xffff, v9  }
0x104: {  	v15 =	vmul.f32 v49, v25;
	v9 =	vld [tilespmem:s7+$0x30]  }
0x105: {  	[tilespmem:v32+s29+$0x0] =	vst.idx.add.f32.msk $0xffff, v14  }
0x106: {  	v57 =	vmul.f32 v51, v27;
	[tilespmem:v33+s29+$0x0] =	vst.idx.add.f32.msk $0xffff, v15  }
0x107: {  	v1 =	vld.idx.msk [tilespmem:v1+s30+$0x0], $0xffff  }
0x108: {  	[tilespmem:v35+s29+$0x0] =	vst.idx.add.f32.msk $0xffff, v57  }
0x109: {  	v2 =	vld.idx.msk [tilespmem:v2+s30+$0x0], $0xffff  }
0x10a: {  	v3 =	vld.idx.msk [tilespmem:v3+s30+$0x0], $0xffff  }
0x10b: {  	v5 =	vld.idx.msk [tilespmem:v5+s30+$0x0], $0xffff;
	v60 =	vmul.f32 v54, v30  }
0x10c: {  	v58 =	vmul.f32 v22, v9;
	v1 =	vmul.f32 v1, v10;
	v10 =	vld [tilespmem:s6+$0x0]  }
0x10d: {  	[tilespmem:v19+s29+$0x0] =	vst.idx.add.f32.msk $0xffff, v60  }
0x10e: {  	[tilespmem:v36+s24+$0x0] =	vst.idx.add.f32.msk $0xffff, v58  }
0x10f: {  	[tilespmem:v8+s31+$0x0] =	vst.idx.add.f32.msk $0xffff, v1  }
0x110: {  	v1 =	vld [tilespmem:s6+$0x10]  }
0x111: {  	v2 =	vmul.f32 v2, v24;
	v11 =	vld.idx.msk [tilespmem:v11+s30+$0x0], $0xffff  }
0x112: {  	v8 =	vmul.f32 v59, v23;
	v40 =	vld.idx.msk [tilespmem:v12+s25+$0x0], $0xffff  }
0x113: {  	[tilespmem:v32+s31+$0x0] =	vst.idx.add.f32.msk $0xffff, v2  }
0x114: {  	v55 =	vmul.f32 v18, v28;
	[tilespmem:v31+s26+$0x0] =	vst.idx.add.f32.msk $0xffff, v8  }
0x115: {  	v47 =	vld.idx.msk [tilespmem:v13+s28+$0x0], $0xffff  }
0x116: {  	v56 =	vmul.f32 v20, v29;
	[tilespmem:v10+s24+$0x0] =	vst.idx.add.f32.msk $0xffff, v55  }
0x117: {  	v37 =	vld.idx.msk [tilespmem:v6+s25+$0x0], $0xffff  }
0x118: {  	v2 =	vmul.f32 v5, v27;
	[tilespmem:v1+s24+$0x0] =	vst.idx.add.f32.msk $0xffff, v56  }
0x119: {  	v46 =	vmul.f32 v40, v9;
	v38 =	vld.idx.msk [tilespmem:v7+s25+$0x0], $0xffff  }
0x11a: {  	[tilespmem:v35+s31+$0x0] =	vst.idx.add.f32.msk $0xffff, v2  }
0x11b: {  	[tilespmem:v36+s26+$0x0] =	vst.idx.add.f32.msk $0xffff, v46;
	v8 =	vmul.f32 v47, v23  }
0x11c: {  	v55 =	vld.idx.msk [tilespmem:v12+s28+$0x0], $0xffff;
	v43 =	vmul.f32 v37, v28  }
0x11d: {  	[tilespmem:v31+s29+$0x0] =	vst.idx.add.f32.msk $0xffff, v8  }
0x11e: {  	v44 =	vmul.f32 v38, v29;
	[tilespmem:v10+s26+$0x0] =	vst.idx.add.f32.msk $0xffff, v43  }
0x11f: {  	v52 =	vld.idx.msk [tilespmem:v6+s28+$0x0], $0xffff  }
0x120: {  	v56 =	vmul.f32 v50, v26;
	[tilespmem:v1+s26+$0x0] =	vst.idx.add.f32.msk $0xffff, v44  }
0x121: {  	v53 =	vld.idx.msk [tilespmem:v7+s28+$0x0], $0xffff  }
0x122: {  	[tilespmem:v34+s29+$0x0] =	vst.idx.add.f32.msk $0xffff, v56  }
0x123: {  	v62 =	vld.idx.msk [tilespmem:v13+s30+$0x0], $0xffff;
	v61 =	vmul.f32 v55, v9  }
0x124: {  	v4 =	vld.idx.msk [tilespmem:v4+s30+$0x0], $0xffff;
	v58 =	vmul.f32 v52, v28  }
0x125: {  	[tilespmem:v36+s29+$0x0] =	vst.idx.add.f32.msk $0xffff, v61  }
0x126: {  	v59 =	vmul.f32 v53, v29;
	[tilespmem:v10+s29+$0x0] =	vst.idx.add.f32.msk $0xffff, v58  }
0x127: {  	v6 =	vld.idx.msk [tilespmem:v6+s30+$0x0], $0xffff  }
0x128: {  	[tilespmem:v1+s29+$0x0] =	vst.idx.add.f32.msk $0xffff, v59  }
0x129: {  	v3 =	vmul.f32 v3, v25;
	v7 =	vld.idx.msk [tilespmem:v7+s30+$0x0], $0xffff  }
0x12a: {  	v2 =	vmul.f32 v11, v30;
	v12 =	vld.idx.msk [tilespmem:v12+s30+$0x0], $0xffff  }
0x12b: {  	[tilespmem:v33+s31+$0x0] =	vst.idx.add.f32.msk $0xffff, v3;
	v8 =	vmul.f32 v62, v23  }
0x12c: {  	[tilespmem:v19+s31+$0x0] =	vst.idx.add.f32.msk $0xffff, v2;
	v4 =	vmul.f32 v4, v26  }
0x12d: {  	[tilespmem:v31+s31+$0x0] =	vst.idx.add.f32.msk $0xffff, v8;
	v3 =	vmul.f32 v6, v28  }
0x12e: {  	[tilespmem:v34+s31+$0x0] =	vst.idx.add.f32.msk $0xffff, v4;
	v63 =	vmul.f32 v7, v29  }
0x12f: {  	[tilespmem:v10+s31+$0x0] =	vst.idx.add.f32.msk $0xffff, v3;
	v3 =	vmul.f32 v12, v9  }
0x130: {  	[tilespmem:v1+s31+$0x0] =	vst.idx.add.f32.msk $0xffff, v63  }
0x131: {  	s9 =	simm.s32 $0x140F0;
	s8 =	simm.s32 $0x0;
	[tilespmem:v36+s31+$0x0] =	vst.idx.add.f32.msk $0xffff, v3  }
.LBB2_5:
0x132: {  	v18 =	vld [tilespmem:s9+$0x40];
	s8 =	sadd.s32 $0xA, s8  }
0x133: {  	v1 =	vld [tilespmem:s9+$0xFFFFFFC0];
	p1 =	slt.u32 s8, $0x28  }
0x134: {  	v3 =	vld [tilespmem:s9+$0xFFFFFFD0]  }
0x135: {  	v4 =	vld [tilespmem:s9+$0xFFFFFFE0]  }
0x136: {  	v5 =	vld [tilespmem:s9+$0xFFFFFFF0]  }
0x137: {  	v6 =	vld [tilespmem:s9+$0x0]  }
0x138: {  	s6 =	sadd.s32 $0xA0, s6;
	v2 =	vld [tilespmem:s9+$0x10]  }
0x139: {  	v25 =	vld [tilespmem:s6+$0x40]  }
0x13a: {  	s7 =	sadd.s32 $0xA0, s7;
	v10 =	vld.idx.msk [tilespmem:v18+s3+$0x0], $0xffff  }
0x13b: {  	v21 =	vld [tilespmem:s7+$0x40]  }
0x13c: {  	v8 =	vld [tilespmem:s9+$0x20]  }
0x13d: {  	v7 =	vld [tilespmem:s9+$0x30]  }
0x13e: {  	v9 =	vld [tilespmem:s9+$0xFFFFFFB0]  }
0x13f: {  	v11 =	vld.idx.msk [tilespmem:v1+s3+$0x0], $0xffff  }
0x140: {  	v14 =	vld.idx.msk [tilespmem:v3+s3+$0x0], $0xffff;
	v10 =	vmul.f32 v10, v21  }
0x141: {  	v19 =	vld.idx.msk [tilespmem:v4+s3+$0x0], $0xffff  }
0x142: {  	[tilespmem:v25+s24+$0x0] =	vst.idx.add.f32.msk $0xffff, v10  }
0x143: {  	v10 =	vld.idx.msk [tilespmem:v18+s25+$0x0], $0xffff  }
0x144: {  	v20 =	vld.idx.msk [tilespmem:v5+s3+$0x0], $0xffff  }
0x145: {  	v22 =	vld.idx.msk [tilespmem:v6+s3+$0x0], $0xffff  }
0x146: {  	v13 =	vld.idx.msk [tilespmem:v9+s3+$0x0], $0xffff  }
0x147: {  	v23 =	vld.idx.msk [tilespmem:v2+s3+$0x0], $0xffff  }
0x148: {  	v24 =	vld.idx.msk [tilespmem:v8+s3+$0x0], $0xffff  }
0x149: {  	v10 =	vmul.f32 v10, v21;
	v26 =	vld.idx.msk [tilespmem:v7+s3+$0x0], $0xffff  }
0x14a: {  	v12 =	vld [tilespmem:s7+$0xFFFFFFB0]  }
0x14b: {  	[tilespmem:v25+s26+$0x0] =	vst.idx.add.f32.msk $0xffff, v10  }
0x14c: {  	v27 =	vld.idx.msk [tilespmem:v18+s28+$0x0], $0xffff  }
0x14d: {  	v17 =	vld [tilespmem:s7+$0xFFFFFFC0]  }
0x14e: {  	v16 =	vld [tilespmem:s7+$0xFFFFFFD0]  }
0x14f: {  	v28 =	vmul.f32 v13, v12;
	v15 =	vld [tilespmem:s7+$0xFFFFFFE0]  }
0x150: {  	v13 =	vld [tilespmem:s7+$0xFFFFFFF0]  }
0x151: {  	v10 =	vld [tilespmem:s7+$0x0]  }
0x152: {  	v27 =	vmul.f32 v27, v21;
	v29 =	vmul.f32 v11, v17;
	v11 =	vld [tilespmem:s7+$0x10]  }
0x153: {  	v30 =	vmul.f32 v14, v16;
	v14 =	vld [tilespmem:s7+$0x20]  }
0x154: {  	v31 =	vmul.f32 v19, v15;
	[tilespmem:v25+s29+$0x0] =	vst.idx.add.f32.msk $0xffff, v27  }
0x155: {  	v32 =	vmul.f32 v20, v13;
	v27 =	vld.idx.msk [tilespmem:v18+s30+$0x0], $0xffff  }
0x156: {  	v33 =	vmul.f32 v22, v10;
	v18 =	vld [tilespmem:s7+$0x30]  }
0x157: {  	v22 =	vld [tilespmem:s6+$0xFFFFFFB0];
	v34 =	vmul.f32 v23, v11  }
0x158: {  	v23 =	vld [tilespmem:s6+$0xFFFFFFC0];
	v35 =	vmul.f32 v24, v14  }
0x159: {  	v24 =	vld [tilespmem:s6+$0xFFFFFFD0]  }
0x15a: {  	v20 =	vld [tilespmem:s6+$0xFFFFFFE0]  }
0x15b: {  	v19 =	vld [tilespmem:s6+$0xFFFFFFF0];
	v36 =	vmul.f32 v26, v18;
	v26 =	vmul.f32 v27, v21  }
0x15c: {  	v21 =	vld [tilespmem:s6+$0x0]  }
0x15d: {  	[tilespmem:v25+s31+$0x0] =	vst.idx.add.f32.msk $0xffff, v26  }
0x15e: {  	v25 =	vld [tilespmem:s6+$0x10]  }
0x15f: {  	v26 =	vld [tilespmem:s6+$0x20]  }
0x160: {  	v27 =	vld [tilespmem:s6+$0x30]  }
0x161: {  	[tilespmem:v22+s24+$0x0] =	vst.idx.add.f32.msk $0xffff, v28  }
0x162: {  	[tilespmem:v23+s24+$0x0] =	vst.idx.add.f32.msk $0xffff, v29  }
0x163: {  	[tilespmem:v24+s24+$0x0] =	vst.idx.add.f32.msk $0xffff, v30  }
0x164: {  	[tilespmem:v20+s24+$0x0] =	vst.idx.add.f32.msk $0xffff, v31  }
0x165: {  	[tilespmem:v19+s24+$0x0] =	vst.idx.add.f32.msk $0xffff, v32  }
0x166: {  	[tilespmem:v21+s24+$0x0] =	vst.idx.add.f32.msk $0xffff, v33  }
0x167: {  	[tilespmem:v25+s24+$0x0] =	vst.idx.add.f32.msk $0xffff, v34  }
0x168: {  	[tilespmem:v26+s24+$0x0] =	vst.idx.add.f32.msk $0xffff, v35  }
0x169: {  	[tilespmem:v27+s24+$0x0] =	vst.idx.add.f32.msk $0xffff, v36  }
0x16a: {  	v28 =	vld.idx.msk [tilespmem:v9+s25+$0x0], $0xffff  }
0x16b: {  	v29 =	vld.idx.msk [tilespmem:v1+s25+$0x0], $0xffff  }
0x16c: {  	v30 =	vld.idx.msk [tilespmem:v3+s25+$0x0], $0xffff  }
0x16d: {  	v31 =	vld.idx.msk [tilespmem:v4+s25+$0x0], $0xffff  }
0x16e: {  	v32 =	vld.idx.msk [tilespmem:v5+s25+$0x0], $0xffff  }
0x16f: {  	v33 =	vld.idx.msk [tilespmem:v6+s25+$0x0], $0xffff  }
0x170: {  	v28 =	vmul.f32 v28, v12;
	v34 =	vld.idx.msk [tilespmem:v2+s25+$0x0], $0xffff  }
0x171: {  	v29 =	vmul.f32 v29, v17;
	v35 =	vld.idx.msk [tilespmem:v8+s25+$0x0], $0xffff  }
0x172: {  	v30 =	vmul.f32 v30, v16;
	v36 =	vld.idx.msk [tilespmem:v7+s25+$0x0], $0xffff  }
0x173: {  	[tilespmem:v22+s26+$0x0] =	vst.idx.add.f32.msk $0xffff, v28;
	v28 =	vmul.f32 v31, v15  }
0x174: {  	[tilespmem:v23+s26+$0x0] =	vst.idx.add.f32.msk $0xffff, v29;
	v29 =	vmul.f32 v32, v13  }
0x175: {  	[tilespmem:v24+s26+$0x0] =	vst.idx.add.f32.msk $0xffff, v30;
	v30 =	vmul.f32 v33, v10  }
0x176: {  	[tilespmem:v20+s26+$0x0] =	vst.idx.add.f32.msk $0xffff, v28;
	v28 =	vmul.f32 v34, v11  }
0x177: {  	[tilespmem:v19+s26+$0x0] =	vst.idx.add.f32.msk $0xffff, v29;
	v29 =	vmul.f32 v35, v14  }
0x178: {  	[tilespmem:v21+s26+$0x0] =	vst.idx.add.f32.msk $0xffff, v30;
	v30 =	vmul.f32 v36, v18  }
0x179: {  	[tilespmem:v25+s26+$0x0] =	vst.idx.add.f32.msk $0xffff, v28  }
0x17a: {  	[tilespmem:v26+s26+$0x0] =	vst.idx.add.f32.msk $0xffff, v29  }
0x17b: {  	[tilespmem:v27+s26+$0x0] =	vst.idx.add.f32.msk $0xffff, v30  }
0x17c: {  	v28 =	vld.idx.msk [tilespmem:v9+s28+$0x0], $0xffff  }
0x17d: {  	v29 =	vld.idx.msk [tilespmem:v1+s28+$0x0], $0xffff  }
0x17e: {  	v30 =	vld.idx.msk [tilespmem:v3+s28+$0x0], $0xffff  }
0x17f: {  	v31 =	vld.idx.msk [tilespmem:v4+s28+$0x0], $0xffff  }
0x180: {  	v32 =	vld.idx.msk [tilespmem:v5+s28+$0x0], $0xffff  }
0x181: {  	v33 =	vld.idx.msk [tilespmem:v6+s28+$0x0], $0xffff  }
0x182: {  	v28 =	vmul.f32 v28, v12;
	v34 =	vld.idx.msk [tilespmem:v2+s28+$0x0], $0xffff  }
0x183: {  	v29 =	vmul.f32 v29, v17;
	v35 =	vld.idx.msk [tilespmem:v8+s28+$0x0], $0xffff  }
0x184: {  	v30 =	vmul.f32 v30, v16;
	v36 =	vld.idx.msk [tilespmem:v7+s28+$0x0], $0xffff  }
0x185: {  	[tilespmem:v22+s29+$0x0] =	vst.idx.add.f32.msk $0xffff, v28;
	v28 =	vmul.f32 v31, v15  }
0x186: {  	[tilespmem:v23+s29+$0x0] =	vst.idx.add.f32.msk $0xffff, v29;
	v29 =	vmul.f32 v32, v13  }
0x187: {  	[tilespmem:v24+s29+$0x0] =	vst.idx.add.f32.msk $0xffff, v30;
	v30 =	vmul.f32 v33, v10  }
0x188: {  	[tilespmem:v20+s29+$0x0] =	vst.idx.add.f32.msk $0xffff, v28;
	v28 =	vmul.f32 v34, v11  }
0x189: {  	[tilespmem:v19+s29+$0x0] =	vst.idx.add.f32.msk $0xffff, v29;
	v29 =	vmul.f32 v35, v14  }
0x18a: {  	[tilespmem:v21+s29+$0x0] =	vst.idx.add.f32.msk $0xffff, v30;
	v30 =	vmul.f32 v36, v18  }
0x18b: {  	[tilespmem:v25+s29+$0x0] =	vst.idx.add.f32.msk $0xffff, v28  }
0x18c: {  	[tilespmem:v26+s29+$0x0] =	vst.idx.add.f32.msk $0xffff, v29  }
0x18d: {  	[tilespmem:v27+s29+$0x0] =	vst.idx.add.f32.msk $0xffff, v30  }
0x18e: {  	v9 =	vld.idx.msk [tilespmem:v9+s30+$0x0], $0xffff  }
0x18f: {  	v1 =	vld.idx.msk [tilespmem:v1+s30+$0x0], $0xffff  }
0x190: {  	v3 =	vld.idx.msk [tilespmem:v3+s30+$0x0], $0xffff  }
0x191: {  	v4 =	vld.idx.msk [tilespmem:v4+s30+$0x0], $0xffff  }
0x192: {  	v5 =	vld.idx.msk [tilespmem:v5+s30+$0x0], $0xffff  }
0x193: {  	v6 =	vld.idx.msk [tilespmem:v6+s30+$0x0], $0xffff  }
0x194: {  	v9 =	vmul.f32 v9, v12;
	v2 =	vld.idx.msk [tilespmem:v2+s30+$0x0], $0xffff  }
0x195: {  	v1 =	vmul.f32 v1, v17;
	v8 =	vld.idx.msk [tilespmem:v8+s30+$0x0], $0xffff  }
0x196: {  	v3 =	vmul.f32 v3, v16;
	v7 =	vld.idx.msk [tilespmem:v7+s30+$0x0], $0xffff  }
0x197: {  	v4 =	vmul.f32 v4, v15;
	[tilespmem:v22+s31+$0x0] =	vst.idx.add.f32.msk $0xffff, v9  }
0x198: {  	[tilespmem:v23+s31+$0x0] =	vst.idx.add.f32.msk $0xffff, v1;
	v1 =	vmul.f32 v5, v13  }
0x199: {  	[tilespmem:v24+s31+$0x0] =	vst.idx.add.f32.msk $0xffff, v3;
	v3 =	vmul.f32 v6, v10  }
0x19a: {  	v2 =	vmul.f32 v2, v11;
	[tilespmem:v20+s31+$0x0] =	vst.idx.add.f32.msk $0xffff, v4  }
.Ltmp4:
0x19b: {  	[tilespmem:v19+s31+$0x0] =	vst.idx.add.f32.msk $0xffff, v1;
	v1 =	vmul.f32 v8, v14;
	(pc) =	sbr.rel @p1 .LBB2_5-.Ltmp4, $4  }
0x19c: {  	[tilespmem:v21+s31+$0x0] =	vst.idx.add.f32.msk $0xffff, v3;
	v3 =	vmul.f32 v7, v18  }
0x19d: {  	[tilespmem:v25+s31+$0x0] =	vst.idx.add.f32.msk $0xffff, v2  }
0x19e: {  	[tilespmem:v26+s31+$0x0] =	vst.idx.add.f32.msk $0xffff, v1  }
0x19f: {  	s9 =	sadd.s32 $0xA0, s9;
	[tilespmem:v27+s31+$0x0] =	vst.idx.add.f32.msk $0xffff, v3  }
0x1a0: {  	_ =	swait.ge [sflag:s0], $0x320  }
0x1a1: {  	[sflag:s0] =	ssyncset.done $0x0  }
0x1a2: {  	[sflag:s0] =	ssyncadd.s32 $0xFFFFFCE0  }
0x1a3: {  	_ =	swait.ge [sflag:s0], $0x320  }
0x1a4: {  	p1 =	seq.s32 s18, $0x18;
	[sflag:s0] =	ssyncset.done $0x0  }
0x1a5: {  	s6 =	sadd.s32 @!p1 s19, s11;
	[sflag:s0] =	ssyncadd.s32 $0xFFFFFCE0  }
0x1a6: {  	s9 =	simm.s32 @!p1 $0x0;
	s12 =	simm.s32 @!p1 $0x14000;
	_ =	swait.ge [sflag:s0], $0x320  }
0x1a7: {  	s7 =	sshrl.u32 @!p1 s6, $0x3;
	s6 =	sadd.s32 @!p1 $0x4E200, s6;
	[sflag:s0] =	ssyncset.done $0x0  }
0x1a8: {  	s8 =	sadd.s32 @!p1 s4, s7;
	s6 =	sshrl.u32 @!p1 s6, $0x3;
	[sflag:s0] =	ssyncadd.s32 $0xFFFFFCE0  }
0x1a9: {  	[tilespmem:s12], [sflag:$0x1] =	stream.linear.gather @!p1 [hbm4b:s8+s9], $0x320, $0x38;
	[tilespmem:$0x152C0] =	vst v63  }
0x1aa: {  	s6 =	sadd.s32 @!p1 s4, s6;
	s8 =	simm.s32 @!p1 $0x14640  }
0x1ab: {  	[tilespmem:s8], [sflag:$0x1] =	stream.linear.gather @!p1 [hbm4b:s6+s9], $0x320, $0x38;
	[tilespmem:$0x152C0] =	vst v63  }
0x1ac: {  	s19 =	simm.s32 $0x143B0;
	s6 =	sadd.s32 @!p1 s2, s7;
	s7 =	simm.s32 @!p1 $0x14C80  }
0x1ad: {  	[tilespmem:s7], [sflag:$0x1] =	stream.linear.gather @!p1 [hbm4b:s6+s9], $0x320, $0x38;
	[tilespmem:$0x152C0] =	vst v63  }
0x1ae: {  	v1 =	vld [tilespmem:s19+$0x0]  }
0x1af: {  	v2 =	vld [tilespmem:s19+$0xFFFFFF80]  }
0x1b0: {  	v3 =	vld [tilespmem:s19+$0xFFFFFF90]  }
0x1b1: {  	v4 =	vld [tilespmem:s19+$0xFFFFFFA0]  }
0x1b2: {  	v5 =	vld [tilespmem:s19+$0xFFFFFFB0]  }
0x1b3: {  	v6 =	vld [tilespmem:s19+$0xFFFFFFC0]  }
0x1b4: {  	s6 =	simm.s32 $0x149F0;
	v7 =	vld [tilespmem:s19+$0xFFFFFFD0]  }
0x1b5: {  	s7 =	simm.s32 $0x15030;
	v8 =	vld [tilespmem:s6+$0x0]  }
0x1b6: {  	v10 =	vld [tilespmem:s7+$0x0]  }
0x1b7: {  	v11 =	vld [tilespmem:s19+$0xFFFFFFE0]  }
0x1b8: {  	v12 =	vld [tilespmem:s19+$0xFFFFFFF0]  }
0x1b9: {  	v13 =	vld [tilespmem:s19+$0xFFFFFF70]  }
0x1ba: {  	v23 =	vld [tilespmem:s7+$0xFFFFFF70]  }
0x1bb: {  	v24 =	vld [tilespmem:s7+$0xFFFFFF80]  }
0x1bc: {  	v25 =	vld [tilespmem:s7+$0xFFFFFF90]  }
0x1bd: {  	v26 =	vld [tilespmem:s7+$0xFFFFFFA0]  }
0x1be: {  	v27 =	vld [tilespmem:s7+$0xFFFFFFB0]  }
0x1bf: {  	v28 =	vld [tilespmem:s7+$0xFFFFFFC0]  }
0x1c0: {  	v29 =	vld [tilespmem:s7+$0xFFFFFFD0]  }
0x1c1: {  	v30 =	vld [tilespmem:s7+$0xFFFFFFE0]  }
0x1c2: {  	v31 =	vld [tilespmem:s6+$0xFFFFFF70]  }
0x1c3: {  	v32 =	vld [tilespmem:s6+$0xFFFFFF80]  }
0x1c4: {  	v33 =	vld [tilespmem:s6+$0xFFFFFF90]  }
0x1c5: {  	v34 =	vld [tilespmem:s6+$0xFFFFFFA0]  }
0x1c6: {  	v35 =	vld [tilespmem:s6+$0xFFFFFFB0]  }
0x1c7: {  	v36 =	vld [tilespmem:s6+$0xFFFFFFF0]  }
0x1c8: {  	v9 =	vld.idx.msk [tilespmem:v1+s3+$0x0], $0xffff  }
0x1c9: {  	v14 =	vld.idx.msk [tilespmem:v2+s3+$0x0], $0xffff  }
0x1ca: {  	v15 =	vld.idx.msk [tilespmem:v3+s3+$0x0], $0xffff  }
0x1cb: {  	v16 =	vld.idx.msk [tilespmem:v4+s3+$0x0], $0xffff  }
0x1cc: {  	v17 =	vld.idx.msk [tilespmem:v5+s3+$0x0], $0xffff  }
0x1cd: {  	v19 =	vld.idx.msk [tilespmem:v13+s3+$0x0], $0xffff  }
0x1ce: {  	v18 =	vld.idx.msk [tilespmem:v6+s3+$0x0], $0xffff  }
0x1cf: {  	v20 =	vld.idx.msk [tilespmem:v7+s3+$0x0], $0xffff  }
0x1d0: {  	v21 =	vld.idx.msk [tilespmem:v11+s3+$0x0], $0xffff  }
0x1d1: {  	v22 =	vld.idx.msk [tilespmem:v12+s3+$0x0], $0xffff;
	v9 =	vmul.f32 v9, v10  }
0x1d2: {  	v52 =	vmul.f32 v19, v23;
	v19 =	vld [tilespmem:s6+$0xFFFFFFE0]  }
0x1d3: {  	v14 =	vmul.f32 v14, v24;
	[tilespmem:v8+s24+$0x0] =	vst.idx.add.f32.msk $0xffff, v9  }
0x1d4: {  	v15 =	vmul.f32 v15, v25;
	[tilespmem:v31+s24+$0x0] =	vst.idx.add.f32.msk $0xffff, v52  }
0x1d5: {  	v53 =	vmul.f32 v16, v26;
	[tilespmem:v32+s24+$0x0] =	vst.idx.add.f32.msk $0xffff, v14  }
0x1d6: {  	v54 =	vmul.f32 v17, v27;
	[tilespmem:v33+s24+$0x0] =	vst.idx.add.f32.msk $0xffff, v15  }
0x1d7: {  	[tilespmem:v34+s24+$0x0] =	vst.idx.add.f32.msk $0xffff, v53  }
0x1d8: {  	[tilespmem:v35+s24+$0x0] =	vst.idx.add.f32.msk $0xffff, v54  }
0x1d9: {  	v9 =	vld.idx.msk [tilespmem:v1+s25+$0x0], $0xffff  }
0x1da: {  	v59 =	vld.idx.msk [tilespmem:v13+s25+$0x0], $0xffff  }
0x1db: {  	v60 =	vld.idx.msk [tilespmem:v2+s25+$0x0], $0xffff  }
0x1dc: {  	v61 =	vld.idx.msk [tilespmem:v3+s25+$0x0], $0xffff  }
0x1dd: {  	v57 =	vmul.f32 v21, v30;
	v62 =	vld.idx.msk [tilespmem:v4+s25+$0x0], $0xffff  }
0x1de: {  	v63 =	vld.idx.msk [tilespmem:v5+s25+$0x0], $0xffff  }
0x1df: {  	v9 =	vmul.f32 v9, v10;
	[tilespmem:v19+s24+$0x0] =	vst.idx.add.f32.msk $0xffff, v57  }
0x1e0: {  	v14 =	vmul.f32 v60, v24;
	v39 =	vld.idx.msk [tilespmem:v11+s25+$0x0], $0xffff  }
0x1e1: {  	v15 =	vmul.f32 v61, v25;
	[tilespmem:v8+s26+$0x0] =	vst.idx.add.f32.msk $0xffff, v9  }
0x1e2: {  	v41 =	vmul.f32 v62, v26;
	[tilespmem:v32+s26+$0x0] =	vst.idx.add.f32.msk $0xffff, v14  }
0x1e3: {  	v42 =	vmul.f32 v63, v27;
	[tilespmem:v33+s26+$0x0] =	vst.idx.add.f32.msk $0xffff, v15  }
0x1e4: {  	[tilespmem:v34+s26+$0x0] =	vst.idx.add.f32.msk $0xffff, v41  }
0x1e5: {  	[tilespmem:v35+s26+$0x0] =	vst.idx.add.f32.msk $0xffff, v42  }
0x1e6: {  	v9 =	vld.idx.msk [tilespmem:v1+s28+$0x0], $0xffff  }
0x1e7: {  	v48 =	vld.idx.msk [tilespmem:v2+s28+$0x0], $0xffff  }
0x1e8: {  	v49 =	vld.idx.msk [tilespmem:v3+s28+$0x0], $0xffff  }
0x1e9: {  	v50 =	vld.idx.msk [tilespmem:v4+s28+$0x0], $0xffff;
	v45 =	vmul.f32 v39, v30  }
0x1ea: {  	v51 =	vld.idx.msk [tilespmem:v5+s28+$0x0], $0xffff  }
0x1eb: {  	v9 =	vmul.f32 v9, v10;
	[tilespmem:v19+s26+$0x0] =	vst.idx.add.f32.msk $0xffff, v45  }
0x1ec: {  	v54 =	vld.idx.msk [tilespmem:v11+s28+$0x0], $0xffff  }
0x1ed: {  	v14 =	vmul.f32 v48, v24;
	[tilespmem:v8+s29+$0x0] =	vst.idx.add.f32.msk $0xffff, v9  }
0x1ee: {  	v15 =	vmul.f32 v49, v25;
	v9 =	vld [tilespmem:s7+$0xFFFFFFF0]  }
0x1ef: {  	[tilespmem:v32+s29+$0x0] =	vst.idx.add.f32.msk $0xffff, v14  }
0x1f0: {  	v57 =	vmul.f32 v51, v27;
	[tilespmem:v33+s29+$0x0] =	vst.idx.add.f32.msk $0xffff, v15  }
0x1f1: {  	v1 =	vld.idx.msk [tilespmem:v1+s30+$0x0], $0xffff  }
0x1f2: {  	[tilespmem:v35+s29+$0x0] =	vst.idx.add.f32.msk $0xffff, v57  }
0x1f3: {  	v2 =	vld.idx.msk [tilespmem:v2+s30+$0x0], $0xffff  }
0x1f4: {  	v3 =	vld.idx.msk [tilespmem:v3+s30+$0x0], $0xffff  }
0x1f5: {  	v5 =	vld.idx.msk [tilespmem:v5+s30+$0x0], $0xffff;
	v60 =	vmul.f32 v54, v30  }
0x1f6: {  	v58 =	vmul.f32 v22, v9;
	v1 =	vmul.f32 v1, v10;
	v10 =	vld [tilespmem:s6+$0xFFFFFFC0]  }
0x1f7: {  	[tilespmem:v19+s29+$0x0] =	vst.idx.add.f32.msk $0xffff, v60  }
0x1f8: {  	[tilespmem:v36+s24+$0x0] =	vst.idx.add.f32.msk $0xffff, v58  }
0x1f9: {  	[tilespmem:v8+s31+$0x0] =	vst.idx.add.f32.msk $0xffff, v1  }
0x1fa: {  	v1 =	vld [tilespmem:s6+$0xFFFFFFD0]  }
0x1fb: {  	v2 =	vmul.f32 v2, v24;
	v11 =	vld.idx.msk [tilespmem:v11+s30+$0x0], $0xffff  }
0x1fc: {  	v8 =	vmul.f32 v59, v23;
	v40 =	vld.idx.msk [tilespmem:v12+s25+$0x0], $0xffff  }
0x1fd: {  	[tilespmem:v32+s31+$0x0] =	vst.idx.add.f32.msk $0xffff, v2  }
0x1fe: {  	v55 =	vmul.f32 v18, v28;
	[tilespmem:v31+s26+$0x0] =	vst.idx.add.f32.msk $0xffff, v8  }
0x1ff: {  	v47 =	vld.idx.msk [tilespmem:v13+s28+$0x0], $0xffff  }
0x200: {  	v56 =	vmul.f32 v20, v29;
	[tilespmem:v10+s24+$0x0] =	vst.idx.add.f32.msk $0xffff, v55  }
0x201: {  	v37 =	vld.idx.msk [tilespmem:v6+s25+$0x0], $0xffff  }
0x202: {  	v2 =	vmul.f32 v5, v27;
	[tilespmem:v1+s24+$0x0] =	vst.idx.add.f32.msk $0xffff, v56  }
0x203: {  	v46 =	vmul.f32 v40, v9;
	v38 =	vld.idx.msk [tilespmem:v7+s25+$0x0], $0xffff  }
0x204: {  	[tilespmem:v35+s31+$0x0] =	vst.idx.add.f32.msk $0xffff, v2  }
0x205: {  	[tilespmem:v36+s26+$0x0] =	vst.idx.add.f32.msk $0xffff, v46;
	v8 =	vmul.f32 v47, v23  }
0x206: {  	v55 =	vld.idx.msk [tilespmem:v12+s28+$0x0], $0xffff;
	v43 =	vmul.f32 v37, v28  }
0x207: {  	[tilespmem:v31+s29+$0x0] =	vst.idx.add.f32.msk $0xffff, v8  }
0x208: {  	v44 =	vmul.f32 v38, v29;
	[tilespmem:v10+s26+$0x0] =	vst.idx.add.f32.msk $0xffff, v43  }
0x209: {  	v52 =	vld.idx.msk [tilespmem:v6+s28+$0x0], $0xffff  }
0x20a: {  	v56 =	vmul.f32 v50, v26;
	[tilespmem:v1+s26+$0x0] =	vst.idx.add.f32.msk $0xffff, v44  }
0x20b: {  	v53 =	vld.idx.msk [tilespmem:v7+s28+$0x0], $0xffff  }
0x20c: {  	[tilespmem:v34+s29+$0x0] =	vst.idx.add.f32.msk $0xffff, v56  }
0x20d: {  	v62 =	vld.idx.msk [tilespmem:v13+s30+$0x0], $0xffff;
	v61 =	vmul.f32 v55, v9  }
0x20e: {  	v4 =	vld.idx.msk [tilespmem:v4+s30+$0x0], $0xffff;
	v58 =	vmul.f32 v52, v28  }
0x20f: {  	[tilespmem:v36+s29+$0x0] =	vst.idx.add.f32.msk $0xffff, v61  }
0x210: {  	v59 =	vmul.f32 v53, v29;
	[tilespmem:v10+s29+$0x0] =	vst.idx.add.f32.msk $0xffff, v58  }
0x211: {  	v6 =	vld.idx.msk [tilespmem:v6+s30+$0x0], $0xffff  }
0x212: {  	[tilespmem:v1+s29+$0x0] =	vst.idx.add.f32.msk $0xffff, v59  }
0x213: {  	v3 =	vmul.f32 v3, v25;
	v7 =	vld.idx.msk [tilespmem:v7+s30+$0x0], $0xffff  }
0x214: {  	v2 =	vmul.f32 v11, v30;
	v12 =	vld.idx.msk [tilespmem:v12+s30+$0x0], $0xffff  }
0x215: {  	[tilespmem:v33+s31+$0x0] =	vst.idx.add.f32.msk $0xffff, v3;
	v8 =	vmul.f32 v62, v23  }
0x216: {  	[tilespmem:v19+s31+$0x0] =	vst.idx.add.f32.msk $0xffff, v2;
	v4 =	vmul.f32 v4, v26  }
0x217: {  	[tilespmem:v31+s31+$0x0] =	vst.idx.add.f32.msk $0xffff, v8;
	v3 =	vmul.f32 v6, v28  }
0x218: {  	[tilespmem:v34+s31+$0x0] =	vst.idx.add.f32.msk $0xffff, v4;
	v63 =	vmul.f32 v7, v29  }
0x219: {  	[tilespmem:v10+s31+$0x0] =	vst.idx.add.f32.msk $0xffff, v3;
	v3 =	vmul.f32 v12, v9  }
0x21a: {  	[tilespmem:v1+s31+$0x0] =	vst.idx.add.f32.msk $0xffff, v63  }
0x21b: {  	s8 =	simm.s32 $0x0;
	s9 =	simm.s32 $0x14450;
	[tilespmem:v36+s31+$0x0] =	vst.idx.add.f32.msk $0xffff, v3  }
.LBB2_7:
0x21c: {  	v18 =	vld [tilespmem:s9+$0x0];
	s8 =	sadd.s32 $0xA, s8  }
0x21d: {  	v1 =	vld [tilespmem:s9+$0xFFFFFF80];
	p1 =	slt.u32 s8, $0x28  }
0x21e: {  	v3 =	vld [tilespmem:s9+$0xFFFFFF90]  }
0x21f: {  	v4 =	vld [tilespmem:s9+$0xFFFFFFA0]  }
0x220: {  	v5 =	vld [tilespmem:s9+$0xFFFFFFB0]  }
0x221: {  	v6 =	vld [tilespmem:s9+$0xFFFFFFC0]  }
0x222: {  	s6 =	sadd.s32 $0xA0, s6;
	v2 =	vld [tilespmem:s9+$0xFFFFFFD0]  }
0x223: {  	v25 =	vld [tilespmem:s6+$0x0]  }
0x224: {  	s7 =	sadd.s32 $0xA0, s7;
	v10 =	vld.idx.msk [tilespmem:v18+s3+$0x0], $0xffff  }
0x225: {  	v21 =	vld [tilespmem:s7+$0x0]  }
0x226: {  	v8 =	vld [tilespmem:s9+$0xFFFFFFE0]  }
0x227: {  	v7 =	vld [tilespmem:s9+$0xFFFFFFF0]  }
0x228: {  	v9 =	vld [tilespmem:s9+$0xFFFFFF70]  }
0x229: {  	v11 =	vld.idx.msk [tilespmem:v1+s3+$0x0], $0xffff  }
0x22a: {  	v14 =	vld.idx.msk [tilespmem:v3+s3+$0x0], $0xffff;
	v10 =	vmul.f32 v10, v21  }
0x22b: {  	v19 =	vld.idx.msk [tilespmem:v4+s3+$0x0], $0xffff  }
0x22c: {  	[tilespmem:v25+s24+$0x0] =	vst.idx.add.f32.msk $0xffff, v10  }
0x22d: {  	v10 =	vld.idx.msk [tilespmem:v18+s25+$0x0], $0xffff  }
0x22e: {  	v20 =	vld.idx.msk [tilespmem:v5+s3+$0x0], $0xffff  }
0x22f: {  	v22 =	vld.idx.msk [tilespmem:v6+s3+$0x0], $0xffff  }
0x230: {  	v13 =	vld.idx.msk [tilespmem:v9+s3+$0x0], $0xffff  }
0x231: {  	v23 =	vld.idx.msk [tilespmem:v2+s3+$0x0], $0xffff  }
0x232: {  	v24 =	vld.idx.msk [tilespmem:v8+s3+$0x0], $0xffff  }
0x233: {  	v10 =	vmul.f32 v10, v21;
	v26 =	vld.idx.msk [tilespmem:v7+s3+$0x0], $0xffff  }
0x234: {  	v12 =	vld [tilespmem:s7+$0xFFFFFF70]  }
0x235: {  	[tilespmem:v25+s26+$0x0] =	vst.idx.add.f32.msk $0xffff, v10  }
0x236: {  	v27 =	vld.idx.msk [tilespmem:v18+s28+$0x0], $0xffff  }
0x237: {  	v17 =	vld [tilespmem:s7+$0xFFFFFF80]  }
0x238: {  	v16 =	vld [tilespmem:s7+$0xFFFFFF90]  }
0x239: {  	v28 =	vmul.f32 v13, v12;
	v15 =	vld [tilespmem:s7+$0xFFFFFFA0]  }
0x23a: {  	v13 =	vld [tilespmem:s7+$0xFFFFFFB0]  }
0x23b: {  	v10 =	vld [tilespmem:s7+$0xFFFFFFC0]  }
0x23c: {  	v27 =	vmul.f32 v27, v21;
	v29 =	vmul.f32 v11, v17;
	v11 =	vld [tilespmem:s7+$0xFFFFFFD0]  }
0x23d: {  	v30 =	vmul.f32 v14, v16;
	v14 =	vld [tilespmem:s7+$0xFFFFFFE0]  }
0x23e: {  	v31 =	vmul.f32 v19, v15;
	[tilespmem:v25+s29+$0x0] =	vst.idx.add.f32.msk $0xffff, v27  }
0x23f: {  	v32 =	vmul.f32 v20, v13;
	v27 =	vld.idx.msk [tilespmem:v18+s30+$0x0], $0xffff  }
0x240: {  	v33 =	vmul.f32 v22, v10;
	v18 =	vld [tilespmem:s7+$0xFFFFFFF0]  }
0x241: {  	v22 =	vld [tilespmem:s6+$0xFFFFFF70];
	v34 =	vmul.f32 v23, v11  }
0x242: {  	v23 =	vld [tilespmem:s6+$0xFFFFFF80];
	v35 =	vmul.f32 v24, v14  }
0x243: {  	v24 =	vld [tilespmem:s6+$0xFFFFFF90]  }
0x244: {  	v20 =	vld [tilespmem:s6+$0xFFFFFFA0]  }
0x245: {  	v19 =	vld [tilespmem:s6+$0xFFFFFFB0];
	v36 =	vmul.f32 v26, v18;
	v26 =	vmul.f32 v27, v21  }
0x246: {  	v21 =	vld [tilespmem:s6+$0xFFFFFFC0]  }
0x247: {  	[tilespmem:v25+s31+$0x0] =	vst.idx.add.f32.msk $0xffff, v26  }
0x248: {  	v25 =	vld [tilespmem:s6+$0xFFFFFFD0]  }
0x249: {  	v26 =	vld [tilespmem:s6+$0xFFFFFFE0]  }
0x24a: {  	v27 =	vld [tilespmem:s6+$0xFFFFFFF0]  }
0x24b: {  	[tilespmem:v22+s24+$0x0] =	vst.idx.add.f32.msk $0xffff, v28  }
0x24c: {  	[tilespmem:v23+s24+$0x0] =	vst.idx.add.f32.msk $0xffff, v29  }
0x24d: {  	[tilespmem:v24+s24+$0x0] =	vst.idx.add.f32.msk $0xffff, v30  }
0x24e: {  	[tilespmem:v20+s24+$0x0] =	vst.idx.add.f32.msk $0xffff, v31  }
0x24f: {  	[tilespmem:v19+s24+$0x0] =	vst.idx.add.f32.msk $0xffff, v32  }
0x250: {  	[tilespmem:v21+s24+$0x0] =	vst.idx.add.f32.msk $0xffff, v33  }
0x251: {  	[tilespmem:v25+s24+$0x0] =	vst.idx.add.f32.msk $0xffff, v34  }
0x252: {  	[tilespmem:v26+s24+$0x0] =	vst.idx.add.f32.msk $0xffff, v35  }
0x253: {  	[tilespmem:v27+s24+$0x0] =	vst.idx.add.f32.msk $0xffff, v36  }
0x254: {  	v28 =	vld.idx.msk [tilespmem:v9+s25+$0x0], $0xffff  }
0x255: {  	v29 =	vld.idx.msk [tilespmem:v1+s25+$0x0], $0xffff  }
0x256: {  	v30 =	vld.idx.msk [tilespmem:v3+s25+$0x0], $0xffff  }
0x257: {  	v31 =	vld.idx.msk [tilespmem:v4+s25+$0x0], $0xffff  }
0x258: {  	v32 =	vld.idx.msk [tilespmem:v5+s25+$0x0], $0xffff  }
0x259: {  	v33 =	vld.idx.msk [tilespmem:v6+s25+$0x0], $0xffff  }
0x25a: {  	v28 =	vmul.f32 v28, v12;
	v34 =	vld.idx.msk [tilespmem:v2+s25+$0x0], $0xffff  }
0x25b: {  	v29 =	vmul.f32 v29, v17;
	v35 =	vld.idx.msk [tilespmem:v8+s25+$0x0], $0xffff  }
0x25c: {  	v30 =	vmul.f32 v30, v16;
	v36 =	vld.idx.msk [tilespmem:v7+s25+$0x0], $0xffff  }
0x25d: {  	[tilespmem:v22+s26+$0x0] =	vst.idx.add.f32.msk $0xffff, v28;
	v28 =	vmul.f32 v31, v15  }
0x25e: {  	[tilespmem:v23+s26+$0x0] =	vst.idx.add.f32.msk $0xffff, v29;
	v29 =	vmul.f32 v32, v13  }
0x25f: {  	[tilespmem:v24+s26+$0x0] =	vst.idx.add.f32.msk $0xffff, v30;
	v30 =	vmul.f32 v33, v10  }
0x260: {  	[tilespmem:v20+s26+$0x0] =	vst.idx.add.f32.msk $0xffff, v28;
	v28 =	vmul.f32 v34, v11  }
0x261: {  	[tilespmem:v19+s26+$0x0] =	vst.idx.add.f32.msk $0xffff, v29;
	v29 =	vmul.f32 v35, v14  }
0x262: {  	[tilespmem:v21+s26+$0x0] =	vst.idx.add.f32.msk $0xffff, v30;
	v30 =	vmul.f32 v36, v18  }
0x263: {  	[tilespmem:v25+s26+$0x0] =	vst.idx.add.f32.msk $0xffff, v28  }
0x264: {  	[tilespmem:v26+s26+$0x0] =	vst.idx.add.f32.msk $0xffff, v29  }
0x265: {  	[tilespmem:v27+s26+$0x0] =	vst.idx.add.f32.msk $0xffff, v30  }
0x266: {  	v28 =	vld.idx.msk [tilespmem:v9+s28+$0x0], $0xffff  }
0x267: {  	v29 =	vld.idx.msk [tilespmem:v1+s28+$0x0], $0xffff  }
0x268: {  	v30 =	vld.idx.msk [tilespmem:v3+s28+$0x0], $0xffff  }
0x269: {  	v31 =	vld.idx.msk [tilespmem:v4+s28+$0x0], $0xffff  }
0x26a: {  	v32 =	vld.idx.msk [tilespmem:v5+s28+$0x0], $0xffff  }
0x26b: {  	v33 =	vld.idx.msk [tilespmem:v6+s28+$0x0], $0xffff  }
0x26c: {  	v28 =	vmul.f32 v28, v12;
	v34 =	vld.idx.msk [tilespmem:v2+s28+$0x0], $0xffff  }
0x26d: {  	v29 =	vmul.f32 v29, v17;
	v35 =	vld.idx.msk [tilespmem:v8+s28+$0x0], $0xffff  }
0x26e: {  	v30 =	vmul.f32 v30, v16;
	v36 =	vld.idx.msk [tilespmem:v7+s28+$0x0], $0xffff  }
0x26f: {  	[tilespmem:v22+s29+$0x0] =	vst.idx.add.f32.msk $0xffff, v28;
	v28 =	vmul.f32 v31, v15  }
0x270: {  	[tilespmem:v23+s29+$0x0] =	vst.idx.add.f32.msk $0xffff, v29;
	v29 =	vmul.f32 v32, v13  }
0x271: {  	[tilespmem:v24+s29+$0x0] =	vst.idx.add.f32.msk $0xffff, v30;
	v30 =	vmul.f32 v33, v10  }
0x272: {  	[tilespmem:v20+s29+$0x0] =	vst.idx.add.f32.msk $0xffff, v28;
	v28 =	vmul.f32 v34, v11  }
0x273: {  	[tilespmem:v19+s29+$0x0] =	vst.idx.add.f32.msk $0xffff, v29;
	v29 =	vmul.f32 v35, v14  }
0x274: {  	[tilespmem:v21+s29+$0x0] =	vst.idx.add.f32.msk $0xffff, v30;
	v30 =	vmul.f32 v36, v18  }
0x275: {  	[tilespmem:v25+s29+$0x0] =	vst.idx.add.f32.msk $0xffff, v28  }
0x276: {  	[tilespmem:v26+s29+$0x0] =	vst.idx.add.f32.msk $0xffff, v29  }
0x277: {  	[tilespmem:v27+s29+$0x0] =	vst.idx.add.f32.msk $0xffff, v30  }
0x278: {  	v9 =	vld.idx.msk [tilespmem:v9+s30+$0x0], $0xffff  }
0x279: {  	v1 =	vld.idx.msk [tilespmem:v1+s30+$0x0], $0xffff  }
0x27a: {  	v3 =	vld.idx.msk [tilespmem:v3+s30+$0x0], $0xffff  }
0x27b: {  	v4 =	vld.idx.msk [tilespmem:v4+s30+$0x0], $0xffff  }
0x27c: {  	v5 =	vld.idx.msk [tilespmem:v5+s30+$0x0], $0xffff  }
0x27d: {  	v6 =	vld.idx.msk [tilespmem:v6+s30+$0x0], $0xffff  }
0x27e: {  	v9 =	vmul.f32 v9, v12;
	v2 =	vld.idx.msk [tilespmem:v2+s30+$0x0], $0xffff  }
0x27f: {  	v1 =	vmul.f32 v1, v17;
	v8 =	vld.idx.msk [tilespmem:v8+s30+$0x0], $0xffff  }
0x280: {  	v3 =	vmul.f32 v3, v16;
	v7 =	vld.idx.msk [tilespmem:v7+s30+$0x0], $0xffff  }
0x281: {  	v4 =	vmul.f32 v4, v15;
	[tilespmem:v22+s31+$0x0] =	vst.idx.add.f32.msk $0xffff, v9  }
0x282: {  	[tilespmem:v23+s31+$0x0] =	vst.idx.add.f32.msk $0xffff, v1;
	v1 =	vmul.f32 v5, v13  }
0x283: {  	[tilespmem:v24+s31+$0x0] =	vst.idx.add.f32.msk $0xffff, v3;
	v3 =	vmul.f32 v6, v10  }
0x284: {  	v2 =	vmul.f32 v2, v11;
	[tilespmem:v20+s31+$0x0] =	vst.idx.add.f32.msk $0xffff, v4  }
.Ltmp5:
0x285: {  	[tilespmem:v19+s31+$0x0] =	vst.idx.add.f32.msk $0xffff, v1;
	v1 =	vmul.f32 v8, v14;
	(pc) =	sbr.rel @p1 .LBB2_7-.Ltmp5, $4  }
0x286: {  	[tilespmem:v21+s31+$0x0] =	vst.idx.add.f32.msk $0xffff, v3;
	v3 =	vmul.f32 v7, v18  }
0x287: {  	[tilespmem:v25+s31+$0x0] =	vst.idx.add.f32.msk $0xffff, v2  }
0x288: {  	[tilespmem:v26+s31+$0x0] =	vst.idx.add.f32.msk $0xffff, v1  }
0x289: {  	s9 =	sadd.s32 $0xA0, s9;
	[tilespmem:v27+s31+$0x0] =	vst.idx.add.f32.msk $0xffff, v3  }
0x28a: {  	s18 =	sadd.s32 $0x1, s18  }
0x28b: {  	p1 =	seq.s32 s18, $0x19  }
.Ltmp6:
0x28c: {  	_ = 	snop;
	(pc) =	sbr.rel @!p1 .LBB2_4-.Ltmp6, $4  }
.Ltmp7:
0x28d: {  	_ = 	snop;
	(pc) =	sbr.rel @p1 .LBB2_14-.Ltmp7, $4  }
0x28e: {  	_ = 	snop  }
0x28f: {  	_ = 	snop  }
0x290: {  	_ = 	snop  }
0x291: {  	_ = 	snop  }
.LBB2_9:
0x292: {  	_ =	swait.ge [sflag:s5], $0x320  }
0x293: {  	[sflag:s5] =	ssyncset.done $0x0  }
0x294: {  	[sflag:s5] =	ssyncadd.s32 $0xFFFFFCE0  }
0x295: {  	_ =	swait.ge [sflag:s5], $0x320  }
0x296: {  	s19 =	smul.u32 $0x640, s18;
	[sflag:s5] =	ssyncset.done $0x0  }
0x297: {  	[sflag:s5] =	ssyncadd.s32 $0xFFFFFCE0  }
0x298: {  	s6 =	sadd.s32 s19, s10;
	_ =	swait.ge [sflag:s5], $0x320  }
0x299: {  	s7 =	sshrl.u32 s6, $0x3;
	s6 =	sadd.s32 $0x4E200, s6;
	[sflag:s5] =	ssyncset.done $0x0  }
0x29a: {  	s8 =	sadd.s32 s4, s7;
	s6 =	sshrl.u32 s6, $0x3;
	[sflag:s5] =	ssyncadd.s32 $0xFFFFFCE0  }
0x29b: {  	[tilespmem:s21], [sflag:$0x2] =	stream.linear.gather [hbm4b:s8+s3], $0x320, $0x38;
	[tilespmem:$0x152C0] =	vst v63  }
0x29c: {  	s6 =	sadd.s32 s4, s6  }
0x29d: {  	[tilespmem:s22], [sflag:$0x2] =	stream.linear.gather [hbm4b:s6+s3], $0x320, $0x38;
	[tilespmem:$0x152C0] =	vst v63  }
0x29e: {  	s13 =	simm.s32 $0x14050;
	s12 =	sadd.s32 s2, s7  }
0x29f: {  	[tilespmem:s23], [sflag:$0x2] =	stream.linear.gather [hbm4b:s12+s3], $0x320, $0x38;
	[tilespmem:$0x152C0] =	vst v63  }
0x2a0: {  	v1 =	vld [tilespmem:s13+$0x40]  }
0x2a1: {  	v2 =	vld [tilespmem:s13+$0xFFFFFFC0]  }
0x2a2: {  	v3 =	vld [tilespmem:s13+$0xFFFFFFD0]  }
0x2a3: {  	v4 =	vld [tilespmem:s13+$0xFFFFFFE0]  }
0x2a4: {  	v5 =	vld [tilespmem:s13+$0xFFFFFFF0]  }
0x2a5: {  	v6 =	vld [tilespmem:s13+$0x0]  }
0x2a6: {  	s6 =	simm.s32 $0x14690;
	v7 =	vld [tilespmem:s13+$0x10]  }
0x2a7: {  	s7 =	simm.s32 $0x14CD0;
	v8 =	vld [tilespmem:s6+$0x40]  }
0x2a8: {  	v10 =	vld [tilespmem:s7+$0x40]  }
0x2a9: {  	v11 =	vld [tilespmem:s13+$0x20]  }
0x2aa: {  	v12 =	vld [tilespmem:s13+$0x30]  }
0x2ab: {  	v13 =	vld [tilespmem:s13+$0xFFFFFFB0]  }
0x2ac: {  	v23 =	vld [tilespmem:s7+$0xFFFFFFB0]  }
0x2ad: {  	v24 =	vld [tilespmem:s7+$0xFFFFFFC0]  }
0x2ae: {  	v25 =	vld [tilespmem:s7+$0xFFFFFFD0]  }
0x2af: {  	v26 =	vld [tilespmem:s7+$0xFFFFFFE0]  }
0x2b0: {  	v27 =	vld [tilespmem:s7+$0xFFFFFFF0]  }
0x2b1: {  	v28 =	vld [tilespmem:s7+$0x0]  }
0x2b2: {  	v29 =	vld [tilespmem:s7+$0x10]  }
0x2b3: {  	v30 =	vld [tilespmem:s7+$0x20]  }
0x2b4: {  	v31 =	vld [tilespmem:s6+$0xFFFFFFB0]  }
0x2b5: {  	v32 =	vld [tilespmem:s6+$0xFFFFFFC0]  }
0x2b6: {  	v33 =	vld [tilespmem:s6+$0xFFFFFFD0]  }
0x2b7: {  	v34 =	vld [tilespmem:s6+$0xFFFFFFE0]  }
0x2b8: {  	v35 =	vld [tilespmem:s6+$0xFFFFFFF0]  }
0x2b9: {  	v36 =	vld [tilespmem:s6+$0x30]  }
0x2ba: {  	v9 =	vld.idx.msk [tilespmem:v1+s3+$0x0], $0xffff  }
0x2bb: {  	v14 =	vld.idx.msk [tilespmem:v2+s3+$0x0], $0xffff  }
0x2bc: {  	v15 =	vld.idx.msk [tilespmem:v3+s3+$0x0], $0xffff  }
0x2bd: {  	v16 =	vld.idx.msk [tilespmem:v4+s3+$0x0], $0xffff  }
0x2be: {  	v17 =	vld.idx.msk [tilespmem:v5+s3+$0x0], $0xffff  }
0x2bf: {  	v19 =	vld.idx.msk [tilespmem:v13+s3+$0x0], $0xffff  }
0x2c0: {  	v18 =	vld.idx.msk [tilespmem:v6+s3+$0x0], $0xffff  }
0x2c1: {  	v20 =	vld.idx.msk [tilespmem:v7+s3+$0x0], $0xffff  }
0x2c2: {  	v21 =	vld.idx.msk [tilespmem:v11+s3+$0x0], $0xffff  }
0x2c3: {  	v22 =	vld.idx.msk [tilespmem:v12+s3+$0x0], $0xffff;
	v9 =	vmul.f32 v9, v10  }
0x2c4: {  	v52 =	vmul.f32 v19, v23;
	v19 =	vld [tilespmem:s6+$0x20]  }
0x2c5: {  	v14 =	vmul.f32 v14, v24;
	[tilespmem:v8+s24+$0x0] =	vst.idx.add.f32.msk $0xffff, v9  }
0x2c6: {  	v15 =	vmul.f32 v15, v25;
	[tilespmem:v31+s24+$0x0] =	vst.idx.add.f32.msk $0xffff, v52  }
0x2c7: {  	v53 =	vmul.f32 v16, v26;
	[tilespmem:v32+s24+$0x0] =	vst.idx.add.f32.msk $0xffff, v14  }
0x2c8: {  	v54 =	vmul.f32 v17, v27;
	[tilespmem:v33+s24+$0x0] =	vst.idx.add.f32.msk $0xffff, v15  }
0x2c9: {  	[tilespmem:v34+s24+$0x0] =	vst.idx.add.f32.msk $0xffff, v53  }
0x2ca: {  	[tilespmem:v35+s24+$0x0] =	vst.idx.add.f32.msk $0xffff, v54  }
0x2cb: {  	v9 =	vld.idx.msk [tilespmem:v1+s25+$0x0], $0xffff  }
0x2cc: {  	v59 =	vld.idx.msk [tilespmem:v13+s25+$0x0], $0xffff  }
0x2cd: {  	v60 =	vld.idx.msk [tilespmem:v2+s25+$0x0], $0xffff  }
0x2ce: {  	v61 =	vld.idx.msk [tilespmem:v3+s25+$0x0], $0xffff  }
0x2cf: {  	v57 =	vmul.f32 v21, v30;
	v62 =	vld.idx.msk [tilespmem:v4+s25+$0x0], $0xffff  }
0x2d0: {  	v63 =	vld.idx.msk [tilespmem:v5+s25+$0x0], $0xffff  }
0x2d1: {  	v9 =	vmul.f32 v9, v10;
	[tilespmem:v19+s24+$0x0] =	vst.idx.add.f32.msk $0xffff, v57  }
0x2d2: {  	v14 =	vmul.f32 v60, v24;
	v39 =	vld.idx.msk [tilespmem:v11+s25+$0x0], $0xffff  }
0x2d3: {  	v15 =	vmul.f32 v61, v25;
	[tilespmem:v8+s26+$0x0] =	vst.idx.add.f32.msk $0xffff, v9  }
0x2d4: {  	v41 =	vmul.f32 v62, v26;
	[tilespmem:v32+s26+$0x0] =	vst.idx.add.f32.msk $0xffff, v14  }
0x2d5: {  	v42 =	vmul.f32 v63, v27;
	[tilespmem:v33+s26+$0x0] =	vst.idx.add.f32.msk $0xffff, v15  }
0x2d6: {  	[tilespmem:v34+s26+$0x0] =	vst.idx.add.f32.msk $0xffff, v41  }
0x2d7: {  	[tilespmem:v35+s26+$0x0] =	vst.idx.add.f32.msk $0xffff, v42  }
0x2d8: {  	v9 =	vld.idx.msk [tilespmem:v1+s28+$0x0], $0xffff  }
0x2d9: {  	v48 =	vld.idx.msk [tilespmem:v2+s28+$0x0], $0xffff  }
0x2da: {  	v49 =	vld.idx.msk [tilespmem:v3+s28+$0x0], $0xffff  }
0x2db: {  	v50 =	vld.idx.msk [tilespmem:v4+s28+$0x0], $0xffff;
	v45 =	vmul.f32 v39, v30  }
0x2dc: {  	v51 =	vld.idx.msk [tilespmem:v5+s28+$0x0], $0xffff  }
0x2dd: {  	v9 =	vmul.f32 v9, v10;
	[tilespmem:v19+s26+$0x0] =	vst.idx.add.f32.msk $0xffff, v45  }
0x2de: {  	v54 =	vld.idx.msk [tilespmem:v11+s28+$0x0], $0xffff  }
0x2df: {  	v14 =	vmul.f32 v48, v24;
	[tilespmem:v8+s29+$0x0] =	vst.idx.add.f32.msk $0xffff, v9  }
0x2e0: {  	v15 =	vmul.f32 v49, v25;
	v9 =	vld [tilespmem:s7+$0x30]  }
0x2e1: {  	[tilespmem:v32+s29+$0x0] =	vst.idx.add.f32.msk $0xffff, v14  }
0x2e2: {  	v57 =	vmul.f32 v51, v27;
	[tilespmem:v33+s29+$0x0] =	vst.idx.add.f32.msk $0xffff, v15  }
0x2e3: {  	v1 =	vld.idx.msk [tilespmem:v1+s30+$0x0], $0xffff  }
0x2e4: {  	[tilespmem:v35+s29+$0x0] =	vst.idx.add.f32.msk $0xffff, v57  }
0x2e5: {  	v2 =	vld.idx.msk [tilespmem:v2+s30+$0x0], $0xffff  }
0x2e6: {  	v3 =	vld.idx.msk [tilespmem:v3+s30+$0x0], $0xffff  }
0x2e7: {  	v5 =	vld.idx.msk [tilespmem:v5+s30+$0x0], $0xffff;
	v60 =	vmul.f32 v54, v30  }
0x2e8: {  	v58 =	vmul.f32 v22, v9;
	v1 =	vmul.f32 v1, v10;
	v10 =	vld [tilespmem:s6+$0x0]  }
0x2e9: {  	[tilespmem:v19+s29+$0x0] =	vst.idx.add.f32.msk $0xffff, v60  }
0x2ea: {  	[tilespmem:v36+s24+$0x0] =	vst.idx.add.f32.msk $0xffff, v58  }
0x2eb: {  	[tilespmem:v8+s31+$0x0] =	vst.idx.add.f32.msk $0xffff, v1  }
0x2ec: {  	v1 =	vld [tilespmem:s6+$0x10]  }
0x2ed: {  	v2 =	vmul.f32 v2, v24;
	v11 =	vld.idx.msk [tilespmem:v11+s30+$0x0], $0xffff  }
0x2ee: {  	v8 =	vmul.f32 v59, v23;
	v40 =	vld.idx.msk [tilespmem:v12+s25+$0x0], $0xffff  }
0x2ef: {  	[tilespmem:v32+s31+$0x0] =	vst.idx.add.f32.msk $0xffff, v2  }
0x2f0: {  	v55 =	vmul.f32 v18, v28;
	[tilespmem:v31+s26+$0x0] =	vst.idx.add.f32.msk $0xffff, v8  }
0x2f1: {  	v47 =	vld.idx.msk [tilespmem:v13+s28+$0x0], $0xffff  }
0x2f2: {  	v56 =	vmul.f32 v20, v29;
	[tilespmem:v10+s24+$0x0] =	vst.idx.add.f32.msk $0xffff, v55  }
0x2f3: {  	v37 =	vld.idx.msk [tilespmem:v6+s25+$0x0], $0xffff  }
0x2f4: {  	v2 =	vmul.f32 v5, v27;
	[tilespmem:v1+s24+$0x0] =	vst.idx.add.f32.msk $0xffff, v56  }
0x2f5: {  	v46 =	vmul.f32 v40, v9;
	v38 =	vld.idx.msk [tilespmem:v7+s25+$0x0], $0xffff  }
0x2f6: {  	[tilespmem:v35+s31+$0x0] =	vst.idx.add.f32.msk $0xffff, v2  }
0x2f7: {  	[tilespmem:v36+s26+$0x0] =	vst.idx.add.f32.msk $0xffff, v46;
	v8 =	vmul.f32 v47, v23  }
0x2f8: {  	v55 =	vld.idx.msk [tilespmem:v12+s28+$0x0], $0xffff;
	v43 =	vmul.f32 v37, v28  }
0x2f9: {  	[tilespmem:v31+s29+$0x0] =	vst.idx.add.f32.msk $0xffff, v8  }
0x2fa: {  	v44 =	vmul.f32 v38, v29;
	[tilespmem:v10+s26+$0x0] =	vst.idx.add.f32.msk $0xffff, v43  }
0x2fb: {  	v52 =	vld.idx.msk [tilespmem:v6+s28+$0x0], $0xffff  }
0x2fc: {  	v56 =	vmul.f32 v50, v26;
	[tilespmem:v1+s26+$0x0] =	vst.idx.add.f32.msk $0xffff, v44  }
0x2fd: {  	v53 =	vld.idx.msk [tilespmem:v7+s28+$0x0], $0xffff  }
0x2fe: {  	[tilespmem:v34+s29+$0x0] =	vst.idx.add.f32.msk $0xffff, v56  }
0x2ff: {  	v62 =	vld.idx.msk [tilespmem:v13+s30+$0x0], $0xffff;
	v61 =	vmul.f32 v55, v9  }
0x300: {  	v4 =	vld.idx.msk [tilespmem:v4+s30+$0x0], $0xffff;
	v58 =	vmul.f32 v52, v28  }
0x301: {  	[tilespmem:v36+s29+$0x0] =	vst.idx.add.f32.msk $0xffff, v61  }
0x302: {  	v59 =	vmul.f32 v53, v29;
	[tilespmem:v10+s29+$0x0] =	vst.idx.add.f32.msk $0xffff, v58  }
0x303: {  	v6 =	vld.idx.msk [tilespmem:v6+s30+$0x0], $0xffff  }
0x304: {  	[tilespmem:v1+s29+$0x0] =	vst.idx.add.f32.msk $0xffff, v59  }
0x305: {  	v3 =	vmul.f32 v3, v25;
	v7 =	vld.idx.msk [tilespmem:v7+s30+$0x0], $0xffff  }
0x306: {  	v2 =	vmul.f32 v11, v30;
	v12 =	vld.idx.msk [tilespmem:v12+s30+$0x0], $0xffff  }
0x307: {  	[tilespmem:v33+s31+$0x0] =	vst.idx.add.f32.msk $0xffff, v3;
	v8 =	vmul.f32 v62, v23  }
0x308: {  	[tilespmem:v19+s31+$0x0] =	vst.idx.add.f32.msk $0xffff, v2;
	v4 =	vmul.f32 v4, v26  }
0x309: {  	[tilespmem:v31+s31+$0x0] =	vst.idx.add.f32.msk $0xffff, v8;
	v3 =	vmul.f32 v6, v28  }
0x30a: {  	[tilespmem:v34+s31+$0x0] =	vst.idx.add.f32.msk $0xffff, v4;
	v63 =	vmul.f32 v7, v29  }
0x30b: {  	[tilespmem:v10+s31+$0x0] =	vst.idx.add.f32.msk $0xffff, v3;
	v3 =	vmul.f32 v12, v9  }
0x30c: {  	[tilespmem:v1+s31+$0x0] =	vst.idx.add.f32.msk $0xffff, v63  }
0x30d: {  	s9 =	simm.s32 $0x140F0;
	s8 =	simm.s32 $0x0;
	[tilespmem:v36+s31+$0x0] =	vst.idx.add.f32.msk $0xffff, v3  }
.LBB2_10:
0x30e: {  	v18 =	vld [tilespmem:s9+$0x40];
	s8 =	sadd.s32 $0xA, s8  }
0x30f: {  	v1 =	vld [tilespmem:s9+$0xFFFFFFC0];
	p1 =	slt.u32 s8, $0x28  }
0x310: {  	v3 =	vld [tilespmem:s9+$0xFFFFFFD0]  }
0x311: {  	v4 =	vld [tilespmem:s9+$0xFFFFFFE0]  }
0x312: {  	v5 =	vld [tilespmem:s9+$0xFFFFFFF0]  }
0x313: {  	v6 =	vld [tilespmem:s9+$0x0]  }
0x314: {  	s6 =	sadd.s32 $0xA0, s6;
	v2 =	vld [tilespmem:s9+$0x10]  }
0x315: {  	v25 =	vld [tilespmem:s6+$0x40]  }
0x316: {  	s7 =	sadd.s32 $0xA0, s7;
	v10 =	vld.idx.msk [tilespmem:v18+s3+$0x0], $0xffff  }
0x317: {  	v21 =	vld [tilespmem:s7+$0x40]  }
0x318: {  	v8 =	vld [tilespmem:s9+$0x20]  }
0x319: {  	v7 =	vld [tilespmem:s9+$0x30]  }
0x31a: {  	v9 =	vld [tilespmem:s9+$0xFFFFFFB0]  }
0x31b: {  	v11 =	vld.idx.msk [tilespmem:v1+s3+$0x0], $0xffff  }
0x31c: {  	v14 =	vld.idx.msk [tilespmem:v3+s3+$0x0], $0xffff;
	v10 =	vmul.f32 v10, v21  }
0x31d: {  	v19 =	vld.idx.msk [tilespmem:v4+s3+$0x0], $0xffff  }
0x31e: {  	[tilespmem:v25+s24+$0x0] =	vst.idx.add.f32.msk $0xffff, v10  }
0x31f: {  	v10 =	vld.idx.msk [tilespmem:v18+s25+$0x0], $0xffff  }
0x320: {  	v20 =	vld.idx.msk [tilespmem:v5+s3+$0x0], $0xffff  }
0x321: {  	v22 =	vld.idx.msk [tilespmem:v6+s3+$0x0], $0xffff  }
0x322: {  	v13 =	vld.idx.msk [tilespmem:v9+s3+$0x0], $0xffff  }
0x323: {  	v23 =	vld.idx.msk [tilespmem:v2+s3+$0x0], $0xffff  }
0x324: {  	v24 =	vld.idx.msk [tilespmem:v8+s3+$0x0], $0xffff  }
0x325: {  	v10 =	vmul.f32 v10, v21;
	v26 =	vld.idx.msk [tilespmem:v7+s3+$0x0], $0xffff  }
0x326: {  	v12 =	vld [tilespmem:s7+$0xFFFFFFB0]  }
0x327: {  	[tilespmem:v25+s26+$0x0] =	vst.idx.add.f32.msk $0xffff, v10  }
0x328: {  	v27 =	vld.idx.msk [tilespmem:v18+s28+$0x0], $0xffff  }
0x329: {  	v17 =	vld [tilespmem:s7+$0xFFFFFFC0]  }
0x32a: {  	v16 =	vld [tilespmem:s7+$0xFFFFFFD0]  }
0x32b: {  	v28 =	vmul.f32 v13, v12;
	v15 =	vld [tilespmem:s7+$0xFFFFFFE0]  }
0x32c: {  	v13 =	vld [tilespmem:s7+$0xFFFFFFF0]  }
0x32d: {  	v10 =	vld [tilespmem:s7+$0x0]  }
0x32e: {  	v27 =	vmul.f32 v27, v21;
	v29 =	vmul.f32 v11, v17;
	v11 =	vld [tilespmem:s7+$0x10]  }
0x32f: {  	v30 =	vmul.f32 v14, v16;
	v14 =	vld [tilespmem:s7+$0x20]  }
0x330: {  	v31 =	vmul.f32 v19, v15;
	[tilespmem:v25+s29+$0x0] =	vst.idx.add.f32.msk $0xffff, v27  }
0x331: {  	v32 =	vmul.f32 v20, v13;
	v27 =	vld.idx.msk [tilespmem:v18+s30+$0x0], $0xffff  }
0x332: {  	v33 =	vmul.f32 v22, v10;
	v18 =	vld [tilespmem:s7+$0x30]  }
0x333: {  	v22 =	vld [tilespmem:s6+$0xFFFFFFB0];
	v34 =	vmul.f32 v23, v11  }
0x334: {  	v23 =	vld [tilespmem:s6+$0xFFFFFFC0];
	v35 =	vmul.f32 v24, v14  }
0x335: {  	v24 =	vld [tilespmem:s6+$0xFFFFFFD0]  }
0x336: {  	v20 =	vld [tilespmem:s6+$0xFFFFFFE0]  }
0x337: {  	v19 =	vld [tilespmem:s6+$0xFFFFFFF0];
	v36 =	vmul.f32 v26, v18;
	v26 =	vmul.f32 v27, v21  }
0x338: {  	v21 =	vld [tilespmem:s6+$0x0]  }
0x339: {  	[tilespmem:v25+s31+$0x0] =	vst.idx.add.f32.msk $0xffff, v26  }
0x33a: {  	v25 =	vld [tilespmem:s6+$0x10]  }
0x33b: {  	v26 =	vld [tilespmem:s6+$0x20]  }
0x33c: {  	v27 =	vld [tilespmem:s6+$0x30]  }
0x33d: {  	[tilespmem:v22+s24+$0x0] =	vst.idx.add.f32.msk $0xffff, v28  }
0x33e: {  	[tilespmem:v23+s24+$0x0] =	vst.idx.add.f32.msk $0xffff, v29  }
0x33f: {  	[tilespmem:v24+s24+$0x0] =	vst.idx.add.f32.msk $0xffff, v30  }
0x340: {  	[tilespmem:v20+s24+$0x0] =	vst.idx.add.f32.msk $0xffff, v31  }
0x341: {  	[tilespmem:v19+s24+$0x0] =	vst.idx.add.f32.msk $0xffff, v32  }
0x342: {  	[tilespmem:v21+s24+$0x0] =	vst.idx.add.f32.msk $0xffff, v33  }
0x343: {  	[tilespmem:v25+s24+$0x0] =	vst.idx.add.f32.msk $0xffff, v34  }
0x344: {  	[tilespmem:v26+s24+$0x0] =	vst.idx.add.f32.msk $0xffff, v35  }
0x345: {  	[tilespmem:v27+s24+$0x0] =	vst.idx.add.f32.msk $0xffff, v36  }
0x346: {  	v28 =	vld.idx.msk [tilespmem:v9+s25+$0x0], $0xffff  }
0x347: {  	v29 =	vld.idx.msk [tilespmem:v1+s25+$0x0], $0xffff  }
0x348: {  	v30 =	vld.idx.msk [tilespmem:v3+s25+$0x0], $0xffff  }
0x349: {  	v31 =	vld.idx.msk [tilespmem:v4+s25+$0x0], $0xffff  }
0x34a: {  	v32 =	vld.idx.msk [tilespmem:v5+s25+$0x0], $0xffff  }
0x34b: {  	v33 =	vld.idx.msk [tilespmem:v6+s25+$0x0], $0xffff  }
0x34c: {  	v28 =	vmul.f32 v28, v12;
	v34 =	vld.idx.msk [tilespmem:v2+s25+$0x0], $0xffff  }
0x34d: {  	v29 =	vmul.f32 v29, v17;
	v35 =	vld.idx.msk [tilespmem:v8+s25+$0x0], $0xffff  }
0x34e: {  	v30 =	vmul.f32 v30, v16;
	v36 =	vld.idx.msk [tilespmem:v7+s25+$0x0], $0xffff  }
0x34f: {  	[tilespmem:v22+s26+$0x0] =	vst.idx.add.f32.msk $0xffff, v28;
	v28 =	vmul.f32 v31, v15  }
0x350: {  	[tilespmem:v23+s26+$0x0] =	vst.idx.add.f32.msk $0xffff, v29;
	v29 =	vmul.f32 v32, v13  }
0x351: {  	[tilespmem:v24+s26+$0x0] =	vst.idx.add.f32.msk $0xffff, v30;
	v30 =	vmul.f32 v33, v10  }
0x352: {  	[tilespmem:v20+s26+$0x0] =	vst.idx.add.f32.msk $0xffff, v28;
	v28 =	vmul.f32 v34, v11  }
0x353: {  	[tilespmem:v19+s26+$0x0] =	vst.idx.add.f32.msk $0xffff, v29;
	v29 =	vmul.f32 v35, v14  }
0x354: {  	[tilespmem:v21+s26+$0x0] =	vst.idx.add.f32.msk $0xffff, v30;
	v30 =	vmul.f32 v36, v18  }
0x355: {  	[tilespmem:v25+s26+$0x0] =	vst.idx.add.f32.msk $0xffff, v28  }
0x356: {  	[tilespmem:v26+s26+$0x0] =	vst.idx.add.f32.msk $0xffff, v29  }
0x357: {  	[tilespmem:v27+s26+$0x0] =	vst.idx.add.f32.msk $0xffff, v30  }
0x358: {  	v28 =	vld.idx.msk [tilespmem:v9+s28+$0x0], $0xffff  }
0x359: {  	v29 =	vld.idx.msk [tilespmem:v1+s28+$0x0], $0xffff  }
0x35a: {  	v30 =	vld.idx.msk [tilespmem:v3+s28+$0x0], $0xffff  }
0x35b: {  	v31 =	vld.idx.msk [tilespmem:v4+s28+$0x0], $0xffff  }
0x35c: {  	v32 =	vld.idx.msk [tilespmem:v5+s28+$0x0], $0xffff  }
0x35d: {  	v33 =	vld.idx.msk [tilespmem:v6+s28+$0x0], $0xffff  }
0x35e: {  	v28 =	vmul.f32 v28, v12;
	v34 =	vld.idx.msk [tilespmem:v2+s28+$0x0], $0xffff  }
0x35f: {  	v29 =	vmul.f32 v29, v17;
	v35 =	vld.idx.msk [tilespmem:v8+s28+$0x0], $0xffff  }
0x360: {  	v30 =	vmul.f32 v30, v16;
	v36 =	vld.idx.msk [tilespmem:v7+s28+$0x0], $0xffff  }
0x361: {  	[tilespmem:v22+s29+$0x0] =	vst.idx.add.f32.msk $0xffff, v28;
	v28 =	vmul.f32 v31, v15  }
0x362: {  	[tilespmem:v23+s29+$0x0] =	vst.idx.add.f32.msk $0xffff, v29;
	v29 =	vmul.f32 v32, v13  }
0x363: {  	[tilespmem:v24+s29+$0x0] =	vst.idx.add.f32.msk $0xffff, v30;
	v30 =	vmul.f32 v33, v10  }
0x364: {  	[tilespmem:v20+s29+$0x0] =	vst.idx.add.f32.msk $0xffff, v28;
	v28 =	vmul.f32 v34, v11  }
0x365: {  	[tilespmem:v19+s29+$0x0] =	vst.idx.add.f32.msk $0xffff, v29;
	v29 =	vmul.f32 v35, v14  }
0x366: {  	[tilespmem:v21+s29+$0x0] =	vst.idx.add.f32.msk $0xffff, v30;
	v30 =	vmul.f32 v36, v18  }
0x367: {  	[tilespmem:v25+s29+$0x0] =	vst.idx.add.f32.msk $0xffff, v28  }
0x368: {  	[tilespmem:v26+s29+$0x0] =	vst.idx.add.f32.msk $0xffff, v29  }
0x369: {  	[tilespmem:v27+s29+$0x0] =	vst.idx.add.f32.msk $0xffff, v30  }
0x36a: {  	v9 =	vld.idx.msk [tilespmem:v9+s30+$0x0], $0xffff  }
0x36b: {  	v1 =	vld.idx.msk [tilespmem:v1+s30+$0x0], $0xffff  }
0x36c: {  	v3 =	vld.idx.msk [tilespmem:v3+s30+$0x0], $0xffff  }
0x36d: {  	v4 =	vld.idx.msk [tilespmem:v4+s30+$0x0], $0xffff  }
0x36e: {  	v5 =	vld.idx.msk [tilespmem:v5+s30+$0x0], $0xffff  }
0x36f: {  	v6 =	vld.idx.msk [tilespmem:v6+s30+$0x0], $0xffff  }
0x370: {  	v9 =	vmul.f32 v9, v12;
	v2 =	vld.idx.msk [tilespmem:v2+s30+$0x0], $0xffff  }
0x371: {  	v1 =	vmul.f32 v1, v17;
	v8 =	vld.idx.msk [tilespmem:v8+s30+$0x0], $0xffff  }
0x372: {  	v3 =	vmul.f32 v3, v16;
	v7 =	vld.idx.msk [tilespmem:v7+s30+$0x0], $0xffff  }
0x373: {  	v4 =	vmul.f32 v4, v15;
	[tilespmem:v22+s31+$0x0] =	vst.idx.add.f32.msk $0xffff, v9  }
0x374: {  	[tilespmem:v23+s31+$0x0] =	vst.idx.add.f32.msk $0xffff, v1;
	v1 =	vmul.f32 v5, v13  }
0x375: {  	[tilespmem:v24+s31+$0x0] =	vst.idx.add.f32.msk $0xffff, v3;
	v3 =	vmul.f32 v6, v10  }
0x376: {  	v2 =	vmul.f32 v2, v11;
	[tilespmem:v20+s31+$0x0] =	vst.idx.add.f32.msk $0xffff, v4  }
.Ltmp8:
0x377: {  	[tilespmem:v19+s31+$0x0] =	vst.idx.add.f32.msk $0xffff, v1;
	v1 =	vmul.f32 v8, v14;
	(pc) =	sbr.rel @p1 .LBB2_10-.Ltmp8, $4  }
0x378: {  	[tilespmem:v21+s31+$0x0] =	vst.idx.add.f32.msk $0xffff, v3;
	v3 =	vmul.f32 v7, v18  }
0x379: {  	[tilespmem:v25+s31+$0x0] =	vst.idx.add.f32.msk $0xffff, v2  }
0x37a: {  	[tilespmem:v26+s31+$0x0] =	vst.idx.add.f32.msk $0xffff, v1  }
0x37b: {  	s9 =	sadd.s32 $0xA0, s9;
	[tilespmem:v27+s31+$0x0] =	vst.idx.add.f32.msk $0xffff, v3  }
0x37c: {  	_ =	swait.ge [sflag:s0], $0x320  }
0x37d: {  	[sflag:s0] =	ssyncset.done $0x0  }
0x37e: {  	[sflag:s0] =	ssyncadd.s32 $0xFFFFFCE0  }
0x37f: {  	_ =	swait.ge [sflag:s0], $0x320  }
0x380: {  	p1 =	seq.s32 s18, $0x18;
	[sflag:s0] =	ssyncset.done $0x0  }
0x381: {  	s6 =	sadd.s32 @!p1 s19, s11;
	[sflag:s0] =	ssyncadd.s32 $0xFFFFFCE0  }
0x382: {  	s9 =	simm.s32 @!p1 $0x0;
	s12 =	simm.s32 @!p1 $0x14000;
	_ =	swait.ge [sflag:s0], $0x320  }
0x383: {  	s7 =	sshrl.u32 @!p1 s6, $0x3;
	s6 =	sadd.s32 @!p1 $0x4E200, s6;
	[sflag:s0] =	ssyncset.done $0x0  }
0x384: {  	s8 =	sadd.s32 @!p1 s4, s7;
	s6 =	sshrl.u32 @!p1 s6, $0x3;
	[sflag:s0] =	ssyncadd.s32 $0xFFFFFCE0  }
0x385: {  	[tilespmem:s12], [sflag:$0x1] =	stream.linear.gather @!p1 [hbm4b:s8+s9], $0x320, $0x38;
	[tilespmem:$0x152C0] =	vst v63  }
0x386: {  	s6 =	sadd.s32 @!p1 s4, s6;
	s8 =	simm.s32 @!p1 $0x14640  }
0x387: {  	[tilespmem:s8], [sflag:$0x1] =	stream.linear.gather @!p1 [hbm4b:s6+s9], $0x320, $0x38;
	[tilespmem:$0x152C0] =	vst v63  }
0x388: {  	s19 =	simm.s32 $0x143B0;
	s6 =	sadd.s32 @!p1 s2, s7;
	s7 =	simm.s32 @!p1 $0x14C80  }
0x389: {  	[tilespmem:s7], [sflag:$0x1] =	stream.linear.gather @!p1 [hbm4b:s6+s9], $0x320, $0x38;
	[tilespmem:$0x152C0] =	vst v63  }
0x38a: {  	v1 =	vld [tilespmem:s19+$0x0]  }
0x38b: {  	v2 =	vld [tilespmem:s19+$0xFFFFFF80]  }
0x38c: {  	v3 =	vld [tilespmem:s19+$0xFFFFFF90]  }
0x38d: {  	v4 =	vld [tilespmem:s19+$0xFFFFFFA0]  }
0x38e: {  	v5 =	vld [tilespmem:s19+$0xFFFFFFB0]  }
0x38f: {  	v6 =	vld [tilespmem:s19+$0xFFFFFFC0]  }
0x390: {  	s6 =	simm.s32 $0x149F0;
	v7 =	vld [tilespmem:s19+$0xFFFFFFD0]  }
0x391: {  	s7 =	simm.s32 $0x15030;
	v8 =	vld [tilespmem:s6+$0x0]  }
0x392: {  	v10 =	vld [tilespmem:s7+$0x0]  }
0x393: {  	v11 =	vld [tilespmem:s19+$0xFFFFFFE0]  }
0x394: {  	v12 =	vld [tilespmem:s19+$0xFFFFFFF0]  }
0x395: {  	v13 =	vld [tilespmem:s19+$0xFFFFFF70]  }
0x396: {  	v23 =	vld [tilespmem:s7+$0xFFFFFF70]  }
0x397: {  	v24 =	vld [tilespmem:s7+$0xFFFFFF80]  }
0x398: {  	v25 =	vld [tilespmem:s7+$0xFFFFFF90]  }
0x399: {  	v26 =	vld [tilespmem:s7+$0xFFFFFFA0]  }
0x39a: {  	v27 =	vld [tilespmem:s7+$0xFFFFFFB0]  }
0x39b: {  	v28 =	vld [tilespmem:s7+$0xFFFFFFC0]  }
0x39c: {  	v29 =	vld [tilespmem:s7+$0xFFFFFFD0]  }
0x39d: {  	v30 =	vld [tilespmem:s7+$0xFFFFFFE0]  }
0x39e: {  	v31 =	vld [tilespmem:s6+$0xFFFFFF70]  }
0x39f: {  	v32 =	vld [tilespmem:s6+$0xFFFFFF80]  }
0x3a0: {  	v33 =	vld [tilespmem:s6+$0xFFFFFF90]  }
0x3a1: {  	v34 =	vld [tilespmem:s6+$0xFFFFFFA0]  }
0x3a2: {  	v35 =	vld [tilespmem:s6+$0xFFFFFFB0]  }
0x3a3: {  	v36 =	vld [tilespmem:s6+$0xFFFFFFF0]  }
0x3a4: {  	v9 =	vld.idx.msk [tilespmem:v1+s3+$0x0], $0xffff  }
0x3a5: {  	v14 =	vld.idx.msk [tilespmem:v2+s3+$0x0], $0xffff  }
0x3a6: {  	v15 =	vld.idx.msk [tilespmem:v3+s3+$0x0], $0xffff  }
0x3a7: {  	v16 =	vld.idx.msk [tilespmem:v4+s3+$0x0], $0xffff  }
0x3a8: {  	v17 =	vld.idx.msk [tilespmem:v5+s3+$0x0], $0xffff  }
0x3a9: {  	v19 =	vld.idx.msk [tilespmem:v13+s3+$0x0], $0xffff  }
0x3aa: {  	v18 =	vld.idx.msk [tilespmem:v6+s3+$0x0], $0xffff  }
0x3ab: {  	v20 =	vld.idx.msk [tilespmem:v7+s3+$0x0], $0xffff  }
0x3ac: {  	v21 =	vld.idx.msk [tilespmem:v11+s3+$0x0], $0xffff  }
0x3ad: {  	v22 =	vld.idx.msk [tilespmem:v12+s3+$0x0], $0xffff;
	v9 =	vmul.f32 v9, v10  }
0x3ae: {  	v52 =	vmul.f32 v19, v23;
	v19 =	vld [tilespmem:s6+$0xFFFFFFE0]  }
0x3af: {  	v14 =	vmul.f32 v14, v24;
	[tilespmem:v8+s24+$0x0] =	vst.idx.add.f32.msk $0xffff, v9  }
0x3b0: {  	v15 =	vmul.f32 v15, v25;
	[tilespmem:v31+s24+$0x0] =	vst.idx.add.f32.msk $0xffff, v52  }
0x3b1: {  	v53 =	vmul.f32 v16, v26;
	[tilespmem:v32+s24+$0x0] =	vst.idx.add.f32.msk $0xffff, v14  }
0x3b2: {  	v54 =	vmul.f32 v17, v27;
	[tilespmem:v33+s24+$0x0] =	vst.idx.add.f32.msk $0xffff, v15  }
0x3b3: {  	[tilespmem:v34+s24+$0x0] =	vst.idx.add.f32.msk $0xffff, v53  }
0x3b4: {  	[tilespmem:v35+s24+$0x0] =	vst.idx.add.f32.msk $0xffff, v54  }
0x3b5: {  	v9 =	vld.idx.msk [tilespmem:v1+s25+$0x0], $0xffff  }
0x3b6: {  	v59 =	vld.idx.msk [tilespmem:v13+s25+$0x0], $0xffff  }
0x3b7: {  	v60 =	vld.idx.msk [tilespmem:v2+s25+$0x0], $0xffff  }
0x3b8: {  	v61 =	vld.idx.msk [tilespmem:v3+s25+$0x0], $0xffff  }
0x3b9: {  	v57 =	vmul.f32 v21, v30;
	v62 =	vld.idx.msk [tilespmem:v4+s25+$0x0], $0xffff  }
0x3ba: {  	v63 =	vld.idx.msk [tilespmem:v5+s25+$0x0], $0xffff  }
0x3bb: {  	v9 =	vmul.f32 v9, v10;
	[tilespmem:v19+s24+$0x0] =	vst.idx.add.f32.msk $0xffff, v57  }
0x3bc: {  	v14 =	vmul.f32 v60, v24;
	v39 =	vld.idx.msk [tilespmem:v11+s25+$0x0], $0xffff  }
0x3bd: {  	v15 =	vmul.f32 v61, v25;
	[tilespmem:v8+s26+$0x0] =	vst.idx.add.f32.msk $0xffff, v9  }
0x3be: {  	v41 =	vmul.f32 v62, v26;
	[tilespmem:v32+s26+$0x0] =	vst.idx.add.f32.msk $0xffff, v14  }
0x3bf: {  	v42 =	vmul.f32 v63, v27;
	[tilespmem:v33+s26+$0x0] =	vst.idx.add.f32.msk $0xffff, v15  }
0x3c0: {  	[tilespmem:v34+s26+$0x0] =	vst.idx.add.f32.msk $0xffff, v41  }
0x3c1: {  	[tilespmem:v35+s26+$0x0] =	vst.idx.add.f32.msk $0xffff, v42  }
0x3c2: {  	v9 =	vld.idx.msk [tilespmem:v1+s28+$0x0], $0xffff  }
0x3c3: {  	v48 =	vld.idx.msk [tilespmem:v2+s28+$0x0], $0xffff  }
0x3c4: {  	v49 =	vld.idx.msk [tilespmem:v3+s28+$0x0], $0xffff  }
0x3c5: {  	v50 =	vld.idx.msk [tilespmem:v4+s28+$0x0], $0xffff;
	v45 =	vmul.f32 v39, v30  }
0x3c6: {  	v51 =	vld.idx.msk [tilespmem:v5+s28+$0x0], $0xffff  }
0x3c7: {  	v9 =	vmul.f32 v9, v10;
	[tilespmem:v19+s26+$0x0] =	vst.idx.add.f32.msk $0xffff, v45  }
0x3c8: {  	v54 =	vld.idx.msk [tilespmem:v11+s28+$0x0], $0xffff  }
0x3c9: {  	v14 =	vmul.f32 v48, v24;
	[tilespmem:v8+s29+$0x0] =	vst.idx.add.f32.msk $0xffff, v9  }
0x3ca: {  	v15 =	vmul.f32 v49, v25;
	v9 =	vld [tilespmem:s7+$0xFFFFFFF0]  }
0x3cb: {  	[tilespmem:v32+s29+$0x0] =	vst.idx.add.f32.msk $0xffff, v14  }
0x3cc: {  	v57 =	vmul.f32 v51, v27;
	[tilespmem:v33+s29+$0x0] =	vst.idx.add.f32.msk $0xffff, v15  }
0x3cd: {  	v1 =	vld.idx.msk [tilespmem:v1+s30+$0x0], $0xffff  }
0x3ce: {  	[tilespmem:v35+s29+$0x0] =	vst.idx.add.f32.msk $0xffff, v57  }
0x3cf: {  	v2 =	vld.idx.msk [tilespmem:v2+s30+$0x0], $0xffff  }
0x3d0: {  	v3 =	vld.idx.msk [tilespmem:v3+s30+$0x0], $0xffff  }
0x3d1: {  	v5 =	vld.idx.msk [tilespmem:v5+s30+$0x0], $0xffff;
	v60 =	vmul.f32 v54, v30  }
0x3d2: {  	v58 =	vmul.f32 v22, v9;
	v1 =	vmul.f32 v1, v10;
	v10 =	vld [tilespmem:s6+$0xFFFFFFC0]  }
0x3d3: {  	[tilespmem:v19+s29+$0x0] =	vst.idx.add.f32.msk $0xffff, v60  }
0x3d4: {  	[tilespmem:v36+s24+$0x0] =	vst.idx.add.f32.msk $0xffff, v58  }
0x3d5: {  	[tilespmem:v8+s31+$0x0] =	vst.idx.add.f32.msk $0xffff, v1  }
0x3d6: {  	v1 =	vld [tilespmem:s6+$0xFFFFFFD0]  }
0x3d7: {  	v2 =	vmul.f32 v2, v24;
	v11 =	vld.idx.msk [tilespmem:v11+s30+$0x0], $0xffff  }
0x3d8: {  	v8 =	vmul.f32 v59, v23;
	v40 =	vld.idx.msk [tilespmem:v12+s25+$0x0], $0xffff  }
0x3d9: {  	[tilespmem:v32+s31+$0x0] =	vst.idx.add.f32.msk $0xffff, v2  }
0x3da: {  	v55 =	vmul.f32 v18, v28;
	[tilespmem:v31+s26+$0x0] =	vst.idx.add.f32.msk $0xffff, v8  }
0x3db: {  	v47 =	vld.idx.msk [tilespmem:v13+s28+$0x0], $0xffff  }
0x3dc: {  	v56 =	vmul.f32 v20, v29;
	[tilespmem:v10+s24+$0x0] =	vst.idx.add.f32.msk $0xffff, v55  }
0x3dd: {  	v37 =	vld.idx.msk [tilespmem:v6+s25+$0x0], $0xffff  }
0x3de: {  	v2 =	vmul.f32 v5, v27;
	[tilespmem:v1+s24+$0x0] =	vst.idx.add.f32.msk $0xffff, v56  }
0x3df: {  	v46 =	vmul.f32 v40, v9;
	v38 =	vld.idx.msk [tilespmem:v7+s25+$0x0], $0xffff  }
0x3e0: {  	[tilespmem:v35+s31+$0x0] =	vst.idx.add.f32.msk $0xffff, v2  }
0x3e1: {  	[tilespmem:v36+s26+$0x0] =	vst.idx.add.f32.msk $0xffff, v46;
	v8 =	vmul.f32 v47, v23  }
0x3e2: {  	v55 =	vld.idx.msk [tilespmem:v12+s28+$0x0], $0xffff;
	v43 =	vmul.f32 v37, v28  }
0x3e3: {  	[tilespmem:v31+s29+$0x0] =	vst.idx.add.f32.msk $0xffff, v8  }
0x3e4: {  	v44 =	vmul.f32 v38, v29;
	[tilespmem:v10+s26+$0x0] =	vst.idx.add.f32.msk $0xffff, v43  }
0x3e5: {  	v52 =	vld.idx.msk [tilespmem:v6+s28+$0x0], $0xffff  }
0x3e6: {  	v56 =	vmul.f32 v50, v26;
	[tilespmem:v1+s26+$0x0] =	vst.idx.add.f32.msk $0xffff, v44  }
0x3e7: {  	v53 =	vld.idx.msk [tilespmem:v7+s28+$0x0], $0xffff  }
0x3e8: {  	[tilespmem:v34+s29+$0x0] =	vst.idx.add.f32.msk $0xffff, v56  }
0x3e9: {  	v62 =	vld.idx.msk [tilespmem:v13+s30+$0x0], $0xffff;
	v61 =	vmul.f32 v55, v9  }
0x3ea: {  	v4 =	vld.idx.msk [tilespmem:v4+s30+$0x0], $0xffff;
	v58 =	vmul.f32 v52, v28  }
0x3eb: {  	[tilespmem:v36+s29+$0x0] =	vst.idx.add.f32.msk $0xffff, v61  }
0x3ec: {  	v59 =	vmul.f32 v53, v29;
	[tilespmem:v10+s29+$0x0] =	vst.idx.add.f32.msk $0xffff, v58  }
0x3ed: {  	v6 =	vld.idx.msk [tilespmem:v6+s30+$0x0], $0xffff  }
0x3ee: {  	[tilespmem:v1+s29+$0x0] =	vst.idx.add.f32.msk $0xffff, v59  }
0x3ef: {  	v3 =	vmul.f32 v3, v25;
	v7 =	vld.idx.msk [tilespmem:v7+s30+$0x0], $0xffff  }
0x3f0: {  	v2 =	vmul.f32 v11, v30;
	v12 =	vld.idx.msk [tilespmem:v12+s30+$0x0], $0xffff  }
0x3f1: {  	[tilespmem:v33+s31+$0x0] =	vst.idx.add.f32.msk $0xffff, v3;
	v8 =	vmul.f32 v62, v23  }
0x3f2: {  	[tilespmem:v19+s31+$0x0] =	vst.idx.add.f32.msk $0xffff, v2;
	v4 =	vmul.f32 v4, v26  }
0x3f3: {  	[tilespmem:v31+s31+$0x0] =	vst.idx.add.f32.msk $0xffff, v8;
	v3 =	vmul.f32 v6, v28  }
0x3f4: {  	[tilespmem:v34+s31+$0x0] =	vst.idx.add.f32.msk $0xffff, v4;
	v63 =	vmul.f32 v7, v29  }
0x3f5: {  	[tilespmem:v10+s31+$0x0] =	vst.idx.add.f32.msk $0xffff, v3;
	v3 =	vmul.f32 v12, v9  }
0x3f6: {  	[tilespmem:v1+s31+$0x0] =	vst.idx.add.f32.msk $0xffff, v63  }
0x3f7: {  	s8 =	simm.s32 $0x0;
	s9 =	simm.s32 $0x14450;
	[tilespmem:v36+s31+$0x0] =	vst.idx.add.f32.msk $0xffff, v3  }
.LBB2_12:
0x3f8: {  	v18 =	vld [tilespmem:s9+$0x0];
	s8 =	sadd.s32 $0xA, s8  }
0x3f9: {  	v1 =	vld [tilespmem:s9+$0xFFFFFF80];
	p1 =	slt.u32 s8, $0x28  }
0x3fa: {  	v3 =	vld [tilespmem:s9+$0xFFFFFF90]  }
0x3fb: {  	v4 =	vld [tilespmem:s9+$0xFFFFFFA0]  }
0x3fc: {  	v5 =	vld [tilespmem:s9+$0xFFFFFFB0]  }
0x3fd: {  	v6 =	vld [tilespmem:s9+$0xFFFFFFC0]  }
0x3fe: {  	s6 =	sadd.s32 $0xA0, s6;
	v2 =	vld [tilespmem:s9+$0xFFFFFFD0]  }
0x3ff: {  	v25 =	vld [tilespmem:s6+$0x0]  }
0x400: {  	s7 =	sadd.s32 $0xA0, s7;
	v10 =	vld.idx.msk [tilespmem:v18+s3+$0x0], $0xffff  }
0x401: {  	v21 =	vld [tilespmem:s7+$0x0]  }
0x402: {  	v8 =	vld [tilespmem:s9+$0xFFFFFFE0]  }
0x403: {  	v7 =	vld [tilespmem:s9+$0xFFFFFFF0]  }
0x404: {  	v9 =	vld [tilespmem:s9+$0xFFFFFF70]  }
0x405: {  	v11 =	vld.idx.msk [tilespmem:v1+s3+$0x0], $0xffff  }
0x406: {  	v14 =	vld.idx.msk [tilespmem:v3+s3+$0x0], $0xffff;
	v10 =	vmul.f32 v10, v21  }
0x407: {  	v19 =	vld.idx.msk [tilespmem:v4+s3+$0x0], $0xffff  }
0x408: {  	[tilespmem:v25+s24+$0x0] =	vst.idx.add.f32.msk $0xffff, v10  }
0x409: {  	v10 =	vld.idx.msk [tilespmem:v18+s25+$0x0], $0xffff  }
0x40a: {  	v20 =	vld.idx.msk [tilespmem:v5+s3+$0x0], $0xffff  }
0x40b: {  	v22 =	vld.idx.msk [tilespmem:v6+s3+$0x0], $0xffff  }
0x40c: {  	v13 =	vld.idx.msk [tilespmem:v9+s3+$0x0], $0xffff  }
0x40d: {  	v23 =	vld.idx.msk [tilespmem:v2+s3+$0x0], $0xffff  }
0x40e: {  	v24 =	vld.idx.msk [tilespmem:v8+s3+$0x0], $0xffff  }
0x40f: {  	v10 =	vmul.f32 v10, v21;
	v26 =	vld.idx.msk [tilespmem:v7+s3+$0x0], $0xffff  }
0x410: {  	v12 =	vld [tilespmem:s7+$0xFFFFFF70]  }
0x411: {  	[tilespmem:v25+s26+$0x0] =	vst.idx.add.f32.msk $0xffff, v10  }
0x412: {  	v27 =	vld.idx.msk [tilespmem:v18+s28+$0x0], $0xffff  }
0x413: {  	v17 =	vld [tilespmem:s7+$0xFFFFFF80]  }
0x414: {  	v16 =	vld [tilespmem:s7+$0xFFFFFF90]  }
0x415: {  	v28 =	vmul.f32 v13, v12;
	v15 =	vld [tilespmem:s7+$0xFFFFFFA0]  }
0x416: {  	v13 =	vld [tilespmem:s7+$0xFFFFFFB0]  }
0x417: {  	v10 =	vld [tilespmem:s7+$0xFFFFFFC0]  }
0x418: {  	v27 =	vmul.f32 v27, v21;
	v29 =	vmul.f32 v11, v17;
	v11 =	vld [tilespmem:s7+$0xFFFFFFD0]  }
0x419: {  	v30 =	vmul.f32 v14, v16;
	v14 =	vld [tilespmem:s7+$0xFFFFFFE0]  }
0x41a: {  	v31 =	vmul.f32 v19, v15;
	[tilespmem:v25+s29+$0x0] =	vst.idx.add.f32.msk $0xffff, v27  }
0x41b: {  	v32 =	vmul.f32 v20, v13;
	v27 =	vld.idx.msk [tilespmem:v18+s30+$0x0], $0xffff  }
0x41c: {  	v33 =	vmul.f32 v22, v10;
	v18 =	vld [tilespmem:s7+$0xFFFFFFF0]  }
0x41d: {  	v22 =	vld [tilespmem:s6+$0xFFFFFF70];
	v34 =	vmul.f32 v23, v11  }
0x41e: {  	v23 =	vld [tilespmem:s6+$0xFFFFFF80];
	v35 =	vmul.f32 v24, v14  }
0x41f: {  	v24 =	vld [tilespmem:s6+$0xFFFFFF90]  }
0x420: {  	v20 =	vld [tilespmem:s6+$0xFFFFFFA0]  }
0x421: {  	v19 =	vld [tilespmem:s6+$0xFFFFFFB0];
	v36 =	vmul.f32 v26, v18;
	v26 =	vmul.f32 v27, v21  }
0x422: {  	v21 =	vld [tilespmem:s6+$0xFFFFFFC0]  }
0x423: {  	[tilespmem:v25+s31+$0x0] =	vst.idx.add.f32.msk $0xffff, v26  }
0x424: {  	v25 =	vld [tilespmem:s6+$0xFFFFFFD0]  }
0x425: {  	v26 =	vld [tilespmem:s6+$0xFFFFFFE0]  }
0x426: {  	v27 =	vld [tilespmem:s6+$0xFFFFFFF0]  }
0x427: {  	[tilespmem:v22+s24+$0x0] =	vst.idx.add.f32.msk $0xffff, v28  }
0x428: {  	[tilespmem:v23+s24+$0x0] =	vst.idx.add.f32.msk $0xffff, v29  }
0x429: {  	[tilespmem:v24+s24+$0x0] =	vst.idx.add.f32.msk $0xffff, v30  }
0x42a: {  	[tilespmem:v20+s24+$0x0] =	vst.idx.add.f32.msk $0xffff, v31  }
0x42b: {  	[tilespmem:v19+s24+$0x0] =	vst.idx.add.f32.msk $0xffff, v32  }
0x42c: {  	[tilespmem:v21+s24+$0x0] =	vst.idx.add.f32.msk $0xffff, v33  }
0x42d: {  	[tilespmem:v25+s24+$0x0] =	vst.idx.add.f32.msk $0xffff, v34  }
0x42e: {  	[tilespmem:v26+s24+$0x0] =	vst.idx.add.f32.msk $0xffff, v35  }
0x42f: {  	[tilespmem:v27+s24+$0x0] =	vst.idx.add.f32.msk $0xffff, v36  }
0x430: {  	v28 =	vld.idx.msk [tilespmem:v9+s25+$0x0], $0xffff  }
0x431: {  	v29 =	vld.idx.msk [tilespmem:v1+s25+$0x0], $0xffff  }
0x432: {  	v30 =	vld.idx.msk [tilespmem:v3+s25+$0x0], $0xffff  }
0x433: {  	v31 =	vld.idx.msk [tilespmem:v4+s25+$0x0], $0xffff  }
0x434: {  	v32 =	vld.idx.msk [tilespmem:v5+s25+$0x0], $0xffff  }
0x435: {  	v33 =	vld.idx.msk [tilespmem:v6+s25+$0x0], $0xffff  }
0x436: {  	v28 =	vmul.f32 v28, v12;
	v34 =	vld.idx.msk [tilespmem:v2+s25+$0x0], $0xffff  }
0x437: {  	v29 =	vmul.f32 v29, v17;
	v35 =	vld.idx.msk [tilespmem:v8+s25+$0x0], $0xffff  }
0x438: {  	v30 =	vmul.f32 v30, v16;
	v36 =	vld.idx.msk [tilespmem:v7+s25+$0x0], $0xffff  }
0x439: {  	[tilespmem:v22+s26+$0x0] =	vst.idx.add.f32.msk $0xffff, v28;
	v28 =	vmul.f32 v31, v15  }
0x43a: {  	[tilespmem:v23+s26+$0x0] =	vst.idx.add.f32.msk $0xffff, v29;
	v29 =	vmul.f32 v32, v13  }
0x43b: {  	[tilespmem:v24+s26+$0x0] =	vst.idx.add.f32.msk $0xffff, v30;
	v30 =	vmul.f32 v33, v10  }
0x43c: {  	[tilespmem:v20+s26+$0x0] =	vst.idx.add.f32.msk $0xffff, v28;
	v28 =	vmul.f32 v34, v11  }
0x43d: {  	[tilespmem:v19+s26+$0x0] =	vst.idx.add.f32.msk $0xffff, v29;
	v29 =	vmul.f32 v35, v14  }
0x43e: {  	[tilespmem:v21+s26+$0x0] =	vst.idx.add.f32.msk $0xffff, v30;
	v30 =	vmul.f32 v36, v18  }
0x43f: {  	[tilespmem:v25+s26+$0x0] =	vst.idx.add.f32.msk $0xffff, v28  }
0x440: {  	[tilespmem:v26+s26+$0x0] =	vst.idx.add.f32.msk $0xffff, v29  }
0x441: {  	[tilespmem:v27+s26+$0x0] =	vst.idx.add.f32.msk $0xffff, v30  }
0x442: {  	v28 =	vld.idx.msk [tilespmem:v9+s28+$0x0], $0xffff  }
0x443: {  	v29 =	vld.idx.msk [tilespmem:v1+s28+$0x0], $0xffff  }
0x444: {  	v30 =	vld.idx.msk [tilespmem:v3+s28+$0x0], $0xffff  }
0x445: {  	v31 =	vld.idx.msk [tilespmem:v4+s28+$0x0], $0xffff  }
0x446: {  	v32 =	vld.idx.msk [tilespmem:v5+s28+$0x0], $0xffff  }
0x447: {  	v33 =	vld.idx.msk [tilespmem:v6+s28+$0x0], $0xffff  }
0x448: {  	v28 =	vmul.f32 v28, v12;
	v34 =	vld.idx.msk [tilespmem:v2+s28+$0x0], $0xffff  }
0x449: {  	v29 =	vmul.f32 v29, v17;
	v35 =	vld.idx.msk [tilespmem:v8+s28+$0x0], $0xffff  }
0x44a: {  	v30 =	vmul.f32 v30, v16;
	v36 =	vld.idx.msk [tilespmem:v7+s28+$0x0], $0xffff  }
0x44b: {  	[tilespmem:v22+s29+$0x0] =	vst.idx.add.f32.msk $0xffff, v28;
	v28 =	vmul.f32 v31, v15  }
0x44c: {  	[tilespmem:v23+s29+$0x0] =	vst.idx.add.f32.msk $0xffff, v29;
	v29 =	vmul.f32 v32, v13  }
0x44d: {  	[tilespmem:v24+s29+$0x0] =	vst.idx.add.f32.msk $0xffff, v30;
	v30 =	vmul.f32 v33, v10  }
0x44e: {  	[tilespmem:v20+s29+$0x0] =	vst.idx.add.f32.msk $0xffff, v28;
	v28 =	vmul.f32 v34, v11  }
0x44f: {  	[tilespmem:v19+s29+$0x0] =	vst.idx.add.f32.msk $0xffff, v29;
	v29 =	vmul.f32 v35, v14  }
0x450: {  	[tilespmem:v21+s29+$0x0] =	vst.idx.add.f32.msk $0xffff, v30;
	v30 =	vmul.f32 v36, v18  }
0x451: {  	[tilespmem:v25+s29+$0x0] =	vst.idx.add.f32.msk $0xffff, v28  }
0x452: {  	[tilespmem:v26+s29+$0x0] =	vst.idx.add.f32.msk $0xffff, v29  }
0x453: {  	[tilespmem:v27+s29+$0x0] =	vst.idx.add.f32.msk $0xffff, v30  }
0x454: {  	v9 =	vld.idx.msk [tilespmem:v9+s30+$0x0], $0xffff  }
0x455: {  	v1 =	vld.idx.msk [tilespmem:v1+s30+$0x0], $0xffff  }
0x456: {  	v3 =	vld.idx.msk [tilespmem:v3+s30+$0x0], $0xffff  }
0x457: {  	v4 =	vld.idx.msk [tilespmem:v4+s30+$0x0], $0xffff  }
0x458: {  	v5 =	vld.idx.msk [tilespmem:v5+s30+$0x0], $0xffff  }
0x459: {  	v6 =	vld.idx.msk [tilespmem:v6+s30+$0x0], $0xffff  }
0x45a: {  	v9 =	vmul.f32 v9, v12;
	v2 =	vld.idx.msk [tilespmem:v2+s30+$0x0], $0xffff  }
0x45b: {  	v1 =	vmul.f32 v1, v17;
	v8 =	vld.idx.msk [tilespmem:v8+s30+$0x0], $0xffff  }
0x45c: {  	v3 =	vmul.f32 v3, v16;
	v7 =	vld.idx.msk [tilespmem:v7+s30+$0x0], $0xffff  }
0x45d: {  	v4 =	vmul.f32 v4, v15;
	[tilespmem:v22+s31+$0x0] =	vst.idx.add.f32.msk $0xffff, v9  }
0x45e: {  	[tilespmem:v23+s31+$0x0] =	vst.idx.add.f32.msk $0xffff, v1;
	v1 =	vmul.f32 v5, v13  }
0x45f: {  	[tilespmem:v24+s31+$0x0] =	vst.idx.add.f32.msk $0xffff, v3;
	v3 =	vmul.f32 v6, v10  }
0x460: {  	v2 =	vmul.f32 v2, v11;
	[tilespmem:v20+s31+$0x0] =	vst.idx.add.f32.msk $0xffff, v4  }
.Ltmp9:
0x461: {  	[tilespmem:v19+s31+$0x0] =	vst.idx.add.f32.msk $0xffff, v1;
	v1 =	vmul.f32 v8, v14;
	(pc) =	sbr.rel @p1 .LBB2_12-.Ltmp9, $4  }
0x462: {  	[tilespmem:v21+s31+$0x0] =	vst.idx.add.f32.msk $0xffff, v3;
	v3 =	vmul.f32 v7, v18  }
0x463: {  	[tilespmem:v25+s31+$0x0] =	vst.idx.add.f32.msk $0xffff, v2  }
0x464: {  	[tilespmem:v26+s31+$0x0] =	vst.idx.add.f32.msk $0xffff, v1  }
0x465: {  	s9 =	sadd.s32 $0xA0, s9;
	[tilespmem:v27+s31+$0x0] =	vst.idx.add.f32.msk $0xffff, v3  }
0x466: {  	s18 =	sadd.s32 $0x1, s18  }
0x467: {  	p1 =	sne.s32 s18, $0x19  }
.Ltmp10:
0x468: {  	_ = 	snop;
	(pc) =	sbr.rel @p1 .LBB2_9-.Ltmp10, $4  }
.Ltmp11:
0x469: {  	_ = 	snop;
	(pc) =	sbr.rel @!p1 .LBB2_14-.Ltmp11, $4  }
0x46a: {  	_ = 	snop  }
0x46b: {  	_ = 	snop  }
0x46c: {  	_ = 	snop  }
0x46d: {  	_ = 	snop  }
.LBB2_15:
0x46e: {  	_ =	sfence.sel $0x180000  }
0x46f: {  	[bflag:$0x0] =	sbarrier.arrive $0xFFFF  }
0x470: {  	_ =	strace $0x90000047  }
0x471: {  	s0 =	stileid.u32;
	[bflag:$0x2] =	sbarrier.arrive $0xFFFF  }
0x472: {  	p0 =	sne.s32 s0, $0x0;
	s0 =	rddreg [dreg:$0x2]  }
0x473: {  	s0 =	sadd.s32 @!p0 $0x100000, s0  }
0x474: {  	[sflag:s0] =	ssyncadd.tile.s32 @!p0 $0x1;
	_ =	shalt  }
.Lfunc_end2:
_tile_overlayer_lowered:
.L_overlay_start_2:
0x475: {  	(tag) =	ssettag $0x2  }
0x476: {  	s0 =	rddreg [dreg:$0x0];
	s2 =	stileid.u32  }
0x477: {  	s1 =	rddreg [dreg:$0x1];
	p0 =	sne.s32 s2, $0x0  }
0x478: {  	s3 =	rddreg [dreg:$0x2];
	[bflag:$0x3] =	sbarrier.arrive $0xFFFF;
	s2 =	simm.s32 @!p0 $0x1C04  }
0x479: {  	[timem:s3], [sflag:s2] =	dma.local @!p0 [hbm:s0], s1  }
0x47a: {  	s0 =	simm.s32 @!p0 $0x4  }
0x47b: {  	_ =	swait.ge @!p0 [sflag:s0], s1  }
0x47c: {  	s1 =	ssub.s32 @!p0 $0x0, s1;
	[sflag:s0] =	ssyncset.done @!p0 $0x0  }
0x47d: {  	[sflag:s0] =	ssyncadd.s32 @!p0 s1  }
0x47e: {  	[bflag:$0x3] =	sbarrier.arrive $0xFFFF  }
0x47f: {  	_ =	shalt  }

</sc_bundles>
